<compile_context>
chip_gen: v7x
topology: tpu7x:2x2x1
jax: 0.10.2.dev20260603
libtpu: 0.0.44.dev20260713+nightly
codegen_flags: <defaults>
</compile_context>

<pallas_src>
import functools

import jax
import jax.numpy as jnp
from jax import lax
from jax.experimental import pallas as pl
from jax.experimental.pallas import tpu as pltpu
from jax.experimental.pallas import tpu_sc as plsc

_B = 16384
_D = 64
_L = 16


@functools.cache
def _build():
    info = plsc.get_sparse_core_info()
    nc, ns = info.num_cores, info.num_subcores
    nw = nc * ns
    bpw = _B // nw
    chunk = bpw // 2

    mesh = plsc.VectorSubcoreMesh(core_axis_name="c", subcore_axis_name="s")

    @functools.partial(
        pl.kernel,
        mesh=mesh,
        compiler_params=pltpu.CompilerParams(needs_layout_passes=False),
        out_type=jax.ShapeDtypeStruct((_B,), jnp.float32),
        scratch_types=[
            pltpu.VMEM((bpw,), jnp.int32),
            pltpu.VMEM((bpw,), jnp.int32),
            pltpu.VMEM((chunk, _D), jnp.float32),
            pltpu.VMEM((chunk, _D), jnp.float32),
            pltpu.VMEM((bpw,), jnp.float32),
            pltpu.VMEM((bpw,), jnp.float32),
            pltpu.VMEM((bpw,), jnp.float32),
            pltpu.SemaphoreType.DMA,
            pltpu.SemaphoreType.DMA,
            pltpu.SemaphoreType.DMA,
        ],
    )
    def sc_kernel(uids_hbm, aids_hbm, uemb_hbm, aemb_hbm, ub_hbm, ab_hbm,
                  out_hbm, uidx, aidx, urows, arows, ubv, abv, outv,
                  sem_rows, sem_b0, sem_b1):
        wid = lax.axis_index("s") * nc + lax.axis_index("c")
        base = wid * bpw
        pltpu.sync_copy(uids_hbm.at[pl.ds(base, bpw)], uidx)
        pltpu.sync_copy(aids_hbm.at[pl.ds(base, bpw)], aidx)
        cb0 = pltpu.async_copy(ub_hbm.at[uidx], ubv, sem_b0)
        cb1 = pltpu.async_copy(ab_hbm.at[aidx], abv, sem_b1)
        cb0.wait()
        cb1.wait()

        lane = lax.iota(jnp.int32, _L)

        for half in range(2):
            off = half * chunk

            def issue_body(g, carry, off=off):
                uvec = uidx[pl.ds(off + g * _L, _L)]
                avec = aidx[pl.ds(off + g * _L, _L)]
                for r in range(_L):
                    i = g * _L + r
                    pltpu.async_copy(uemb_hbm.at[uvec[r]], urows.at[i],
                                     sem_rows)
                    pltpu.async_copy(aemb_hbm.at[avec[r]], arows.at[i],
                                     sem_rows)
                return carry

            lax.fori_loop(0, chunk // _L, issue_body, 0)

            def drain_body(i, carry):
                pltpu.make_async_copy(uemb_hbm.at[0], urows.at[i],
                                     sem_rows).wait()
                pltpu.make_async_copy(aemb_hbm.at[0], arows.at[i],
                                     sem_rows).wait()
                return carry

            lax.fori_loop(0, chunk, drain_body, 0)

            def dot_body(g, carry, off=off):
                sl = pl.ds(off + g * _L, _L)
                acc = ubv[sl] + abv[sl]
                for r in range(_L):
                    i = g * _L + r
                    p = urows[i, pl.ds(0, _L)] * arows[i, pl.ds(0, _L)]
                    for j in range(1, _D // _L):
                        p = p + (urows[i, pl.ds(j * _L, _L)] *
                                 arows[i, pl.ds(j * _L, _L)])
                    acc = jnp.where(lane == r, jnp.sum(p) + acc, acc)
                outv[sl] = acc
                return carry

            lax.fori_loop(0, chunk // _L, dot_body, 0)

        pltpu.sync_copy(outv, out_hbm.at[pl.ds(base, bpw)])

    return sc_kernel


def kernel(userIds, animeIds, user_embeddings, anime_embeddings,
           user_biases, anime_biases):
    uids = userIds.astype(jnp.int32)
    aids = animeIds.astype(jnp.int32)
    ub = user_biases.reshape((-1,))
    ab = anime_biases.reshape((-1,))
    return _build()(uids, aids, user_embeddings, anime_embeddings, ub, ab)

# --- scband reference (transcript-rebuilt; emitter-appended) ---
"""Pipeline reference for scband-matrix-factorization-model-13615046328778 (READ-ONLY COPY).

The authoritative reference and input builder live on the scoring server;
editing this copy changes nothing except your own understanding.
"""

import jax, jax.numpy as jnp
import numpy as np

NUM_USERS = 1000000
NUM_ANIME = 100000
NUM_FACTORS = 64
BATCH = 16384

def setup_inputs(seed: int = 0) -> dict:
    key = jax.random.key(seed)
    k1, k2, k3, k4, k5, k6 = jax.random.split(key, 6)
    userIds = jax.random.randint(k1, (BATCH,), 0, NUM_USERS, dtype=jnp.int64) if jax.config.jax_enable_x64 else jax.random.randint(k1, (BATCH,), 0, NUM_USERS).astype(jnp.int32)
    animeIds = jax.random.randint(k2, (BATCH,), 0, NUM_ANIME).astype(jnp.int32)
    user_embeddings = jax.random.normal(k3, (NUM_USERS, NUM_FACTORS), dtype=jnp.float32)
    anime_embeddings = jax.random.normal(k4, (NUM_ANIME, NUM_FACTORS), dtype=jnp.float32)
    user_biases = jax.random.normal(k5, (NUM_USERS, 1), dtype=jnp.float32)
    anime_biases = jax.random.normal(k6, (NUM_ANIME, 1), dtype=jnp.float32)
    return {
        "userIds": userIds,
        "animeIds": animeIds,
        "user_embeddings": user_embeddings,
        "anime_embeddings": anime_embeddings,
        "user_biases": user_biases,
        "anime_biases": anime_biases,
    }

def reference(userIds, animeIds, user_embeddings, anime_embeddings, user_biases, anime_biases):
    user_embeds = jnp.take(user_embeddings, userIds, axis=0)
    anime_embeds = jnp.take(anime_embeddings, animeIds, axis=0)
    user_bias = jnp.take(user_biases, userIds, axis=0).squeeze(-1)
    anime_bias = jnp.take(anime_biases, animeIds, axis=0).squeeze(-1)
    return (user_embeds * anime_embeds).sum(axis=1) + user_bias + anime_bias

if __name__ == "__main__":
    import jax
    _d = setup_inputs()
    print(jax.jit(kernel)(*tuple(_d.values())))

</pallas_src>

<mosaic_0001>
#map = affine_map<(d0, d1) -> (0)>
#map1 = affine_map<(d0, d1) -> (0, 0)>
module attributes {stable_mosaic.version = 14 : i64} {
  func.func @sc_kernel(%arg0: i32, %arg1: i32, %arg2: memref<16384xi32, #tpu.memory_space<hbm>>, %arg3: memref<16384xi32, #tpu.memory_space<hbm>>, %arg4: memref<1000000x64xf32, #tpu.memory_space<hbm>>, %arg5: memref<100000x64xf32, #tpu.memory_space<hbm>>, %arg6: memref<1000000xf32, #tpu.memory_space<hbm>>, %arg7: memref<100000xf32, #tpu.memory_space<hbm>>, %arg8: memref<16384xf32, #tpu.memory_space<hbm>>, %arg9: memref<512xi32, #tpu.memory_space<vmem>>, %arg10: memref<512xi32, #tpu.memory_space<vmem>>, %arg11: memref<256x64xf32, #tpu.memory_space<vmem>>, %arg12: memref<256x64xf32, #tpu.memory_space<vmem>>, %arg13: memref<512xf32, #tpu.memory_space<vmem>>, %arg14: memref<512xf32, #tpu.memory_space<vmem>>, %arg15: memref<512xf32, #tpu.memory_space<vmem>>, %arg16: memref<!tpu.dma_semaphore, #tpu.memory_space<semaphore_mem>>, %arg17: memref<!tpu.dma_semaphore, #tpu.memory_space<semaphore_mem>>, %arg18: memref<!tpu.dma_semaphore, #tpu.memory_space<semaphore_mem>>) attributes {dimension_semantics = [#tpu.dimension_semantics<core_parallel>, #tpu.dimension_semantics<subcore_parallel>], iteration_bounds = array<i64: 2, 16>, scalar_prefetch = 0 : i64, scratch_operands = 10 : i64, tpu.core_type = #tpu.core_type<sc_vector_subcore>, window_params = [{transform_indices = #map}, {transform_indices = #map}, {transform_indices = #map1}, {transform_indices = #map1}, {transform_indices = #map}, {transform_indices = #map}, {transform_indices = #map}]} {
    %mul3A = arith.constant 2 : i32
    %mul3A_0 = arith.muli %arg1, %mul3A : i32
    %add3A = arith.addi %mul3A_0, %arg0 : i32
    %mul3A_1 = arith.constant 512 : i32
    %mul3A_2 = arith.muli %add3A, %mul3A_1 : i32
    "tpu.region"() ({
      %run_scoped3A = tpu.sem_alloc : memref<!tpu.dma_semaphore, #tpu.memory_space<semaphore_mem>>
      %dma_start3A_44 = tpu.memref_slice %arg2[%mul3A_2] : memref<16384xi32, #tpu.memory_space<hbm>> -> memref<512xi32, #tpu.memory_space<hbm>>
      %dma_start3A_45 = tpu.memref_slice %arg2[%mul3A_2] : memref<16384xi32, #tpu.memory_space<hbm>> -> memref<512xi32, #tpu.memory_space<hbm>>
      tpu.enqueue_dma source(%dma_start3A_45 : memref<512xi32, #tpu.memory_space<hbm>>) target(%arg9 : memref<512xi32, #tpu.memory_space<vmem>>) target_semaphore(%run_scoped3A : memref<!tpu.dma_semaphore, #tpu.memory_space<semaphore_mem>>)
      %dma_wait3A_46 = tpu.memref_slice %arg2[%mul3A_2] : memref<16384xi32, #tpu.memory_space<hbm>> -> memref<512xi32, #tpu.memory_space<hbm>>
      %dma_wait3A_47 = tpu.memref_slice %arg2[%mul3A_2] : memref<16384xi32, #tpu.memory_space<hbm>> -> memref<512xi32, #tpu.memory_space<hbm>>
      tpu.wait_dma2 semaphore(%run_scoped3A : memref<!tpu.dma_semaphore, #tpu.memory_space<semaphore_mem>>) src(%dma_wait3A_47 : memref<512xi32, #tpu.memory_space<hbm>>) dst(%arg9 : memref<512xi32, #tpu.memory_space<vmem>>)
      tpu.yield
    }) : () -> ()
    "tpu.region"() ({
      %run_scoped3A = tpu.sem_alloc : memref<!tpu.dma_semaphore, #tpu.memory_space<semaphore_mem>>
      %dma_start3A_44 = tpu.memref_slice %arg3[%mul3A_2] : memref<16384xi32, #tpu.memory_space<hbm>> -> memref<512xi32, #tpu.memory_space<hbm>>
      %dma_start3A_45 = tpu.memref_slice %arg3[%mul3A_2] : memref<16384xi32, #tpu.memory_space<hbm>> -> memref<512xi32, #tpu.memory_space<hbm>>
      tpu.enqueue_dma source(%dma_start3A_45 : memref<512xi32, #tpu.memory_space<hbm>>) target(%arg10 : memref<512xi32, #tpu.memory_space<vmem>>) target_semaphore(%run_scoped3A : memref<!tpu.dma_semaphore, #tpu.memory_space<semaphore_mem>>)
      %dma_wait3A_46 = tpu.memref_slice %arg3[%mul3A_2] : memref<16384xi32, #tpu.memory_space<hbm>> -> memref<512xi32, #tpu.memory_space<hbm>>
      %dma_wait3A_47 = tpu.memref_slice %arg3[%mul3A_2] : memref<16384xi32, #tpu.memory_space<hbm>> -> memref<512xi32, #tpu.memory_space<hbm>>
      tpu.wait_dma2 semaphore(%run_scoped3A : memref<!tpu.dma_semaphore, #tpu.memory_space<semaphore_mem>>) src(%dma_wait3A_47 : memref<512xi32, #tpu.memory_space<hbm>>) dst(%arg10 : memref<512xi32, #tpu.memory_space<vmem>>)
      tpu.yield
    }) : () -> ()
    %dma_start3A = arith.constant 0 : i32
    %dma_start3A_3 = tpu.memref_slice %arg6[%dma_start3A] : memref<1000000xf32, #tpu.memory_space<hbm>> -> memref<1000000xf32, #tpu.memory_space<hbm>>
    tpu.enqueue_indirect_dma source(%dma_start3A_3 : memref<1000000xf32, #tpu.memory_space<hbm>>) target(%arg13 : memref<512xf32, #tpu.memory_space<vmem>>) offsets(%arg9 : memref<512xi32, #tpu.memory_space<vmem>>) semaphore(%arg17 : memref<!tpu.dma_semaphore, #tpu.memory_space<semaphore_mem>>)
    %dma_start3A_4 = arith.constant 0 : i32
    %dma_start3A_5 = tpu.memref_slice %arg7[%dma_start3A_4] : memref<100000xf32, #tpu.memory_space<hbm>> -> memref<100000xf32, #tpu.memory_space<hbm>>
    tpu.enqueue_indirect_dma source(%dma_start3A_5 : memref<100000xf32, #tpu.memory_space<hbm>>) target(%arg14 : memref<512xf32, #tpu.memory_space<vmem>>) offsets(%arg10 : memref<512xi32, #tpu.memory_space<vmem>>) semaphore(%arg18 : memref<!tpu.dma_semaphore, #tpu.memory_space<semaphore_mem>>)
    %dma_wait3A = arith.constant 0 : i32
    %dma_wait3A_6 = tpu.memref_slice %arg6[%dma_wait3A] : memref<1000000xf32, #tpu.memory_space<hbm>> -> memref<1000000xf32, #tpu.memory_space<hbm>>
    tpu.wait_indirect_dma semaphore(%arg17 : memref<!tpu.dma_semaphore, #tpu.memory_space<semaphore_mem>>) src(%dma_wait3A_6 : memref<1000000xf32, #tpu.memory_space<hbm>>) dst(%arg13 : memref<512xf32, #tpu.memory_space<vmem>>)
    %dma_wait3A_7 = arith.constant 0 : i32
    %dma_wait3A_8 = tpu.memref_slice %arg7[%dma_wait3A_7] : memref<100000xf32, #tpu.memory_space<hbm>> -> memref<100000xf32, #tpu.memory_space<hbm>>
    tpu.wait_indirect_dma semaphore(%arg18 : memref<!tpu.dma_semaphore, #tpu.memory_space<semaphore_mem>>) src(%dma_wait3A_8 : memref<100000xf32, #tpu.memory_space<hbm>>) dst(%arg14 : memref<512xf32, #tpu.memory_space<vmem>>)
    %iota3A = tpu.iota {dimensions = array<i32: 0>} : vector<16xi32>
    %scan3A = arith.constant 0 : i32
    %scan3A_9 = arith.constant 0 : i32
    %scan3A_10 = arith.constant 16 : i32
    %scan3A_11 = arith.addi %scan3A_9, %scan3A_10 : i32
    %scan3A_12 = arith.constant 1 : i32
    scf.for %scan3A_44 = %scan3A_9 to %scan3A_11 step %scan3A_12  : i32 {
      %mul3A_45 = arith.constant 16 : i32
      %mul3A_46 = arith.muli %scan3A_44, %mul3A_45 : i32
      %add3A_47 = arith.constant 0 : i32
      %add3A_48 = arith.addi %add3A_47, %mul3A_46 : i32
      %get3A = arith.index_cast %add3A_48 : i32 to index
      %get3A_49 = tpu.vector_load %arg9[%get3A] {strides = array<i32>} : memref<512xi32, #tpu.memory_space<vmem>>, vector<16xi32>,
      %mul3A_50 = arith.constant 16 : i32
      %mul3A_51 = arith.muli %scan3A_44, %mul3A_50 : i32
      %add3A_52 = arith.constant 0 : i32
      %add3A_53 = arith.addi %add3A_52, %mul3A_51 : i32
      %get3A_54 = arith.index_cast %add3A_53 : i32 to index
      %get3A_55 = tpu.vector_load %arg10[%get3A_54] {strides = array<i32>} : memref<512xi32, #tpu.memory_space<vmem>>, vector<16xi32>,
      %mul3A_56 = arith.constant 16 : i32
      %mul3A_57 = arith.muli %scan3A_44, %mul3A_56 : i32
      %add3A_58 = arith.constant 0 : i32
      %add3A_59 = arith.addi %mul3A_57, %add3A_58 : i32
      %slice3A = vector.extract_strided_slice %get3A_49 {offsets = [0], sizes = [1], strides = [1]} : vector<16xi32> to vector<1xi32>
      %squeeze3A = vector.extract %slice3A[0] : i32 from vector<1xi32>
      %dma_start3A_60 = arith.constant 0 : i32
      %dma_start3A_61 = tpu.memref_slice %arg11[%add3A_59, %dma_start3A_60] : memref<256x64xf32, #tpu.memory_space<vmem>> -> memref<1x64xf32, #tpu.memory_space<vmem>>
      %dma_start3A_62 = tpu.memref_squeeze %dma_start3A_61 : memref<1x64xf32, #tpu.memory_space<vmem>> -> memref<64xf32, #tpu.memory_space<vmem>>
      %dma_start3A_63 = arith.constant 0 : i32
      %dma_start3A_64 = tpu.memref_slice %arg4[%squeeze3A, %dma_start3A_63] : memref<1000000x64xf32, #tpu.memory_space<hbm>> -> memref<1x64xf32, #tpu.memory_space<hbm>>
      %dma_start3A_65 = tpu.memref_squeeze %dma_start3A_64 : memref<1x64xf32, #tpu.memory_space<hbm>> -> memref<64xf32, #tpu.memory_space<hbm>>
      %dma_start3A_66 = arith.constant 0 : i32
      %dma_start3A_67 = tpu.memref_slice %arg11[%add3A_59, %dma_start3A_66] : memref<256x64xf32, #tpu.memory_space<vmem>> -> memref<1x64xf32, #tpu.memory_space<vmem>>
      %dma_start3A_68 = tpu.memref_squeeze %dma_start3A_67 : memref<1x64xf32, #tpu.memory_space<vmem>> -> memref<64xf32, #tpu.memory_space<vmem>>
      %dma_start3A_69 = arith.constant 0 : i32
      %dma_start3A_70 = tpu.memref_slice %arg4[%squeeze3A, %dma_start3A_69] : memref<1000000x64xf32, #tpu.memory_space<hbm>> -> memref<1x64xf32, #tpu.memory_space<hbm>>
      %dma_start3A_71 = tpu.memref_squeeze %dma_start3A_70 : memref<1x64xf32, #tpu.memory_space<hbm>> -> memref<64xf32, #tpu.memory_space<hbm>>
      tpu.enqueue_dma source(%dma_start3A_71 : memref<64xf32, #tpu.memory_space<hbm>>) target(%dma_start3A_68 : memref<64xf32, #tpu.memory_space<vmem>>) target_semaphore(%arg16 : memref<!tpu.dma_semaphore, #tpu.memory_space<semaphore_mem>>)
      %slice3A_72 = vector.extract_strided_slice %get3A_55 {offsets = [0], sizes = [1], strides = [1]} : vector<16xi32> to vector<1xi32>
      %squeeze3A_73 = vector.extract %slice3A_72[0] : i32 from vector<1xi32>
      %dma_start3A_74 = arith.constant 0 : i32
      %dma_start3A_75 = tpu.memref_slice %arg12[%add3A_59, %dma_start3A_74] : memref<256x64xf32, #tpu.memory_space<vmem>> -> memref<1x64xf32, #tpu.memory_space<vmem>>
      %dma_start3A_76 = tpu.memref_squeeze %dma_start3A_75 : memref<1x64xf32, #tpu.memory_space<vmem>> -> memref<64xf32, #tpu.memory_space<vmem>>
      %dma_start3A_77 = arith.constant 0 : i32
      %dma_start3A_78 = tpu.memref_slice %arg5[%squeeze3A_73, %dma_start3A_77] : memref<100000x64xf32, #tpu.memory_space<hbm>> -> memref<1x64xf32, #tpu.memory_space<hbm>>
      %dma_start3A_79 = tpu.memref_squeeze %dma_start3A_78 : memref<1x64xf32, #tpu.memory_space<hbm>> -> memref<64xf32, #tpu.memory_space<hbm>>
      %dma_start3A_80 = arith.constant 0 : i32
      %dma_start3A_81 = tpu.memref_slice %arg12[%add3A_59, %dma_start3A_80] : memref<256x64xf32, #tpu.memory_space<vmem>> -> memref<1x64xf32, #tpu.memory_space<vmem>>
      %dma_start3A_82 = tpu.memref_squeeze %dma_start3A_81 : memref<1x64xf32, #tpu.memory_space<vmem>> -> memref<64xf32, #tpu.memory_space<vmem>>
      %dma_start3A_83 = arith.constant 0 : i32
      %dma_start3A_84 = tpu.memref_slice %arg5[%squeeze3A_73, %dma_start3A_83] : memref<100000x64xf32, #tpu.memory_space<hbm>> -> memref<1x64xf32, #tpu.memory_space<hbm>>
      %dma_start3A_85 = tpu.memref_squeeze %dma_start3A_84 : memref<1x64xf32, #tpu.memory_space<hbm>> -> memref<64xf32, #tpu.memory_space<hbm>>
      tpu.enqueue_dma source(%dma_start3A_85 : memref<64xf32, #tpu.memory_space<hbm>>) target(%dma_start3A_82 : memref<64xf32, #tpu.memory_space<vmem>>) target_semaphore(%arg16 : memref<!tpu.dma_semaphore, #tpu.memory_space<semaphore_mem>>)
      %mul3A_86 = arith.constant 16 : i32
      %mul3A_87 = arith.muli %scan3A_44, %mul3A_86 : i32
      %add3A_88 = arith.constant 1 : i32
      %add3A_89 = arith.addi %mul3A_87, %add3A_88 : i32
      %slice3A_90 = vector.extract_strided_slice %get3A_49 {offsets = [1], sizes = [1], strides = [1]} : vector<16xi32> to vector<1xi32>
      %squeeze3A_91 = vector.extract %slice3A_90[0] : i32 from vector<1xi32>
      %dma_start3A_92 = arith.constant 0 : i32
      %dma_start3A_93 = tpu.memref_slice %arg11[%add3A_89, %dma_start3A_92] : memref<256x64xf32, #tpu.memory_space<vmem>> -> memref<1x64xf32, #tpu.memory_space<vmem>>
      %dma_start3A_94 = tpu.memref_squeeze %dma_start3A_93 : memref<1x64xf32, #tpu.memory_space<vmem>> -> memref<64xf32, #tpu.memory_space<vmem>>
      %dma_start3A_95 = arith.constant 0 : i32
      %dma_start3A_96 = tpu.memref_slice %arg4[%squeeze3A_91, %dma_start3A_95] : memref<1000000x64xf32, #tpu.memory_space<hbm>> -> memref<1x64xf32, #tpu.memory_space<hbm>>
      %dma_start3A_97 = tpu.memref_squeeze %dma_start3A_96 : memref<1x64xf32, #tpu.memory_space<hbm>> -> memref<64xf32, #tpu.memory_space<hbm>>
      %dma_start3A_98 = arith.constant 0 : i32
      %dma_start3A_99 = tpu.memref_slice %arg11[%add3A_89, %dma_start3A_98] : memref<256x64xf32, #tpu.memory_space<vmem>> -> memref<1x64xf32, #tpu.memory_space<vmem>>
      %dma_start3A_100 = tpu.memref_squeeze %dma_start3A_99 : memref<1x64xf32, #tpu.memory_space<vmem>> -> memref<64xf32, #tpu.memory_space<vmem>>
      %dma_start3A_101 = arith.constant 0 : i32
      %dma_start3A_102 = tpu.memref_slice %arg4[%squeeze3A_91, %dma_start3A_101] : memref<1000000x64xf32, #tpu.memory_space<hbm>> -> memref<1x64xf32, #tpu.memory_space<hbm>>
      %dma_start3A_103 = tpu.memref_squeeze %dma_start3A_102 : memref<1x64xf32, #tpu.memory_space<hbm>> -> memref<64xf32, #tpu.memory_space<hbm>>
      tpu.enqueue_dma source(%dma_start3A_103 : memref<64xf32, #tpu.memory_space<hbm>>) target(%dma_start3A_100 : memref<64xf32, #tpu.memory_space<vmem>>) target_semaphore(%arg16 : memref<!tpu.dma_semaphore, #tpu.memory_space<semaphore_mem>>)
      %slice3A_104 = vector.extract_strided_slice %get3A_55 {offsets = [1], sizes = [1], strides = [1]} : vector<16xi32> to vector<1xi32>
      %squeeze3A_105 = vector.extract %slice3A_104[0] : i32 from vector<1xi32>
      %dma_start3A_106 = arith.constant 0 : i32
      %dma_start3A_107 = tpu.memref_slice %arg12[%add3A_89, %dma_start3A_106] : memref<256x64xf32, #tpu.memory_space<vmem>> -> memref<1x64xf32, #tpu.memory_space<vmem>>
      %dma_start3A_108 = tpu.memref_squeeze %dma_start3A_107 : memref<1x64xf32, #tpu.memory_space<vmem>> -> memref<64xf32, #tpu.memory_space<vmem>>
      %dma_start3A_109 = arith.constant 0 : i32
      %dma_start3A_110 = tpu.memref_slice %arg5[%squeeze3A_105, %dma_start3A_109] : memref<100000x64xf32, #tpu.memory_space<hbm>> -> memref<1x64xf32, #tpu.memory_space<hbm>>
      %dma_start3A_111 = tpu.memref_squeeze %dma_start3A_110 : memref<1x64xf32, #tpu.memory_space<hbm>> -> memref<64xf32, #tpu.memory_space<hbm>>
      %dma_start3A_112 = arith.constant 0 : i32
      %dma_start3A_113 = tpu.memref_slice %arg12[%add3A_89, %dma_start3A_112] : memref<256x64xf32, #tpu.memory_space<vmem>> -> memref<1x64xf32, #tpu.memory_space<vmem>>
      %dma_start3A_114 = tpu.memref_squeeze %dma_start3A_113 : memref<1x64xf32, #tpu.memory_space<vmem>> -> memref<64xf32, #tpu.memory_space<vmem>>
      %dma_start3A_115 = arith.constant 0 : i32
      %dma_start3A_116 = tpu.memref_slice %arg5[%squeeze3A_105, %dma_start3A_115] : memref<100000x64xf32, #tpu.memory_space<hbm>> -> memref<1x64xf32, #tpu.memory_space<hbm>>
      %dma_start3A_117 = tpu.memref_squeeze %dma_start3A_116 : memref<1x64xf32, #tpu.memory_space<hbm>> -> memref<64xf32, #tpu.memory_space<hbm>>
      tpu.enqueue_dma source(%dma_start3A_117 : memref<64xf32, #tpu.memory_space<hbm>>) target(%dma_start3A_114 : memref<64xf32, #tpu.memory_space<vmem>>) target_semaphore(%arg16 : memref<!tpu.dma_semaphore, #tpu.memory_space<semaphore_mem>>)
      %mul3A_118 = arith.constant 16 : i32
      %mul3A_119 = arith.muli %scan3A_44, %mul3A_118 : i32
      %add3A_120 = arith.constant 2 : i32
      %add3A_121 = arith.addi %mul3A_119, %add3A_120 : i32
      %slice3A_122 = vector.extract_strided_slice %get3A_49 {offsets = [2], sizes = [1], strides = [1]} : vector<16xi32> to vector<1xi32>
      %squeeze3A_123 = vector.extract %slice3A_122[0] : i32 from vector<1xi32>
      %dma_start3A_124 = arith.constant 0 : i32
      %dma_start3A_125 = tpu.memref_slice %arg11[%add3A_121, %dma_start3A_124] : memref<256x64xf32, #tpu.memory_space<vmem>> -> memref<1x64xf32, #tpu.memory_space<vmem>>
      %dma_start3A_126 = tpu.memref_squeeze %dma_start3A_125 : memref<1x64xf32, #tpu.memory_space<vmem>> -> memref<64xf32, #tpu.memory_space<vmem>>
      %dma_start3A_127 = arith.constant 0 : i32
      %dma_start3A_128 = tpu.memref_slice %arg4[%squeeze3A_123, %dma_start3A_127] : memref<1000000x64xf32, #tpu.memory_space<hbm>> -> memref<1x64xf32, #tpu.memory_space<hbm>>
      %dma_start3A_129 = tpu.memref_squeeze %dma_start3A_128 : memref<1x64xf32, #tpu.memory_space<hbm>> -> memref<64xf32, #tpu.memory_space<hbm>>
      %dma_start3A_130 = arith.constant 0 : i32
      %dma_start3A_131 = tpu.memref_slice %arg11[%add3A_121, %dma_start3A_130] : memref<256x64xf32, #tpu.memory_space<vmem>> -> memref<1x64xf32, #tpu.memory_space<vmem>>
      %dma_start3A_132 = tpu.memref_squeeze %dma_start3A_131 : memref<1x64xf32, #tpu.memory_space<vmem>> -> memref<64xf32, #tpu.memory_space<vmem>>
      %dma_start3A_133 = arith.constant 0 : i32
      %dma_start3A_134 = tpu.memref_slice %arg4[%squeeze3A_123, %dma_start3A_133] : memref<1000000x64xf32, #tpu.memory_space<hbm>> -> memref<1x64xf32, #tpu.memory_space<hbm>>
      %dma_start3A_135 = tpu.memref_squeeze %dma_start3A_134 : memref<1x64xf32, #tpu.memory_space<hbm>> -> memref<64xf32, #tpu.memory_space<hbm>>
      tpu.enqueue_dma source(%dma_start3A_135 : memref<64xf32, #tpu.memory_space<hbm>>) target(%dma_start3A_132 : memref<64xf32, #tpu.memory_space<vmem>>) target_semaphore(%arg16 : memref<!tpu.dma_semaphore, #tpu.memory_space<semaphore_mem>>)
      %slice3A_136 = vector.extract_strided_slice %get3A_55 {offsets = [2], sizes = [1], strides = [1]} : vector<16xi32> to vector<1xi32>
      %squeeze3A_137 = vector.extract %slice3A_136[0] : i32 from vector<1xi32>
      %dma_start3A_138 = arith.constant 0 : i32
      %dma_start3A_139 = tpu.memref_slice %arg12[%add3A_121, %dma_start3A_138] : memref<256x64xf32, #tpu.memory_space<vmem>> -> memref<1x64xf32, #tpu.memory_space<vmem>>
      %dma_start3A_140 = tpu.memref_squeeze %dma_start3A_139 : memref<1x64xf32, #tpu.memory_space<vmem>> -> memref<64xf32, #tpu.memory_space<vmem>>
      %dma_start3A_141 = arith.constant 0 : i32
      %dma_start3A_142 = tpu.memref_slice %arg5[%squeeze3A_137, %dma_start3A_141] : memref<100000x64xf32, #tpu.memory_space<hbm>> -> memref<1x64xf32, #tpu.memory_space<hbm>>
      %dma_start3A_143 = tpu.memref_squeeze %dma_start3A_142 : memref<1x64xf32, #tpu.memory_space<hbm>> -> memref<64xf32, #tpu.memory_space<hbm>>
      %dma_start3A_144 = arith.constant 0 : i32
      %dma_start3A_145 = tpu.memref_slice %arg12[%add3A_121, %dma_start3A_144] : memref<256x64xf32, #tpu.memory_space<vmem>> -> memref<1x64xf32, #tpu.memory_space<vmem>>
      %dma_start3A_146 = tpu.memref_squeeze %dma_start3A_145 : memref<1x64xf32, #tpu.memory_space<vmem>> -> memref<64xf32, #tpu.memory_space<vmem>>
      %dma_start3A_147 = arith.constant 0 : i32
      %dma_start3A_148 = tpu.memref_slice %arg5[%squeeze3A_137, %dma_start3A_147] : memref<100000x64xf32, #tpu.memory_space<hbm>> -> memref<1x64xf32, #tpu.memory_space<hbm>>
      %dma_start3A_149 = tpu.memref_squeeze %dma_start3A_148 : memref<1x64xf32, #tpu.memory_space<hbm>> -> memref<64xf32, #tpu.memory_space<hbm>>
      tpu.enqueue_dma source(%dma_start3A_149 : memref<64xf32, #tpu.memory_space<hbm>>) target(%dma_start3A_146 : memref<64xf32, #tpu.memory_space<vmem>>) target_semaphore(%arg16 : memref<!tpu.dma_semaphore, #tpu.memory_space<semaphore_mem>>)
      %mul3A_150 = arith.constant 16 : i32
      %mul3A_151 = arith.muli %scan3A_44, %mul3A_150 : i32
      %add3A_152 = arith.constant 3 : i32
      %add3A_153 = arith.addi %mul3A_151, %add3A_152 : i32
      %slice3A_154 = vector.extract_strided_slice %get3A_49 {offsets = [3], sizes = [1], strides = [1]} : vector<16xi32> to vector<1xi32>
      %squeeze3A_155 = vector.extract %slice3A_154[0] : i32 from vector<1xi32>
      %dma_start3A_156 = arith.constant 0 : i32
      %dma_start3A_157 = tpu.memref_slice %arg11[%add3A_153, %dma_start3A_156] : memref<256x64xf32, #tpu.memory_space<vmem>> -> memref<1x64xf32, #tpu.memory_space<vmem>>
      %dma_start3A_158 = tpu.memref_squeeze %dma_start3A_157 : memref<1x64xf32, #tpu.memory_space<vmem>> -> memref<64xf32, #tpu.memory_space<vmem>>
      %dma_start3A_159 = arith.constant 0 : i32
      %dma_start3A_160 = tpu.memref_slice %arg4[%squeeze3A_155, %dma_start3A_159] : memref<1000000x64xf32, #tpu.memory_space<hbm>> -> memref<1x64xf32, #tpu.memory_space<hbm>>
      %dma_start3A_161 = tpu.memref_squeeze %dma_start3A_160 : memref<1x64xf32, #tpu.memory_space<hbm>> -> memref<64xf32, #tpu.memory_space<hbm>>
      %dma_start3A_162 = arith.constant 0 : i32
      %dma_start3A_163 = tpu.memref_slice %arg11[%add3A_153, %dma_start3A_162] : memref<256x64xf32, #tpu.memory_space<vmem>> -> memref<1x64xf32, #tpu.memory_space<vmem>>
      %dma_start3A_164 = tpu.memref_squeeze %dma_start3A_163 : memref<1x64xf32, #tpu.memory_space<vmem>> -> memref<64xf32, #tpu.memory_space<vmem>>
      %dma_start3A_165 = arith.constant 0 : i32
      %dma_start3A_166 = tpu.memref_slice %arg4[%squeeze3A_155, %dma_start3A_165] : memref<1000000x64xf32, #tpu.memory_space<hbm>> -> memref<1x64xf32, #tpu.memory_space<hbm>>
      %dma_start3A_167 = tpu.memref_squeeze %dma_start3A_166 : memref<1x64xf32, #tpu.memory_space<hbm>> -> memref<64xf32, #tpu.memory_space<hbm>>
      tpu.enqueue_dma source(%dma_start3A_167 : memref<64xf32, #tpu.memory_space<hbm>>) target(%dma_start3A_164 : memref<64xf32, #tpu.memory_space<vmem>>) target_semaphore(%arg16 : memref<!tpu.dma_semaphore, #tpu.memory_space<semaphore_mem>>)
      %slice3A_168 = vector.extract_strided_slice %get3A_55 {offsets = [3], sizes = [1], strides = [1]} : vector<16xi32> to vector<1xi32>
      %squeeze3A_169 = vector.extract %slice3A_168[0] : i32 from vector<1xi32>
      %dma_start3A_170 = arith.constant 0 : i32
      %dma_start3A_171 = tpu.memref_slice %arg12[%add3A_153, %dma_start3A_170] : memref<256x64xf32, #tpu.memory_space<vmem>> -> memref<1x64xf32, #tpu.memory_space<vmem>>
      %dma_start3A_172 = tpu.memref_squeeze %dma_start3A_171 : memref<1x64xf32, #tpu.memory_space<vmem>> -> memref<64xf32, #tpu.memory_space<vmem>>
      %dma_start3A_173 = arith.constant 0 : i32
      %dma_start3A_174 = tpu.memref_slice %arg5[%squeeze3A_169, %dma_start3A_173] : memref<100000x64xf32, #tpu.memory_space<hbm>> -> memref<1x64xf32, #tpu.memory_space<hbm>>
      %dma_start3A_175 = tpu.memref_squeeze %dma_start3A_174 : memref<1x64xf32, #tpu.memory_space<hbm>> -> memref<64xf32, #tpu.memory_space<hbm>>
      %dma_start3A_176 = arith.constant 0 : i32
      %dma_start3A_177 = tpu.memref_slice %arg12[%add3A_153, %dma_start3A_176] : memref<256x64xf32, #tpu.memory_space<vmem>> -> memref<1x64xf32, #tpu.memory_space<vmem>>
      %dma_start3A_178 = tpu.memref_squeeze %dma_start3A_177 : memref<1x64xf32, #tpu.memory_space<vmem>> -> memref<64xf32, #tpu.memory_space<vmem>>
      %dma_start3A_179 = arith.constant 0 : i32
      %dma_start3A_180 = tpu.memref_slice %arg5[%squeeze3A_169, %dma_start3A_179] : memref<100000x64xf32, #tpu.memory_space<hbm>> -> memref<1x64xf32, #tpu.memory_space<hbm>>
      %dma_start3A_181 = tpu.memref_squeeze %dma_start3A_180 : memref<1x64xf32, #tpu.memory_space<hbm>> -> memref<64xf32, #tpu.memory_space<hbm>>
      tpu.enqueue_dma source(%dma_start3A_181 : memref<64xf32, #tpu.memory_space<hbm>>) target(%dma_start3A_178 : memref<64xf32, #tpu.memory_space<vmem>>) target_semaphore(%arg16 : memref<!tpu.dma_semaphore, #tpu.memory_space<semaphore_mem>>)
      %mul3A_182 = arith.constant 16 : i32
      %mul3A_183 = arith.muli %scan3A_44, %mul3A_182 : i32
      %add3A_184 = arith.constant 4 : i32
      %add3A_185 = arith.addi %mul3A_183, %add3A_184 : i32
      %slice3A_186 = vector.extract_strided_slice %get3A_49 {offsets = [4], sizes = [1], strides = [1]} : vector<16xi32> to vector<1xi32>
      %squeeze3A_187 = vector.extract %slice3A_186[0] : i32 from vector<1xi32>
      %dma_start3A_188 = arith.constant 0 : i32
      %dma_start3A_189 = tpu.memref_slice %arg11[%add3A_185, %dma_start3A_188] : memref<256x64xf32, #tpu.memory_space<vmem>> -> memref<1x64xf32, #tpu.memory_space<vmem>>
      %dma_start3A_190 = tpu.memref_squeeze %dma_start3A_189 : memref<1x64xf32, #tpu.memory_space<vmem>> -> memref<64xf32, #tpu.memory_space<vmem>>
      %dma_start3A_191 = arith.constant 0 : i32
      %dma_start3A_192 = tpu.memref_slice %arg4[%squeeze3A_187, %dma_start3A_191] : memref<1000000x64xf32, #tpu.memory_space<hbm>> -> memref<1x64xf32, #tpu.memory_space<hbm>>
      %dma_start3A_193 = tpu.memref_squeeze %dma_start3A_192 : memref<1x64xf32, #tpu.memory_space<hbm>> -> memref<64xf32, #tpu.memory_space<hbm>>
      %dma_start3A_194 = arith.constant 0 : i32
      %dma_start3A_195 = tpu.memref_slice %arg11[%add3A_185, %dma_start3A_194] : memref<256x64xf32, #tpu.memory_space<vmem>> -> memref<1x64xf32, #tpu.memory_space<vmem>>
      %dma_start3A_196 = tpu.memref_squeeze %dma_start3A_195 : memref<1x64xf32, #tpu.memory_space<vmem>> -> memref<64xf32, #tpu.memory_space<vmem>>
      %dma_start3A_197 = arith.constant 0 : i32
      %dma_start3A_198 = tpu.memref_slice %arg4[%squeeze3A_187, %dma_start3A_197] : memref<1000000x64xf32, #tpu.memory_space<hbm>> -> memref<1x64xf32, #tpu.memory_space<hbm>>
      %dma_start3A_199 = tpu.memref_squeeze %dma_start3A_198 : memref<1x64xf32, #tpu.memory_space<hbm>> -> memref<64xf32, #tpu.memory_space<hbm>>
      tpu.enqueue_dma source(%dma_start3A_199 : memref<64xf32, #tpu.memory_space<hbm>>) target(%dma_start3A_196 : memref<64xf32, #tpu.memory_space<vmem>>) target_semaphore(%arg16 : memref<!tpu.dma_semaphore, #tpu.memory_space<semaphore_mem>>)
      %slice3A_200 = vector.extract_strided_slice %get3A_55 {offsets = [4], sizes = [1], strides = [1]} : vector<16xi32> to vector<1xi32>
      %squeeze3A_201 = vector.extract %slice3A_200[0] : i32 from vector<1xi32>
      %dma_start3A_202 = arith.constant 0 : i32
      %dma_start3A_203 = tpu.memref_slice %arg12[%add3A_185, %dma_start3A_202] : memref<256x64xf32, #tpu.memory_space<vmem>> -> memref<1x64xf32, #tpu.memory_space<vmem>>
      %dma_start3A_204 = tpu.memref_squeeze %dma_start3A_203 : memref<1x64xf32, #tpu.memory_space<vmem>> -> memref<64xf32, #tpu.memory_space<vmem>>
      %dma_start3A_205 = arith.constant 0 : i32
      %dma_start3A_206 = tpu.memref_slice %arg5[%squeeze3A_201, %dma_start3A_205] : memref<100000x64xf32, #tpu.memory_space<hbm>> -> memref<1x64xf32, #tpu.memory_space<hbm>>
      %dma_start3A_207 = tpu.memref_squeeze %dma_start3A_206 : memref<1x64xf32, #tpu.memory_space<hbm>> -> memref<64xf32, #tpu.memory_space<hbm>>
      %dma_start3A_208 = arith.constant 0 : i32
      %dma_start3A_209 = tpu.memref_slice %arg12[%add3A_185, %dma_start3A_208] : memref<256x64xf32, #tpu.memory_space<vmem>> -> memref<1x64xf32, #tpu.memory_space<vmem>>
      %dma_start3A_210 = tpu.memref_squeeze %dma_start3A_209 : memref<1x64xf32, #tpu.memory_space<vmem>> -> memref<64xf32, #tpu.memory_space<vmem>>
      %dma_start3A_211 = arith.constant 0 : i32
      %dma_start3A_212 = tpu.memref_slice %arg5[%squeeze3A_201, %dma_start3A_211] : memref<100000x64xf32, #tpu.memory_space<hbm>> -> memref<1x64xf32, #tpu.memory_space<hbm>>
      %dma_start3A_213 = tpu.memref_squeeze %dma_start3A_212 : memref<1x64xf32, #tpu.memory_space<hbm>> -> memref<64xf32, #tpu.memory_space<hbm>>
      tpu.enqueue_dma source(%dma_start3A_213 : memref<64xf32, #tpu.memory_space<hbm>>) target(%dma_start3A_210 : memref<64xf32, #tpu.memory_space<vmem>>) target_semaphore(%arg16 : memref<!tpu.dma_semaphore, #tpu.memory_space<semaphore_mem>>)
      %mul3A_214 = arith.constant 16 : i32
      %mul3A_215 = arith.muli %scan3A_44, %mul3A_214 : i32
      %add3A_216 = arith.constant 5 : i32
      %add3A_217 = arith.addi %mul3A_215, %add3A_216 : i32
      %slice3A_218 = vector.extract_strided_slice %get3A_49 {offsets = [5], sizes = [1], strides = [1]} : vector<16xi32> to vector<1xi32>
      %squeeze3A_219 = vector.extract %slice3A_218[0] : i32 from vector<1xi32>
      %dma_start3A_220 = arith.constant 0 : i32
      %dma_start3A_221 = tpu.memref_slice %arg11[%add3A_217, %dma_start3A_220] : memref<256x64xf32, #tpu.memory_space<vmem>> -> memref<1x64xf32, #tpu.memory_space<vmem>>
      %dma_start3A_222 = tpu.memref_squeeze %dma_start3A_221 : memref<1x64xf32, #tpu.memory_space<vmem>> -> memref<64xf32, #tpu.memory_space<vmem>>
      %dma_start3A_223 = arith.constant 0 : i32
      %dma_start3A_224 = tpu.memref_slice %arg4[%squeeze3A_219, %dma_start3A_223] : memref<1000000x64xf32, #tpu.memory_space<hbm>> -> memref<1x64xf32, #tpu.memory_space<hbm>>
      %dma_start3A_225 = tpu.memref_squeeze %dma_start3A_224 : memref<1x64xf32, #tpu.memory_space<hbm>> -> memref<64xf32, #tpu.memory_space<hbm>>
      %dma_start3A_226 = arith.constant 0 : i32
      %dma_start3A_227 = tpu.memref_slice %arg11[%add3A_217, %dma_start3A_226] : memref<256x64xf32, #tpu.memory_space<vmem>> -> memref<1x64xf32, #tpu.memory_space<vmem>>
      %dma_start3A_228 = tpu.memref_squeeze %dma_start3A_227 : memref<1x64xf32, #tpu.memory_space<vmem>> -> memref<64xf32, #tpu.memory_space<vmem>>
      %dma_start3A_229 = arith.constant 0 : i32
      %dma_start3A_230 = tpu.memref_slice %arg4[%squeeze3A_219, %dma_start3A_229] : memref<1000000x64xf32, #tpu.memory_space<hbm>> -> memref<1x64xf32, #tpu.memory_space<hbm>>
      %dma_start3A_231 = tpu.memref_squeeze %dma_start3A_230 : memref<1x64xf32, #tpu.memory_space<hbm>> -> memref<64xf32, #tpu.memory_space<hbm>>
      tpu.enqueue_dma source(%dma_start3A_231 : memref<64xf32, #tpu.memory_space<hbm>>) target(%dma_start3A_228 : memref<64xf32, #tpu.memory_space<vmem>>) target_semaphore(%arg16 : memref<!tpu.dma_semaphore, #tpu.memory_space<semaphore_mem>>)
      %slice3A_232 = vector.extract_strided_slice %get3A_55 {offsets = [5], sizes = [1], strides = [1]} : vector<16xi32> to vector<1xi32>
      %squeeze3A_233 = vector.extract %slice3A_232[0] : i32 from vector<1xi32>
      %dma_start3A_234 = arith.constant 0 : i32
      %dma_start3A_235 = tpu.memref_slice %arg12[%add3A_217, %dma_start3A_234] : memref<256x64xf32, #tpu.memory_space<vmem>> -> memref<1x64xf32, #tpu.memory_space<vmem>>
      %dma_start3A_236 = tpu.memref_squeeze %dma_start3A_235 : memref<1x64xf32, #tpu.memory_space<vmem>> -> memref<64xf32, #tpu.memory_space<vmem>>
      %dma_start3A_237 = arith.constant 0 : i32
      %dma_start3A_238 = tpu.memref_slice %arg5[%squeeze3A_233, %dma_start3A_237] : memref<100000x64xf32, #tpu.memory_space<hbm>> -> memref<1x64xf32, #tpu.memory_space<hbm>>
      %dma_start3A_239 = tpu.memref_squeeze %dma_start3A_238 : memref<1x64xf32, #tpu.memory_space<hbm>> -> memref<64xf32, #tpu.memory_space<hbm>>
      %dma_start3A_240 = arith.constant 0 : i32
      %dma_start3A_241 = tpu.memref_slice %arg12[%add3A_217, %dma_start3A_240] : memref<256x64xf32, #tpu.memory_space<vmem>> -> memref<1x64xf32, #tpu.memory_space<vmem>>
      %dma_start3A_242 = tpu.memref_squeeze %dma_start3A_241 : memref<1x64xf32, #tpu.memory_space<vmem>> -> memref<64xf32, #tpu.memory_space<vmem>>
      %dma_start3A_243 = arith.constant 0 : i32
      %dma_start3A_244 = tpu.memref_slice %arg5[%squeeze3A_233, %dma_start3A_243] : memref<100000x64xf32, #tpu.memory_space<hbm>> -> memref<1x64xf32, #tpu.memory_space<hbm>>
      %dma_start3A_245 = tpu.memref_squeeze %dma_start3A_244 : memref<1x64xf32, #tpu.memory_space<hbm>> -> memref<64xf32, #tpu.memory_space<hbm>>
      tpu.enqueue_dma source(%dma_start3A_245 : memref<64xf32, #tpu.memory_space<hbm>>) target(%dma_start3A_242 : memref<64xf32, #tpu.memory_space<vmem>>) target_semaphore(%arg16 : memref<!tpu.dma_semaphore, #tpu.memory_space<semaphore_mem>>)
      %mul3A_246 = arith.constant 16 : i32
      %mul3A_247 = arith.muli %scan3A_44, %mul3A_246 : i32
      %add3A_248 = arith.constant 6 : i32
      %add3A_249 = arith.addi %mul3A_247, %add3A_248 : i32
      %slice3A_250 = vector.extract_strided_slice %get3A_49 {offsets = [6], sizes = [1], strides = [1]} : vector<16xi32> to vector<1xi32>
      %squeeze3A_251 = vector.extract %slice3A_250[0] : i32 from vector<1xi32>
      %dma_start3A_252 = arith.constant 0 : i32
      %dma_start3A_253 = tpu.memref_slice %arg11[%add3A_249, %dma_start3A_252] : memref<256x64xf32, #tpu.memory_space<vmem>> -> memref<1x64xf32, #tpu.memory_space<vmem>>
      %dma_start3A_254 = tpu.memref_squeeze %dma_start3A_253 : memref<1x64xf32, #tpu.memory_space<vmem>> -> memref<64xf32, #tpu.memory_space<vmem>>
      %dma_start3A_255 = arith.constant 0 : i32
      %dma_start3A_256 = tpu.memref_slice %arg4[%squeeze3A_251, %dma_start3A_255] : memref<1000000x64xf32, #tpu.memory_space<hbm>> -> memref<1x64xf32, #tpu.memory_space<hbm>>
      %dma_start3A_257 = tpu.memref_squeeze %dma_start3A_256 : memref<1x64xf32, #tpu.memory_space<hbm>> -> memref<64xf32, #tpu.memory_space<hbm>>
      %dma_start3A_258 = arith.constant 0 : i32
      %dma_start3A_259 = tpu.memref_slice %arg11[%add3A_249, %dma_start3A_258] : memref<256x64xf32, #tpu.memory_space<vmem>> -> memref<1x64xf32, #tpu.memory_space<vmem>>
      %dma_start3A_260 = tpu.memref_squeeze %dma_start3A_259 : memref<1x64xf32, #tpu.memory_space<vmem>> -> memref<64xf32, #tpu.memory_space<vmem>>
      %dma_start3A_261 = arith.constant 0 : i32
      %dma_start3A_262 = tpu.memref_slice %arg4[%squeeze3A_251, %dma_start3A_261] : memref<1000000x64xf32, #tpu.memory_space<hbm>> -> memref<1x64xf32, #tpu.memory_space<hbm>>
      %dma_start3A_263 = tpu.memref_squeeze %dma_start3A_262 : memref<1x64xf32, #tpu.memory_space<hbm>> -> memref<64xf32, #tpu.memory_space<hbm>>
      tpu.enqueue_dma source(%dma_start3A_263 : memref<64xf32, #tpu.memory_space<hbm>>) target(%dma_start3A_260 : memref<64xf32, #tpu.memory_space<vmem>>) target_semaphore(%arg16 : memref<!tpu.dma_semaphore, #tpu.memory_space<semaphore_mem>>)
      %slice3A_264 = vector.extract_strided_slice %get3A_55 {offsets = [6], sizes = [1], strides = [1]} : vector<16xi32> to vector<1xi32>
      %squeeze3A_265 = vector.extract %slice3A_264[0] : i32 from vector<1xi32>
      %dma_start3A_266 = arith.constant 0 : i32
      %dma_start3A_267 = tpu.memref_slice %arg12[%add3A_249, %dma_start3A_266] : memref<256x64xf32, #tpu.memory_space<vmem>> -> memref<1x64xf32, #tpu.memory_space<vmem>>
      %dma_start3A_268 = tpu.memref_squeeze %dma_start3A_267 : memref<1x64xf32, #tpu.memory_space<vmem>> -> memref<64xf32, #tpu.memory_space<vmem>>
      %dma_start3A_269 = arith.constant 0 : i32
      %dma_start3A_270 = tpu.memref_slice %arg5[%squeeze3A_265, %dma_start3A_269] : memref<100000x64xf32, #tpu.memory_space<hbm>> -> memref<1x64xf32, #tpu.memory_space<hbm>>
      %dma_start3A_271 = tpu.memref_squeeze %dma_start3A_270 : memref<1x64xf32, #tpu.memory_space<hbm>> -> memref<64xf32, #tpu.memory_space<hbm>>
      %dma_start3A_272 = arith.constant 0 : i32
      %dma_start3A_273 = tpu.memref_slice %arg12[%add3A_249, %dma_start3A_272] : memref<256x64xf32, #tpu.memory_space<vmem>> -> memref<1x64xf32, #tpu.memory_space<vmem>>
      %dma_start3A_274 = tpu.memref_squeeze %dma_start3A_273 : memref<1x64xf32, #tpu.memory_space<vmem>> -> memref<64xf32, #tpu.memory_space<vmem>>
      %dma_start3A_275 = arith.constant 0 : i32
      %dma_start3A_276 = tpu.memref_slice %arg5[%squeeze3A_265, %dma_start3A_275] : memref<100000x64xf32, #tpu.memory_space<hbm>> -> memref<1x64xf32, #tpu.memory_space<hbm>>
      %dma_start3A_277 = tpu.memref_squeeze %dma_start3A_276 : memref<1x64xf32, #tpu.memory_space<hbm>> -> memref<64xf32, #tpu.memory_space<hbm>>
      tpu.enqueue_dma source(%dma_start3A_277 : memref<64xf32, #tpu.memory_space<hbm>>) target(%dma_start3A_274 : memref<64xf32, #tpu.memory_space<vmem>>) target_semaphore(%arg16 : memref<!tpu.dma_semaphore, #tpu.memory_space<semaphore_mem>>)
      %mul3A_278 = arith.constant 16 : i32
      %mul3A_279 = arith.muli %scan3A_44, %mul3A_278 : i32
      %add3A_280 = arith.constant 7 : i32
      %add3A_281 = arith.addi %mul3A_279, %add3A_280 : i32
      %slice3A_282 = vector.extract_strided_slice %get3A_49 {offsets = [7], sizes = [1], strides = [1]} : vector<16xi32> to vector<1xi32>
      %squeeze3A_283 = vector.extract %slice3A_282[0] : i32 from vector<1xi32>
      %dma_start3A_284 = arith.constant 0 : i32
      %dma_start3A_285 = tpu.memref_slice %arg11[%add3A_281, %dma_start3A_284] : memref<256x64xf32, #tpu.memory_space<vmem>> -> memref<1x64xf32, #tpu.memory_space<vmem>>
      %dma_start3A_286 = tpu.memref_squeeze %dma_start3A_285 : memref<1x64xf32, #tpu.memory_space<vmem>> -> memref<64xf32, #tpu.memory_space<vmem>>
      %dma_start3A_287 = arith.constant 0 : i32
      %dma_start3A_288 = tpu.memref_slice %arg4[%squeeze3A_283, %dma_start3A_287] : memref<1000000x64xf32, #tpu.memory_space<hbm>> -> memref<1x64xf32, #tpu.memory_space<hbm>>
      %dma_start3A_289 = tpu.memref_squeeze %dma_start3A_288 : memref<1x64xf32, #tpu.memory_space<hbm>> -> memref<64xf32, #tpu.memory_space<hbm>>
      %dma_start3A_290 = arith.constant 0 : i32
      %dma_start3A_291 = tpu.memref_slice %arg11[%add3A_281, %dma_start3A_290] : memref<256x64xf32, #tpu.memory_space<vmem>> -> memref<1x64xf32, #tpu.memory_space<vmem>>
      %dma_start3A_292 = tpu.memref_squeeze %dma_start3A_291 : memref<1x64xf32, #tpu.memory_space<vmem>> -> memref<64xf32, #tpu.memory_space<vmem>>
      %dma_start3A_293 = arith.constant 0 : i32
      %dma_start3A_294 = tpu.memref_slice %arg4[%squeeze3A_283, %dma_start3A_293] : memref<1000000x64xf32, #tpu.memory_space<hbm>> -> memref<1x64xf32, #tpu.memory_space<hbm>>
      %dma_start3A_295 = tpu.memref_squeeze %dma_start3A_294 : memref<1x64xf32, #tpu.memory_space<hbm>> -> memref<64xf32, #tpu.memory_space<hbm>>
      tpu.enqueue_dma source(%dma_start3A_295 : memref<64xf32, #tpu.memory_space<hbm>>) target(%dma_start3A_292 : memref<64xf32, #tpu.memory_space<vmem>>) target_semaphore(%arg16 : memref<!tpu.dma_semaphore, #tpu.memory_space<semaphore_mem>>)
      %slice3A_296 = vector.extract_strided_slice %get3A_55 {offsets = [7], sizes = [1], strides = [1]} : vector<16xi32> to vector<1xi32>
      %squeeze3A_297 = vector.extract %slice3A_296[0] : i32 from vector<1xi32>
      %dma_start3A_298 = arith.constant 0 : i32
      %dma_start3A_299 = tpu.memref_slice %arg12[%add3A_281, %dma_start3A_298] : memref<256x64xf32, #tpu.memory_space<vmem>> -> memref<1x64xf32, #tpu.memory_space<vmem>>
      %dma_start3A_300 = tpu.memref_squeeze %dma_start3A_299 : memref<1x64xf32, #tpu.memory_space<vmem>> -> memref<64xf32, #tpu.memory_space<vmem>>
      %dma_start3A_301 = arith.constant 0 : i32
      %dma_start3A_302 = tpu.memref_slice %arg5[%squeeze3A_297, %dma_start3A_301] : memref<100000x64xf32, #tpu.memory_space<hbm>> -> memref<1x64xf32, #tpu.memory_space<hbm>>
      %dma_start3A_303 = tpu.memref_squeeze %dma_start3A_302 : memref<1x64xf32, #tpu.memory_space<hbm>> -> memref<64xf32, #tpu.memory_space<hbm>>
      %dma_start3A_304 = arith.constant 0 : i32
      %dma_start3A_305 = tpu.memref_slice %arg12[%add3A_281, %dma_start3A_304] : memref<256x64xf32, #tpu.memory_space<vmem>> -> memref<1x64xf32, #tpu.memory_space<vmem>>
      %dma_start3A_306 = tpu.memref_squeeze %dma_start3A_305 : memref<1x64xf32, #tpu.memory_space<vmem>> -> memref<64xf32, #tpu.memory_space<vmem>>
      %dma_start3A_307 = arith.constant 0 : i32
      %dma_start3A_308 = tpu.memref_slice %arg5[%squeeze3A_297, %dma_start3A_307] : memref<100000x64xf32, #tpu.memory_space<hbm>> -> memref<1x64xf32, #tpu.memory_space<hbm>>
      %dma_start3A_309 = tpu.memref_squeeze %dma_start3A_308 : memref<1x64xf32, #tpu.memory_space<hbm>> -> memref<64xf32, #tpu.memory_space<hbm>>
      tpu.enqueue_dma source(%dma_start3A_309 : memref<64xf32, #tpu.memory_space<hbm>>) target(%dma_start3A_306 : memref<64xf32, #tpu.memory_space<vmem>>) target_semaphore(%arg16 : memref<!tpu.dma_semaphore, #tpu.memory_space<semaphore_mem>>)
      %mul3A_310 = arith.constant 16 : i32
      %mul3A_311 = arith.muli %scan3A_44, %mul3A_310 : i32
      %add3A_312 = arith.constant 8 : i32
      %add3A_313 = arith.addi %mul3A_311, %add3A_312 : i32
      %slice3A_314 = vector.extract_strided_slice %get3A_49 {offsets = [8], sizes = [1], strides = [1]} : vector<16xi32> to vector<1xi32>
      %squeeze3A_315 = vector.extract %slice3A_314[0] : i32 from vector<1xi32>
      %dma_start3A_316 = arith.constant 0 : i32
      %dma_start3A_317 = tpu.memref_slice %arg11[%add3A_313, %dma_start3A_316] : memref<256x64xf32, #tpu.memory_space<vmem>> -> memref<1x64xf32, #tpu.memory_space<vmem>>
      %dma_start3A_318 = tpu.memref_squeeze %dma_start3A_317 : memref<1x64xf32, #tpu.memory_space<vmem>> -> memref<64xf32, #tpu.memory_space<vmem>>
      %dma_start3A_319 = arith.constant 0 : i32
      %dma_start3A_320 = tpu.memref_slice %arg4[%squeeze3A_315, %dma_start3A_319] : memref<1000000x64xf32, #tpu.memory_space<hbm>> -> memref<1x64xf32, #tpu.memory_space<hbm>>
      %dma_start3A_321 = tpu.memref_squeeze %dma_start3A_320 : memref<1x64xf32, #tpu.memory_space<hbm>> -> memref<64xf32, #tpu.memory_space<hbm>>
      %dma_start3A_322 = arith.constant 0 : i32
      %dma_start3A_323 = tpu.memref_slice %arg11[%add3A_313, %dma_start3A_322] : memref<256x64xf32, #tpu.memory_space<vmem>> -> memref<1x64xf32, #tpu.memory_space<vmem>>
      %dma_start3A_324 = tpu.memref_squeeze %dma_start3A_323 : memref<1x64xf32, #tpu.memory_space<vmem>> -> memref<64xf32, #tpu.memory_space<vmem>>
      %dma_start3A_325 = arith.constant 0 : i32
      %dma_start3A_326 = tpu.memref_slice %arg4[%squeeze3A_315, %dma_start3A_325] : memref<1000000x64xf32, #tpu.memory_space<hbm>> -> memref<1x64xf32, #tpu.memory_space<hbm>>
      %dma_start3A_327 = tpu.memref_squeeze %dma_start3A_326 : memref<1x64xf32, #tpu.memory_space<hbm>> -> memref<64xf32, #tpu.memory_space<hbm>>
      tpu.enqueue_dma source(%dma_start3A_327 : memref<64xf32, #tpu.memory_space<hbm>>) target(%dma_start3A_324 : memref<64xf32, #tpu.memory_space<vmem>>) target_semaphore(%arg16 : memref<!tpu.dma_semaphore, #tpu.memory_space<semaphore_mem>>)
      %slice3A_328 = vector.extract_strided_slice %get3A_55 {offsets = [8], sizes = [1], strides = [1]} : vector<16xi32> to vector<1xi32>
      %squeeze3A_329 = vector.extract %slice3A_328[0] : i32 from vector<1xi32>
      %dma_start3A_330 = arith.constant 0 : i32
      %dma_start3A_331 = tpu.memref_slice %arg12[%add3A_313, %dma_start3A_330] : memref<256x64xf32, #tpu.memory_space<vmem>> -> memref<1x64xf32, #tpu.memory_space<vmem>>
      %dma_start3A_332 = tpu.memref_squeeze %dma_start3A_331 : memref<1x64xf32, #tpu.memory_space<vmem>> -> memref<64xf32, #tpu.memory_space<vmem>>
      %dma_start3A_333 = arith.constant 0 : i32
      %dma_start3A_334 = tpu.memref_slice %arg5[%squeeze3A_329, %dma_start3A_333] : memref<100000x64xf32, #tpu.memory_space<hbm>> -> memref<1x64xf32, #tpu.memory_space<hbm>>
      %dma_start3A_335 = tpu.memref_squeeze %dma_start3A_334 : memref<1x64xf32, #tpu.memory_space<hbm>> -> memref<64xf32, #tpu.memory_space<hbm>>
      %dma_start3A_336 = arith.constant 0 : i32
      %dma_start3A_337 = tpu.memref_slice %arg12[%add3A_313, %dma_start3A_336] : memref<256x64xf32, #tpu.memory_space<vmem>> -> memref<1x64xf32, #tpu.memory_space<vmem>>
      %dma_start3A_338 = tpu.memref_squeeze %dma_start3A_337 : memref<1x64xf32, #tpu.memory_space<vmem>> -> memref<64xf32, #tpu.memory_space<vmem>>
      %dma_start3A_339 = arith.constant 0 : i32
      %dma_start3A_340 = tpu.memref_slice %arg5[%squeeze3A_329, %dma_start3A_339] : memref<100000x64xf32, #tpu.memory_space<hbm>> -> memref<1x64xf32, #tpu.memory_space<hbm>>
      %dma_start3A_341 = tpu.memref_squeeze %dma_start3A_340 : memref<1x64xf32, #tpu.memory_space<hbm>> -> memref<64xf32, #tpu.memory_space<hbm>>
      tpu.enqueue_dma source(%dma_start3A_341 : memref<64xf32, #tpu.memory_space<hbm>>) target(%dma_start3A_338 : memref<64xf32, #tpu.memory_space<vmem>>) target_semaphore(%arg16 : memref<!tpu.dma_semaphore, #tpu.memory_space<semaphore_mem>>)
      %mul3A_342 = arith.constant 16 : i32
      %mul3A_343 = arith.muli %scan3A_44, %mul3A_342 : i32
      %add3A_344 = arith.constant 9 : i32
      %add3A_345 = arith.addi %mul3A_343, %add3A_344 : i32
      %slice3A_346 = vector.extract_strided_slice %get3A_49 {offsets = [9], sizes = [1], strides = [1]} : vector<16xi32> to vector<1xi32>
      %squeeze3A_347 = vector.extract %slice3A_346[0] : i32 from vector<1xi32>
      %dma_start3A_348 = arith.constant 0 : i32
      %dma_start3A_349 = tpu.memref_slice %arg11[%add3A_345, %dma_start3A_348] : memref<256x64xf32, #tpu.memory_space<vmem>> -> memref<1x64xf32, #tpu.memory_space<vmem>>
      %dma_start3A_350 = tpu.memref_squeeze %dma_start3A_349 : memref<1x64xf32, #tpu.memory_space<vmem>> -> memref<64xf32, #tpu.memory_space<vmem>>
      %dma_start3A_351 = arith.constant 0 : i32
      %dma_start3A_352 = tpu.memref_slice %arg4[%squeeze3A_347, %dma_start3A_351] : memref<1000000x64xf32, #tpu.memory_space<hbm>> -> memref<1x64xf32, #tpu.memory_space<hbm>>
      %dma_start3A_353 = tpu.memref_squeeze %dma_start3A_352 : memref<1x64xf32, #tpu.memory_space<hbm>> -> memref<64xf32, #tpu.memory_space<hbm>>
      %dma_start3A_354 = arith.constant 0 : i32
      %dma_start3A_355 = tpu.memref_slice %arg11[%add3A_345, %dma_start3A_354] : memref<256x64xf32, #tpu.memory_space<vmem>> -> memref<1x64xf32, #tpu.memory_space<vmem>>
      %dma_start3A_356 = tpu.memref_squeeze %dma_start3A_355 : memref<1x64xf32, #tpu.memory_space<vmem>> -> memref<64xf32, #tpu.memory_space<vmem>>
      %dma_start3A_357 = arith.constant 0 : i32
      %dma_start3A_358 = tpu.memref_slice %arg4[%squeeze3A_347, %dma_start3A_357] : memref<1000000x64xf32, #tpu.memory_space<hbm>> -> memref<1x64xf32, #tpu.memory_space<hbm>>
      %dma_start3A_359 = tpu.memref_squeeze %dma_start3A_358 : memref<1x64xf32, #tpu.memory_space<hbm>> -> memref<64xf32, #tpu.memory_space<hbm>>
      tpu.enqueue_dma source(%dma_start3A_359 : memref<64xf32, #tpu.memory_space<hbm>>) target(%dma_start3A_356 : memref<64xf32, #tpu.memory_space<vmem>>) target_semaphore(%arg16 : memref<!tpu.dma_semaphore, #tpu.memory_space<semaphore_mem>>)
      %slice3A_360 = vector.extract_strided_slice %get3A_55 {offsets = [9], sizes = [1], strides = [1]} : vector<16xi32> to vector<1xi32>
      %squeeze3A_361 = vector.extract %slice3A_360[0] : i32 from vector<1xi32>
      %dma_start3A_362 = arith.constant 0 : i32
      %dma_start3A_363 = tpu.memref_slice %arg12[%add3A_345, %dma_start3A_362] : memref<256x64xf32, #tpu.memory_space<vmem>> -> memref<1x64xf32, #tpu.memory_space<vmem>>
      %dma_start3A_364 = tpu.memref_squeeze %dma_start3A_363 : memref<1x64xf32, #tpu.memory_space<vmem>> -> memref<64xf32, #tpu.memory_space<vmem>>
      %dma_start3A_365 = arith.constant 0 : i32
      %dma_start3A_366 = tpu.memref_slice %arg5[%squeeze3A_361, %dma_start3A_365] : memref<100000x64xf32, #tpu.memory_space<hbm>> -> memref<1x64xf32, #tpu.memory_space<hbm>>
      %dma_start3A_367 = tpu.memref_squeeze %dma_start3A_366 : memref<1x64xf32, #tpu.memory_space<hbm>> -> memref<64xf32, #tpu.memory_space<hbm>>
      %dma_start3A_368 = arith.constant 0 : i32
      %dma_start3A_369 = tpu.memref_slice %arg12[%add3A_345, %dma_start3A_368] : memref<256x64xf32, #tpu.memory_space<vmem>> -> memref<1x64xf32, #tpu.memory_space<vmem>>
      %dma_start3A_370 = tpu.memref_squeeze %dma_start3A_369 : memref<1x64xf32, #tpu.memory_space<vmem>> -> memref<64xf32, #tpu.memory_space<vmem>>
      %dma_start3A_371 = arith.constant 0 : i32
      %dma_start3A_372 = tpu.memref_slice %arg5[%squeeze3A_361, %dma_start3A_371] : memref<100000x64xf32, #tpu.memory_space<hbm>> -> memref<1x64xf32, #tpu.memory_space<hbm>>
      %dma_start3A_373 = tpu.memref_squeeze %dma_start3A_372 : memref<1x64xf32, #tpu.memory_space<hbm>> -> memref<64xf32, #tpu.memory_space<hbm>>
      tpu.enqueue_dma source(%dma_start3A_373 : memref<64xf32, #tpu.memory_space<hbm>>) target(%dma_start3A_370 : memref<64xf32, #tpu.memory_space<vmem>>) target_semaphore(%arg16 : memref<!tpu.dma_semaphore, #tpu.memory_space<semaphore_mem>>)
      %mul3A_374 = arith.constant 16 : i32
      %mul3A_375 = arith.muli %scan3A_44, %mul3A_374 : i32
      %add3A_376 = arith.constant 10 : i32
      %add3A_377 = arith.addi %mul3A_375, %add3A_376 : i32
      %slice3A_378 = vector.extract_strided_slice %get3A_49 {offsets = [10], sizes = [1], strides = [1]} : vector<16xi32> to vector<1xi32>
      %squeeze3A_379 = vector.extract %slice3A_378[0] : i32 from vector<1xi32>
      %dma_start3A_380 = arith.constant 0 : i32
      %dma_start3A_381 = tpu.memref_slice %arg11[%add3A_377, %dma_start3A_380] : memref<256x64xf32, #tpu.memory_space<vmem>> -> memref<1x64xf32, #tpu.memory_space<vmem>>
      %dma_start3A_382 = tpu.memref_squeeze %dma_start3A_381 : memref<1x64xf32, #tpu.memory_space<vmem>> -> memref<64xf32, #tpu.memory_space<vmem>>
      %dma_start3A_383 = arith.constant 0 : i32
      %dma_start3A_384 = tpu.memref_slice %arg4[%squeeze3A_379, %dma_start3A_383] : memref<1000000x64xf32, #tpu.memory_space<hbm>> -> memref<1x64xf32, #tpu.memory_space<hbm>>
      %dma_start3A_385 = tpu.memref_squeeze %dma_start3A_384 : memref<1x64xf32, #tpu.memory_space<hbm>> -> memref<64xf32, #tpu.memory_space<hbm>>
      %dma_start3A_386 = arith.constant 0 : i32
      %dma_start3A_387 = tpu.memref_slice %arg11[%add3A_377, %dma_start3A_386] : memref<256x64xf32, #tpu.memory_space<vmem>> -> memref<1x64xf32, #tpu.memory_space<vmem>>
      %dma_start3A_388 = tpu.memref_squeeze %dma_start3A_387 : memref<1x64xf32, #tpu.memory_space<vmem>> -> memref<64xf32, #tpu.memory_space<vmem>>
      %dma_start3A_389 = arith.constant 0 : i32
      %dma_start3A_390 = tpu.memref_slice %arg4[%squeeze3A_379, %dma_start3A_389] : memref<1000000x64xf32, #tpu.memory_space<hbm>> -> memref<1x64xf32, #tpu.memory_space<hbm>>
      %dma_start3A_391 = tpu.memref_squeeze %dma_start3A_390 : memref<1x64xf32, #tpu.memory_space<hbm>> -> memref<64xf32, #tpu.memory_space<hbm>>
      tpu.enqueue_dma source(%dma_start3A_391 : memref<64xf32, #tpu.memory_space<hbm>>) target(%dma_start3A_388 : memref<64xf32, #tpu.memory_space<vmem>>) target_semaphore(%arg16 : memref<!tpu.dma_semaphore, #tpu.memory_space<semaphore_mem>>)
      %slice3A_392 = vector.extract_strided_slice %get3A_55 {offsets = [10], sizes = [1], strides = [1]} : vector<16xi32> to vector<1xi32>
      %squeeze3A_393 = vector.extract %slice3A_392[0] : i32 from vector<1xi32>
      %dma_start3A_394 = arith.constant 0 : i32
      %dma_start3A_395 = tpu.memref_slice %arg12[%add3A_377, %dma_start3A_394] : memref<256x64xf32, #tpu.memory_space<vmem>> -> memref<1x64xf32, #tpu.memory_space<vmem>>
      %dma_start3A_396 = tpu.memref_squeeze %dma_start3A_395 : memref<1x64xf32, #tpu.memory_space<vmem>> -> memref<64xf32, #tpu.memory_space<vmem>>
      %dma_start3A_397 = arith.constant 0 : i32
      %dma_start3A_398 = tpu.memref_slice %arg5[%squeeze3A_393, %dma_start3A_397] : memref<100000x64xf32, #tpu.memory_space<hbm>> -> memref<1x64xf32, #tpu.memory_space<hbm>>
      %dma_start3A_399 = tpu.memref_squeeze %dma_start3A_398 : memref<1x64xf32, #tpu.memory_space<hbm>> -> memref<64xf32, #tpu.memory_space<hbm>>
      %dma_start3A_400 = arith.constant 0 : i32
      %dma_start3A_401 = tpu.memref_slice %arg12[%add3A_377, %dma_start3A_400] : memref<256x64xf32, #tpu.memory_space<vmem>> -> memref<1x64xf32, #tpu.memory_space<vmem>>
      %dma_start3A_402 = tpu.memref_squeeze %dma_start3A_401 : memref<1x64xf32, #tpu.memory_space<vmem>> -> memref<64xf32, #tpu.memory_space<vmem>>
      %dma_start3A_403 = arith.constant 0 : i32
      %dma_start3A_404 = tpu.memref_slice %arg5[%squeeze3A_393, %dma_start3A_403] : memref<100000x64xf32, #tpu.memory_space<hbm>> -> memref<1x64xf32, #tpu.memory_space<hbm>>
      %dma_start3A_405 = tpu.memref_squeeze %dma_start3A_404 : memref<1x64xf32, #tpu.memory_space<hbm>> -> memref<64xf32, #tpu.memory_space<hbm>>
      tpu.enqueue_dma source(%dma_start3A_405 : memref<64xf32, #tpu.memory_space<hbm>>) target(%dma_start3A_402 : memref<64xf32, #tpu.memory_space<vmem>>) target_semaphore(%arg16 : memref<!tpu.dma_semaphore, #tpu.memory_space<semaphore_mem>>)
      %mul3A_406 = arith.constant 16 : i32
      %mul3A_407 = arith.muli %scan3A_44, %mul3A_406 : i32
      %add3A_408 = arith.constant 11 : i32
      %add3A_409 = arith.addi %mul3A_407, %add3A_408 : i32
      %slice3A_410 = vector.extract_strided_slice %get3A_49 {offsets = [11], sizes = [1], strides = [1]} : vector<16xi32> to vector<1xi32>
      %squeeze3A_411 = vector.extract %slice3A_410[0] : i32 from vector<1xi32>
      %dma_start3A_412 = arith.constant 0 : i32
      %dma_start3A_413 = tpu.memref_slice %arg11[%add3A_409, %dma_start3A_412] : memref<256x64xf32, #tpu.memory_space<vmem>> -> memref<1x64xf32, #tpu.memory_space<vmem>>
      %dma_start3A_414 = tpu.memref_squeeze %dma_start3A_413 : memref<1x64xf32, #tpu.memory_space<vmem>> -> memref<64xf32, #tpu.memory_space<vmem>>
      %dma_start3A_415 = arith.constant 0 : i32
      %dma_start3A_416 = tpu.memref_slice %arg4[%squeeze3A_411, %dma_start3A_415] : memref<1000000x64xf32, #tpu.memory_space<hbm>> -> memref<1x64xf32, #tpu.memory_space<hbm>>
      %dma_start3A_417 = tpu.memref_squeeze %dma_start3A_416 : memref<1x64xf32, #tpu.memory_space<hbm>> -> memref<64xf32, #tpu.memory_space<hbm>>
      %dma_start3A_418 = arith.constant 0 : i32
      %dma_start3A_419 = tpu.memref_slice %arg11[%add3A_409, %dma_start3A_418] : memref<256x64xf32, #tpu.memory_space<vmem>> -> memref<1x64xf32, #tpu.memory_space<vmem>>
      %dma_start3A_420 = tpu.memref_squeeze %dma_start3A_419 : memref<1x64xf32, #tpu.memory_space<vmem>> -> memref<64xf32, #tpu.memory_space<vmem>>
      %dma_start3A_421 = arith.constant 0 : i32
      %dma_start3A_422 = tpu.memref_slice %arg4[%squeeze3A_411, %dma_start3A_421] : memref<1000000x64xf32, #tpu.memory_space<hbm>> -> memref<1x64xf32, #tpu.memory_space<hbm>>
      %dma_start3A_423 = tpu.memref_squeeze %dma_start3A_422 : memref<1x64xf32, #tpu.memory_space<hbm>> -> memref<64xf32, #tpu.memory_space<hbm>>
      tpu.enqueue_dma source(%dma_start3A_423 : memref<64xf32, #tpu.memory_space<hbm>>) target(%dma_start3A_420 : memref<64xf32, #tpu.memory_space<vmem>>) target_semaphore(%arg16 : memref<!tpu.dma_semaphore, #tpu.memory_space<semaphore_mem>>)
      %slice3A_424 = vector.extract_strided_slice %get3A_55 {offsets = [11], sizes = [1], strides = [1]} : vector<16xi32> to vector<1xi32>
      %squeeze3A_425 = vector.extract %slice3A_424[0] : i32 from vector<1xi32>
      %dma_start3A_426 = arith.constant 0 : i32
      %dma_start3A_427 = tpu.memref_slice %arg12[%add3A_409, %dma_start3A_426] : memref<256x64xf32, #tpu.memory_space<vmem>> -> memref<1x64xf32, #tpu.memory_space<vmem>>
      %dma_start3A_428 = tpu.memref_squeeze %dma_start3A_427 : memref<1x64xf32, #tpu.memory_space<vmem>> -> memref<64xf32, #tpu.memory_space<vmem>>
      %dma_start3A_429 = arith.constant 0 : i32
      %dma_start3A_430 = tpu.memref_slice %arg5[%squeeze3A_425, %dma_start3A_429] : memref<100000x64xf32, #tpu.memory_space<hbm>> -> memref<1x64xf32, #tpu.memory_space<hbm>>
      %dma_start3A_431 = tpu.memref_squeeze %dma_start3A_430 : memref<1x64xf32, #tpu.memory_space<hbm>> -> memref<64xf32, #tpu.memory_space<hbm>>
      %dma_start3A_432 = arith.constant 0 : i32
      %dma_start3A_433 = tpu.memref_slice %arg12[%add3A_409, %dma_start3A_432] : memref<256x64xf32, #tpu.memory_space<vmem>> -> memref<1x64xf32, #tpu.memory_space<vmem>>
      %dma_start3A_434 = tpu.memref_squeeze %dma_start3A_433 : memref<1x64xf32, #tpu.memory_space<vmem>> -> memref<64xf32, #tpu.memory_space<vmem>>
      %dma_start3A_435 = arith.constant 0 : i32
      %dma_start3A_436 = tpu.memref_slice %arg5[%squeeze3A_425, %dma_start3A_435] : memref<100000x64xf32, #tpu.memory_space<hbm>> -> memref<1x64xf32, #tpu.memory_space<hbm>>
      %dma_start3A_437 = tpu.memref_squeeze %dma_start3A_436 : memref<1x64xf32, #tpu.memory_space<hbm>> -> memref<64xf32, #tpu.memory_space<hbm>>
      tpu.enqueue_dma source(%dma_start3A_437 : memref<64xf32, #tpu.memory_space<hbm>>) target(%dma_start3A_434 : memref<64xf32, #tpu.memory_space<vmem>>) target_semaphore(%arg16 : memref<!tpu.dma_semaphore, #tpu.memory_space<semaphore_mem>>)
      %mul3A_438 = arith.constant 16 : i32
      %mul3A_439 = arith.muli %scan3A_44, %mul3A_438 : i32
      %add3A_440 = arith.constant 12 : i32
      %add3A_441 = arith.addi %mul3A_439, %add3A_440 : i32
      %slice3A_442 = vector.extract_strided_slice %get3A_49 {offsets = [12], sizes = [1], strides = [1]} : vector<16xi32> to vector<1xi32>
      %squeeze3A_443 = vector.extract %slice3A_442[0] : i32 from vector<1xi32>
      %dma_start3A_444 = arith.constant 0 : i32
      %dma_start3A_445 = tpu.memref_slice %arg11[%add3A_441, %dma_start3A_444] : memref<256x64xf32, #tpu.memory_space<vmem>> -> memref<1x64xf32, #tpu.memory_space<vmem>>
      %dma_start3A_446 = tpu.memref_squeeze %dma_start3A_445 : memref<1x64xf32, #tpu.memory_space<vmem>> -> memref<64xf32, #tpu.memory_space<vmem>>
      %dma_start3A_447 = arith.constant 0 : i32
      %dma_start3A_448 = tpu.memref_slice %arg4[%squeeze3A_443, %dma_start3A_447] : memref<1000000x64xf32, #tpu.memory_space<hbm>> -> memref<1x64xf32, #tpu.memory_space<hbm>>
      %dma_start3A_449 = tpu.memref_squeeze %dma_start3A_448 : memref<1x64xf32, #tpu.memory_space<hbm>> -> memref<64xf32, #tpu.memory_space<hbm>>
      %dma_start3A_450 = arith.constant 0 : i32
      %dma_start3A_451 = tpu.memref_slice %arg11[%add3A_441, %dma_start3A_450] : memref<256x64xf32, #tpu.memory_space<vmem>> -> memref<1x64xf32, #tpu.memory_space<vmem>>
      %dma_start3A_452 = tpu.memref_squeeze %dma_start3A_451 : memref<1x64xf32, #tpu.memory_space<vmem>> -> memref<64xf32, #tpu.memory_space<vmem>>
      %dma_start3A_453 = arith.constant 0 : i32
      %dma_start3A_454 = tpu.memref_slice %arg4[%squeeze3A_443, %dma_start3A_453] : memref<1000000x64xf32, #tpu.memory_space<hbm>> -> memref<1x64xf32, #tpu.memory_space<hbm>>
      %dma_start3A_455 = tpu.memref_squeeze %dma_start3A_454 : memref<1x64xf32, #tpu.memory_space<hbm>> -> memref<64xf32, #tpu.memory_space<hbm>>
      tpu.enqueue_dma source(%dma_start3A_455 : memref<64xf32, #tpu.memory_space<hbm>>) target(%dma_start3A_452 : memref<64xf32, #tpu.memory_space<vmem>>) target_semaphore(%arg16 : memref<!tpu.dma_semaphore, #tpu.memory_space<semaphore_mem>>)
      %slice3A_456 = vector.extract_strided_slice %get3A_55 {offsets = [12], sizes = [1], strides = [1]} : vector<16xi32> to vector<1xi32>
      %squeeze3A_457 = vector.extract %slice3A_456[0] : i32 from vector<1xi32>
      %dma_start3A_458 = arith.constant 0 : i32
      %dma_start3A_459 = tpu.memref_slice %arg12[%add3A_441, %dma_start3A_458] : memref<256x64xf32, #tpu.memory_space<vmem>> -> memref<1x64xf32, #tpu.memory_space<vmem>>
      %dma_start3A_460 = tpu.memref_squeeze %dma_start3A_459 : memref<1x64xf32, #tpu.memory_space<vmem>> -> memref<64xf32, #tpu.memory_space<vmem>>
      %dma_start3A_461 = arith.constant 0 : i32
      %dma_start3A_462 = tpu.memref_slice %arg5[%squeeze3A_457, %dma_start3A_461] : memref<100000x64xf32, #tpu.memory_space<hbm>> -> memref<1x64xf32, #tpu.memory_space<hbm>>
      %dma_start3A_463 = tpu.memref_squeeze %dma_start3A_462 : memref<1x64xf32, #tpu.memory_space<hbm>> -> memref<64xf32, #tpu.memory_space<hbm>>
      %dma_start3A_464 = arith.constant 0 : i32
      %dma_start3A_465 = tpu.memref_slice %arg12[%add3A_441, %dma_start3A_464] : memref<256x64xf32, #tpu.memory_space<vmem>> -> memref<1x64xf32, #tpu.memory_space<vmem>>
      %dma_start3A_466 = tpu.memref_squeeze %dma_start3A_465 : memref<1x64xf32, #tpu.memory_space<vmem>> -> memref<64xf32, #tpu.memory_space<vmem>>
      %dma_start3A_467 = arith.constant 0 : i32
      %dma_start3A_468 = tpu.memref_slice %arg5[%squeeze3A_457, %dma_start3A_467] : memref<100000x64xf32, #tpu.memory_space<hbm>> -> memref<1x64xf32, #tpu.memory_space<hbm>>
      %dma_start3A_469 = tpu.memref_squeeze %dma_start3A_468 : memref<1x64xf32, #tpu.memory_space<hbm>> -> memref<64xf32, #tpu.memory_space<hbm>>
      tpu.enqueue_dma source(%dma_start3A_469 : memref<64xf32, #tpu.memory_space<hbm>>) target(%dma_start3A_466 : memref<64xf32, #tpu.memory_space<vmem>>) target_semaphore(%arg16 : memref<!tpu.dma_semaphore, #tpu.memory_space<semaphore_mem>>)
      %mul3A_470 = arith.constant 16 : i32
      %mul3A_471 = arith.muli %scan3A_44, %mul3A_470 : i32
      %add3A_472 = arith.constant 13 : i32
      %add3A_473 = arith.addi %mul3A_471, %add3A_472 : i32
      %slice3A_474 = vector.extract_strided_slice %get3A_49 {offsets = [13], sizes = [1], strides = [1]} : vector<16xi32> to vector<1xi32>
      %squeeze3A_475 = vector.extract %slice3A_474[0] : i32 from vector<1xi32>
      %dma_start3A_476 = arith.constant 0 : i32
      %dma_start3A_477 = tpu.memref_slice %arg11[%add3A_473, %dma_start3A_476] : memref<256x64xf32, #tpu.memory_space<vmem>> -> memref<1x64xf32, #tpu.memory_space<vmem>>
      %dma_start3A_478 = tpu.memref_squeeze %dma_start3A_477 : memref<1x64xf32, #tpu.memory_space<vmem>> -> memref<64xf32, #tpu.memory_space<vmem>>
      %dma_start3A_479 = arith.constant 0 : i32
      %dma_start3A_480 = tpu.memref_slice %arg4[%squeeze3A_475, %dma_start3A_479] : memref<1000000x64xf32, #tpu.memory_space<hbm>> -> memref<1x64xf32, #tpu.memory_space<hbm>>
      %dma_start3A_481 = tpu.memref_squeeze %dma_start3A_480 : memref<1x64xf32, #tpu.memory_space<hbm>> -> memref<64xf32, #tpu.memory_space<hbm>>
      %dma_start3A_482 = arith.constant 0 : i32
      %dma_start3A_483 = tpu.memref_slice %arg11[%add3A_473, %dma_start3A_482] : memref<256x64xf32, #tpu.memory_space<vmem>> -> memref<1x64xf32, #tpu.memory_space<vmem>>
      %dma_start3A_484 = tpu.memref_squeeze %dma_start3A_483 : memref<1x64xf32, #tpu.memory_space<vmem>> -> memref<64xf32, #tpu.memory_space<vmem>>
      %dma_start3A_485 = arith.constant 0 : i32
      %dma_start3A_486 = tpu.memref_slice %arg4[%squeeze3A_475, %dma_start3A_485] : memref<1000000x64xf32, #tpu.memory_space<hbm>> -> memref<1x64xf32, #tpu.memory_space<hbm>>
      %dma_start3A_487 = tpu.memref_squeeze %dma_start3A_486 : memref<1x64xf32, #tpu.memory_space<hbm>> -> memref<64xf32, #tpu.memory_space<hbm>>
      tpu.enqueue_dma source(%dma_start3A_487 : memref<64xf32, #tpu.memory_space<hbm>>) target(%dma_start3A_484 : memref<64xf32, #tpu.memory_space<vmem>>) target_semaphore(%arg16 : memref<!tpu.dma_semaphore, #tpu.memory_space<semaphore_mem>>)
      %slice3A_488 = vector.extract_strided_slice %get3A_55 {offsets = [13], sizes = [1], strides = [1]} : vector<16xi32> to vector<1xi32>
      %squeeze3A_489 = vector.extract %slice3A_488[0] : i32 from vector<1xi32>
      %dma_start3A_490 = arith.constant 0 : i32
      %dma_start3A_491 = tpu.memref_slice %arg12[%add3A_473, %dma_start3A_490] : memref<256x64xf32, #tpu.memory_space<vmem>> -> memref<1x64xf32, #tpu.memory_space<vmem>>
      %dma_start3A_492 = tpu.memref_squeeze %dma_start3A_491 : memref<1x64xf32, #tpu.memory_space<vmem>> -> memref<64xf32, #tpu.memory_space<vmem>>
      %dma_start3A_493 = arith.constant 0 : i32
      %dma_start3A_494 = tpu.memref_slice %arg5[%squeeze3A_489, %dma_start3A_493] : memref<100000x64xf32, #tpu.memory_space<hbm>> -> memref<1x64xf32, #tpu.memory_space<hbm>>
      %dma_start3A_495 = tpu.memref_squeeze %dma_start3A_494 : memref<1x64xf32, #tpu.memory_space<hbm>> -> memref<64xf32, #tpu.memory_space<hbm>>
      %dma_start3A_496 = arith.constant 0 : i32
      %dma_start3A_497 = tpu.memref_slice %arg12[%add3A_473, %dma_start3A_496] : memref<256x64xf32, #tpu.memory_space<vmem>> -> memref<1x64xf32, #tpu.memory_space<vmem>>
      %dma_start3A_498 = tpu.memref_squeeze %dma_start3A_497 : memref<1x64xf32, #tpu.memory_space<vmem>> -> memref<64xf32, #tpu.memory_space<vmem>>
      %dma_start3A_499 = arith.constant 0 : i32
      %dma_start3A_500 = tpu.memref_slice %arg5[%squeeze3A_489, %dma_start3A_499] : memref<100000x64xf32, #tpu.memory_space<hbm>> -> memref<1x64xf32, #tpu.memory_space<hbm>>
      %dma_start3A_501 = tpu.memref_squeeze %dma_start3A_500 : memref<1x64xf32, #tpu.memory_space<hbm>> -> memref<64xf32, #tpu.memory_space<hbm>>
      tpu.enqueue_dma source(%dma_start3A_501 : memref<64xf32, #tpu.memory_space<hbm>>) target(%dma_start3A_498 : memref<64xf32, #tpu.memory_space<vmem>>) target_semaphore(%arg16 : memref<!tpu.dma_semaphore, #tpu.memory_space<semaphore_mem>>)
      %mul3A_502 = arith.constant 16 : i32
      %mul3A_503 = arith.muli %scan3A_44, %mul3A_502 : i32
      %add3A_504 = arith.constant 14 : i32
      %add3A_505 = arith.addi %mul3A_503, %add3A_504 : i32
      %slice3A_506 = vector.extract_strided_slice %get3A_49 {offsets = [14], sizes = [1], strides = [1]} : vector<16xi32> to vector<1xi32>
      %squeeze3A_507 = vector.extract %slice3A_506[0] : i32 from vector<1xi32>
      %dma_start3A_508 = arith.constant 0 : i32
      %dma_start3A_509 = tpu.memref_slice %arg11[%add3A_505, %dma_start3A_508] : memref<256x64xf32, #tpu.memory_space<vmem>> -> memref<1x64xf32, #tpu.memory_space<vmem>>
      %dma_start3A_510 = tpu.memref_squeeze %dma_start3A_509 : memref<1x64xf32, #tpu.memory_space<vmem>> -> memref<64xf32, #tpu.memory_space<vmem>>
      %dma_start3A_511 = arith.constant 0 : i32
      %dma_start3A_512 = tpu.memref_slice %arg4[%squeeze3A_507, %dma_start3A_511] : memref<1000000x64xf32, #tpu.memory_space<hbm>> -> memref<1x64xf32, #tpu.memory_space<hbm>>
      %dma_start3A_513 = tpu.memref_squeeze %dma_start3A_512 : memref<1x64xf32, #tpu.memory_space<hbm>> -> memref<64xf32, #tpu.memory_space<hbm>>
      %dma_start3A_514 = arith.constant 0 : i32
      %dma_start3A_515 = tpu.memref_slice %arg11[%add3A_505, %dma_start3A_514] : memref<256x64xf32, #tpu.memory_space<vmem>> -> memref<1x64xf32, #tpu.memory_space<vmem>>
      %dma_start3A_516 = tpu.memref_squeeze %dma_start3A_515 : memref<1x64xf32, #tpu.memory_space<vmem>> -> memref<64xf32, #tpu.memory_space<vmem>>
      %dma_start3A_517 = arith.constant 0 : i32
      %dma_start3A_518 = tpu.memref_slice %arg4[%squeeze3A_507, %dma_start3A_517] : memref<1000000x64xf32, #tpu.memory_space<hbm>> -> memref<1x64xf32, #tpu.memory_space<hbm>>
      %dma_start3A_519 = tpu.memref_squeeze %dma_start3A_518 : memref<1x64xf32, #tpu.memory_space<hbm>> -> memref<64xf32, #tpu.memory_space<hbm>>
      tpu.enqueue_dma source(%dma_start3A_519 : memref<64xf32, #tpu.memory_space<hbm>>) target(%dma_start3A_516 : memref<64xf32, #tpu.memory_space<vmem>>) target_semaphore(%arg16 : memref<!tpu.dma_semaphore, #tpu.memory_space<semaphore_mem>>)
      %slice3A_520 = vector.extract_strided_slice %get3A_55 {offsets = [14], sizes = [1], strides = [1]} : vector<16xi32> to vector<1xi32>
      %squeeze3A_521 = vector.extract %slice3A_520[0] : i32 from vector<1xi32>
      %dma_start3A_522 = arith.constant 0 : i32
      %dma_start3A_523 = tpu.memref_slice %arg12[%add3A_505, %dma_start3A_522] : memref<256x64xf32, #tpu.memory_space<vmem>> -> memref<1x64xf32, #tpu.memory_space<vmem>>
      %dma_start3A_524 = tpu.memref_squeeze %dma_start3A_523 : memref<1x64xf32, #tpu.memory_space<vmem>> -> memref<64xf32, #tpu.memory_space<vmem>>
      %dma_start3A_525 = arith.constant 0 : i32
      %dma_start3A_526 = tpu.memref_slice %arg5[%squeeze3A_521, %dma_start3A_525] : memref<100000x64xf32, #tpu.memory_space<hbm>> -> memref<1x64xf32, #tpu.memory_space<hbm>>
      %dma_start3A_527 = tpu.memref_squeeze %dma_start3A_526 : memref<1x64xf32, #tpu.memory_space<hbm>> -> memref<64xf32, #tpu.memory_space<hbm>>
      %dma_start3A_528 = arith.constant 0 : i32
      %dma_start3A_529 = tpu.memref_slice %arg12[%add3A_505, %dma_start3A_528] : memref<256x64xf32, #tpu.memory_space<vmem>> -> memref<1x64xf32, #tpu.memory_space<vmem>>
      %dma_start3A_530 = tpu.memref_squeeze %dma_start3A_529 : memref<1x64xf32, #tpu.memory_space<vmem>> -> memref<64xf32, #tpu.memory_space<vmem>>
      %dma_start3A_531 = arith.constant 0 : i32
      %dma_start3A_532 = tpu.memref_slice %arg5[%squeeze3A_521, %dma_start3A_531] : memref<100000x64xf32, #tpu.memory_space<hbm>> -> memref<1x64xf32, #tpu.memory_space<hbm>>
      %dma_start3A_533 = tpu.memref_squeeze %dma_start3A_532 : memref<1x64xf32, #tpu.memory_space<hbm>> -> memref<64xf32, #tpu.memory_space<hbm>>
      tpu.enqueue_dma source(%dma_start3A_533 : memref<64xf32, #tpu.memory_space<hbm>>) target(%dma_start3A_530 : memref<64xf32, #tpu.memory_space<vmem>>) target_semaphore(%arg16 : memref<!tpu.dma_semaphore, #tpu.memory_space<semaphore_mem>>)
      %mul3A_534 = arith.constant 16 : i32
      %mul3A_535 = arith.muli %scan3A_44, %mul3A_534 : i32
      %add3A_536 = arith.constant 15 : i32
      %add3A_537 = arith.addi %mul3A_535, %add3A_536 : i32
      %slice3A_538 = vector.extract_strided_slice %get3A_49 {offsets = [15], sizes = [1], strides = [1]} : vector<16xi32> to vector<1xi32>
      %squeeze3A_539 = vector.extract %slice3A_538[0] : i32 from vector<1xi32>
      %dma_start3A_540 = arith.constant 0 : i32
      %dma_start3A_541 = tpu.memref_slice %arg11[%add3A_537, %dma_start3A_540] : memref<256x64xf32, #tpu.memory_space<vmem>> -> memref<1x64xf32, #tpu.memory_space<vmem>>
      %dma_start3A_542 = tpu.memref_squeeze %dma_start3A_541 : memref<1x64xf32, #tpu.memory_space<vmem>> -> memref<64xf32, #tpu.memory_space<vmem>>
      %dma_start3A_543 = arith.constant 0 : i32
      %dma_start3A_544 = tpu.memref_slice %arg4[%squeeze3A_539, %dma_start3A_543] : memref<1000000x64xf32, #tpu.memory_space<hbm>> -> memref<1x64xf32, #tpu.memory_space<hbm>>
      %dma_start3A_545 = tpu.memref_squeeze %dma_start3A_544 : memref<1x64xf32, #tpu.memory_space<hbm>> -> memref<64xf32, #tpu.memory_space<hbm>>
      %dma_start3A_546 = arith.constant 0 : i32
      %dma_start3A_547 = tpu.memref_slice %arg11[%add3A_537, %dma_start3A_546] : memref<256x64xf32, #tpu.memory_space<vmem>> -> memref<1x64xf32, #tpu.memory_space<vmem>>
      %dma_start3A_548 = tpu.memref_squeeze %dma_start3A_547 : memref<1x64xf32, #tpu.memory_space<vmem>> -> memref<64xf32, #tpu.memory_space<vmem>>
      %dma_start3A_549 = arith.constant 0 : i32
      %dma_start3A_550 = tpu.memref_slice %arg4[%squeeze3A_539, %dma_start3A_549] : memref<1000000x64xf32, #tpu.memory_space<hbm>> -> memref<1x64xf32, #tpu.memory_space<hbm>>
      %dma_start3A_551 = tpu.memref_squeeze %dma_start3A_550 : memref<1x64xf32, #tpu.memory_space<hbm>> -> memref<64xf32, #tpu.memory_space<hbm>>
      tpu.enqueue_dma source(%dma_start3A_551 : memref<64xf32, #tpu.memory_space<hbm>>) target(%dma_start3A_548 : memref<64xf32, #tpu.memory_space<vmem>>) target_semaphore(%arg16 : memref<!tpu.dma_semaphore, #tpu.memory_space<semaphore_mem>>)
      %slice3A_552 = vector.extract_strided_slice %get3A_55 {offsets = [15], sizes = [1], strides = [1]} : vector<16xi32> to vector<1xi32>
      %squeeze3A_553 = vector.extract %slice3A_552[0] : i32 from vector<1xi32>
      %dma_start3A_554 = arith.constant 0 : i32
      %dma_start3A_555 = tpu.memref_slice %arg12[%add3A_537, %dma_start3A_554] : memref<256x64xf32, #tpu.memory_space<vmem>> -> memref<1x64xf32, #tpu.memory_space<vmem>>
      %dma_start3A_556 = tpu.memref_squeeze %dma_start3A_555 : memref<1x64xf32, #tpu.memory_space<vmem>> -> memref<64xf32, #tpu.memory_space<vmem>>
      %dma_start3A_557 = arith.constant 0 : i32
      %dma_start3A_558 = tpu.memref_slice %arg5[%squeeze3A_553, %dma_start3A_557] : memref<100000x64xf32, #tpu.memory_space<hbm>> -> memref<1x64xf32, #tpu.memory_space<hbm>>
      %dma_start3A_559 = tpu.memref_squeeze %dma_start3A_558 : memref<1x64xf32, #tpu.memory_space<hbm>> -> memref<64xf32, #tpu.memory_space<hbm>>
      %dma_start3A_560 = arith.constant 0 : i32
      %dma_start3A_561 = tpu.memref_slice %arg12[%add3A_537, %dma_start3A_560] : memref<256x64xf32, #tpu.memory_space<vmem>> -> memref<1x64xf32, #tpu.memory_space<vmem>>
      %dma_start3A_562 = tpu.memref_squeeze %dma_start3A_561 : memref<1x64xf32, #tpu.memory_space<vmem>> -> memref<64xf32, #tpu.memory_space<vmem>>
      %dma_start3A_563 = arith.constant 0 : i32
      %dma_start3A_564 = tpu.memref_slice %arg5[%squeeze3A_553, %dma_start3A_563] : memref<100000x64xf32, #tpu.memory_space<hbm>> -> memref<1x64xf32, #tpu.memory_space<hbm>>
      %dma_start3A_565 = tpu.memref_squeeze %dma_start3A_564 : memref<1x64xf32, #tpu.memory_space<hbm>> -> memref<64xf32, #tpu.memory_space<hbm>>
      tpu.enqueue_dma source(%dma_start3A_565 : memref<64xf32, #tpu.memory_space<hbm>>) target(%dma_start3A_562 : memref<64xf32, #tpu.memory_space<vmem>>) target_semaphore(%arg16 : memref<!tpu.dma_semaphore, #tpu.memory_space<semaphore_mem>>)
    }
    %scan3A_13 = arith.constant 16 : i32
    %scan3A_14 = arith.constant 0 : i32
    %scan3A_15 = arith.constant 0 : i32
    %scan3A_16 = arith.constant 256 : i32
    %scan3A_17 = arith.addi %scan3A_15, %scan3A_16 : i32
    %scan3A_18 = arith.constant 1 : i32
    scf.for %scan3A_44 = %scan3A_15 to %scan3A_17 step %scan3A_18  : i32 {
      %dma_wait3A_45 = arith.constant 0 : i32
      %dma_wait3A_46 = arith.constant 0 : i32
      %dma_wait3A_47 = tpu.memref_slice %arg11[%scan3A_44, %dma_wait3A_46] : memref<256x64xf32, #tpu.memory_space<vmem>> -> memref<1x64xf32, #tpu.memory_space<vmem>>
      %dma_wait3A_48 = tpu.memref_squeeze %dma_wait3A_47 : memref<1x64xf32, #tpu.memory_space<vmem>> -> memref<64xf32, #tpu.memory_space<vmem>>
      %dma_wait3A_49 = arith.constant 0 : i32
      %dma_wait3A_50 = tpu.memref_slice %arg4[%dma_wait3A_45, %dma_wait3A_49] : memref<1000000x64xf32, #tpu.memory_space<hbm>> -> memref<1x64xf32, #tpu.memory_space<hbm>>
      %dma_wait3A_51 = tpu.memref_squeeze %dma_wait3A_50 : memref<1x64xf32, #tpu.memory_space<hbm>> -> memref<64xf32, #tpu.memory_space<hbm>>
      %dma_wait3A_52 = arith.constant 0 : i32
      %dma_wait3A_53 = tpu.memref_slice %arg11[%scan3A_44, %dma_wait3A_52] : memref<256x64xf32, #tpu.memory_space<vmem>> -> memref<1x64xf32, #tpu.memory_space<vmem>>
      %dma_wait3A_54 = tpu.memref_squeeze %dma_wait3A_53 : memref<1x64xf32, #tpu.memory_space<vmem>> -> memref<64xf32, #tpu.memory_space<vmem>>
      %dma_wait3A_55 = arith.constant 0 : i32
      %dma_wait3A_56 = tpu.memref_slice %arg4[%dma_wait3A_45, %dma_wait3A_55] : memref<1000000x64xf32, #tpu.memory_space<hbm>> -> memref<1x64xf32, #tpu.memory_space<hbm>>
      %dma_wait3A_57 = tpu.memref_squeeze %dma_wait3A_56 : memref<1x64xf32, #tpu.memory_space<hbm>> -> memref<64xf32, #tpu.memory_space<hbm>>
      tpu.wait_dma2 semaphore(%arg16 : memref<!tpu.dma_semaphore, #tpu.memory_space<semaphore_mem>>) src(%dma_wait3A_57 : memref<64xf32, #tpu.memory_space<hbm>>) dst(%dma_wait3A_54 : memref<64xf32, #tpu.memory_space<vmem>>)
      %dma_wait3A_58 = arith.constant 0 : i32
      %dma_wait3A_59 = arith.constant 0 : i32
      %dma_wait3A_60 = tpu.memref_slice %arg12[%scan3A_44, %dma_wait3A_59] : memref<256x64xf32, #tpu.memory_space<vmem>> -> memref<1x64xf32, #tpu.memory_space<vmem>>
      %dma_wait3A_61 = tpu.memref_squeeze %dma_wait3A_60 : memref<1x64xf32, #tpu.memory_space<vmem>> -> memref<64xf32, #tpu.memory_space<vmem>>
      %dma_wait3A_62 = arith.constant 0 : i32
      %dma_wait3A_63 = tpu.memref_slice %arg5[%dma_wait3A_58, %dma_wait3A_62] : memref<100000x64xf32, #tpu.memory_space<hbm>> -> memref<1x64xf32, #tpu.memory_space<hbm>>
      %dma_wait3A_64 = tpu.memref_squeeze %dma_wait3A_63 : memref<1x64xf32, #tpu.memory_space<hbm>> -> memref<64xf32, #tpu.memory_space<hbm>>
      %dma_wait3A_65 = arith.constant 0 : i32
      %dma_wait3A_66 = tpu.memref_slice %arg12[%scan3A_44, %dma_wait3A_65] : memref<256x64xf32, #tpu.memory_space<vmem>> -> memref<1x64xf32, #tpu.memory_space<vmem>>
      %dma_wait3A_67 = tpu.memref_squeeze %dma_wait3A_66 : memref<1x64xf32, #tpu.memory_space<vmem>> -> memref<64xf32, #tpu.memory_space<vmem>>
      %dma_wait3A_68 = arith.constant 0 : i32
      %dma_wait3A_69 = tpu.memref_slice %arg5[%dma_wait3A_58, %dma_wait3A_68] : memref<100000x64xf32, #tpu.memory_space<hbm>> -> memref<1x64xf32, #tpu.memory_space<hbm>>
      %dma_wait3A_70 = tpu.memref_squeeze %dma_wait3A_69 : memref<1x64xf32, #tpu.memory_space<hbm>> -> memref<64xf32, #tpu.memory_space<hbm>>
      tpu.wait_dma2 semaphore(%arg16 : memref<!tpu.dma_semaphore, #tpu.memory_space<semaphore_mem>>) src(%dma_wait3A_70 : memref<64xf32, #tpu.memory_space<hbm>>) dst(%dma_wait3A_67 : memref<64xf32, #tpu.memory_space<vmem>>)
    }
    %scan3A_19 = arith.constant 256 : i32
    %scan3A_20 = arith.constant 0 : i32
    %scan3A_21 = arith.constant 0 : i32
    %scan3A_22 = arith.constant 16 : i32
    %scan3A_23 = arith.addi %scan3A_21, %scan3A_22 : i32
    %scan3A_24 = arith.constant 1 : i32
    scf.for %scan3A_44 = %scan3A_21 to %scan3A_23 step %scan3A_24  : i32 {
      %mul3A_45 = arith.constant 16 : i32
      %mul3A_46 = arith.muli %scan3A_44, %mul3A_45 : i32
      %add3A_47 = arith.constant 0 : i32
      %add3A_48 = arith.addi %add3A_47, %mul3A_46 : i32
      %get3A = arith.index_cast %add3A_48 : i32 to index
      %get3A_49 = tpu.vector_load %arg13[%get3A] {strides = array<i32>} : memref<512xf32, #tpu.memory_space<vmem>>, vector<16xf32>,
      %get3A_50 = arith.index_cast %add3A_48 : i32 to index
      %get3A_51 = tpu.vector_load %arg14[%get3A_50] {strides = array<i32>} : memref<512xf32, #tpu.memory_space<vmem>>, vector<16xf32>,
      %add3A_52 = arith.addf %get3A_49, %get3A_51 : vector<16xf32>
      %mul3A_53 = arith.constant 16 : i32
      %mul3A_54 = arith.muli %scan3A_44, %mul3A_53 : i32
      %add3A_55 = arith.constant 0 : i32
      %add3A_56 = arith.addi %mul3A_54, %add3A_55 : i32
      %get3A_57 = arith.index_cast %add3A_56 : i32 to index
      %get3A_58 = arith.constant 0 : index
      %get3A_59 = tpu.vector_load %arg11[%get3A_57, %get3A_58] {strides = array<i32>} : memref<256x64xf32, #tpu.memory_space<vmem>>, vector<16xf32>,
      %get3A_60 = arith.index_cast %add3A_56 : i32 to index
      %get3A_61 = arith.constant 0 : index
      %get3A_62 = tpu.vector_load %arg12[%get3A_60, %get3A_61] {strides = array<i32>} : memref<256x64xf32, #tpu.memory_space<vmem>>, vector<16xf32>,
      %mul3A_63 = arith.mulf %get3A_59, %get3A_62 : vector<16xf32>
      %get3A_64 = arith.index_cast %add3A_56 : i32 to index
      %get3A_65 = arith.constant 16 : index
      %get3A_66 = tpu.vector_load %arg11[%get3A_64, %get3A_65] {strides = array<i32>} : memref<256x64xf32, #tpu.memory_space<vmem>>, vector<16xf32>,
      %get3A_67 = arith.index_cast %add3A_56 : i32 to index
      %get3A_68 = arith.constant 16 : index
      %get3A_69 = tpu.vector_load %arg12[%get3A_67, %get3A_68] {strides = array<i32>} : memref<256x64xf32, #tpu.memory_space<vmem>>, vector<16xf32>,
      %mul3A_70 = arith.mulf %get3A_66, %get3A_69 : vector<16xf32>
      %add3A_71 = arith.addf %mul3A_63, %mul3A_70 : vector<16xf32>
      %get3A_72 = arith.index_cast %add3A_56 : i32 to index
      %get3A_73 = arith.constant 32 : index
      %get3A_74 = tpu.vector_load %arg11[%get3A_72, %get3A_73] {strides = array<i32>} : memref<256x64xf32, #tpu.memory_space<vmem>>, vector<16xf32>,
      %get3A_75 = arith.index_cast %add3A_56 : i32 to index
      %get3A_76 = arith.constant 32 : index
      %get3A_77 = tpu.vector_load %arg12[%get3A_75, %get3A_76] {strides = array<i32>} : memref<256x64xf32, #tpu.memory_space<vmem>>, vector<16xf32>,
      %mul3A_78 = arith.mulf %get3A_74, %get3A_77 : vector<16xf32>
      %add3A_79 = arith.addf %add3A_71, %mul3A_78 : vector<16xf32>
      %get3A_80 = arith.index_cast %add3A_56 : i32 to index
      %get3A_81 = arith.constant 48 : index
      %get3A_82 = tpu.vector_load %arg11[%get3A_80, %get3A_81] {strides = array<i32>} : memref<256x64xf32, #tpu.memory_space<vmem>>, vector<16xf32>,
      %get3A_83 = arith.index_cast %add3A_56 : i32 to index
      %get3A_84 = arith.constant 48 : index
      %get3A_85 = tpu.vector_load %arg12[%get3A_83, %get3A_84] {strides = array<i32>} : memref<256x64xf32, #tpu.memory_space<vmem>>, vector<16xf32>,
      %mul3A_86 = arith.mulf %get3A_82, %get3A_85 : vector<16xf32>
      %add3A_87 = arith.addf %add3A_79, %mul3A_86 : vector<16xf32>
      %eq3A = arith.constant 0 : i32
      %eq3A_88 = vector.broadcast %eq3A : i32 to vector<16xi32>
      %eq3A_89 = arith.cmpi eq, %iota3A, %eq3A_88 : vector<16xi32>
      %reduce_sum3A = arith.constant true
      %reduce_sum3A_90 = vector.broadcast %reduce_sum3A : i1 to vector<16xi1>
      %reduce_sum3A_91 = tpu.scan <sum>, %add3A_87 masked %reduce_sum3A_90 : vector<16xf32>, vector<16xi1> -> vector<16xf32>
      %reduce_sum3A_92 = vector.extract %reduce_sum3A_91[15] : f32 from vector<16xf32>
      %add3A_93 = vector.broadcast %reduce_sum3A_92 : f32 to vector<16xf32>
      %add3A_94 = arith.addf %add3A_93, %add3A_52 : vector<16xf32>
      %select_n3A = arith.select %eq3A_89, %add3A_94, %add3A_52 : vector<16xi1>, vector<16xf32>
      %mul3A_95 = arith.constant 16 : i32
      %mul3A_96 = arith.muli %scan3A_44, %mul3A_95 : i32
      %add3A_97 = arith.constant 1 : i32
      %add3A_98 = arith.addi %mul3A_96, %add3A_97 : i32
      %get3A_99 = arith.index_cast %add3A_98 : i32 to index
      %get3A_100 = arith.constant 0 : index
      %get3A_101 = tpu.vector_load %arg11[%get3A_99, %get3A_100] {strides = array<i32>} : memref<256x64xf32, #tpu.memory_space<vmem>>, vector<16xf32>,
      %get3A_102 = arith.index_cast %add3A_98 : i32 to index
      %get3A_103 = arith.constant 0 : index
      %get3A_104 = tpu.vector_load %arg12[%get3A_102, %get3A_103] {strides = array<i32>} : memref<256x64xf32, #tpu.memory_space<vmem>>, vector<16xf32>,
      %mul3A_105 = arith.mulf %get3A_101, %get3A_104 : vector<16xf32>
      %get3A_106 = arith.index_cast %add3A_98 : i32 to index
      %get3A_107 = arith.constant 16 : index
      %get3A_108 = tpu.vector_load %arg11[%get3A_106, %get3A_107] {strides = array<i32>} : memref<256x64xf32, #tpu.memory_space<vmem>>, vector<16xf32>,
      %get3A_109 = arith.index_cast %add3A_98 : i32 to index
      %get3A_110 = arith.constant 16 : index
      %get3A_111 = tpu.vector_load %arg12[%get3A_109, %get3A_110] {strides = array<i32>} : memref<256x64xf32, #tpu.memory_space<vmem>>, vector<16xf32>,
      %mul3A_112 = arith.mulf %get3A_108, %get3A_111 : vector<16xf32>
      %add3A_113 = arith.addf %mul3A_105, %mul3A_112 : vector<16xf32>
      %get3A_114 = arith.index_cast %add3A_98 : i32 to index
      %get3A_115 = arith.constant 32 : index
      %get3A_116 = tpu.vector_load %arg11[%get3A_114, %get3A_115] {strides = array<i32>} : memref<256x64xf32, #tpu.memory_space<vmem>>, vector<16xf32>,
      %get3A_117 = arith.index_cast %add3A_98 : i32 to index
      %get3A_118 = arith.constant 32 : index
      %get3A_119 = tpu.vector_load %arg12[%get3A_117, %get3A_118] {strides = array<i32>} : memref<256x64xf32, #tpu.memory_space<vmem>>, vector<16xf32>,
      %mul3A_120 = arith.mulf %get3A_116, %get3A_119 : vector<16xf32>
      %add3A_121 = arith.addf %add3A_113, %mul3A_120 : vector<16xf32>
      %get3A_122 = arith.index_cast %add3A_98 : i32 to index
      %get3A_123 = arith.constant 48 : index
      %get3A_124 = tpu.vector_load %arg11[%get3A_122, %get3A_123] {strides = array<i32>} : memref<256x64xf32, #tpu.memory_space<vmem>>, vector<16xf32>,
      %get3A_125 = arith.index_cast %add3A_98 : i32 to index
      %get3A_126 = arith.constant 48 : index
      %get3A_127 = tpu.vector_load %arg12[%get3A_125, %get3A_126] {strides = array<i32>} : memref<256x64xf32, #tpu.memory_space<vmem>>, vector<16xf32>,
      %mul3A_128 = arith.mulf %get3A_124, %get3A_127 : vector<16xf32>
      %add3A_129 = arith.addf %add3A_121, %mul3A_128 : vector<16xf32>
      %eq3A_130 = arith.constant 1 : i32
      %eq3A_131 = vector.broadcast %eq3A_130 : i32 to vector<16xi32>
      %eq3A_132 = arith.cmpi eq, %iota3A, %eq3A_131 : vector<16xi32>
      %reduce_sum3A_133 = arith.constant true
      %reduce_sum3A_134 = vector.broadcast %reduce_sum3A_133 : i1 to vector<16xi1>
      %reduce_sum3A_135 = tpu.scan <sum>, %add3A_129 masked %reduce_sum3A_134 : vector<16xf32>, vector<16xi1> -> vector<16xf32>
      %reduce_sum3A_136 = vector.extract %reduce_sum3A_135[15] : f32 from vector<16xf32>
      %add3A_137 = vector.broadcast %reduce_sum3A_136 : f32 to vector<16xf32>
      %add3A_138 = arith.addf %add3A_137, %select_n3A : vector<16xf32>
      %select_n3A_139 = arith.select %eq3A_132, %add3A_138, %select_n3A : vector<16xi1>, vector<16xf32>
      %mul3A_140 = arith.constant 16 : i32
      %mul3A_141 = arith.muli %scan3A_44, %mul3A_140 : i32
      %add3A_142 = arith.constant 2 : i32
      %add3A_143 = arith.addi %mul3A_141, %add3A_142 : i32
      %get3A_144 = arith.index_cast %add3A_143 : i32 to index
      %get3A_145 = arith.constant 0 : index
      %get3A_146 = tpu.vector_load %arg11[%get3A_144, %get3A_145] {strides = array<i32>} : memref<256x64xf32, #tpu.memory_space<vmem>>, vector<16xf32>,
      %get3A_147 = arith.index_cast %add3A_143 : i32 to index
      %get3A_148 = arith.constant 0 : index
      %get3A_149 = tpu.vector_load %arg12[%get3A_147, %get3A_148] {strides = array<i32>} : memref<256x64xf32, #tpu.memory_space<vmem>>, vector<16xf32>,
      %mul3A_150 = arith.mulf %get3A_146, %get3A_149 : vector<16xf32>
      %get3A_151 = arith.index_cast %add3A_143 : i32 to index
      %get3A_152 = arith.constant 16 : index
      %get3A_153 = tpu.vector_load %arg11[%get3A_151, %get3A_152] {strides = array<i32>} : memref<256x64xf32, #tpu.memory_space<vmem>>, vector<16xf32>,
      %get3A_154 = arith.index_cast %add3A_143 : i32 to index
      %get3A_155 = arith.constant 16 : index
      %get3A_156 = tpu.vector_load %arg12[%get3A_154, %get3A_155] {strides = array<i32>} : memref<256x64xf32, #tpu.memory_space<vmem>>, vector<16xf32>,
      %mul3A_157 = arith.mulf %get3A_153, %get3A_156 : vector<16xf32>
      %add3A_158 = arith.addf %mul3A_150, %mul3A_157 : vector<16xf32>
      %get3A_159 = arith.index_cast %add3A_143 : i32 to index
      %get3A_160 = arith.constant 32 : index
      %get3A_161 = tpu.vector_load %arg11[%get3A_159, %get3A_160] {strides = array<i32>} : memref<256x64xf32, #tpu.memory_space<vmem>>, vector<16xf32>,
      %get3A_162 = arith.index_cast %add3A_143 : i32 to index
      %get3A_163 = arith.constant 32 : index
      %get3A_164 = tpu.vector_load %arg12[%get3A_162, %get3A_163] {strides = array<i32>} : memref<256x64xf32, #tpu.memory_space<vmem>>, vector<16xf32>,
      %mul3A_165 = arith.mulf %get3A_161, %get3A_164 : vector<16xf32>
      %add3A_166 = arith.addf %add3A_158, %mul3A_165 : vector<16xf32>
      %get3A_167 = arith.index_cast %add3A_143 : i32 to index
      %get3A_168 = arith.constant 48 : index
      %get3A_169 = tpu.vector_load %arg11[%get3A_167, %get3A_168] {strides = array<i32>} : memref<256x64xf32, #tpu.memory_space<vmem>>, vector<16xf32>,
      %get3A_170 = arith.index_cast %add3A_143 : i32 to index
      %get3A_171 = arith.constant 48 : index
      %get3A_172 = tpu.vector_load %arg12[%get3A_170, %get3A_171] {strides = array<i32>} : memref<256x64xf32, #tpu.memory_space<vmem>>, vector<16xf32>,
      %mul3A_173 = arith.mulf %get3A_169, %get3A_172 : vector<16xf32>
      %add3A_174 = arith.addf %add3A_166, %mul3A_173 : vector<16xf32>
      %eq3A_175 = arith.constant 2 : i32
      %eq3A_176 = vector.broadcast %eq3A_175 : i32 to vector<16xi32>
      %eq3A_177 = arith.cmpi eq, %iota3A, %eq3A_176 : vector<16xi32>
      %reduce_sum3A_178 = arith.constant true
      %reduce_sum3A_179 = vector.broadcast %reduce_sum3A_178 : i1 to vector<16xi1>
      %reduce_sum3A_180 = tpu.scan <sum>, %add3A_174 masked %reduce_sum3A_179 : vector<16xf32>, vector<16xi1> -> vector<16xf32>
      %reduce_sum3A_181 = vector.extract %reduce_sum3A_180[15] : f32 from vector<16xf32>
      %add3A_182 = vector.broadcast %reduce_sum3A_181 : f32 to vector<16xf32>
      %add3A_183 = arith.addf %add3A_182, %select_n3A_139 : vector<16xf32>
      %select_n3A_184 = arith.select %eq3A_177, %add3A_183, %select_n3A_139 : vector<16xi1>, vector<16xf32>
      %mul3A_185 = arith.constant 16 : i32
      %mul3A_186 = arith.muli %scan3A_44, %mul3A_185 : i32
      %add3A_187 = arith.constant 3 : i32
      %add3A_188 = arith.addi %mul3A_186, %add3A_187 : i32
      %get3A_189 = arith.index_cast %add3A_188 : i32 to index
      %get3A_190 = arith.constant 0 : index
      %get3A_191 = tpu.vector_load %arg11[%get3A_189, %get3A_190] {strides = array<i32>} : memref<256x64xf32, #tpu.memory_space<vmem>>, vector<16xf32>,
      %get3A_192 = arith.index_cast %add3A_188 : i32 to index
      %get3A_193 = arith.constant 0 : index
      %get3A_194 = tpu.vector_load %arg12[%get3A_192, %get3A_193] {strides = array<i32>} : memref<256x64xf32, #tpu.memory_space<vmem>>, vector<16xf32>,
      %mul3A_195 = arith.mulf %get3A_191, %get3A_194 : vector<16xf32>
      %get3A_196 = arith.index_cast %add3A_188 : i32 to index
      %get3A_197 = arith.constant 16 : index
      %get3A_198 = tpu.vector_load %arg11[%get3A_196, %get3A_197] {strides = array<i32>} : memref<256x64xf32, #tpu.memory_space<vmem>>, vector<16xf32>,
      %get3A_199 = arith.index_cast %add3A_188 : i32 to index
      %get3A_200 = arith.constant 16 : index
      %get3A_201 = tpu.vector_load %arg12[%get3A_199, %get3A_200] {strides = array<i32>} : memref<256x64xf32, #tpu.memory_space<vmem>>, vector<16xf32>,
      %mul3A_202 = arith.mulf %get3A_198, %get3A_201 : vector<16xf32>
      %add3A_203 = arith.addf %mul3A_195, %mul3A_202 : vector<16xf32>
      %get3A_204 = arith.index_cast %add3A_188 : i32 to index
      %get3A_205 = arith.constant 32 : index
      %get3A_206 = tpu.vector_load %arg11[%get3A_204, %get3A_205] {strides = array<i32>} : memref<256x64xf32, #tpu.memory_space<vmem>>, vector<16xf32>,
      %get3A_207 = arith.index_cast %add3A_188 : i32 to index
      %get3A_208 = arith.constant 32 : index
      %get3A_209 = tpu.vector_load %arg12[%get3A_207, %get3A_208] {strides = array<i32>} : memref<256x64xf32, #tpu.memory_space<vmem>>, vector<16xf32>,
      %mul3A_210 = arith.mulf %get3A_206, %get3A_209 : vector<16xf32>
      %add3A_211 = arith.addf %add3A_203, %mul3A_210 : vector<16xf32>
      %get3A_212 = arith.index_cast %add3A_188 : i32 to index
      %get3A_213 = arith.constant 48 : index
      %get3A_214 = tpu.vector_load %arg11[%get3A_212, %get3A_213] {strides = array<i32>} : memref<256x64xf32, #tpu.memory_space<vmem>>, vector<16xf32>,
      %get3A_215 = arith.index_cast %add3A_188 : i32 to index
      %get3A_216 = arith.constant 48 : index
      %get3A_217 = tpu.vector_load %arg12[%get3A_215, %get3A_216] {strides = array<i32>} : memref<256x64xf32, #tpu.memory_space<vmem>>, vector<16xf32>,
      %mul3A_218 = arith.mulf %get3A_214, %get3A_217 : vector<16xf32>
      %add3A_219 = arith.addf %add3A_211, %mul3A_218 : vector<16xf32>
      %eq3A_220 = arith.constant 3 : i32
      %eq3A_221 = vector.broadcast %eq3A_220 : i32 to vector<16xi32>
      %eq3A_222 = arith.cmpi eq, %iota3A, %eq3A_221 : vector<16xi32>
      %reduce_sum3A_223 = arith.constant true
      %reduce_sum3A_224 = vector.broadcast %reduce_sum3A_223 : i1 to vector<16xi1>
      %reduce_sum3A_225 = tpu.scan <sum>, %add3A_219 masked %reduce_sum3A_224 : vector<16xf32>, vector<16xi1> -> vector<16xf32>
      %reduce_sum3A_226 = vector.extract %reduce_sum3A_225[15] : f32 from vector<16xf32>
      %add3A_227 = vector.broadcast %reduce_sum3A_226 : f32 to vector<16xf32>
      %add3A_228 = arith.addf %add3A_227, %select_n3A_184 : vector<16xf32>
      %select_n3A_229 = arith.select %eq3A_222, %add3A_228, %select_n3A_184 : vector<16xi1>, vector<16xf32>
      %mul3A_230 = arith.constant 16 : i32
      %mul3A_231 = arith.muli %scan3A_44, %mul3A_230 : i32
      %add3A_232 = arith.constant 4 : i32
      %add3A_233 = arith.addi %mul3A_231, %add3A_232 : i32
      %get3A_234 = arith.index_cast %add3A_233 : i32 to index
      %get3A_235 = arith.constant 0 : index
      %get3A_236 = tpu.vector_load %arg11[%get3A_234, %get3A_235] {strides = array<i32>} : memref<256x64xf32, #tpu.memory_space<vmem>>, vector<16xf32>,
      %get3A_237 = arith.index_cast %add3A_233 : i32 to index
      %get3A_238 = arith.constant 0 : index
      %get3A_239 = tpu.vector_load %arg12[%get3A_237, %get3A_238] {strides = array<i32>} : memref<256x64xf32, #tpu.memory_space<vmem>>, vector<16xf32>,
      %mul3A_240 = arith.mulf %get3A_236, %get3A_239 : vector<16xf32>
      %get3A_241 = arith.index_cast %add3A_233 : i32 to index
      %get3A_242 = arith.constant 16 : index
      %get3A_243 = tpu.vector_load %arg11[%get3A_241, %get3A_242] {strides = array<i32>} : memref<256x64xf32, #tpu.memory_space<vmem>>, vector<16xf32>,
      %get3A_244 = arith.index_cast %add3A_233 : i32 to index
      %get3A_245 = arith.constant 16 : index
      %get3A_246 = tpu.vector_load %arg12[%get3A_244, %get3A_245] {strides = array<i32>} : memref<256x64xf32, #tpu.memory_space<vmem>>, vector<16xf32>,
      %mul3A_247 = arith.mulf %get3A_243, %get3A_246 : vector<16xf32>
      %add3A_248 = arith.addf %mul3A_240, %mul3A_247 : vector<16xf32>
      %get3A_249 = arith.index_cast %add3A_233 : i32 to index
      %get3A_250 = arith.constant 32 : index
      %get3A_251 = tpu.vector_load %arg11[%get3A_249, %get3A_250] {strides = array<i32>} : memref<256x64xf32, #tpu.memory_space<vmem>>, vector<16xf32>,
      %get3A_252 = arith.index_cast %add3A_233 : i32 to index
      %get3A_253 = arith.constant 32 : index
      %get3A_254 = tpu.vector_load %arg12[%get3A_252, %get3A_253] {strides = array<i32>} : memref<256x64xf32, #tpu.memory_space<vmem>>, vector<16xf32>,
      %mul3A_255 = arith.mulf %get3A_251, %get3A_254 : vector<16xf32>
      %add3A_256 = arith.addf %add3A_248, %mul3A_255 : vector<16xf32>
      %get3A_257 = arith.index_cast %add3A_233 : i32 to index
      %get3A_258 = arith.constant 48 : index
      %get3A_259 = tpu.vector_load %arg11[%get3A_257, %get3A_258] {strides = array<i32>} : memref<256x64xf32, #tpu.memory_space<vmem>>, vector<16xf32>,
      %get3A_260 = arith.index_cast %add3A_233 : i32 to index
      %get3A_261 = arith.constant 48 : index
      %get3A_262 = tpu.vector_load %arg12[%get3A_260, %get3A_261] {strides = array<i32>} : memref<256x64xf32, #tpu.memory_space<vmem>>, vector<16xf32>,
      %mul3A_263 = arith.mulf %get3A_259, %get3A_262 : vector<16xf32>
      %add3A_264 = arith.addf %add3A_256, %mul3A_263 : vector<16xf32>
      %eq3A_265 = arith.constant 4 : i32
      %eq3A_266 = vector.broadcast %eq3A_265 : i32 to vector<16xi32>
      %eq3A_267 = arith.cmpi eq, %iota3A, %eq3A_266 : vector<16xi32>
      %reduce_sum3A_268 = arith.constant true
      %reduce_sum3A_269 = vector.broadcast %reduce_sum3A_268 : i1 to vector<16xi1>
      %reduce_sum3A_270 = tpu.scan <sum>, %add3A_264 masked %reduce_sum3A_269 : vector<16xf32>, vector<16xi1> -> vector<16xf32>
      %reduce_sum3A_271 = vector.extract %reduce_sum3A_270[15] : f32 from vector<16xf32>
      %add3A_272 = vector.broadcast %reduce_sum3A_271 : f32 to vector<16xf32>
      %add3A_273 = arith.addf %add3A_272, %select_n3A_229 : vector<16xf32>
      %select_n3A_274 = arith.select %eq3A_267, %add3A_273, %select_n3A_229 : vector<16xi1>, vector<16xf32>
      %mul3A_275 = arith.constant 16 : i32
      %mul3A_276 = arith.muli %scan3A_44, %mul3A_275 : i32
      %add3A_277 = arith.constant 5 : i32
      %add3A_278 = arith.addi %mul3A_276, %add3A_277 : i32
      %get3A_279 = arith.index_cast %add3A_278 : i32 to index
      %get3A_280 = arith.constant 0 : index
      %get3A_281 = tpu.vector_load %arg11[%get3A_279, %get3A_280] {strides = array<i32>} : memref<256x64xf32, #tpu.memory_space<vmem>>, vector<16xf32>,
      %get3A_282 = arith.index_cast %add3A_278 : i32 to index
      %get3A_283 = arith.constant 0 : index
      %get3A_284 = tpu.vector_load %arg12[%get3A_282, %get3A_283] {strides = array<i32>} : memref<256x64xf32, #tpu.memory_space<vmem>>, vector<16xf32>,
      %mul3A_285 = arith.mulf %get3A_281, %get3A_284 : vector<16xf32>
      %get3A_286 = arith.index_cast %add3A_278 : i32 to index
      %get3A_287 = arith.constant 16 : index
      %get3A_288 = tpu.vector_load %arg11[%get3A_286, %get3A_287] {strides = array<i32>} : memref<256x64xf32, #tpu.memory_space<vmem>>, vector<16xf32>,
      %get3A_289 = arith.index_cast %add3A_278 : i32 to index
      %get3A_290 = arith.constant 16 : index
      %get3A_291 = tpu.vector_load %arg12[%get3A_289, %get3A_290] {strides = array<i32>} : memref<256x64xf32, #tpu.memory_space<vmem>>, vector<16xf32>,
      %mul3A_292 = arith.mulf %get3A_288, %get3A_291 : vector<16xf32>
      %add3A_293 = arith.addf %mul3A_285, %mul3A_292 : vector<16xf32>
      %get3A_294 = arith.index_cast %add3A_278 : i32 to index
      %get3A_295 = arith.constant 32 : index
      %get3A_296 = tpu.vector_load %arg11[%get3A_294, %get3A_295] {strides = array<i32>} : memref<256x64xf32, #tpu.memory_space<vmem>>, vector<16xf32>,
      %get3A_297 = arith.index_cast %add3A_278 : i32 to index
      %get3A_298 = arith.constant 32 : index
      %get3A_299 = tpu.vector_load %arg12[%get3A_297, %get3A_298] {strides = array<i32>} : memref<256x64xf32, #tpu.memory_space<vmem>>, vector<16xf32>,
      %mul3A_300 = arith.mulf %get3A_296, %get3A_299 : vector<16xf32>
      %add3A_301 = arith.addf %add3A_293, %mul3A_300 : vector<16xf32>
      %get3A_302 = arith.index_cast %add3A_278 : i32 to index
      %get3A_303 = arith.constant 48 : index
      %get3A_304 = tpu.vector_load %arg11[%get3A_302, %get3A_303] {strides = array<i32>} : memref<256x64xf32, #tpu.memory_space<vmem>>, vector<16xf32>,
      %get3A_305 = arith.index_cast %add3A_278 : i32 to index
      %get3A_306 = arith.constant 48 : index
      %get3A_307 = tpu.vector_load %arg12[%get3A_305, %get3A_306] {strides = array<i32>} : memref<256x64xf32, #tpu.memory_space<vmem>>, vector<16xf32>,
      %mul3A_308 = arith.mulf %get3A_304, %get3A_307 : vector<16xf32>
      %add3A_309 = arith.addf %add3A_301, %mul3A_308 : vector<16xf32>
      %eq3A_310 = arith.constant 5 : i32
      %eq3A_311 = vector.broadcast %eq3A_310 : i32 to vector<16xi32>
      %eq3A_312 = arith.cmpi eq, %iota3A, %eq3A_311 : vector<16xi32>
      %reduce_sum3A_313 = arith.constant true
      %reduce_sum3A_314 = vector.broadcast %reduce_sum3A_313 : i1 to vector<16xi1>
      %reduce_sum3A_315 = tpu.scan <sum>, %add3A_309 masked %reduce_sum3A_314 : vector<16xf32>, vector<16xi1> -> vector<16xf32>
      %reduce_sum3A_316 = vector.extract %reduce_sum3A_315[15] : f32 from vector<16xf32>
      %add3A_317 = vector.broadcast %reduce_sum3A_316 : f32 to vector<16xf32>
      %add3A_318 = arith.addf %add3A_317, %select_n3A_274 : vector<16xf32>
      %select_n3A_319 = arith.select %eq3A_312, %add3A_318, %select_n3A_274 : vector<16xi1>, vector<16xf32>
      %mul3A_320 = arith.constant 16 : i32
      %mul3A_321 = arith.muli %scan3A_44, %mul3A_320 : i32
      %add3A_322 = arith.constant 6 : i32
      %add3A_323 = arith.addi %mul3A_321, %add3A_322 : i32
      %get3A_324 = arith.index_cast %add3A_323 : i32 to index
      %get3A_325 = arith.constant 0 : index
      %get3A_326 = tpu.vector_load %arg11[%get3A_324, %get3A_325] {strides = array<i32>} : memref<256x64xf32, #tpu.memory_space<vmem>>, vector<16xf32>,
      %get3A_327 = arith.index_cast %add3A_323 : i32 to index
      %get3A_328 = arith.constant 0 : index
      %get3A_329 = tpu.vector_load %arg12[%get3A_327, %get3A_328] {strides = array<i32>} : memref<256x64xf32, #tpu.memory_space<vmem>>, vector<16xf32>,
      %mul3A_330 = arith.mulf %get3A_326, %get3A_329 : vector<16xf32>
      %get3A_331 = arith.index_cast %add3A_323 : i32 to index
      %get3A_332 = arith.constant 16 : index
      %get3A_333 = tpu.vector_load %arg11[%get3A_331, %get3A_332] {strides = array<i32>} : memref<256x64xf32, #tpu.memory_space<vmem>>, vector<16xf32>,
      %get3A_334 = arith.index_cast %add3A_323 : i32 to index
      %get3A_335 = arith.constant 16 : index
      %get3A_336 = tpu.vector_load %arg12[%get3A_334, %get3A_335] {strides = array<i32>} : memref<256x64xf32, #tpu.memory_space<vmem>>, vector<16xf32>,
      %mul3A_337 = arith.mulf %get3A_333, %get3A_336 : vector<16xf32>
      %add3A_338 = arith.addf %mul3A_330, %mul3A_337 : vector<16xf32>
      %get3A_339 = arith.index_cast %add3A_323 : i32 to index
      %get3A_340 = arith.constant 32 : index
      %get3A_341 = tpu.vector_load %arg11[%get3A_339, %get3A_340] {strides = array<i32>} : memref<256x64xf32, #tpu.memory_space<vmem>>, vector<16xf32>,
      %get3A_342 = arith.index_cast %add3A_323 : i32 to index
      %get3A_343 = arith.constant 32 : index
      %get3A_344 = tpu.vector_load %arg12[%get3A_342, %get3A_343] {strides = array<i32>} : memref<256x64xf32, #tpu.memory_space<vmem>>, vector<16xf32>,
      %mul3A_345 = arith.mulf %get3A_341, %get3A_344 : vector<16xf32>
      %add3A_346 = arith.addf %add3A_338, %mul3A_345 : vector<16xf32>
      %get3A_347 = arith.index_cast %add3A_323 : i32 to index
      %get3A_348 = arith.constant 48 : index
      %get3A_349 = tpu.vector_load %arg11[%get3A_347, %get3A_348] {strides = array<i32>} : memref<256x64xf32, #tpu.memory_space<vmem>>, vector<16xf32>,
      %get3A_350 = arith.index_cast %add3A_323 : i32 to index
      %get3A_351 = arith.constant 48 : index
      %get3A_352 = tpu.vector_load %arg12[%get3A_350, %get3A_351] {strides = array<i32>} : memref<256x64xf32, #tpu.memory_space<vmem>>, vector<16xf32>,
      %mul3A_353 = arith.mulf %get3A_349, %get3A_352 : vector<16xf32>
      %add3A_354 = arith.addf %add3A_346, %mul3A_353 : vector<16xf32>
      %eq3A_355 = arith.constant 6 : i32
      %eq3A_356 = vector.broadcast %eq3A_355 : i32 to vector<16xi32>
      %eq3A_357 = arith.cmpi eq, %iota3A, %eq3A_356 : vector<16xi32>
      %reduce_sum3A_358 = arith.constant true
      %reduce_sum3A_359 = vector.broadcast %reduce_sum3A_358 : i1 to vector<16xi1>
      %reduce_sum3A_360 = tpu.scan <sum>, %add3A_354 masked %reduce_sum3A_359 : vector<16xf32>, vector<16xi1> -> vector<16xf32>
      %reduce_sum3A_361 = vector.extract %reduce_sum3A_360[15] : f32 from vector<16xf32>
      %add3A_362 = vector.broadcast %reduce_sum3A_361 : f32 to vector<16xf32>
      %add3A_363 = arith.addf %add3A_362, %select_n3A_319 : vector<16xf32>
      %select_n3A_364 = arith.select %eq3A_357, %add3A_363, %select_n3A_319 : vector<16xi1>, vector<16xf32>
      %mul3A_365 = arith.constant 16 : i32
      %mul3A_366 = arith.muli %scan3A_44, %mul3A_365 : i32
      %add3A_367 = arith.constant 7 : i32
      %add3A_368 = arith.addi %mul3A_366, %add3A_367 : i32
      %get3A_369 = arith.index_cast %add3A_368 : i32 to index
      %get3A_370 = arith.constant 0 : index
      %get3A_371 = tpu.vector_load %arg11[%get3A_369, %get3A_370] {strides = array<i32>} : memref<256x64xf32, #tpu.memory_space<vmem>>, vector<16xf32>,
      %get3A_372 = arith.index_cast %add3A_368 : i32 to index
      %get3A_373 = arith.constant 0 : index
      %get3A_374 = tpu.vector_load %arg12[%get3A_372, %get3A_373] {strides = array<i32>} : memref<256x64xf32, #tpu.memory_space<vmem>>, vector<16xf32>,
      %mul3A_375 = arith.mulf %get3A_371, %get3A_374 : vector<16xf32>
      %get3A_376 = arith.index_cast %add3A_368 : i32 to index
      %get3A_377 = arith.constant 16 : index
      %get3A_378 = tpu.vector_load %arg11[%get3A_376, %get3A_377] {strides = array<i32>} : memref<256x64xf32, #tpu.memory_space<vmem>>, vector<16xf32>,
      %get3A_379 = arith.index_cast %add3A_368 : i32 to index
      %get3A_380 = arith.constant 16 : index
      %get3A_381 = tpu.vector_load %arg12[%get3A_379, %get3A_380] {strides = array<i32>} : memref<256x64xf32, #tpu.memory_space<vmem>>, vector<16xf32>,
      %mul3A_382 = arith.mulf %get3A_378, %get3A_381 : vector<16xf32>
      %add3A_383 = arith.addf %mul3A_375, %mul3A_382 : vector<16xf32>
      %get3A_384 = arith.index_cast %add3A_368 : i32 to index
      %get3A_385 = arith.constant 32 : index
      %get3A_386 = tpu.vector_load %arg11[%get3A_384, %get3A_385] {strides = array<i32>} : memref<256x64xf32, #tpu.memory_space<vmem>>, vector<16xf32>,
      %get3A_387 = arith.index_cast %add3A_368 : i32 to index
      %get3A_388 = arith.constant 32 : index
      %get3A_389 = tpu.vector_load %arg12[%get3A_387, %get3A_388] {strides = array<i32>} : memref<256x64xf32, #tpu.memory_space<vmem>>, vector<16xf32>,
      %mul3A_390 = arith.mulf %get3A_386, %get3A_389 : vector<16xf32>
      %add3A_391 = arith.addf %add3A_383, %mul3A_390 : vector<16xf32>
      %get3A_392 = arith.index_cast %add3A_368 : i32 to index
      %get3A_393 = arith.constant 48 : index
      %get3A_394 = tpu.vector_load %arg11[%get3A_392, %get3A_393] {strides = array<i32>} : memref<256x64xf32, #tpu.memory_space<vmem>>, vector<16xf32>,
      %get3A_395 = arith.index_cast %add3A_368 : i32 to index
      %get3A_396 = arith.constant 48 : index
      %get3A_397 = tpu.vector_load %arg12[%get3A_395, %get3A_396] {strides = array<i32>} : memref<256x64xf32, #tpu.memory_space<vmem>>, vector<16xf32>,
      %mul3A_398 = arith.mulf %get3A_394, %get3A_397 : vector<16xf32>
      %add3A_399 = arith.addf %add3A_391, %mul3A_398 : vector<16xf32>
      %eq3A_400 = arith.constant 7 : i32
      %eq3A_401 = vector.broadcast %eq3A_400 : i32 to vector<16xi32>
      %eq3A_402 = arith.cmpi eq, %iota3A, %eq3A_401 : vector<16xi32>
      %reduce_sum3A_403 = arith.constant true
      %reduce_sum3A_404 = vector.broadcast %reduce_sum3A_403 : i1 to vector<16xi1>
      %reduce_sum3A_405 = tpu.scan <sum>, %add3A_399 masked %reduce_sum3A_404 : vector<16xf32>, vector<16xi1> -> vector<16xf32>
      %reduce_sum3A_406 = vector.extract %reduce_sum3A_405[15] : f32 from vector<16xf32>
      %add3A_407 = vector.broadcast %reduce_sum3A_406 : f32 to vector<16xf32>
      %add3A_408 = arith.addf %add3A_407, %select_n3A_364 : vector<16xf32>
      %select_n3A_409 = arith.select %eq3A_402, %add3A_408, %select_n3A_364 : vector<16xi1>, vector<16xf32>
      %mul3A_410 = arith.constant 16 : i32
      %mul3A_411 = arith.muli %scan3A_44, %mul3A_410 : i32
      %add3A_412 = arith.constant 8 : i32
      %add3A_413 = arith.addi %mul3A_411, %add3A_412 : i32
      %get3A_414 = arith.index_cast %add3A_413 : i32 to index
      %get3A_415 = arith.constant 0 : index
      %get3A_416 = tpu.vector_load %arg11[%get3A_414, %get3A_415] {strides = array<i32>} : memref<256x64xf32, #tpu.memory_space<vmem>>, vector<16xf32>,
      %get3A_417 = arith.index_cast %add3A_413 : i32 to index
      %get3A_418 = arith.constant 0 : index
      %get3A_419 = tpu.vector_load %arg12[%get3A_417, %get3A_418] {strides = array<i32>} : memref<256x64xf32, #tpu.memory_space<vmem>>, vector<16xf32>,
      %mul3A_420 = arith.mulf %get3A_416, %get3A_419 : vector<16xf32>
      %get3A_421 = arith.index_cast %add3A_413 : i32 to index
      %get3A_422 = arith.constant 16 : index
      %get3A_423 = tpu.vector_load %arg11[%get3A_421, %get3A_422] {strides = array<i32>} : memref<256x64xf32, #tpu.memory_space<vmem>>, vector<16xf32>,
      %get3A_424 = arith.index_cast %add3A_413 : i32 to index
      %get3A_425 = arith.constant 16 : index
      %get3A_426 = tpu.vector_load %arg12[%get3A_424, %get3A_425] {strides = array<i32>} : memref<256x64xf32, #tpu.memory_space<vmem>>, vector<16xf32>,
      %mul3A_427 = arith.mulf %get3A_423, %get3A_426 : vector<16xf32>
      %add3A_428 = arith.addf %mul3A_420, %mul3A_427 : vector<16xf32>
      %get3A_429 = arith.index_cast %add3A_413 : i32 to index
      %get3A_430 = arith.constant 32 : index
      %get3A_431 = tpu.vector_load %arg11[%get3A_429, %get3A_430] {strides = array<i32>} : memref<256x64xf32, #tpu.memory_space<vmem>>, vector<16xf32>,
      %get3A_432 = arith.index_cast %add3A_413 : i32 to index
      %get3A_433 = arith.constant 32 : index
      %get3A_434 = tpu.vector_load %arg12[%get3A_432, %get3A_433] {strides = array<i32>} : memref<256x64xf32, #tpu.memory_space<vmem>>, vector<16xf32>,
      %mul3A_435 = arith.mulf %get3A_431, %get3A_434 : vector<16xf32>
      %add3A_436 = arith.addf %add3A_428, %mul3A_435 : vector<16xf32>
      %get3A_437 = arith.index_cast %add3A_413 : i32 to index
      %get3A_438 = arith.constant 48 : index
      %get3A_439 = tpu.vector_load %arg11[%get3A_437, %get3A_438] {strides = array<i32>} : memref<256x64xf32, #tpu.memory_space<vmem>>, vector<16xf32>,
      %get3A_440 = arith.index_cast %add3A_413 : i32 to index
      %get3A_441 = arith.constant 48 : index
      %get3A_442 = tpu.vector_load %arg12[%get3A_440, %get3A_441] {strides = array<i32>} : memref<256x64xf32, #tpu.memory_space<vmem>>, vector<16xf32>,
      %mul3A_443 = arith.mulf %get3A_439, %get3A_442 : vector<16xf32>
      %add3A_444 = arith.addf %add3A_436, %mul3A_443 : vector<16xf32>
      %eq3A_445 = arith.constant 8 : i32
      %eq3A_446 = vector.broadcast %eq3A_445 : i32 to vector<16xi32>
      %eq3A_447 = arith.cmpi eq, %iota3A, %eq3A_446 : vector<16xi32>
      %reduce_sum3A_448 = arith.constant true
      %reduce_sum3A_449 = vector.broadcast %reduce_sum3A_448 : i1 to vector<16xi1>
      %reduce_sum3A_450 = tpu.scan <sum>, %add3A_444 masked %reduce_sum3A_449 : vector<16xf32>, vector<16xi1> -> vector<16xf32>
      %reduce_sum3A_451 = vector.extract %reduce_sum3A_450[15] : f32 from vector<16xf32>
      %add3A_452 = vector.broadcast %reduce_sum3A_451 : f32 to vector<16xf32>
      %add3A_453 = arith.addf %add3A_452, %select_n3A_409 : vector<16xf32>
      %select_n3A_454 = arith.select %eq3A_447, %add3A_453, %select_n3A_409 : vector<16xi1>, vector<16xf32>
      %mul3A_455 = arith.constant 16 : i32
      %mul3A_456 = arith.muli %scan3A_44, %mul3A_455 : i32
      %add3A_457 = arith.constant 9 : i32
      %add3A_458 = arith.addi %mul3A_456, %add3A_457 : i32
      %get3A_459 = arith.index_cast %add3A_458 : i32 to index
      %get3A_460 = arith.constant 0 : index
      %get3A_461 = tpu.vector_load %arg11[%get3A_459, %get3A_460] {strides = array<i32>} : memref<256x64xf32, #tpu.memory_space<vmem>>, vector<16xf32>,
      %get3A_462 = arith.index_cast %add3A_458 : i32 to index
      %get3A_463 = arith.constant 0 : index
      %get3A_464 = tpu.vector_load %arg12[%get3A_462, %get3A_463] {strides = array<i32>} : memref<256x64xf32, #tpu.memory_space<vmem>>, vector<16xf32>,
      %mul3A_465 = arith.mulf %get3A_461, %get3A_464 : vector<16xf32>
      %get3A_466 = arith.index_cast %add3A_458 : i32 to index
      %get3A_467 = arith.constant 16 : index
      %get3A_468 = tpu.vector_load %arg11[%get3A_466, %get3A_467] {strides = array<i32>} : memref<256x64xf32, #tpu.memory_space<vmem>>, vector<16xf32>,
      %get3A_469 = arith.index_cast %add3A_458 : i32 to index
      %get3A_470 = arith.constant 16 : index
      %get3A_471 = tpu.vector_load %arg12[%get3A_469, %get3A_470] {strides = array<i32>} : memref<256x64xf32, #tpu.memory_space<vmem>>, vector<16xf32>,
      %mul3A_472 = arith.mulf %get3A_468, %get3A_471 : vector<16xf32>
      %add3A_473 = arith.addf %mul3A_465, %mul3A_472 : vector<16xf32>
      %get3A_474 = arith.index_cast %add3A_458 : i32 to index
      %get3A_475 = arith.constant 32 : index
      %get3A_476 = tpu.vector_load %arg11[%get3A_474, %get3A_475] {strides = array<i32>} : memref<256x64xf32, #tpu.memory_space<vmem>>, vector<16xf32>,
      %get3A_477 = arith.index_cast %add3A_458 : i32 to index
      %get3A_478 = arith.constant 32 : index
      %get3A_479 = tpu.vector_load %arg12[%get3A_477, %get3A_478] {strides = array<i32>} : memref<256x64xf32, #tpu.memory_space<vmem>>, vector<16xf32>,
      %mul3A_480 = arith.mulf %get3A_476, %get3A_479 : vector<16xf32>
      %add3A_481 = arith.addf %add3A_473, %mul3A_480 : vector<16xf32>
      %get3A_482 = arith.index_cast %add3A_458 : i32 to index
      %get3A_483 = arith.constant 48 : index
      %get3A_484 = tpu.vector_load %arg11[%get3A_482, %get3A_483] {strides = array<i32>} : memref<256x64xf32, #tpu.memory_space<vmem>>, vector<16xf32>,
      %get3A_485 = arith.index_cast %add3A_458 : i32 to index
      %get3A_486 = arith.constant 48 : index
      %get3A_487 = tpu.vector_load %arg12[%get3A_485, %get3A_486] {strides = array<i32>} : memref<256x64xf32, #tpu.memory_space<vmem>>, vector<16xf32>,
      %mul3A_488 = arith.mulf %get3A_484, %get3A_487 : vector<16xf32>
      %add3A_489 = arith.addf %add3A_481, %mul3A_488 : vector<16xf32>
      %eq3A_490 = arith.constant 9 : i32
      %eq3A_491 = vector.broadcast %eq3A_490 : i32 to vector<16xi32>
      %eq3A_492 = arith.cmpi eq, %iota3A, %eq3A_491 : vector<16xi32>
      %reduce_sum3A_493 = arith.constant true
      %reduce_sum3A_494 = vector.broadcast %reduce_sum3A_493 : i1 to vector<16xi1>
      %reduce_sum3A_495 = tpu.scan <sum>, %add3A_489 masked %reduce_sum3A_494 : vector<16xf32>, vector<16xi1> -> vector<16xf32>
      %reduce_sum3A_496 = vector.extract %reduce_sum3A_495[15] : f32 from vector<16xf32>
      %add3A_497 = vector.broadcast %reduce_sum3A_496 : f32 to vector<16xf32>
      %add3A_498 = arith.addf %add3A_497, %select_n3A_454 : vector<16xf32>
      %select_n3A_499 = arith.select %eq3A_492, %add3A_498, %select_n3A_454 : vector<16xi1>, vector<16xf32>
      %mul3A_500 = arith.constant 16 : i32
      %mul3A_501 = arith.muli %scan3A_44, %mul3A_500 : i32
      %add3A_502 = arith.constant 10 : i32
      %add3A_503 = arith.addi %mul3A_501, %add3A_502 : i32
      %get3A_504 = arith.index_cast %add3A_503 : i32 to index
      %get3A_505 = arith.constant 0 : index
      %get3A_506 = tpu.vector_load %arg11[%get3A_504, %get3A_505] {strides = array<i32>} : memref<256x64xf32, #tpu.memory_space<vmem>>, vector<16xf32>,
      %get3A_507 = arith.index_cast %add3A_503 : i32 to index
      %get3A_508 = arith.constant 0 : index
      %get3A_509 = tpu.vector_load %arg12[%get3A_507, %get3A_508] {strides = array<i32>} : memref<256x64xf32, #tpu.memory_space<vmem>>, vector<16xf32>,
      %mul3A_510 = arith.mulf %get3A_506, %get3A_509 : vector<16xf32>
      %get3A_511 = arith.index_cast %add3A_503 : i32 to index
      %get3A_512 = arith.constant 16 : index
      %get3A_513 = tpu.vector_load %arg11[%get3A_511, %get3A_512] {strides = array<i32>} : memref<256x64xf32, #tpu.memory_space<vmem>>, vector<16xf32>,
      %get3A_514 = arith.index_cast %add3A_503 : i32 to index
      %get3A_515 = arith.constant 16 : index
      %get3A_516 = tpu.vector_load %arg12[%get3A_514, %get3A_515] {strides = array<i32>} : memref<256x64xf32, #tpu.memory_space<vmem>>, vector<16xf32>,
      %mul3A_517 = arith.mulf %get3A_513, %get3A_516 : vector<16xf32>
      %add3A_518 = arith.addf %mul3A_510, %mul3A_517 : vector<16xf32>
      %get3A_519 = arith.index_cast %add3A_503 : i32 to index
      %get3A_520 = arith.constant 32 : index
      %get3A_521 = tpu.vector_load %arg11[%get3A_519, %get3A_520] {strides = array<i32>} : memref<256x64xf32, #tpu.memory_space<vmem>>, vector<16xf32>,
      %get3A_522 = arith.index_cast %add3A_503 : i32 to index
      %get3A_523 = arith.constant 32 : index
      %get3A_524 = tpu.vector_load %arg12[%get3A_522, %get3A_523] {strides = array<i32>} : memref<256x64xf32, #tpu.memory_space<vmem>>, vector<16xf32>,
      %mul3A_525 = arith.mulf %get3A_521, %get3A_524 : vector<16xf32>
      %add3A_526 = arith.addf %add3A_518, %mul3A_525 : vector<16xf32>
      %get3A_527 = arith.index_cast %add3A_503 : i32 to index
      %get3A_528 = arith.constant 48 : index
      %get3A_529 = tpu.vector_load %arg11[%get3A_527, %get3A_528] {strides = array<i32>} : memref<256x64xf32, #tpu.memory_space<vmem>>, vector<16xf32>,
      %get3A_530 = arith.index_cast %add3A_503 : i32 to index
      %get3A_531 = arith.constant 48 : index
      %get3A_532 = tpu.vector_load %arg12[%get3A_530, %get3A_531] {strides = array<i32>} : memref<256x64xf32, #tpu.memory_space<vmem>>, vector<16xf32>,
      %mul3A_533 = arith.mulf %get3A_529, %get3A_532 : vector<16xf32>
      %add3A_534 = arith.addf %add3A_526, %mul3A_533 : vector<16xf32>
      %eq3A_535 = arith.constant 10 : i32
      %eq3A_536 = vector.broadcast %eq3A_535 : i32 to vector<16xi32>
      %eq3A_537 = arith.cmpi eq, %iota3A, %eq3A_536 : vector<16xi32>
      %reduce_sum3A_538 = arith.constant true
      %reduce_sum3A_539 = vector.broadcast %reduce_sum3A_538 : i1 to vector<16xi1>
      %reduce_sum3A_540 = tpu.scan <sum>, %add3A_534 masked %reduce_sum3A_539 : vector<16xf32>, vector<16xi1> -> vector<16xf32>
      %reduce_sum3A_541 = vector.extract %reduce_sum3A_540[15] : f32 from vector<16xf32>
      %add3A_542 = vector.broadcast %reduce_sum3A_541 : f32 to vector<16xf32>
      %add3A_543 = arith.addf %add3A_542, %select_n3A_499 : vector<16xf32>
      %select_n3A_544 = arith.select %eq3A_537, %add3A_543, %select_n3A_499 : vector<16xi1>, vector<16xf32>
      %mul3A_545 = arith.constant 16 : i32
      %mul3A_546 = arith.muli %scan3A_44, %mul3A_545 : i32
      %add3A_547 = arith.constant 11 : i32
      %add3A_548 = arith.addi %mul3A_546, %add3A_547 : i32
      %get3A_549 = arith.index_cast %add3A_548 : i32 to index
      %get3A_550 = arith.constant 0 : index
      %get3A_551 = tpu.vector_load %arg11[%get3A_549, %get3A_550] {strides = array<i32>} : memref<256x64xf32, #tpu.memory_space<vmem>>, vector<16xf32>,
      %get3A_552 = arith.index_cast %add3A_548 : i32 to index
      %get3A_553 = arith.constant 0 : index
      %get3A_554 = tpu.vector_load %arg12[%get3A_552, %get3A_553] {strides = array<i32>} : memref<256x64xf32, #tpu.memory_space<vmem>>, vector<16xf32>,
      %mul3A_555 = arith.mulf %get3A_551, %get3A_554 : vector<16xf32>
      %get3A_556 = arith.index_cast %add3A_548 : i32 to index
      %get3A_557 = arith.constant 16 : index
      %get3A_558 = tpu.vector_load %arg11[%get3A_556, %get3A_557] {strides = array<i32>} : memref<256x64xf32, #tpu.memory_space<vmem>>, vector<16xf32>,
      %get3A_559 = arith.index_cast %add3A_548 : i32 to index
      %get3A_560 = arith.constant 16 : index
      %get3A_561 = tpu.vector_load %arg12[%get3A_559, %get3A_560] {strides = array<i32>} : memref<256x64xf32, #tpu.memory_space<vmem>>, vector<16xf32>,
      %mul3A_562 = arith.mulf %get3A_558, %get3A_561 : vector<16xf32>
      %add3A_563 = arith.addf %mul3A_555, %mul3A_562 : vector<16xf32>
      %get3A_564 = arith.index_cast %add3A_548 : i32 to index
      %get3A_565 = arith.constant 32 : index
      %get3A_566 = tpu.vector_load %arg11[%get3A_564, %get3A_565] {strides = array<i32>} : memref<256x64xf32, #tpu.memory_space<vmem>>, vector<16xf32>,
      %get3A_567 = arith.index_cast %add3A_548 : i32 to index
      %get3A_568 = arith.constant 32 : index
      %get3A_569 = tpu.vector_load %arg12[%get3A_567, %get3A_568] {strides = array<i32>} : memref<256x64xf32, #tpu.memory_space<vmem>>, vector<16xf32>,
      %mul3A_570 = arith.mulf %get3A_566, %get3A_569 : vector<16xf32>
      %add3A_571 = arith.addf %add3A_563, %mul3A_570 : vector<16xf32>
      %get3A_572 = arith.index_cast %add3A_548 : i32 to index
      %get3A_573 = arith.constant 48 : index
      %get3A_574 = tpu.vector_load %arg11[%get3A_572, %get3A_573] {strides = array<i32>} : memref<256x64xf32, #tpu.memory_space<vmem>>, vector<16xf32>,
      %get3A_575 = arith.index_cast %add3A_548 : i32 to index
      %get3A_576 = arith.constant 48 : index
      %get3A_577 = tpu.vector_load %arg12[%get3A_575, %get3A_576] {strides = array<i32>} : memref<256x64xf32, #tpu.memory_space<vmem>>, vector<16xf32>,
      %mul3A_578 = arith.mulf %get3A_574, %get3A_577 : vector<16xf32>
      %add3A_579 = arith.addf %add3A_571, %mul3A_578 : vector<16xf32>
      %eq3A_580 = arith.constant 11 : i32
      %eq3A_581 = vector.broadcast %eq3A_580 : i32 to vector<16xi32>
      %eq3A_582 = arith.cmpi eq, %iota3A, %eq3A_581 : vector<16xi32>
      %reduce_sum3A_583 = arith.constant true
      %reduce_sum3A_584 = vector.broadcast %reduce_sum3A_583 : i1 to vector<16xi1>
      %reduce_sum3A_585 = tpu.scan <sum>, %add3A_579 masked %reduce_sum3A_584 : vector<16xf32>, vector<16xi1> -> vector<16xf32>
      %reduce_sum3A_586 = vector.extract %reduce_sum3A_585[15] : f32 from vector<16xf32>
      %add3A_587 = vector.broadcast %reduce_sum3A_586 : f32 to vector<16xf32>
      %add3A_588 = arith.addf %add3A_587, %select_n3A_544 : vector<16xf32>
      %select_n3A_589 = arith.select %eq3A_582, %add3A_588, %select_n3A_544 : vector<16xi1>, vector<16xf32>
      %mul3A_590 = arith.constant 16 : i32
      %mul3A_591 = arith.muli %scan3A_44, %mul3A_590 : i32
      %add3A_592 = arith.constant 12 : i32
      %add3A_593 = arith.addi %mul3A_591, %add3A_592 : i32
      %get3A_594 = arith.index_cast %add3A_593 : i32 to index
      %get3A_595 = arith.constant 0 : index
      %get3A_596 = tpu.vector_load %arg11[%get3A_594, %get3A_595] {strides = array<i32>} : memref<256x64xf32, #tpu.memory_space<vmem>>, vector<16xf32>,
      %get3A_597 = arith.index_cast %add3A_593 : i32 to index
      %get3A_598 = arith.constant 0 : index
      %get3A_599 = tpu.vector_load %arg12[%get3A_597, %get3A_598] {strides = array<i32>} : memref<256x64xf32, #tpu.memory_space<vmem>>, vector<16xf32>,
      %mul3A_600 = arith.mulf %get3A_596, %get3A_599 : vector<16xf32>
      %get3A_601 = arith.index_cast %add3A_593 : i32 to index
      %get3A_602 = arith.constant 16 : index
      %get3A_603 = tpu.vector_load %arg11[%get3A_601, %get3A_602] {strides = array<i32>} : memref<256x64xf32, #tpu.memory_space<vmem>>, vector<16xf32>,
      %get3A_604 = arith.index_cast %add3A_593 : i32 to index
      %get3A_605 = arith.constant 16 : index
      %get3A_606 = tpu.vector_load %arg12[%get3A_604, %get3A_605] {strides = array<i32>} : memref<256x64xf32, #tpu.memory_space<vmem>>, vector<16xf32>,
      %mul3A_607 = arith.mulf %get3A_603, %get3A_606 : vector<16xf32>
      %add3A_608 = arith.addf %mul3A_600, %mul3A_607 : vector<16xf32>
      %get3A_609 = arith.index_cast %add3A_593 : i32 to index
      %get3A_610 = arith.constant 32 : index
      %get3A_611 = tpu.vector_load %arg11[%get3A_609, %get3A_610] {strides = array<i32>} : memref<256x64xf32, #tpu.memory_space<vmem>>, vector<16xf32>,
      %get3A_612 = arith.index_cast %add3A_593 : i32 to index
      %get3A_613 = arith.constant 32 : index
      %get3A_614 = tpu.vector_load %arg12[%get3A_612, %get3A_613] {strides = array<i32>} : memref<256x64xf32, #tpu.memory_space<vmem>>, vector<16xf32>,
      %mul3A_615 = arith.mulf %get3A_611, %get3A_614 : vector<16xf32>
      %add3A_616 = arith.addf %add3A_608, %mul3A_615 : vector<16xf32>
      %get3A_617 = arith.index_cast %add3A_593 : i32 to index
      %get3A_618 = arith.constant 48 : index
      %get3A_619 = tpu.vector_load %arg11[%get3A_617, %get3A_618] {strides = array<i32>} : memref<256x64xf32, #tpu.memory_space<vmem>>, vector<16xf32>,
      %get3A_620 = arith.index_cast %add3A_593 : i32 to index
      %get3A_621 = arith.constant 48 : index
      %get3A_622 = tpu.vector_load %arg12[%get3A_620, %get3A_621] {strides = array<i32>} : memref<256x64xf32, #tpu.memory_space<vmem>>, vector<16xf32>,
      %mul3A_623 = arith.mulf %get3A_619, %get3A_622 : vector<16xf32>
      %add3A_624 = arith.addf %add3A_616, %mul3A_623 : vector<16xf32>
      %eq3A_625 = arith.constant 12 : i32
      %eq3A_626 = vector.broadcast %eq3A_625 : i32 to vector<16xi32>
      %eq3A_627 = arith.cmpi eq, %iota3A, %eq3A_626 : vector<16xi32>
      %reduce_sum3A_628 = arith.constant true
      %reduce_sum3A_629 = vector.broadcast %reduce_sum3A_628 : i1 to vector<16xi1>
      %reduce_sum3A_630 = tpu.scan <sum>, %add3A_624 masked %reduce_sum3A_629 : vector<16xf32>, vector<16xi1> -> vector<16xf32>
      %reduce_sum3A_631 = vector.extract %reduce_sum3A_630[15] : f32 from vector<16xf32>
      %add3A_632 = vector.broadcast %reduce_sum3A_631 : f32 to vector<16xf32>
      %add3A_633 = arith.addf %add3A_632, %select_n3A_589 : vector<16xf32>
      %select_n3A_634 = arith.select %eq3A_627, %add3A_633, %select_n3A_589 : vector<16xi1>, vector<16xf32>
      %mul3A_635 = arith.constant 16 : i32
      %mul3A_636 = arith.muli %scan3A_44, %mul3A_635 : i32
      %add3A_637 = arith.constant 13 : i32
      %add3A_638 = arith.addi %mul3A_636, %add3A_637 : i32
      %get3A_639 = arith.index_cast %add3A_638 : i32 to index
      %get3A_640 = arith.constant 0 : index
      %get3A_641 = tpu.vector_load %arg11[%get3A_639, %get3A_640] {strides = array<i32>} : memref<256x64xf32, #tpu.memory_space<vmem>>, vector<16xf32>,
      %get3A_642 = arith.index_cast %add3A_638 : i32 to index
      %get3A_643 = arith.constant 0 : index
      %get3A_644 = tpu.vector_load %arg12[%get3A_642, %get3A_643] {strides = array<i32>} : memref<256x64xf32, #tpu.memory_space<vmem>>, vector<16xf32>,
      %mul3A_645 = arith.mulf %get3A_641, %get3A_644 : vector<16xf32>
      %get3A_646 = arith.index_cast %add3A_638 : i32 to index
      %get3A_647 = arith.constant 16 : index
      %get3A_648 = tpu.vector_load %arg11[%get3A_646, %get3A_647] {strides = array<i32>} : memref<256x64xf32, #tpu.memory_space<vmem>>, vector<16xf32>,
      %get3A_649 = arith.index_cast %add3A_638 : i32 to index
      %get3A_650 = arith.constant 16 : index
      %get3A_651 = tpu.vector_load %arg12[%get3A_649, %get3A_650] {strides = array<i32>} : memref<256x64xf32, #tpu.memory_space<vmem>>, vector<16xf32>,
      %mul3A_652 = arith.mulf %get3A_648, %get3A_651 : vector<16xf32>
      %add3A_653 = arith.addf %mul3A_645, %mul3A_652 : vector<16xf32>
      %get3A_654 = arith.index_cast %add3A_638 : i32 to index
      %get3A_655 = arith.constant 32 : index
      %get3A_656 = tpu.vector_load %arg11[%get3A_654, %get3A_655] {strides = array<i32>} : memref<256x64xf32, #tpu.memory_space<vmem>>, vector<16xf32>,
      %get3A_657 = arith.index_cast %add3A_638 : i32 to index
      %get3A_658 = arith.constant 32 : index
      %get3A_659 = tpu.vector_load %arg12[%get3A_657, %get3A_658] {strides = array<i32>} : memref<256x64xf32, #tpu.memory_space<vmem>>, vector<16xf32>,
      %mul3A_660 = arith.mulf %get3A_656, %get3A_659 : vector<16xf32>
      %add3A_661 = arith.addf %add3A_653, %mul3A_660 : vector<16xf32>
      %get3A_662 = arith.index_cast %add3A_638 : i32 to index
      %get3A_663 = arith.constant 48 : index
      %get3A_664 = tpu.vector_load %arg11[%get3A_662, %get3A_663] {strides = array<i32>} : memref<256x64xf32, #tpu.memory_space<vmem>>, vector<16xf32>,
      %get3A_665 = arith.index_cast %add3A_638 : i32 to index
      %get3A_666 = arith.constant 48 : index
      %get3A_667 = tpu.vector_load %arg12[%get3A_665, %get3A_666] {strides = array<i32>} : memref<256x64xf32, #tpu.memory_space<vmem>>, vector<16xf32>,
      %mul3A_668 = arith.mulf %get3A_664, %get3A_667 : vector<16xf32>
      %add3A_669 = arith.addf %add3A_661, %mul3A_668 : vector<16xf32>
      %eq3A_670 = arith.constant 13 : i32
      %eq3A_671 = vector.broadcast %eq3A_670 : i32 to vector<16xi32>
      %eq3A_672 = arith.cmpi eq, %iota3A, %eq3A_671 : vector<16xi32>
      %reduce_sum3A_673 = arith.constant true
      %reduce_sum3A_674 = vector.broadcast %reduce_sum3A_673 : i1 to vector<16xi1>
      %reduce_sum3A_675 = tpu.scan <sum>, %add3A_669 masked %reduce_sum3A_674 : vector<16xf32>, vector<16xi1> -> vector<16xf32>
      %reduce_sum3A_676 = vector.extract %reduce_sum3A_675[15] : f32 from vector<16xf32>
      %add3A_677 = vector.broadcast %reduce_sum3A_676 : f32 to vector<16xf32>
      %add3A_678 = arith.addf %add3A_677, %select_n3A_634 : vector<16xf32>
      %select_n3A_679 = arith.select %eq3A_672, %add3A_678, %select_n3A_634 : vector<16xi1>, vector<16xf32>
      %mul3A_680 = arith.constant 16 : i32
      %mul3A_681 = arith.muli %scan3A_44, %mul3A_680 : i32
      %add3A_682 = arith.constant 14 : i32
      %add3A_683 = arith.addi %mul3A_681, %add3A_682 : i32
      %get3A_684 = arith.index_cast %add3A_683 : i32 to index
      %get3A_685 = arith.constant 0 : index
      %get3A_686 = tpu.vector_load %arg11[%get3A_684, %get3A_685] {strides = array<i32>} : memref<256x64xf32, #tpu.memory_space<vmem>>, vector<16xf32>,
      %get3A_687 = arith.index_cast %add3A_683 : i32 to index
      %get3A_688 = arith.constant 0 : index
      %get3A_689 = tpu.vector_load %arg12[%get3A_687, %get3A_688] {strides = array<i32>} : memref<256x64xf32, #tpu.memory_space<vmem>>, vector<16xf32>,
      %mul3A_690 = arith.mulf %get3A_686, %get3A_689 : vector<16xf32>
      %get3A_691 = arith.index_cast %add3A_683 : i32 to index
      %get3A_692 = arith.constant 16 : index
      %get3A_693 = tpu.vector_load %arg11[%get3A_691, %get3A_692] {strides = array<i32>} : memref<256x64xf32, #tpu.memory_space<vmem>>, vector<16xf32>,
      %get3A_694 = arith.index_cast %add3A_683 : i32 to index
      %get3A_695 = arith.constant 16 : index
      %get3A_696 = tpu.vector_load %arg12[%get3A_694, %get3A_695] {strides = array<i32>} : memref<256x64xf32, #tpu.memory_space<vmem>>, vector<16xf32>,
      %mul3A_697 = arith.mulf %get3A_693, %get3A_696 : vector<16xf32>
      %add3A_698 = arith.addf %mul3A_690, %mul3A_697 : vector<16xf32>
      %get3A_699 = arith.index_cast %add3A_683 : i32 to index
      %get3A_700 = arith.constant 32 : index
      %get3A_701 = tpu.vector_load %arg11[%get3A_699, %get3A_700] {strides = array<i32>} : memref<256x64xf32, #tpu.memory_space<vmem>>, vector<16xf32>,
      %get3A_702 = arith.index_cast %add3A_683 : i32 to index
      %get3A_703 = arith.constant 32 : index
      %get3A_704 = tpu.vector_load %arg12[%get3A_702, %get3A_703] {strides = array<i32>} : memref<256x64xf32, #tpu.memory_space<vmem>>, vector<16xf32>,
      %mul3A_705 = arith.mulf %get3A_701, %get3A_704 : vector<16xf32>
      %add3A_706 = arith.addf %add3A_698, %mul3A_705 : vector<16xf32>
      %get3A_707 = arith.index_cast %add3A_683 : i32 to index
      %get3A_708 = arith.constant 48 : index
      %get3A_709 = tpu.vector_load %arg11[%get3A_707, %get3A_708] {strides = array<i32>} : memref<256x64xf32, #tpu.memory_space<vmem>>, vector<16xf32>,
      %get3A_710 = arith.index_cast %add3A_683 : i32 to index
      %get3A_711 = arith.constant 48 : index
      %get3A_712 = tpu.vector_load %arg12[%get3A_710, %get3A_711] {strides = array<i32>} : memref<256x64xf32, #tpu.memory_space<vmem>>, vector<16xf32>,
      %mul3A_713 = arith.mulf %get3A_709, %get3A_712 : vector<16xf32>
      %add3A_714 = arith.addf %add3A_706, %mul3A_713 : vector<16xf32>
      %eq3A_715 = arith.constant 14 : i32
      %eq3A_716 = vector.broadcast %eq3A_715 : i32 to vector<16xi32>
      %eq3A_717 = arith.cmpi eq, %iota3A, %eq3A_716 : vector<16xi32>
      %reduce_sum3A_718 = arith.constant true
      %reduce_sum3A_719 = vector.broadcast %reduce_sum3A_718 : i1 to vector<16xi1>
      %reduce_sum3A_720 = tpu.scan <sum>, %add3A_714 masked %reduce_sum3A_719 : vector<16xf32>, vector<16xi1> -> vector<16xf32>
      %reduce_sum3A_721 = vector.extract %reduce_sum3A_720[15] : f32 from vector<16xf32>
      %add3A_722 = vector.broadcast %reduce_sum3A_721 : f32 to vector<16xf32>
      %add3A_723 = arith.addf %add3A_722, %select_n3A_679 : vector<16xf32>
      %select_n3A_724 = arith.select %eq3A_717, %add3A_723, %select_n3A_679 : vector<16xi1>, vector<16xf32>
      %mul3A_725 = arith.constant 16 : i32
      %mul3A_726 = arith.muli %scan3A_44, %mul3A_725 : i32
      %add3A_727 = arith.constant 15 : i32
      %add3A_728 = arith.addi %mul3A_726, %add3A_727 : i32
      %get3A_729 = arith.index_cast %add3A_728 : i32 to index
      %get3A_730 = arith.constant 0 : index
      %get3A_731 = tpu.vector_load %arg11[%get3A_729, %get3A_730] {strides = array<i32>} : memref<256x64xf32, #tpu.memory_space<vmem>>, vector<16xf32>,
      %get3A_732 = arith.index_cast %add3A_728 : i32 to index
      %get3A_733 = arith.constant 0 : index
      %get3A_734 = tpu.vector_load %arg12[%get3A_732, %get3A_733] {strides = array<i32>} : memref<256x64xf32, #tpu.memory_space<vmem>>, vector<16xf32>,
      %mul3A_735 = arith.mulf %get3A_731, %get3A_734 : vector<16xf32>
      %get3A_736 = arith.index_cast %add3A_728 : i32 to index
      %get3A_737 = arith.constant 16 : index
      %get3A_738 = tpu.vector_load %arg11[%get3A_736, %get3A_737] {strides = array<i32>} : memref<256x64xf32, #tpu.memory_space<vmem>>, vector<16xf32>,
      %get3A_739 = arith.index_cast %add3A_728 : i32 to index
      %get3A_740 = arith.constant 16 : index
      %get3A_741 = tpu.vector_load %arg12[%get3A_739, %get3A_740] {strides = array<i32>} : memref<256x64xf32, #tpu.memory_space<vmem>>, vector<16xf32>,
      %mul3A_742 = arith.mulf %get3A_738, %get3A_741 : vector<16xf32>
      %add3A_743 = arith.addf %mul3A_735, %mul3A_742 : vector<16xf32>
      %get3A_744 = arith.index_cast %add3A_728 : i32 to index
      %get3A_745 = arith.constant 32 : index
      %get3A_746 = tpu.vector_load %arg11[%get3A_744, %get3A_745] {strides = array<i32>} : memref<256x64xf32, #tpu.memory_space<vmem>>, vector<16xf32>,
      %get3A_747 = arith.index_cast %add3A_728 : i32 to index
      %get3A_748 = arith.constant 32 : index
      %get3A_749 = tpu.vector_load %arg12[%get3A_747, %get3A_748] {strides = array<i32>} : memref<256x64xf32, #tpu.memory_space<vmem>>, vector<16xf32>,
      %mul3A_750 = arith.mulf %get3A_746, %get3A_749 : vector<16xf32>
      %add3A_751 = arith.addf %add3A_743, %mul3A_750 : vector<16xf32>
      %get3A_752 = arith.index_cast %add3A_728 : i32 to index
      %get3A_753 = arith.constant 48 : index
      %get3A_754 = tpu.vector_load %arg11[%get3A_752, %get3A_753] {strides = array<i32>} : memref<256x64xf32, #tpu.memory_space<vmem>>, vector<16xf32>,
      %get3A_755 = arith.index_cast %add3A_728 : i32 to index
      %get3A_756 = arith.constant 48 : index
      %get3A_757 = tpu.vector_load %arg12[%get3A_755, %get3A_756] {strides = array<i32>} : memref<256x64xf32, #tpu.memory_space<vmem>>, vector<16xf32>,
      %mul3A_758 = arith.mulf %get3A_754, %get3A_757 : vector<16xf32>
      %add3A_759 = arith.addf %add3A_751, %mul3A_758 : vector<16xf32>
      %eq3A_760 = arith.constant 15 : i32
      %eq3A_761 = vector.broadcast %eq3A_760 : i32 to vector<16xi32>
      %eq3A_762 = arith.cmpi eq, %iota3A, %eq3A_761 : vector<16xi32>
      %reduce_sum3A_763 = arith.constant true
      %reduce_sum3A_764 = vector.broadcast %reduce_sum3A_763 : i1 to vector<16xi1>
      %reduce_sum3A_765 = tpu.scan <sum>, %add3A_759 masked %reduce_sum3A_764 : vector<16xf32>, vector<16xi1> -> vector<16xf32>
      %reduce_sum3A_766 = vector.extract %reduce_sum3A_765[15] : f32 from vector<16xf32>
      %add3A_767 = vector.broadcast %reduce_sum3A_766 : f32 to vector<16xf32>
      %add3A_768 = arith.addf %add3A_767, %select_n3A_724 : vector<16xf32>
      %select_n3A_769 = arith.select %eq3A_762, %add3A_768, %select_n3A_724 : vector<16xi1>, vector<16xf32>
      %swap3A = arith.index_cast %add3A_48 : i32 to index
      %swap3A_770 = tpu.vector_load %arg15[%swap3A] {strides = array<i32>} : memref<512xf32, #tpu.memory_space<vmem>>, vector<16xf32>,
      tpu.vector_store %arg15[%swap3A], %select_n3A_769 {strides = array<i32>} : memref<512xf32, #tpu.memory_space<vmem>>, vector<16xf32>,
    }
    %scan3A_25 = arith.constant 16 : i32
    %scan3A_26 = arith.constant 0 : i32
    %scan3A_27 = arith.constant 0 : i32
    %scan3A_28 = arith.constant 16 : i32
    %scan3A_29 = arith.addi %scan3A_27, %scan3A_28 : i32
    %scan3A_30 = arith.constant 1 : i32
    scf.for %scan3A_44 = %scan3A_27 to %scan3A_29 step %scan3A_30  : i32 {
      %mul3A_45 = arith.constant 16 : i32
      %mul3A_46 = arith.muli %scan3A_44, %mul3A_45 : i32
      %add3A_47 = arith.constant 256 : i32
      %add3A_48 = arith.addi %add3A_47, %mul3A_46 : i32
      %get3A = arith.index_cast %add3A_48 : i32 to index
      %get3A_49 = tpu.vector_load %arg9[%get3A] {strides = array<i32>} : memref<512xi32, #tpu.memory_space<vmem>>, vector<16xi32>,
      %mul3A_50 = arith.constant 16 : i32
      %mul3A_51 = arith.muli %scan3A_44, %mul3A_50 : i32
      %add3A_52 = arith.constant 256 : i32
      %add3A_53 = arith.addi %add3A_52, %mul3A_51 : i32
      %get3A_54 = arith.index_cast %add3A_53 : i32 to index
      %get3A_55 = tpu.vector_load %arg10[%get3A_54] {strides = array<i32>} : memref<512xi32, #tpu.memory_space<vmem>>, vector<16xi32>,
      %mul3A_56 = arith.constant 16 : i32
      %mul3A_57 = arith.muli %scan3A_44, %mul3A_56 : i32
      %add3A_58 = arith.constant 0 : i32
      %add3A_59 = arith.addi %mul3A_57, %add3A_58 : i32
      %slice3A = vector.extract_strided_slice %get3A_49 {offsets = [0], sizes = [1], strides = [1]} : vector<16xi32> to vector<1xi32>
      %squeeze3A = vector.extract %slice3A[0] : i32 from vector<1xi32>
      %dma_start3A_60 = arith.constant 0 : i32
      %dma_start3A_61 = tpu.memref_slice %arg11[%add3A_59, %dma_start3A_60] : memref<256x64xf32, #tpu.memory_space<vmem>> -> memref<1x64xf32, #tpu.memory_space<vmem>>
      %dma_start3A_62 = tpu.memref_squeeze %dma_start3A_61 : memref<1x64xf32, #tpu.memory_space<vmem>> -> memref<64xf32, #tpu.memory_space<vmem>>
      %dma_start3A_63 = arith.constant 0 : i32
      %dma_start3A_64 = tpu.memref_slice %arg4[%squeeze3A, %dma_start3A_63] : memref<1000000x64xf32, #tpu.memory_space<hbm>> -> memref<1x64xf32, #tpu.memory_space<hbm>>
      %dma_start3A_65 = tpu.memref_squeeze %dma_start3A_64 : memref<1x64xf32, #tpu.memory_space<hbm>> -> memref<64xf32, #tpu.memory_space<hbm>>
      %dma_start3A_66 = arith.constant 0 : i32
      %dma_start3A_67 = tpu.memref_slice %arg11[%add3A_59, %dma_start3A_66] : memref<256x64xf32, #tpu.memory_space<vmem>> -> memref<1x64xf32, #tpu.memory_space<vmem>>
      %dma_start3A_68 = tpu.memref_squeeze %dma_start3A_67 : memref<1x64xf32, #tpu.memory_space<vmem>> -> memref<64xf32, #tpu.memory_space<vmem>>
      %dma_start3A_69 = arith.constant 0 : i32
      %dma_start3A_70 = tpu.memref_slice %arg4[%squeeze3A, %dma_start3A_69] : memref<1000000x64xf32, #tpu.memory_space<hbm>> -> memref<1x64xf32, #tpu.memory_space<hbm>>
      %dma_start3A_71 = tpu.memref_squeeze %dma_start3A_70 : memref<1x64xf32, #tpu.memory_space<hbm>> -> memref<64xf32, #tpu.memory_space<hbm>>
      tpu.enqueue_dma source(%dma_start3A_71 : memref<64xf32, #tpu.memory_space<hbm>>) target(%dma_start3A_68 : memref<64xf32, #tpu.memory_space<vmem>>) target_semaphore(%arg16 : memref<!tpu.dma_semaphore, #tpu.memory_space<semaphore_mem>>)
      %slice3A_72 = vector.extract_strided_slice %get3A_55 {offsets = [0], sizes = [1], strides = [1]} : vector<16xi32> to vector<1xi32>
      %squeeze3A_73 = vector.extract %slice3A_72[0] : i32 from vector<1xi32>
      %dma_start3A_74 = arith.constant 0 : i32
      %dma_start3A_75 = tpu.memref_slice %arg12[%add3A_59, %dma_start3A_74] : memref<256x64xf32, #tpu.memory_space<vmem>> -> memref<1x64xf32, #tpu.memory_space<vmem>>
      %dma_start3A_76 = tpu.memref_squeeze %dma_start3A_75 : memref<1x64xf32, #tpu.memory_space<vmem>> -> memref<64xf32, #tpu.memory_space<vmem>>
      %dma_start3A_77 = arith.constant 0 : i32
      %dma_start3A_78 = tpu.memref_slice %arg5[%squeeze3A_73, %dma_start3A_77] : memref<100000x64xf32, #tpu.memory_space<hbm>> -> memref<1x64xf32, #tpu.memory_space<hbm>>
      %dma_start3A_79 = tpu.memref_squeeze %dma_start3A_78 : memref<1x64xf32, #tpu.memory_space<hbm>> -> memref<64xf32, #tpu.memory_space<hbm>>
      %dma_start3A_80 = arith.constant 0 : i32
      %dma_start3A_81 = tpu.memref_slice %arg12[%add3A_59, %dma_start3A_80] : memref<256x64xf32, #tpu.memory_space<vmem>> -> memref<1x64xf32, #tpu.memory_space<vmem>>
      %dma_start3A_82 = tpu.memref_squeeze %dma_start3A_81 : memref<1x64xf32, #tpu.memory_space<vmem>> -> memref<64xf32, #tpu.memory_space<vmem>>
      %dma_start3A_83 = arith.constant 0 : i32
      %dma_start3A_84 = tpu.memref_slice %arg5[%squeeze3A_73, %dma_start3A_83] : memref<100000x64xf32, #tpu.memory_space<hbm>> -> memref<1x64xf32, #tpu.memory_space<hbm>>
      %dma_start3A_85 = tpu.memref_squeeze %dma_start3A_84 : memref<1x64xf32, #tpu.memory_space<hbm>> -> memref<64xf32, #tpu.memory_space<hbm>>
      tpu.enqueue_dma source(%dma_start3A_85 : memref<64xf32, #tpu.memory_space<hbm>>) target(%dma_start3A_82 : memref<64xf32, #tpu.memory_space<vmem>>) target_semaphore(%arg16 : memref<!tpu.dma_semaphore, #tpu.memory_space<semaphore_mem>>)
      %mul3A_86 = arith.constant 16 : i32
      %mul3A_87 = arith.muli %scan3A_44, %mul3A_86 : i32
      %add3A_88 = arith.constant 1 : i32
      %add3A_89 = arith.addi %mul3A_87, %add3A_88 : i32
      %slice3A_90 = vector.extract_strided_slice %get3A_49 {offsets = [1], sizes = [1], strides = [1]} : vector<16xi32> to vector<1xi32>
      %squeeze3A_91 = vector.extract %slice3A_90[0] : i32 from vector<1xi32>
      %dma_start3A_92 = arith.constant 0 : i32
      %dma_start3A_93 = tpu.memref_slice %arg11[%add3A_89, %dma_start3A_92] : memref<256x64xf32, #tpu.memory_space<vmem>> -> memref<1x64xf32, #tpu.memory_space<vmem>>
      %dma_start3A_94 = tpu.memref_squeeze %dma_start3A_93 : memref<1x64xf32, #tpu.memory_space<vmem>> -> memref<64xf32, #tpu.memory_space<vmem>>
      %dma_start3A_95 = arith.constant 0 : i32
      %dma_start3A_96 = tpu.memref_slice %arg4[%squeeze3A_91, %dma_start3A_95] : memref<1000000x64xf32, #tpu.memory_space<hbm>> -> memref<1x64xf32, #tpu.memory_space<hbm>>
      %dma_start3A_97 = tpu.memref_squeeze %dma_start3A_96 : memref<1x64xf32, #tpu.memory_space<hbm>> -> memref<64xf32, #tpu.memory_space<hbm>>
      %dma_start3A_98 = arith.constant 0 : i32
      %dma_start3A_99 = tpu.memref_slice %arg11[%add3A_89, %dma_start3A_98] : memref<256x64xf32, #tpu.memory_space<vmem>> -> memref<1x64xf32, #tpu.memory_space<vmem>>
      %dma_start3A_100 = tpu.memref_squeeze %dma_start3A_99 : memref<1x64xf32, #tpu.memory_space<vmem>> -> memref<64xf32, #tpu.memory_space<vmem>>
      %dma_start3A_101 = arith.constant 0 : i32
      %dma_start3A_102 = tpu.memref_slice %arg4[%squeeze3A_91, %dma_start3A_101] : memref<1000000x64xf32, #tpu.memory_space<hbm>> -> memref<1x64xf32, #tpu.memory_space<hbm>>
      %dma_start3A_103 = tpu.memref_squeeze %dma_start3A_102 : memref<1x64xf32, #tpu.memory_space<hbm>> -> memref<64xf32, #tpu.memory_space<hbm>>
      tpu.enqueue_dma source(%dma_start3A_103 : memref<64xf32, #tpu.memory_space<hbm>>) target(%dma_start3A_100 : memref<64xf32, #tpu.memory_space<vmem>>) target_semaphore(%arg16 : memref<!tpu.dma_semaphore, #tpu.memory_space<semaphore_mem>>)
      %slice3A_104 = vector.extract_strided_slice %get3A_55 {offsets = [1], sizes = [1], strides = [1]} : vector<16xi32> to vector<1xi32>
      %squeeze3A_105 = vector.extract %slice3A_104[0] : i32 from vector<1xi32>
      %dma_start3A_106 = arith.constant 0 : i32
      %dma_start3A_107 = tpu.memref_slice %arg12[%add3A_89, %dma_start3A_106] : memref<256x64xf32, #tpu.memory_space<vmem>> -> memref<1x64xf32, #tpu.memory_space<vmem>>
      %dma_start3A_108 = tpu.memref_squeeze %dma_start3A_107 : memref<1x64xf32, #tpu.memory_space<vmem>> -> memref<64xf32, #tpu.memory_space<vmem>>
      %dma_start3A_109 = arith.constant 0 : i32
      %dma_start3A_110 = tpu.memref_slice %arg5[%squeeze3A_105, %dma_start3A_109] : memref<100000x64xf32, #tpu.memory_space<hbm>> -> memref<1x64xf32, #tpu.memory_space<hbm>>
      %dma_start3A_111 = tpu.memref_squeeze %dma_start3A_110 : memref<1x64xf32, #tpu.memory_space<hbm>> -> memref<64xf32, #tpu.memory_space<hbm>>
      %dma_start3A_112 = arith.constant 0 : i32
      %dma_start3A_113 = tpu.memref_slice %arg12[%add3A_89, %dma_start3A_112] : memref<256x64xf32, #tpu.memory_space<vmem>> -> memref<1x64xf32, #tpu.memory_space<vmem>>
      %dma_start3A_114 = tpu.memref_squeeze %dma_start3A_113 : memref<1x64xf32, #tpu.memory_space<vmem>> -> memref<64xf32, #tpu.memory_space<vmem>>
      %dma_start3A_115 = arith.constant 0 : i32
      %dma_start3A_116 = tpu.memref_slice %arg5[%squeeze3A_105, %dma_start3A_115] : memref<100000x64xf32, #tpu.memory_space<hbm>> -> memref<1x64xf32, #tpu.memory_space<hbm>>
      %dma_start3A_117 = tpu.memref_squeeze %dma_start3A_116 : memref<1x64xf32, #tpu.memory_space<hbm>> -> memref<64xf32, #tpu.memory_space<hbm>>
      tpu.enqueue_dma source(%dma_start3A_117 : memref<64xf32, #tpu.memory_space<hbm>>) target(%dma_start3A_114 : memref<64xf32, #tpu.memory_space<vmem>>) target_semaphore(%arg16 : memref<!tpu.dma_semaphore, #tpu.memory_space<semaphore_mem>>)
      %mul3A_118 = arith.constant 16 : i32
      %mul3A_119 = arith.muli %scan3A_44, %mul3A_118 : i32
      %add3A_120 = arith.constant 2 : i32
      %add3A_121 = arith.addi %mul3A_119, %add3A_120 : i32
      %slice3A_122 = vector.extract_strided_slice %get3A_49 {offsets = [2], sizes = [1], strides = [1]} : vector<16xi32> to vector<1xi32>
      %squeeze3A_123 = vector.extract %slice3A_122[0] : i32 from vector<1xi32>
      %dma_start3A_124 = arith.constant 0 : i32
      %dma_start3A_125 = tpu.memref_slice %arg11[%add3A_121, %dma_start3A_124] : memref<256x64xf32, #tpu.memory_space<vmem>> -> memref<1x64xf32, #tpu.memory_space<vmem>>
      %dma_start3A_126 = tpu.memref_squeeze %dma_start3A_125 : memref<1x64xf32, #tpu.memory_space<vmem>> -> memref<64xf32, #tpu.memory_space<vmem>>
      %dma_start3A_127 = arith.constant 0 : i32
      %dma_start3A_128 = tpu.memref_slice %arg4[%squeeze3A_123, %dma_start3A_127] : memref<1000000x64xf32, #tpu.memory_space<hbm>> -> memref<1x64xf32, #tpu.memory_space<hbm>>
      %dma_start3A_129 = tpu.memref_squeeze %dma_start3A_128 : memref<1x64xf32, #tpu.memory_space<hbm>> -> memref<64xf32, #tpu.memory_space<hbm>>
      %dma_start3A_130 = arith.constant 0 : i32
      %dma_start3A_131 = tpu.memref_slice %arg11[%add3A_121, %dma_start3A_130] : memref<256x64xf32, #tpu.memory_space<vmem>> -> memref<1x64xf32, #tpu.memory_space<vmem>>
      %dma_start3A_132 = tpu.memref_squeeze %dma_start3A_131 : memref<1x64xf32, #tpu.memory_space<vmem>> -> memref<64xf32, #tpu.memory_space<vmem>>
      %dma_start3A_133 = arith.constant 0 : i32
      %dma_start3A_134 = tpu.memref_slice %arg4[%squeeze3A_123, %dma_start3A_133] : memref<1000000x64xf32, #tpu.memory_space<hbm>> -> memref<1x64xf32, #tpu.memory_space<hbm>>
      %dma_start3A_135 = tpu.memref_squeeze %dma_start3A_134 : memref<1x64xf32, #tpu.memory_space<hbm>> -> memref<64xf32, #tpu.memory_space<hbm>>
      tpu.enqueue_dma source(%dma_start3A_135 : memref<64xf32, #tpu.memory_space<hbm>>) target(%dma_start3A_132 : memref<64xf32, #tpu.memory_space<vmem>>) target_semaphore(%arg16 : memref<!tpu.dma_semaphore, #tpu.memory_space<semaphore_mem>>)
      %slice3A_136 = vector.extract_strided_slice %get3A_55 {offsets = [2], sizes = [1], strides = [1]} : vector<16xi32> to vector<1xi32>
      %squeeze3A_137 = vector.extract %slice3A_136[0] : i32 from vector<1xi32>
      %dma_start3A_138 = arith.constant 0 : i32
      %dma_start3A_139 = tpu.memref_slice %arg12[%add3A_121, %dma_start3A_138] : memref<256x64xf32, #tpu.memory_space<vmem>> -> memref<1x64xf32, #tpu.memory_space<vmem>>
      %dma_start3A_140 = tpu.memref_squeeze %dma_start3A_139 : memref<1x64xf32, #tpu.memory_space<vmem>> -> memref<64xf32, #tpu.memory_space<vmem>>
      %dma_start3A_141 = arith.constant 0 : i32
      %dma_start3A_142 = tpu.memref_slice %arg5[%squeeze3A_137, %dma_start3A_141] : memref<100000x64xf32, #tpu.memory_space<hbm>> -> memref<1x64xf32, #tpu.memory_space<hbm>>
      %dma_start3A_143 = tpu.memref_squeeze %dma_start3A_142 : memref<1x64xf32, #tpu.memory_space<hbm>> -> memref<64xf32, #tpu.memory_space<hbm>>
      %dma_start3A_144 = arith.constant 0 : i32
      %dma_start3A_145 = tpu.memref_slice %arg12[%add3A_121, %dma_start3A_144] : memref<256x64xf32, #tpu.memory_space<vmem>> -> memref<1x64xf32, #tpu.memory_space<vmem>>
      %dma_start3A_146 = tpu.memref_squeeze %dma_start3A_145 : memref<1x64xf32, #tpu.memory_space<vmem>> -> memref<64xf32, #tpu.memory_space<vmem>>
      %dma_start3A_147 = arith.constant 0 : i32
      %dma_start3A_148 = tpu.memref_slice %arg5[%squeeze3A_137, %dma_start3A_147] : memref<100000x64xf32, #tpu.memory_space<hbm>> -> memref<1x64xf32, #tpu.memory_space<hbm>>
      %dma_start3A_149 = tpu.memref_squeeze %dma_start3A_148 : memref<1x64xf32, #tpu.memory_space<hbm>> -> memref<64xf32, #tpu.memory_space<hbm>>
      tpu.enqueue_dma source(%dma_start3A_149 : memref<64xf32, #tpu.memory_space<hbm>>) target(%dma_start3A_146 : memref<64xf32, #tpu.memory_space<vmem>>) target_semaphore(%arg16 : memref<!tpu.dma_semaphore, #tpu.memory_space<semaphore_mem>>)
      %mul3A_150 = arith.constant 16 : i32
      %mul3A_151 = arith.muli %scan3A_44, %mul3A_150 : i32
      %add3A_152 = arith.constant 3 : i32
      %add3A_153 = arith.addi %mul3A_151, %add3A_152 : i32
      %slice3A_154 = vector.extract_strided_slice %get3A_49 {offsets = [3], sizes = [1], strides = [1]} : vector<16xi32> to vector<1xi32>
      %squeeze3A_155 = vector.extract %slice3A_154[0] : i32 from vector<1xi32>
      %dma_start3A_156 = arith.constant 0 : i32
      %dma_start3A_157 = tpu.memref_slice %arg11[%add3A_153, %dma_start3A_156] : memref<256x64xf32, #tpu.memory_space<vmem>> -> memref<1x64xf32, #tpu.memory_space<vmem>>
      %dma_start3A_158 = tpu.memref_squeeze %dma_start3A_157 : memref<1x64xf32, #tpu.memory_space<vmem>> -> memref<64xf32, #tpu.memory_space<vmem>>
      %dma_start3A_159 = arith.constant 0 : i32
      %dma_start3A_160 = tpu.memref_slice %arg4[%squeeze3A_155, %dma_start3A_159] : memref<1000000x64xf32, #tpu.memory_space<hbm>> -> memref<1x64xf32, #tpu.memory_space<hbm>>
      %dma_start3A_161 = tpu.memref_squeeze %dma_start3A_160 : memref<1x64xf32, #tpu.memory_space<hbm>> -> memref<64xf32, #tpu.memory_space<hbm>>
      %dma_start3A_162 = arith.constant 0 : i32
      %dma_start3A_163 = tpu.memref_slice %arg11[%add3A_153, %dma_start3A_162] : memref<256x64xf32, #tpu.memory_space<vmem>> -> memref<1x64xf32, #tpu.memory_space<vmem>>
      %dma_start3A_164 = tpu.memref_squeeze %dma_start3A_163 : memref<1x64xf32, #tpu.memory_space<vmem>> -> memref<64xf32, #tpu.memory_space<vmem>>
      %dma_start3A_165 = arith.constant 0 : i32
      %dma_start3A_166 = tpu.memref_slice %arg4[%squeeze3A_155, %dma_start3A_165] : memref<1000000x64xf32, #tpu.memory_space<hbm>> -> memref<1x64xf32, #tpu.memory_space<hbm>>
      %dma_start3A_167 = tpu.memref_squeeze %dma_start3A_166 : memref<1x64xf32, #tpu.memory_space<hbm>> -> memref<64xf32, #tpu.memory_space<hbm>>
      tpu.enqueue_dma source(%dma_start3A_167 : memref<64xf32, #tpu.memory_space<hbm>>) target(%dma_start3A_164 : memref<64xf32, #tpu.memory_space<vmem>>) target_semaphore(%arg16 : memref<!tpu.dma_semaphore, #tpu.memory_space<semaphore_mem>>)
      %slice3A_168 = vector.extract_strided_slice %get3A_55 {offsets = [3], sizes = [1], strides = [1]} : vector<16xi32> to vector<1xi32>
      %squeeze3A_169 = vector.extract %slice3A_168[0] : i32 from vector<1xi32>
      %dma_start3A_170 = arith.constant 0 : i32
      %dma_start3A_171 = tpu.memref_slice %arg12[%add3A_153, %dma_start3A_170] : memref<256x64xf32, #tpu.memory_space<vmem>> -> memref<1x64xf32, #tpu.memory_space<vmem>>
      %dma_start3A_172 = tpu.memref_squeeze %dma_start3A_171 : memref<1x64xf32, #tpu.memory_space<vmem>> -> memref<64xf32, #tpu.memory_space<vmem>>
      %dma_start3A_173 = arith.constant 0 : i32
      %dma_start3A_174 = tpu.memref_slice %arg5[%squeeze3A_169, %dma_start3A_173] : memref<100000x64xf32, #tpu.memory_space<hbm>> -> memref<1x64xf32, #tpu.memory_space<hbm>>
      %dma_start3A_175 = tpu.memref_squeeze %dma_start3A_174 : memref<1x64xf32, #tpu.memory_space<hbm>> -> memref<64xf32, #tpu.memory_space<hbm>>
      %dma_start3A_176 = arith.constant 0 : i32
      %dma_start3A_177 = tpu.memref_slice %arg12[%add3A_153, %dma_start3A_176] : memref<256x64xf32, #tpu.memory_space<vmem>> -> memref<1x64xf32, #tpu.memory_space<vmem>>
      %dma_start3A_178 = tpu.memref_squeeze %dma_start3A_177 : memref<1x64xf32, #tpu.memory_space<vmem>> -> memref<64xf32, #tpu.memory_space<vmem>>
      %dma_start3A_179 = arith.constant 0 : i32
      %dma_start3A_180 = tpu.memref_slice %arg5[%squeeze3A_169, %dma_start3A_179] : memref<100000x64xf32, #tpu.memory_space<hbm>> -> memref<1x64xf32, #tpu.memory_space<hbm>>
      %dma_start3A_181 = tpu.memref_squeeze %dma_start3A_180 : memref<1x64xf32, #tpu.memory_space<hbm>> -> memref<64xf32, #tpu.memory_space<hbm>>
      tpu.enqueue_dma source(%dma_start3A_181 : memref<64xf32, #tpu.memory_space<hbm>>) target(%dma_start3A_178 : memref<64xf32, #tpu.memory_space<vmem>>) target_semaphore(%arg16 : memref<!tpu.dma_semaphore, #tpu.memory_space<semaphore_mem>>)
      %mul3A_182 = arith.constant 16 : i32
      %mul3A_183 = arith.muli %scan3A_44, %mul3A_182 : i32
      %add3A_184 = arith.constant 4 : i32
      %add3A_185 = arith.addi %mul3A_183, %add3A_184 : i32
      %slice3A_186 = vector.extract_strided_slice %get3A_49 {offsets = [4], sizes = [1], strides = [1]} : vector<16xi32> to vector<1xi32>
      %squeeze3A_187 = vector.extract %slice3A_186[0] : i32 from vector<1xi32>
      %dma_start3A_188 = arith.constant 0 : i32
      %dma_start3A_189 = tpu.memref_slice %arg11[%add3A_185, %dma_start3A_188] : memref<256x64xf32, #tpu.memory_space<vmem>> -> memref<1x64xf32, #tpu.memory_space<vmem>>
      %dma_start3A_190 = tpu.memref_squeeze %dma_start3A_189 : memref<1x64xf32, #tpu.memory_space<vmem>> -> memref<64xf32, #tpu.memory_space<vmem>>
      %dma_start3A_191 = arith.constant 0 : i32
      %dma_start3A_192 = tpu.memref_slice %arg4[%squeeze3A_187, %dma_start3A_191] : memref<1000000x64xf32, #tpu.memory_space<hbm>> -> memref<1x64xf32, #tpu.memory_space<hbm>>
      %dma_start3A_193 = tpu.memref_squeeze %dma_start3A_192 : memref<1x64xf32, #tpu.memory_space<hbm>> -> memref<64xf32, #tpu.memory_space<hbm>>
      %dma_start3A_194 = arith.constant 0 : i32
      %dma_start3A_195 = tpu.memref_slice %arg11[%add3A_185, %dma_start3A_194] : memref<256x64xf32, #tpu.memory_space<vmem>> -> memref<1x64xf32, #tpu.memory_space<vmem>>
      %dma_start3A_196 = tpu.memref_squeeze %dma_start3A_195 : memref<1x64xf32, #tpu.memory_space<vmem>> -> memref<64xf32, #tpu.memory_space<vmem>>
      %dma_start3A_197 = arith.constant 0 : i32
      %dma_start3A_198 = tpu.memref_slice %arg4[%squeeze3A_187, %dma_start3A_197] : memref<1000000x64xf32, #tpu.memory_space<hbm>> -> memref<1x64xf32, #tpu.memory_space<hbm>>
      %dma_start3A_199 = tpu.memref_squeeze %dma_start3A_198 : memref<1x64xf32, #tpu.memory_space<hbm>> -> memref<64xf32, #tpu.memory_space<hbm>>
      tpu.enqueue_dma source(%dma_start3A_199 : memref<64xf32, #tpu.memory_space<hbm>>) target(%dma_start3A_196 : memref<64xf32, #tpu.memory_space<vmem>>) target_semaphore(%arg16 : memref<!tpu.dma_semaphore, #tpu.memory_space<semaphore_mem>>)
      %slice3A_200 = vector.extract_strided_slice %get3A_55 {offsets = [4], sizes = [1], strides = [1]} : vector<16xi32> to vector<1xi32>
      %squeeze3A_201 = vector.extract %slice3A_200[0] : i32 from vector<1xi32>
      %dma_start3A_202 = arith.constant 0 : i32
      %dma_start3A_203 = tpu.memref_slice %arg12[%add3A_185, %dma_start3A_202] : memref<256x64xf32, #tpu.memory_space<vmem>> -> memref<1x64xf32, #tpu.memory_space<vmem>>
      %dma_start3A_204 = tpu.memref_squeeze %dma_start3A_203 : memref<1x64xf32, #tpu.memory_space<vmem>> -> memref<64xf32, #tpu.memory_space<vmem>>
      %dma_start3A_205 = arith.constant 0 : i32
      %dma_start3A_206 = tpu.memref_slice %arg5[%squeeze3A_201, %dma_start3A_205] : memref<100000x64xf32, #tpu.memory_space<hbm>> -> memref<1x64xf32, #tpu.memory_space<hbm>>
      %dma_start3A_207 = tpu.memref_squeeze %dma_start3A_206 : memref<1x64xf32, #tpu.memory_space<hbm>> -> memref<64xf32, #tpu.memory_space<hbm>>
      %dma_start3A_208 = arith.constant 0 : i32
      %dma_start3A_209 = tpu.memref_slice %arg12[%add3A_185, %dma_start3A_208] : memref<256x64xf32, #tpu.memory_space<vmem>> -> memref<1x64xf32, #tpu.memory_space<vmem>>
      %dma_start3A_210 = tpu.memref_squeeze %dma_start3A_209 : memref<1x64xf32, #tpu.memory_space<vmem>> -> memref<64xf32, #tpu.memory_space<vmem>>
      %dma_start3A_211 = arith.constant 0 : i32
      %dma_start3A_212 = tpu.memref_slice %arg5[%squeeze3A_201, %dma_start3A_211] : memref<100000x64xf32, #tpu.memory_space<hbm>> -> memref<1x64xf32, #tpu.memory_space<hbm>>
      %dma_start3A_213 = tpu.memref_squeeze %dma_start3A_212 : memref<1x64xf32, #tpu.memory_space<hbm>> -> memref<64xf32, #tpu.memory_space<hbm>>
      tpu.enqueue_dma source(%dma_start3A_213 : memref<64xf32, #tpu.memory_space<hbm>>) target(%dma_start3A_210 : memref<64xf32, #tpu.memory_space<vmem>>) target_semaphore(%arg16 : memref<!tpu.dma_semaphore, #tpu.memory_space<semaphore_mem>>)
      %mul3A_214 = arith.constant 16 : i32
      %mul3A_215 = arith.muli %scan3A_44, %mul3A_214 : i32
      %add3A_216 = arith.constant 5 : i32
      %add3A_217 = arith.addi %mul3A_215, %add3A_216 : i32
      %slice3A_218 = vector.extract_strided_slice %get3A_49 {offsets = [5], sizes = [1], strides = [1]} : vector<16xi32> to vector<1xi32>
      %squeeze3A_219 = vector.extract %slice3A_218[0] : i32 from vector<1xi32>
      %dma_start3A_220 = arith.constant 0 : i32
      %dma_start3A_221 = tpu.memref_slice %arg11[%add3A_217, %dma_start3A_220] : memref<256x64xf32, #tpu.memory_space<vmem>> -> memref<1x64xf32, #tpu.memory_space<vmem>>
      %dma_start3A_222 = tpu.memref_squeeze %dma_start3A_221 : memref<1x64xf32, #tpu.memory_space<vmem>> -> memref<64xf32, #tpu.memory_space<vmem>>
      %dma_start3A_223 = arith.constant 0 : i32
      %dma_start3A_224 = tpu.memref_slice %arg4[%squeeze3A_219, %dma_start3A_223] : memref<1000000x64xf32, #tpu.memory_space<hbm>> -> memref<1x64xf32, #tpu.memory_space<hbm>>
      %dma_start3A_225 = tpu.memref_squeeze %dma_start3A_224 : memref<1x64xf32, #tpu.memory_space<hbm>> -> memref<64xf32, #tpu.memory_space<hbm>>
      %dma_start3A_226 = arith.constant 0 : i32
      %dma_start3A_227 = tpu.memref_slice %arg11[%add3A_217, %dma_start3A_226] : memref<256x64xf32, #tpu.memory_space<vmem>> -> memref<1x64xf32, #tpu.memory_space<vmem>>
      %dma_start3A_228 = tpu.memref_squeeze %dma_start3A_227 : memref<1x64xf32, #tpu.memory_space<vmem>> -> memref<64xf32, #tpu.memory_space<vmem>>
      %dma_start3A_229 = arith.constant 0 : i32
      %dma_start3A_230 = tpu.memref_slice %arg4[%squeeze3A_219, %dma_start3A_229] : memref<1000000x64xf32, #tpu.memory_space<hbm>> -> memref<1x64xf32, #tpu.memory_space<hbm>>
      %dma_start3A_231 = tpu.memref_squeeze %dma_start3A_230 : memref<1x64xf32, #tpu.memory_space<hbm>> -> memref<64xf32, #tpu.memory_space<hbm>>
      tpu.enqueue_dma source(%dma_start3A_231 : memref<64xf32, #tpu.memory_space<hbm>>) target(%dma_start3A_228 : memref<64xf32, #tpu.memory_space<vmem>>) target_semaphore(%arg16 : memref<!tpu.dma_semaphore, #tpu.memory_space<semaphore_mem>>)
      %slice3A_232 = vector.extract_strided_slice %get3A_55 {offsets = [5], sizes = [1], strides = [1]} : vector<16xi32> to vector<1xi32>
      %squeeze3A_233 = vector.extract %slice3A_232[0] : i32 from vector<1xi32>
      %dma_start3A_234 = arith.constant 0 : i32
      %dma_start3A_235 = tpu.memref_slice %arg12[%add3A_217, %dma_start3A_234] : memref<256x64xf32, #tpu.memory_space<vmem>> -> memref<1x64xf32, #tpu.memory_space<vmem>>
      %dma_start3A_236 = tpu.memref_squeeze %dma_start3A_235 : memref<1x64xf32, #tpu.memory_space<vmem>> -> memref<64xf32, #tpu.memory_space<vmem>>
      %dma_start3A_237 = arith.constant 0 : i32
      %dma_start3A_238 = tpu.memref_slice %arg5[%squeeze3A_233, %dma_start3A_237] : memref<100000x64xf32, #tpu.memory_space<hbm>> -> memref<1x64xf32, #tpu.memory_space<hbm>>
      %dma_start3A_239 = tpu.memref_squeeze %dma_start3A_238 : memref<1x64xf32, #tpu.memory_space<hbm>> -> memref<64xf32, #tpu.memory_space<hbm>>
      %dma_start3A_240 = arith.constant 0 : i32
      %dma_start3A_241 = tpu.memref_slice %arg12[%add3A_217, %dma_start3A_240] : memref<256x64xf32, #tpu.memory_space<vmem>> -> memref<1x64xf32, #tpu.memory_space<vmem>>
      %dma_start3A_242 = tpu.memref_squeeze %dma_start3A_241 : memref<1x64xf32, #tpu.memory_space<vmem>> -> memref<64xf32, #tpu.memory_space<vmem>>
      %dma_start3A_243 = arith.constant 0 : i32
      %dma_start3A_244 = tpu.memref_slice %arg5[%squeeze3A_233, %dma_start3A_243] : memref<100000x64xf32, #tpu.memory_space<hbm>> -> memref<1x64xf32, #tpu.memory_space<hbm>>
      %dma_start3A_245 = tpu.memref_squeeze %dma_start3A_244 : memref<1x64xf32, #tpu.memory_space<hbm>> -> memref<64xf32, #tpu.memory_space<hbm>>
      tpu.enqueue_dma source(%dma_start3A_245 : memref<64xf32, #tpu.memory_space<hbm>>) target(%dma_start3A_242 : memref<64xf32, #tpu.memory_space<vmem>>) target_semaphore(%arg16 : memref<!tpu.dma_semaphore, #tpu.memory_space<semaphore_mem>>)
      %mul3A_246 = arith.constant 16 : i32
      %mul3A_247 = arith.muli %scan3A_44, %mul3A_246 : i32
      %add3A_248 = arith.constant 6 : i32
      %add3A_249 = arith.addi %mul3A_247, %add3A_248 : i32
      %slice3A_250 = vector.extract_strided_slice %get3A_49 {offsets = [6], sizes = [1], strides = [1]} : vector<16xi32> to vector<1xi32>
      %squeeze3A_251 = vector.extract %slice3A_250[0] : i32 from vector<1xi32>
      %dma_start3A_252 = arith.constant 0 : i32
      %dma_start3A_253 = tpu.memref_slice %arg11[%add3A_249, %dma_start3A_252] : memref<256x64xf32, #tpu.memory_space<vmem>> -> memref<1x64xf32, #tpu.memory_space<vmem>>
      %dma_start3A_254 = tpu.memref_squeeze %dma_start3A_253 : memref<1x64xf32, #tpu.memory_space<vmem>> -> memref<64xf32, #tpu.memory_space<vmem>>
      %dma_start3A_255 = arith.constant 0 : i32
      %dma_start3A_256 = tpu.memref_slice %arg4[%squeeze3A_251, %dma_start3A_255] : memref<1000000x64xf32, #tpu.memory_space<hbm>> -> memref<1x64xf32, #tpu.memory_space<hbm>>
      %dma_start3A_257 = tpu.memref_squeeze %dma_start3A_256 : memref<1x64xf32, #tpu.memory_space<hbm>> -> memref<64xf32, #tpu.memory_space<hbm>>
      %dma_start3A_258 = arith.constant 0 : i32
      %dma_start3A_259 = tpu.memref_slice %arg11[%add3A_249, %dma_start3A_258] : memref<256x64xf32, #tpu.memory_space<vmem>> -> memref<1x64xf32, #tpu.memory_space<vmem>>
      %dma_start3A_260 = tpu.memref_squeeze %dma_start3A_259 : memref<1x64xf32, #tpu.memory_space<vmem>> -> memref<64xf32, #tpu.memory_space<vmem>>
      %dma_start3A_261 = arith.constant 0 : i32
      %dma_start3A_262 = tpu.memref_slice %arg4[%squeeze3A_251, %dma_start3A_261] : memref<1000000x64xf32, #tpu.memory_space<hbm>> -> memref<1x64xf32, #tpu.memory_space<hbm>>
      %dma_start3A_263 = tpu.memref_squeeze %dma_start3A_262 : memref<1x64xf32, #tpu.memory_space<hbm>> -> memref<64xf32, #tpu.memory_space<hbm>>
      tpu.enqueue_dma source(%dma_start3A_263 : memref<64xf32, #tpu.memory_space<hbm>>) target(%dma_start3A_260 : memref<64xf32, #tpu.memory_space<vmem>>) target_semaphore(%arg16 : memref<!tpu.dma_semaphore, #tpu.memory_space<semaphore_mem>>)
      %slice3A_264 = vector.extract_strided_slice %get3A_55 {offsets = [6], sizes = [1], strides = [1]} : vector<16xi32> to vector<1xi32>
      %squeeze3A_265 = vector.extract %slice3A_264[0] : i32 from vector<1xi32>
      %dma_start3A_266 = arith.constant 0 : i32
      %dma_start3A_267 = tpu.memref_slice %arg12[%add3A_249, %dma_start3A_266] : memref<256x64xf32, #tpu.memory_space<vmem>> -> memref<1x64xf32, #tpu.memory_space<vmem>>
      %dma_start3A_268 = tpu.memref_squeeze %dma_start3A_267 : memref<1x64xf32, #tpu.memory_space<vmem>> -> memref<64xf32, #tpu.memory_space<vmem>>
      %dma_start3A_269 = arith.constant 0 : i32
      %dma_start3A_270 = tpu.memref_slice %arg5[%squeeze3A_265, %dma_start3A_269] : memref<100000x64xf32, #tpu.memory_space<hbm>> -> memref<1x64xf32, #tpu.memory_space<hbm>>
      %dma_start3A_271 = tpu.memref_squeeze %dma_start3A_270 : memref<1x64xf32, #tpu.memory_space<hbm>> -> memref<64xf32, #tpu.memory_space<hbm>>
      %dma_start3A_272 = arith.constant 0 : i32
      %dma_start3A_273 = tpu.memref_slice %arg12[%add3A_249, %dma_start3A_272] : memref<256x64xf32, #tpu.memory_space<vmem>> -> memref<1x64xf32, #tpu.memory_space<vmem>>
      %dma_start3A_274 = tpu.memref_squeeze %dma_start3A_273 : memref<1x64xf32, #tpu.memory_space<vmem>> -> memref<64xf32, #tpu.memory_space<vmem>>
      %dma_start3A_275 = arith.constant 0 : i32
      %dma_start3A_276 = tpu.memref_slice %arg5[%squeeze3A_265, %dma_start3A_275] : memref<100000x64xf32, #tpu.memory_space<hbm>> -> memref<1x64xf32, #tpu.memory_space<hbm>>
      %dma_start3A_277 = tpu.memref_squeeze %dma_start3A_276 : memref<1x64xf32, #tpu.memory_space<hbm>> -> memref<64xf32, #tpu.memory_space<hbm>>
      tpu.enqueue_dma source(%dma_start3A_277 : memref<64xf32, #tpu.memory_space<hbm>>) target(%dma_start3A_274 : memref<64xf32, #tpu.memory_space<vmem>>) target_semaphore(%arg16 : memref<!tpu.dma_semaphore, #tpu.memory_space<semaphore_mem>>)
      %mul3A_278 = arith.constant 16 : i32
      %mul3A_279 = arith.muli %scan3A_44, %mul3A_278 : i32
      %add3A_280 = arith.constant 7 : i32
      %add3A_281 = arith.addi %mul3A_279, %add3A_280 : i32
      %slice3A_282 = vector.extract_strided_slice %get3A_49 {offsets = [7], sizes = [1], strides = [1]} : vector<16xi32> to vector<1xi32>
      %squeeze3A_283 = vector.extract %slice3A_282[0] : i32 from vector<1xi32>
      %dma_start3A_284 = arith.constant 0 : i32
      %dma_start3A_285 = tpu.memref_slice %arg11[%add3A_281, %dma_start3A_284] : memref<256x64xf32, #tpu.memory_space<vmem>> -> memref<1x64xf32, #tpu.memory_space<vmem>>
      %dma_start3A_286 = tpu.memref_squeeze %dma_start3A_285 : memref<1x64xf32, #tpu.memory_space<vmem>> -> memref<64xf32, #tpu.memory_space<vmem>>
      %dma_start3A_287 = arith.constant 0 : i32
      %dma_start3A_288 = tpu.memref_slice %arg4[%squeeze3A_283, %dma_start3A_287] : memref<1000000x64xf32, #tpu.memory_space<hbm>> -> memref<1x64xf32, #tpu.memory_space<hbm>>
      %dma_start3A_289 = tpu.memref_squeeze %dma_start3A_288 : memref<1x64xf32, #tpu.memory_space<hbm>> -> memref<64xf32, #tpu.memory_space<hbm>>
      %dma_start3A_290 = arith.constant 0 : i32
      %dma_start3A_291 = tpu.memref_slice %arg11[%add3A_281, %dma_start3A_290] : memref<256x64xf32, #tpu.memory_space<vmem>> -> memref<1x64xf32, #tpu.memory_space<vmem>>
      %dma_start3A_292 = tpu.memref_squeeze %dma_start3A_291 : memref<1x64xf32, #tpu.memory_space<vmem>> -> memref<64xf32, #tpu.memory_space<vmem>>
      %dma_start3A_293 = arith.constant 0 : i32
      %dma_start3A_294 = tpu.memref_slice %arg4[%squeeze3A_283, %dma_start3A_293] : memref<1000000x64xf32, #tpu.memory_space<hbm>> -> memref<1x64xf32, #tpu.memory_space<hbm>>
      %dma_start3A_295 = tpu.memref_squeeze %dma_start3A_294 : memref<1x64xf32, #tpu.memory_space<hbm>> -> memref<64xf32, #tpu.memory_space<hbm>>
      tpu.enqueue_dma source(%dma_start3A_295 : memref<64xf32, #tpu.memory_space<hbm>>) target(%dma_start3A_292 : memref<64xf32, #tpu.memory_space<vmem>>) target_semaphore(%arg16 : memref<!tpu.dma_semaphore, #tpu.memory_space<semaphore_mem>>)
      %slice3A_296 = vector.extract_strided_slice %get3A_55 {offsets = [7], sizes = [1], strides = [1]} : vector<16xi32> to vector<1xi32>
      %squeeze3A_297 = vector.extract %slice3A_296[0] : i32 from vector<1xi32>
      %dma_start3A_298 = arith.constant 0 : i32
      %dma_start3A_299 = tpu.memref_slice %arg12[%add3A_281, %dma_start3A_298] : memref<256x64xf32, #tpu.memory_space<vmem>> -> memref<1x64xf32, #tpu.memory_space<vmem>>
      %dma_start3A_300 = tpu.memref_squeeze %dma_start3A_299 : memref<1x64xf32, #tpu.memory_space<vmem>> -> memref<64xf32, #tpu.memory_space<vmem>>
      %dma_start3A_301 = arith.constant 0 : i32
      %dma_start3A_302 = tpu.memref_slice %arg5[%squeeze3A_297, %dma_start3A_301] : memref<100000x64xf32, #tpu.memory_space<hbm>> -> memref<1x64xf32, #tpu.memory_space<hbm>>
      %dma_start3A_303 = tpu.memref_squeeze %dma_start3A_302 : memref<1x64xf32, #tpu.memory_space<hbm>> -> memref<64xf32, #tpu.memory_space<hbm>>
      %dma_start3A_304 = arith.constant 0 : i32
      %dma_start3A_305 = tpu.memref_slice %arg12[%add3A_281, %dma_start3A_304] : memref<256x64xf32, #tpu.memory_space<vmem>> -> memref<1x64xf32, #tpu.memory_space<vmem>>
      %dma_start3A_306 = tpu.memref_squeeze %dma_start3A_305 : memref<1x64xf32, #tpu.memory_space<vmem>> -> memref<64xf32, #tpu.memory_space<vmem>>
      %dma_start3A_307 = arith.constant 0 : i32
      %dma_start3A_308 = tpu.memref_slice %arg5[%squeeze3A_297, %dma_start3A_307] : memref<100000x64xf32, #tpu.memory_space<hbm>> -> memref<1x64xf32, #tpu.memory_space<hbm>>
      %dma_start3A_309 = tpu.memref_squeeze %dma_start3A_308 : memref<1x64xf32, #tpu.memory_space<hbm>> -> memref<64xf32, #tpu.memory_space<hbm>>
      tpu.enqueue_dma source(%dma_start3A_309 : memref<64xf32, #tpu.memory_space<hbm>>) target(%dma_start3A_306 : memref<64xf32, #tpu.memory_space<vmem>>) target_semaphore(%arg16 : memref<!tpu.dma_semaphore, #tpu.memory_space<semaphore_mem>>)
      %mul3A_310 = arith.constant 16 : i32
      %mul3A_311 = arith.muli %scan3A_44, %mul3A_310 : i32
      %add3A_312 = arith.constant 8 : i32
      %add3A_313 = arith.addi %mul3A_311, %add3A_312 : i32
      %slice3A_314 = vector.extract_strided_slice %get3A_49 {offsets = [8], sizes = [1], strides = [1]} : vector<16xi32> to vector<1xi32>
      %squeeze3A_315 = vector.extract %slice3A_314[0] : i32 from vector<1xi32>
      %dma_start3A_316 = arith.constant 0 : i32
      %dma_start3A_317 = tpu.memref_slice %arg11[%add3A_313, %dma_start3A_316] : memref<256x64xf32, #tpu.memory_space<vmem>> -> memref<1x64xf32, #tpu.memory_space<vmem>>
      %dma_start3A_318 = tpu.memref_squeeze %dma_start3A_317 : memref<1x64xf32, #tpu.memory_space<vmem>> -> memref<64xf32, #tpu.memory_space<vmem>>
      %dma_start3A_319 = arith.constant 0 : i32
      %dma_start3A_320 = tpu.memref_slice %arg4[%squeeze3A_315, %dma_start3A_319] : memref<1000000x64xf32, #tpu.memory_space<hbm>> -> memref<1x64xf32, #tpu.memory_space<hbm>>
      %dma_start3A_321 = tpu.memref_squeeze %dma_start3A_320 : memref<1x64xf32, #tpu.memory_space<hbm>> -> memref<64xf32, #tpu.memory_space<hbm>>
      %dma_start3A_322 = arith.constant 0 : i32
      %dma_start3A_323 = tpu.memref_slice %arg11[%add3A_313, %dma_start3A_322] : memref<256x64xf32, #tpu.memory_space<vmem>> -> memref<1x64xf32, #tpu.memory_space<vmem>>
      %dma_start3A_324 = tpu.memref_squeeze %dma_start3A_323 : memref<1x64xf32, #tpu.memory_space<vmem>> -> memref<64xf32, #tpu.memory_space<vmem>>
      %dma_start3A_325 = arith.constant 0 : i32
      %dma_start3A_326 = tpu.memref_slice %arg4[%squeeze3A_315, %dma_start3A_325] : memref<1000000x64xf32, #tpu.memory_space<hbm>> -> memref<1x64xf32, #tpu.memory_space<hbm>>
      %dma_start3A_327 = tpu.memref_squeeze %dma_start3A_326 : memref<1x64xf32, #tpu.memory_space<hbm>> -> memref<64xf32, #tpu.memory_space<hbm>>
      tpu.enqueue_dma source(%dma_start3A_327 : memref<64xf32, #tpu.memory_space<hbm>>) target(%dma_start3A_324 : memref<64xf32, #tpu.memory_space<vmem>>) target_semaphore(%arg16 : memref<!tpu.dma_semaphore, #tpu.memory_space<semaphore_mem>>)
      %slice3A_328 = vector.extract_strided_slice %get3A_55 {offsets = [8], sizes = [1], strides = [1]} : vector<16xi32> to vector<1xi32>
      %squeeze3A_329 = vector.extract %slice3A_328[0] : i32 from vector<1xi32>
      %dma_start3A_330 = arith.constant 0 : i32
      %dma_start3A_331 = tpu.memref_slice %arg12[%add3A_313, %dma_start3A_330] : memref<256x64xf32, #tpu.memory_space<vmem>> -> memref<1x64xf32, #tpu.memory_space<vmem>>
      %dma_start3A_332 = tpu.memref_squeeze %dma_start3A_331 : memref<1x64xf32, #tpu.memory_space<vmem>> -> memref<64xf32, #tpu.memory_space<vmem>>
      %dma_start3A_333 = arith.constant 0 : i32
      %dma_start3A_334 = tpu.memref_slice %arg5[%squeeze3A_329, %dma_start3A_333] : memref<100000x64xf32, #tpu.memory_space<hbm>> -> memref<1x64xf32, #tpu.memory_space<hbm>>
      %dma_start3A_335 = tpu.memref_squeeze %dma_start3A_334 : memref<1x64xf32, #tpu.memory_space<hbm>> -> memref<64xf32, #tpu.memory_space<hbm>>
      %dma_start3A_336 = arith.constant 0 : i32
      %dma_start3A_337 = tpu.memref_slice %arg12[%add3A_313, %dma_start3A_336] : memref<256x64xf32, #tpu.memory_space<vmem>> -> memref<1x64xf32, #tpu.memory_space<vmem>>
      %dma_start3A_338 = tpu.memref_squeeze %dma_start3A_337 : memref<1x64xf32, #tpu.memory_space<vmem>> -> memref<64xf32, #tpu.memory_space<vmem>>
      %dma_start3A_339 = arith.constant 0 : i32
      %dma_start3A_340 = tpu.memref_slice %arg5[%squeeze3A_329, %dma_start3A_339] : memref<100000x64xf32, #tpu.memory_space<hbm>> -> memref<1x64xf32, #tpu.memory_space<hbm>>
      %dma_start3A_341 = tpu.memref_squeeze %dma_start3A_340 : memref<1x64xf32, #tpu.memory_space<hbm>> -> memref<64xf32, #tpu.memory_space<hbm>>
      tpu.enqueue_dma source(%dma_start3A_341 : memref<64xf32, #tpu.memory_space<hbm>>) target(%dma_start3A_338 : memref<64xf32, #tpu.memory_space<vmem>>) target_semaphore(%arg16 : memref<!tpu.dma_semaphore, #tpu.memory_space<semaphore_mem>>)
      %mul3A_342 = arith.constant 16 : i32
      %mul3A_343 = arith.muli %scan3A_44, %mul3A_342 : i32
      %add3A_344 = arith.constant 9 : i32
      %add3A_345 = arith.addi %mul3A_343, %add3A_344 : i32
      %slice3A_346 = vector.extract_strided_slice %get3A_49 {offsets = [9], sizes = [1], strides = [1]} : vector<16xi32> to vector<1xi32>
      %squeeze3A_347 = vector.extract %slice3A_346[0] : i32 from vector<1xi32>
      %dma_start3A_348 = arith.constant 0 : i32
      %dma_start3A_349 = tpu.memref_slice %arg11[%add3A_345, %dma_start3A_348] : memref<256x64xf32, #tpu.memory_space<vmem>> -> memref<1x64xf32, #tpu.memory_space<vmem>>
      %dma_start3A_350 = tpu.memref_squeeze %dma_start3A_349 : memref<1x64xf32, #tpu.memory_space<vmem>> -> memref<64xf32, #tpu.memory_space<vmem>>
      %dma_start3A_351 = arith.constant 0 : i32
      %dma_start3A_352 = tpu.memref_slice %arg4[%squeeze3A_347, %dma_start3A_351] : memref<1000000x64xf32, #tpu.memory_space<hbm>> -> memref<1x64xf32, #tpu.memory_space<hbm>>
      %dma_start3A_353 = tpu.memref_squeeze %dma_start3A_352 : memref<1x64xf32, #tpu.memory_space<hbm>> -> memref<64xf32, #tpu.memory_space<hbm>>
      %dma_start3A_354 = arith.constant 0 : i32
      %dma_start3A_355 = tpu.memref_slice %arg11[%add3A_345, %dma_start3A_354] : memref<256x64xf32, #tpu.memory_space<vmem>> -> memref<1x64xf32, #tpu.memory_space<vmem>>
      %dma_start3A_356 = tpu.memref_squeeze %dma_start3A_355 : memref<1x64xf32, #tpu.memory_space<vmem>> -> memref<64xf32, #tpu.memory_space<vmem>>
      %dma_start3A_357 = arith.constant 0 : i32
      %dma_start3A_358 = tpu.memref_slice %arg4[%squeeze3A_347, %dma_start3A_357] : memref<1000000x64xf32, #tpu.memory_space<hbm>> -> memref<1x64xf32, #tpu.memory_space<hbm>>
      %dma_start3A_359 = tpu.memref_squeeze %dma_start3A_358 : memref<1x64xf32, #tpu.memory_space<hbm>> -> memref<64xf32, #tpu.memory_space<hbm>>
      tpu.enqueue_dma source(%dma_start3A_359 : memref<64xf32, #tpu.memory_space<hbm>>) target(%dma_start3A_356 : memref<64xf32, #tpu.memory_space<vmem>>) target_semaphore(%arg16 : memref<!tpu.dma_semaphore, #tpu.memory_space<semaphore_mem>>)
      %slice3A_360 = vector.extract_strided_slice %get3A_55 {offsets = [9], sizes = [1], strides = [1]} : vector<16xi32> to vector<1xi32>
      %squeeze3A_361 = vector.extract %slice3A_360[0] : i32 from vector<1xi32>
      %dma_start3A_362 = arith.constant 0 : i32
      %dma_start3A_363 = tpu.memref_slice %arg12[%add3A_345, %dma_start3A_362] : memref<256x64xf32, #tpu.memory_space<vmem>> -> memref<1x64xf32, #tpu.memory_space<vmem>>
      %dma_start3A_364 = tpu.memref_squeeze %dma_start3A_363 : memref<1x64xf32, #tpu.memory_space<vmem>> -> memref<64xf32, #tpu.memory_space<vmem>>
      %dma_start3A_365 = arith.constant 0 : i32
      %dma_start3A_366 = tpu.memref_slice %arg5[%squeeze3A_361, %dma_start3A_365] : memref<100000x64xf32, #tpu.memory_space<hbm>> -> memref<1x64xf32, #tpu.memory_space<hbm>>
      %dma_start3A_367 = tpu.memref_squeeze %dma_start3A_366 : memref<1x64xf32, #tpu.memory_space<hbm>> -> memref<64xf32, #tpu.memory_space<hbm>>
      %dma_start3A_368 = arith.constant 0 : i32
      %dma_start3A_369 = tpu.memref_slice %arg12[%add3A_345, %dma_start3A_368] : memref<256x64xf32, #tpu.memory_space<vmem>> -> memref<1x64xf32, #tpu.memory_space<vmem>>
      %dma_start3A_370 = tpu.memref_squeeze %dma_start3A_369 : memref<1x64xf32, #tpu.memory_space<vmem>> -> memref<64xf32, #tpu.memory_space<vmem>>
      %dma_start3A_371 = arith.constant 0 : i32
      %dma_start3A_372 = tpu.memref_slice %arg5[%squeeze3A_361, %dma_start3A_371] : memref<100000x64xf32, #tpu.memory_space<hbm>> -> memref<1x64xf32, #tpu.memory_space<hbm>>
      %dma_start3A_373 = tpu.memref_squeeze %dma_start3A_372 : memref<1x64xf32, #tpu.memory_space<hbm>> -> memref<64xf32, #tpu.memory_space<hbm>>
      tpu.enqueue_dma source(%dma_start3A_373 : memref<64xf32, #tpu.memory_space<hbm>>) target(%dma_start3A_370 : memref<64xf32, #tpu.memory_space<vmem>>) target_semaphore(%arg16 : memref<!tpu.dma_semaphore, #tpu.memory_space<semaphore_mem>>)
      %mul3A_374 = arith.constant 16 : i32
      %mul3A_375 = arith.muli %scan3A_44, %mul3A_374 : i32
      %add3A_376 = arith.constant 10 : i32
      %add3A_377 = arith.addi %mul3A_375, %add3A_376 : i32
      %slice3A_378 = vector.extract_strided_slice %get3A_49 {offsets = [10], sizes = [1], strides = [1]} : vector<16xi32> to vector<1xi32>
      %squeeze3A_379 = vector.extract %slice3A_378[0] : i32 from vector<1xi32>
      %dma_start3A_380 = arith.constant 0 : i32
      %dma_start3A_381 = tpu.memref_slice %arg11[%add3A_377, %dma_start3A_380] : memref<256x64xf32, #tpu.memory_space<vmem>> -> memref<1x64xf32, #tpu.memory_space<vmem>>
      %dma_start3A_382 = tpu.memref_squeeze %dma_start3A_381 : memref<1x64xf32, #tpu.memory_space<vmem>> -> memref<64xf32, #tpu.memory_space<vmem>>
      %dma_start3A_383 = arith.constant 0 : i32
      %dma_start3A_384 = tpu.memref_slice %arg4[%squeeze3A_379, %dma_start3A_383] : memref<1000000x64xf32, #tpu.memory_space<hbm>> -> memref<1x64xf32, #tpu.memory_space<hbm>>
      %dma_start3A_385 = tpu.memref_squeeze %dma_start3A_384 : memref<1x64xf32, #tpu.memory_space<hbm>> -> memref<64xf32, #tpu.memory_space<hbm>>
      %dma_start3A_386 = arith.constant 0 : i32
      %dma_start3A_387 = tpu.memref_slice %arg11[%add3A_377, %dma_start3A_386] : memref<256x64xf32, #tpu.memory_space<vmem>> -> memref<1x64xf32, #tpu.memory_space<vmem>>
      %dma_start3A_388 = tpu.memref_squeeze %dma_start3A_387 : memref<1x64xf32, #tpu.memory_space<vmem>> -> memref<64xf32, #tpu.memory_space<vmem>>
      %dma_start3A_389 = arith.constant 0 : i32
      %dma_start3A_390 = tpu.memref_slice %arg4[%squeeze3A_379, %dma_start3A_389] : memref<1000000x64xf32, #tpu.memory_space<hbm>> -> memref<1x64xf32, #tpu.memory_space<hbm>>
      %dma_start3A_391 = tpu.memref_squeeze %dma_start3A_390 : memref<1x64xf32, #tpu.memory_space<hbm>> -> memref<64xf32, #tpu.memory_space<hbm>>
      tpu.enqueue_dma source(%dma_start3A_391 : memref<64xf32, #tpu.memory_space<hbm>>) target(%dma_start3A_388 : memref<64xf32, #tpu.memory_space<vmem>>) target_semaphore(%arg16 : memref<!tpu.dma_semaphore, #tpu.memory_space<semaphore_mem>>)
      %slice3A_392 = vector.extract_strided_slice %get3A_55 {offsets = [10], sizes = [1], strides = [1]} : vector<16xi32> to vector<1xi32>
      %squeeze3A_393 = vector.extract %slice3A_392[0] : i32 from vector<1xi32>
      %dma_start3A_394 = arith.constant 0 : i32
      %dma_start3A_395 = tpu.memref_slice %arg12[%add3A_377, %dma_start3A_394] : memref<256x64xf32, #tpu.memory_space<vmem>> -> memref<1x64xf32, #tpu.memory_space<vmem>>
      %dma_start3A_396 = tpu.memref_squeeze %dma_start3A_395 : memref<1x64xf32, #tpu.memory_space<vmem>> -> memref<64xf32, #tpu.memory_space<vmem>>
      %dma_start3A_397 = arith.constant 0 : i32
      %dma_start3A_398 = tpu.memref_slice %arg5[%squeeze3A_393, %dma_start3A_397] : memref<100000x64xf32, #tpu.memory_space<hbm>> -> memref<1x64xf32, #tpu.memory_space<hbm>>
      %dma_start3A_399 = tpu.memref_squeeze %dma_start3A_398 : memref<1x64xf32, #tpu.memory_space<hbm>> -> memref<64xf32, #tpu.memory_space<hbm>>
      %dma_start3A_400 = arith.constant 0 : i32
      %dma_start3A_401 = tpu.memref_slice %arg12[%add3A_377, %dma_start3A_400] : memref<256x64xf32, #tpu.memory_space<vmem>> -> memref<1x64xf32, #tpu.memory_space<vmem>>
      %dma_start3A_402 = tpu.memref_squeeze %dma_start3A_401 : memref<1x64xf32, #tpu.memory_space<vmem>> -> memref<64xf32, #tpu.memory_space<vmem>>
      %dma_start3A_403 = arith.constant 0 : i32
      %dma_start3A_404 = tpu.memref_slice %arg5[%squeeze3A_393, %dma_start3A_403] : memref<100000x64xf32, #tpu.memory_space<hbm>> -> memref<1x64xf32, #tpu.memory_space<hbm>>
      %dma_start3A_405 = tpu.memref_squeeze %dma_start3A_404 : memref<1x64xf32, #tpu.memory_space<hbm>> -> memref<64xf32, #tpu.memory_space<hbm>>
      tpu.enqueue_dma source(%dma_start3A_405 : memref<64xf32, #tpu.memory_space<hbm>>) target(%dma_start3A_402 : memref<64xf32, #tpu.memory_space<vmem>>) target_semaphore(%arg16 : memref<!tpu.dma_semaphore, #tpu.memory_space<semaphore_mem>>)
      %mul3A_406 = arith.constant 16 : i32
      %mul3A_407 = arith.muli %scan3A_44, %mul3A_406 : i32
      %add3A_408 = arith.constant 11 : i32
      %add3A_409 = arith.addi %mul3A_407, %add3A_408 : i32
      %slice3A_410 = vector.extract_strided_slice %get3A_49 {offsets = [11], sizes = [1], strides = [1]} : vector<16xi32> to vector<1xi32>
      %squeeze3A_411 = vector.extract %slice3A_410[0] : i32 from vector<1xi32>
      %dma_start3A_412 = arith.constant 0 : i32
      %dma_start3A_413 = tpu.memref_slice %arg11[%add3A_409, %dma_start3A_412] : memref<256x64xf32, #tpu.memory_space<vmem>> -> memref<1x64xf32, #tpu.memory_space<vmem>>
      %dma_start3A_414 = tpu.memref_squeeze %dma_start3A_413 : memref<1x64xf32, #tpu.memory_space<vmem>> -> memref<64xf32, #tpu.memory_space<vmem>>
      %dma_start3A_415 = arith.constant 0 : i32
      %dma_start3A_416 = tpu.memref_slice %arg4[%squeeze3A_411, %dma_start3A_415] : memref<1000000x64xf32, #tpu.memory_space<hbm>> -> memref<1x64xf32, #tpu.memory_space<hbm>>
      %dma_start3A_417 = tpu.memref_squeeze %dma_start3A_416 : memref<1x64xf32, #tpu.memory_space<hbm>> -> memref<64xf32, #tpu.memory_space<hbm>>
      %dma_start3A_418 = arith.constant 0 : i32
      %dma_start3A_419 = tpu.memref_slice %arg11[%add3A_409, %dma_start3A_418] : memref<256x64xf32, #tpu.memory_space<vmem>> -> memref<1x64xf32, #tpu.memory_space<vmem>>
      %dma_start3A_420 = tpu.memref_squeeze %dma_start3A_419 : memref<1x64xf32, #tpu.memory_space<vmem>> -> memref<64xf32, #tpu.memory_space<vmem>>
      %dma_start3A_421 = arith.constant 0 : i32
      %dma_start3A_422 = tpu.memref_slice %arg4[%squeeze3A_411, %dma_start3A_421] : memref<1000000x64xf32, #tpu.memory_space<hbm>> -> memref<1x64xf32, #tpu.memory_space<hbm>>
      %dma_start3A_423 = tpu.memref_squeeze %dma_start3A_422 : memref<1x64xf32, #tpu.memory_space<hbm>> -> memref<64xf32, #tpu.memory_space<hbm>>
      tpu.enqueue_dma source(%dma_start3A_423 : memref<64xf32, #tpu.memory_space<hbm>>) target(%dma_start3A_420 : memref<64xf32, #tpu.memory_space<vmem>>) target_semaphore(%arg16 : memref<!tpu.dma_semaphore, #tpu.memory_space<semaphore_mem>>)
      %slice3A_424 = vector.extract_strided_slice %get3A_55 {offsets = [11], sizes = [1], strides = [1]} : vector<16xi32> to vector<1xi32>
      %squeeze3A_425 = vector.extract %slice3A_424[0] : i32 from vector<1xi32>
      %dma_start3A_426 = arith.constant 0 : i32
      %dma_start3A_427 = tpu.memref_slice %arg12[%add3A_409, %dma_start3A_426] : memref<256x64xf32, #tpu.memory_space<vmem>> -> memref<1x64xf32, #tpu.memory_space<vmem>>
      %dma_start3A_428 = tpu.memref_squeeze %dma_start3A_427 : memref<1x64xf32, #tpu.memory_space<vmem>> -> memref<64xf32, #tpu.memory_space<vmem>>
      %dma_start3A_429 = arith.constant 0 : i32
      %dma_start3A_430 = tpu.memref_slice %arg5[%squeeze3A_425, %dma_start3A_429] : memref<100000x64xf32, #tpu.memory_space<hbm>> -> memref<1x64xf32, #tpu.memory_space<hbm>>
      %dma_start3A_431 = tpu.memref_squeeze %dma_start3A_430 : memref<1x64xf32, #tpu.memory_space<hbm>> -> memref<64xf32, #tpu.memory_space<hbm>>
      %dma_start3A_432 = arith.constant 0 : i32
      %dma_start3A_433 = tpu.memref_slice %arg12[%add3A_409, %dma_start3A_432] : memref<256x64xf32, #tpu.memory_space<vmem>> -> memref<1x64xf32, #tpu.memory_space<vmem>>
      %dma_start3A_434 = tpu.memref_squeeze %dma_start3A_433 : memref<1x64xf32, #tpu.memory_space<vmem>> -> memref<64xf32, #tpu.memory_space<vmem>>
      %dma_start3A_435 = arith.constant 0 : i32
      %dma_start3A_436 = tpu.memref_slice %arg5[%squeeze3A_425, %dma_start3A_435] : memref<100000x64xf32, #tpu.memory_space<hbm>> -> memref<1x64xf32, #tpu.memory_space<hbm>>
      %dma_start3A_437 = tpu.memref_squeeze %dma_start3A_436 : memref<1x64xf32, #tpu.memory_space<hbm>> -> memref<64xf32, #tpu.memory_space<hbm>>
      tpu.enqueue_dma source(%dma_start3A_437 : memref<64xf32, #tpu.memory_space<hbm>>) target(%dma_start3A_434 : memref<64xf32, #tpu.memory_space<vmem>>) target_semaphore(%arg16 : memref<!tpu.dma_semaphore, #tpu.memory_space<semaphore_mem>>)
      %mul3A_438 = arith.constant 16 : i32
      %mul3A_439 = arith.muli %scan3A_44, %mul3A_438 : i32
      %add3A_440 = arith.constant 12 : i32
      %add3A_441 = arith.addi %mul3A_439, %add3A_440 : i32
      %slice3A_442 = vector.extract_strided_slice %get3A_49 {offsets = [12], sizes = [1], strides = [1]} : vector<16xi32> to vector<1xi32>
      %squeeze3A_443 = vector.extract %slice3A_442[0] : i32 from vector<1xi32>
      %dma_start3A_444 = arith.constant 0 : i32
      %dma_start3A_445 = tpu.memref_slice %arg11[%add3A_441, %dma_start3A_444] : memref<256x64xf32, #tpu.memory_space<vmem>> -> memref<1x64xf32, #tpu.memory_space<vmem>>
      %dma_start3A_446 = tpu.memref_squeeze %dma_start3A_445 : memref<1x64xf32, #tpu.memory_space<vmem>> -> memref<64xf32, #tpu.memory_space<vmem>>
      %dma_start3A_447 = arith.constant 0 : i32
      %dma_start3A_448 = tpu.memref_slice %arg4[%squeeze3A_443, %dma_start3A_447] : memref<1000000x64xf32, #tpu.memory_space<hbm>> -> memref<1x64xf32, #tpu.memory_space<hbm>>
      %dma_start3A_449 = tpu.memref_squeeze %dma_start3A_448 : memref<1x64xf32, #tpu.memory_space<hbm>> -> memref<64xf32, #tpu.memory_space<hbm>>
      %dma_start3A_450 = arith.constant 0 : i32
      %dma_start3A_451 = tpu.memref_slice %arg11[%add3A_441, %dma_start3A_450] : memref<256x64xf32, #tpu.memory_space<vmem>> -> memref<1x64xf32, #tpu.memory_space<vmem>>
      %dma_start3A_452 = tpu.memref_squeeze %dma_start3A_451 : memref<1x64xf32, #tpu.memory_space<vmem>> -> memref<64xf32, #tpu.memory_space<vmem>>
      %dma_start3A_453 = arith.constant 0 : i32
      %dma_start3A_454 = tpu.memref_slice %arg4[%squeeze3A_443, %dma_start3A_453] : memref<1000000x64xf32, #tpu.memory_space<hbm>> -> memref<1x64xf32, #tpu.memory_space<hbm>>
      %dma_start3A_455 = tpu.memref_squeeze %dma_start3A_454 : memref<1x64xf32, #tpu.memory_space<hbm>> -> memref<64xf32, #tpu.memory_space<hbm>>
      tpu.enqueue_dma source(%dma_start3A_455 : memref<64xf32, #tpu.memory_space<hbm>>) target(%dma_start3A_452 : memref<64xf32, #tpu.memory_space<vmem>>) target_semaphore(%arg16 : memref<!tpu.dma_semaphore, #tpu.memory_space<semaphore_mem>>)
      %slice3A_456 = vector.extract_strided_slice %get3A_55 {offsets = [12], sizes = [1], strides = [1]} : vector<16xi32> to vector<1xi32>
      %squeeze3A_457 = vector.extract %slice3A_456[0] : i32 from vector<1xi32>
      %dma_start3A_458 = arith.constant 0 : i32
      %dma_start3A_459 = tpu.memref_slice %arg12[%add3A_441, %dma_start3A_458] : memref<256x64xf32, #tpu.memory_space<vmem>> -> memref<1x64xf32, #tpu.memory_space<vmem>>
      %dma_start3A_460 = tpu.memref_squeeze %dma_start3A_459 : memref<1x64xf32, #tpu.memory_space<vmem>> -> memref<64xf32, #tpu.memory_space<vmem>>
      %dma_start3A_461 = arith.constant 0 : i32
      %dma_start3A_462 = tpu.memref_slice %arg5[%squeeze3A_457, %dma_start3A_461] : memref<100000x64xf32, #tpu.memory_space<hbm>> -> memref<1x64xf32, #tpu.memory_space<hbm>>
      %dma_start3A_463 = tpu.memref_squeeze %dma_start3A_462 : memref<1x64xf32, #tpu.memory_space<hbm>> -> memref<64xf32, #tpu.memory_space<hbm>>
      %dma_start3A_464 = arith.constant 0 : i32
      %dma_start3A_465 = tpu.memref_slice %arg12[%add3A_441, %dma_start3A_464] : memref<256x64xf32, #tpu.memory_space<vmem>> -> memref<1x64xf32, #tpu.memory_space<vmem>>
      %dma_start3A_466 = tpu.memref_squeeze %dma_start3A_465 : memref<1x64xf32, #tpu.memory_space<vmem>> -> memref<64xf32, #tpu.memory_space<vmem>>
      %dma_start3A_467 = arith.constant 0 : i32
      %dma_start3A_468 = tpu.memref_slice %arg5[%squeeze3A_457, %dma_start3A_467] : memref<100000x64xf32, #tpu.memory_space<hbm>> -> memref<1x64xf32, #tpu.memory_space<hbm>>
      %dma_start3A_469 = tpu.memref_squeeze %dma_start3A_468 : memref<1x64xf32, #tpu.memory_space<hbm>> -> memref<64xf32, #tpu.memory_space<hbm>>
      tpu.enqueue_dma source(%dma_start3A_469 : memref<64xf32, #tpu.memory_space<hbm>>) target(%dma_start3A_466 : memref<64xf32, #tpu.memory_space<vmem>>) target_semaphore(%arg16 : memref<!tpu.dma_semaphore, #tpu.memory_space<semaphore_mem>>)
      %mul3A_470 = arith.constant 16 : i32
      %mul3A_471 = arith.muli %scan3A_44, %mul3A_470 : i32
      %add3A_472 = arith.constant 13 : i32
      %add3A_473 = arith.addi %mul3A_471, %add3A_472 : i32
      %slice3A_474 = vector.extract_strided_slice %get3A_49 {offsets = [13], sizes = [1], strides = [1]} : vector<16xi32> to vector<1xi32>
      %squeeze3A_475 = vector.extract %slice3A_474[0] : i32 from vector<1xi32>
      %dma_start3A_476 = arith.constant 0 : i32
      %dma_start3A_477 = tpu.memref_slice %arg11[%add3A_473, %dma_start3A_476] : memref<256x64xf32, #tpu.memory_space<vmem>> -> memref<1x64xf32, #tpu.memory_space<vmem>>
      %dma_start3A_478 = tpu.memref_squeeze %dma_start3A_477 : memref<1x64xf32, #tpu.memory_space<vmem>> -> memref<64xf32, #tpu.memory_space<vmem>>
      %dma_start3A_479 = arith.constant 0 : i32
      %dma_start3A_480 = tpu.memref_slice %arg4[%squeeze3A_475, %dma_start3A_479] : memref<1000000x64xf32, #tpu.memory_space<hbm>> -> memref<1x64xf32, #tpu.memory_space<hbm>>
      %dma_start3A_481 = tpu.memref_squeeze %dma_start3A_480 : memref<1x64xf32, #tpu.memory_space<hbm>> -> memref<64xf32, #tpu.memory_space<hbm>>
      %dma_start3A_482 = arith.constant 0 : i32
      %dma_start3A_483 = tpu.memref_slice %arg11[%add3A_473, %dma_start3A_482] : memref<256x64xf32, #tpu.memory_space<vmem>> -> memref<1x64xf32, #tpu.memory_space<vmem>>
      %dma_start3A_484 = tpu.memref_squeeze %dma_start3A_483 : memref<1x64xf32, #tpu.memory_space<vmem>> -> memref<64xf32, #tpu.memory_space<vmem>>
      %dma_start3A_485 = arith.constant 0 : i32
      %dma_start3A_486 = tpu.memref_slice %arg4[%squeeze3A_475, %dma_start3A_485] : memref<1000000x64xf32, #tpu.memory_space<hbm>> -> memref<1x64xf32, #tpu.memory_space<hbm>>
      %dma_start3A_487 = tpu.memref_squeeze %dma_start3A_486 : memref<1x64xf32, #tpu.memory_space<hbm>> -> memref<64xf32, #tpu.memory_space<hbm>>
      tpu.enqueue_dma source(%dma_start3A_487 : memref<64xf32, #tpu.memory_space<hbm>>) target(%dma_start3A_484 : memref<64xf32, #tpu.memory_space<vmem>>) target_semaphore(%arg16 : memref<!tpu.dma_semaphore, #tpu.memory_space<semaphore_mem>>)
      %slice3A_488 = vector.extract_strided_slice %get3A_55 {offsets = [13], sizes = [1], strides = [1]} : vector<16xi32> to vector<1xi32>
      %squeeze3A_489 = vector.extract %slice3A_488[0] : i32 from vector<1xi32>
      %dma_start3A_490 = arith.constant 0 : i32
      %dma_start3A_491 = tpu.memref_slice %arg12[%add3A_473, %dma_start3A_490] : memref<256x64xf32, #tpu.memory_space<vmem>> -> memref<1x64xf32, #tpu.memory_space<vmem>>
      %dma_start3A_492 = tpu.memref_squeeze %dma_start3A_491 : memref<1x64xf32, #tpu.memory_space<vmem>> -> memref<64xf32, #tpu.memory_space<vmem>>
      %dma_start3A_493 = arith.constant 0 : i32
      %dma_start3A_494 = tpu.memref_slice %arg5[%squeeze3A_489, %dma_start3A_493] : memref<100000x64xf32, #tpu.memory_space<hbm>> -> memref<1x64xf32, #tpu.memory_space<hbm>>
      %dma_start3A_495 = tpu.memref_squeeze %dma_start3A_494 : memref<1x64xf32, #tpu.memory_space<hbm>> -> memref<64xf32, #tpu.memory_space<hbm>>
      %dma_start3A_496 = arith.constant 0 : i32
      %dma_start3A_497 = tpu.memref_slice %arg12[%add3A_473, %dma_start3A_496] : memref<256x64xf32, #tpu.memory_space<vmem>> -> memref<1x64xf32, #tpu.memory_space<vmem>>
      %dma_start3A_498 = tpu.memref_squeeze %dma_start3A_497 : memref<1x64xf32, #tpu.memory_space<vmem>> -> memref<64xf32, #tpu.memory_space<vmem>>
      %dma_start3A_499 = arith.constant 0 : i32
      %dma_start3A_500 = tpu.memref_slice %arg5[%squeeze3A_489, %dma_start3A_499] : memref<100000x64xf32, #tpu.memory_space<hbm>> -> memref<1x64xf32, #tpu.memory_space<hbm>>
      %dma_start3A_501 = tpu.memref_squeeze %dma_start3A_500 : memref<1x64xf32, #tpu.memory_space<hbm>> -> memref<64xf32, #tpu.memory_space<hbm>>
      tpu.enqueue_dma source(%dma_start3A_501 : memref<64xf32, #tpu.memory_space<hbm>>) target(%dma_start3A_498 : memref<64xf32, #tpu.memory_space<vmem>>) target_semaphore(%arg16 : memref<!tpu.dma_semaphore, #tpu.memory_space<semaphore_mem>>)
      %mul3A_502 = arith.constant 16 : i32
      %mul3A_503 = arith.muli %scan3A_44, %mul3A_502 : i32
      %add3A_504 = arith.constant 14 : i32
      %add3A_505 = arith.addi %mul3A_503, %add3A_504 : i32
      %slice3A_506 = vector.extract_strided_slice %get3A_49 {offsets = [14], sizes = [1], strides = [1]} : vector<16xi32> to vector<1xi32>
      %squeeze3A_507 = vector.extract %slice3A_506[0] : i32 from vector<1xi32>
      %dma_start3A_508 = arith.constant 0 : i32
      %dma_start3A_509 = tpu.memref_slice %arg11[%add3A_505, %dma_start3A_508] : memref<256x64xf32, #tpu.memory_space<vmem>> -> memref<1x64xf32, #tpu.memory_space<vmem>>
      %dma_start3A_510 = tpu.memref_squeeze %dma_start3A_509 : memref<1x64xf32, #tpu.memory_space<vmem>> -> memref<64xf32, #tpu.memory_space<vmem>>
      %dma_start3A_511 = arith.constant 0 : i32
      %dma_start3A_512 = tpu.memref_slice %arg4[%squeeze3A_507, %dma_start3A_511] : memref<1000000x64xf32, #tpu.memory_space<hbm>> -> memref<1x64xf32, #tpu.memory_space<hbm>>
      %dma_start3A_513 = tpu.memref_squeeze %dma_start3A_512 : memref<1x64xf32, #tpu.memory_space<hbm>> -> memref<64xf32, #tpu.memory_space<hbm>>
      %dma_start3A_514 = arith.constant 0 : i32
      %dma_start3A_515 = tpu.memref_slice %arg11[%add3A_505, %dma_start3A_514] : memref<256x64xf32, #tpu.memory_space<vmem>> -> memref<1x64xf32, #tpu.memory_space<vmem>>
      %dma_start3A_516 = tpu.memref_squeeze %dma_start3A_515 : memref<1x64xf32, #tpu.memory_space<vmem>> -> memref<64xf32, #tpu.memory_space<vmem>>
      %dma_start3A_517 = arith.constant 0 : i32
      %dma_start3A_518 = tpu.memref_slice %arg4[%squeeze3A_507, %dma_start3A_517] : memref<1000000x64xf32, #tpu.memory_space<hbm>> -> memref<1x64xf32, #tpu.memory_space<hbm>>
      %dma_start3A_519 = tpu.memref_squeeze %dma_start3A_518 : memref<1x64xf32, #tpu.memory_space<hbm>> -> memref<64xf32, #tpu.memory_space<hbm>>
      tpu.enqueue_dma source(%dma_start3A_519 : memref<64xf32, #tpu.memory_space<hbm>>) target(%dma_start3A_516 : memref<64xf32, #tpu.memory_space<vmem>>) target_semaphore(%arg16 : memref<!tpu.dma_semaphore, #tpu.memory_space<semaphore_mem>>)
      %slice3A_520 = vector.extract_strided_slice %get3A_55 {offsets = [14], sizes = [1], strides = [1]} : vector<16xi32> to vector<1xi32>
      %squeeze3A_521 = vector.extract %slice3A_520[0] : i32 from vector<1xi32>
      %dma_start3A_522 = arith.constant 0 : i32
      %dma_start3A_523 = tpu.memref_slice %arg12[%add3A_505, %dma_start3A_522] : memref<256x64xf32, #tpu.memory_space<vmem>> -> memref<1x64xf32, #tpu.memory_space<vmem>>
      %dma_start3A_524 = tpu.memref_squeeze %dma_start3A_523 : memref<1x64xf32, #tpu.memory_space<vmem>> -> memref<64xf32, #tpu.memory_space<vmem>>
      %dma_start3A_525 = arith.constant 0 : i32
      %dma_start3A_526 = tpu.memref_slice %arg5[%squeeze3A_521, %dma_start3A_525] : memref<100000x64xf32, #tpu.memory_space<hbm>> -> memref<1x64xf32, #tpu.memory_space<hbm>>
      %dma_start3A_527 = tpu.memref_squeeze %dma_start3A_526 : memref<1x64xf32, #tpu.memory_space<hbm>> -> memref<64xf32, #tpu.memory_space<hbm>>
      %dma_start3A_528 = arith.constant 0 : i32
      %dma_start3A_529 = tpu.memref_slice %arg12[%add3A_505, %dma_start3A_528] : memref<256x64xf32, #tpu.memory_space<vmem>> -> memref<1x64xf32, #tpu.memory_space<vmem>>
      %dma_start3A_530 = tpu.memref_squeeze %dma_start3A_529 : memref<1x64xf32, #tpu.memory_space<vmem>> -> memref<64xf32, #tpu.memory_space<vmem>>
      %dma_start3A_531 = arith.constant 0 : i32
      %dma_start3A_532 = tpu.memref_slice %arg5[%squeeze3A_521, %dma_start3A_531] : memref<100000x64xf32, #tpu.memory_space<hbm>> -> memref<1x64xf32, #tpu.memory_space<hbm>>
      %dma_start3A_533 = tpu.memref_squeeze %dma_start3A_532 : memref<1x64xf32, #tpu.memory_space<hbm>> -> memref<64xf32, #tpu.memory_space<hbm>>
      tpu.enqueue_dma source(%dma_start3A_533 : memref<64xf32, #tpu.memory_space<hbm>>) target(%dma_start3A_530 : memref<64xf32, #tpu.memory_space<vmem>>) target_semaphore(%arg16 : memref<!tpu.dma_semaphore, #tpu.memory_space<semaphore_mem>>)
      %mul3A_534 = arith.constant 16 : i32
      %mul3A_535 = arith.muli %scan3A_44, %mul3A_534 : i32
      %add3A_536 = arith.constant 15 : i32
      %add3A_537 = arith.addi %mul3A_535, %add3A_536 : i32
      %slice3A_538 = vector.extract_strided_slice %get3A_49 {offsets = [15], sizes = [1], strides = [1]} : vector<16xi32> to vector<1xi32>
      %squeeze3A_539 = vector.extract %slice3A_538[0] : i32 from vector<1xi32>
      %dma_start3A_540 = arith.constant 0 : i32
      %dma_start3A_541 = tpu.memref_slice %arg11[%add3A_537, %dma_start3A_540] : memref<256x64xf32, #tpu.memory_space<vmem>> -> memref<1x64xf32, #tpu.memory_space<vmem>>
      %dma_start3A_542 = tpu.memref_squeeze %dma_start3A_541 : memref<1x64xf32, #tpu.memory_space<vmem>> -> memref<64xf32, #tpu.memory_space<vmem>>
      %dma_start3A_543 = arith.constant 0 : i32
      %dma_start3A_544 = tpu.memref_slice %arg4[%squeeze3A_539, %dma_start3A_543] : memref<1000000x64xf32, #tpu.memory_space<hbm>> -> memref<1x64xf32, #tpu.memory_space<hbm>>
      %dma_start3A_545 = tpu.memref_squeeze %dma_start3A_544 : memref<1x64xf32, #tpu.memory_space<hbm>> -> memref<64xf32, #tpu.memory_space<hbm>>
      %dma_start3A_546 = arith.constant 0 : i32
      %dma_start3A_547 = tpu.memref_slice %arg11[%add3A_537, %dma_start3A_546] : memref<256x64xf32, #tpu.memory_space<vmem>> -> memref<1x64xf32, #tpu.memory_space<vmem>>
      %dma_start3A_548 = tpu.memref_squeeze %dma_start3A_547 : memref<1x64xf32, #tpu.memory_space<vmem>> -> memref<64xf32, #tpu.memory_space<vmem>>
      %dma_start3A_549 = arith.constant 0 : i32
      %dma_start3A_550 = tpu.memref_slice %arg4[%squeeze3A_539, %dma_start3A_549] : memref<1000000x64xf32, #tpu.memory_space<hbm>> -> memref<1x64xf32, #tpu.memory_space<hbm>>
      %dma_start3A_551 = tpu.memref_squeeze %dma_start3A_550 : memref<1x64xf32, #tpu.memory_space<hbm>> -> memref<64xf32, #tpu.memory_space<hbm>>
      tpu.enqueue_dma source(%dma_start3A_551 : memref<64xf32, #tpu.memory_space<hbm>>) target(%dma_start3A_548 : memref<64xf32, #tpu.memory_space<vmem>>) target_semaphore(%arg16 : memref<!tpu.dma_semaphore, #tpu.memory_space<semaphore_mem>>)
      %slice3A_552 = vector.extract_strided_slice %get3A_55 {offsets = [15], sizes = [1], strides = [1]} : vector<16xi32> to vector<1xi32>
      %squeeze3A_553 = vector.extract %slice3A_552[0] : i32 from vector<1xi32>
      %dma_start3A_554 = arith.constant 0 : i32
      %dma_start3A_555 = tpu.memref_slice %arg12[%add3A_537, %dma_start3A_554] : memref<256x64xf32, #tpu.memory_space<vmem>> -> memref<1x64xf32, #tpu.memory_space<vmem>>
      %dma_start3A_556 = tpu.memref_squeeze %dma_start3A_555 : memref<1x64xf32, #tpu.memory_space<vmem>> -> memref<64xf32, #tpu.memory_space<vmem>>
      %dma_start3A_557 = arith.constant 0 : i32
      %dma_start3A_558 = tpu.memref_slice %arg5[%squeeze3A_553, %dma_start3A_557] : memref<100000x64xf32, #tpu.memory_space<hbm>> -> memref<1x64xf32, #tpu.memory_space<hbm>>
      %dma_start3A_559 = tpu.memref_squeeze %dma_start3A_558 : memref<1x64xf32, #tpu.memory_space<hbm>> -> memref<64xf32, #tpu.memory_space<hbm>>
      %dma_start3A_560 = arith.constant 0 : i32
      %dma_start3A_561 = tpu.memref_slice %arg12[%add3A_537, %dma_start3A_560] : memref<256x64xf32, #tpu.memory_space<vmem>> -> memref<1x64xf32, #tpu.memory_space<vmem>>
      %dma_start3A_562 = tpu.memref_squeeze %dma_start3A_561 : memref<1x64xf32, #tpu.memory_space<vmem>> -> memref<64xf32, #tpu.memory_space<vmem>>
      %dma_start3A_563 = arith.constant 0 : i32
      %dma_start3A_564 = tpu.memref_slice %arg5[%squeeze3A_553, %dma_start3A_563] : memref<100000x64xf32, #tpu.memory_space<hbm>> -> memref<1x64xf32, #tpu.memory_space<hbm>>
      %dma_start3A_565 = tpu.memref_squeeze %dma_start3A_564 : memref<1x64xf32, #tpu.memory_space<hbm>> -> memref<64xf32, #tpu.memory_space<hbm>>
      tpu.enqueue_dma source(%dma_start3A_565 : memref<64xf32, #tpu.memory_space<hbm>>) target(%dma_start3A_562 : memref<64xf32, #tpu.memory_space<vmem>>) target_semaphore(%arg16 : memref<!tpu.dma_semaphore, #tpu.memory_space<semaphore_mem>>)
    }
    %scan3A_31 = arith.constant 16 : i32
    %scan3A_32 = arith.constant 0 : i32
    %scan3A_33 = arith.constant 0 : i32
    %scan3A_34 = arith.constant 256 : i32
    %scan3A_35 = arith.addi %scan3A_33, %scan3A_34 : i32
    %scan3A_36 = arith.constant 1 : i32
    scf.for %scan3A_44 = %scan3A_33 to %scan3A_35 step %scan3A_36  : i32 {
      %dma_wait3A_45 = arith.constant 0 : i32
      %dma_wait3A_46 = arith.constant 0 : i32
      %dma_wait3A_47 = tpu.memref_slice %arg11[%scan3A_44, %dma_wait3A_46] : memref<256x64xf32, #tpu.memory_space<vmem>> -> memref<1x64xf32, #tpu.memory_space<vmem>>
      %dma_wait3A_48 = tpu.memref_squeeze %dma_wait3A_47 : memref<1x64xf32, #tpu.memory_space<vmem>> -> memref<64xf32, #tpu.memory_space<vmem>>
      %dma_wait3A_49 = arith.constant 0 : i32
      %dma_wait3A_50 = tpu.memref_slice %arg4[%dma_wait3A_45, %dma_wait3A_49] : memref<1000000x64xf32, #tpu.memory_space<hbm>> -> memref<1x64xf32, #tpu.memory_space<hbm>>
      %dma_wait3A_51 = tpu.memref_squeeze %dma_wait3A_50 : memref<1x64xf32, #tpu.memory_space<hbm>> -> memref<64xf32, #tpu.memory_space<hbm>>
      %dma_wait3A_52 = arith.constant 0 : i32
      %dma_wait3A_53 = tpu.memref_slice %arg11[%scan3A_44, %dma_wait3A_52] : memref<256x64xf32, #tpu.memory_space<vmem>> -> memref<1x64xf32, #tpu.memory_space<vmem>>
      %dma_wait3A_54 = tpu.memref_squeeze %dma_wait3A_53 : memref<1x64xf32, #tpu.memory_space<vmem>> -> memref<64xf32, #tpu.memory_space<vmem>>
      %dma_wait3A_55 = arith.constant 0 : i32
      %dma_wait3A_56 = tpu.memref_slice %arg4[%dma_wait3A_45, %dma_wait3A_55] : memref<1000000x64xf32, #tpu.memory_space<hbm>> -> memref<1x64xf32, #tpu.memory_space<hbm>>
      %dma_wait3A_57 = tpu.memref_squeeze %dma_wait3A_56 : memref<1x64xf32, #tpu.memory_space<hbm>> -> memref<64xf32, #tpu.memory_space<hbm>>
      tpu.wait_dma2 semaphore(%arg16 : memref<!tpu.dma_semaphore, #tpu.memory_space<semaphore_mem>>) src(%dma_wait3A_57 : memref<64xf32, #tpu.memory_space<hbm>>) dst(%dma_wait3A_54 : memref<64xf32, #tpu.memory_space<vmem>>)
      %dma_wait3A_58 = arith.constant 0 : i32
      %dma_wait3A_59 = arith.constant 0 : i32
      %dma_wait3A_60 = tpu.memref_slice %arg12[%scan3A_44, %dma_wait3A_59] : memref<256x64xf32, #tpu.memory_space<vmem>> -> memref<1x64xf32, #tpu.memory_space<vmem>>
      %dma_wait3A_61 = tpu.memref_squeeze %dma_wait3A_60 : memref<1x64xf32, #tpu.memory_space<vmem>> -> memref<64xf32, #tpu.memory_space<vmem>>
      %dma_wait3A_62 = arith.constant 0 : i32
      %dma_wait3A_63 = tpu.memref_slice %arg5[%dma_wait3A_58, %dma_wait3A_62] : memref<100000x64xf32, #tpu.memory_space<hbm>> -> memref<1x64xf32, #tpu.memory_space<hbm>>
      %dma_wait3A_64 = tpu.memref_squeeze %dma_wait3A_63 : memref<1x64xf32, #tpu.memory_space<hbm>> -> memref<64xf32, #tpu.memory_space<hbm>>
      %dma_wait3A_65 = arith.constant 0 : i32
      %dma_wait3A_66 = tpu.memref_slice %arg12[%scan3A_44, %dma_wait3A_65] : memref<256x64xf32, #tpu.memory_space<vmem>> -> memref<1x64xf32, #tpu.memory_space<vmem>>
      %dma_wait3A_67 = tpu.memref_squeeze %dma_wait3A_66 : memref<1x64xf32, #tpu.memory_space<vmem>> -> memref<64xf32, #tpu.memory_space<vmem>>
      %dma_wait3A_68 = arith.constant 0 : i32
      %dma_wait3A_69 = tpu.memref_slice %arg5[%dma_wait3A_58, %dma_wait3A_68] : memref<100000x64xf32, #tpu.memory_space<hbm>> -> memref<1x64xf32, #tpu.memory_space<hbm>>
      %dma_wait3A_70 = tpu.memref_squeeze %dma_wait3A_69 : memref<1x64xf32, #tpu.memory_space<hbm>> -> memref<64xf32, #tpu.memory_space<hbm>>
      tpu.wait_dma2 semaphore(%arg16 : memref<!tpu.dma_semaphore, #tpu.memory_space<semaphore_mem>>) src(%dma_wait3A_70 : memref<64xf32, #tpu.memory_space<hbm>>) dst(%dma_wait3A_67 : memref<64xf32, #tpu.memory_space<vmem>>)
    }
    %scan3A_37 = arith.constant 256 : i32
    %scan3A_38 = arith.constant 0 : i32
    %scan3A_39 = arith.constant 0 : i32
    %scan3A_40 = arith.constant 16 : i32
    %scan3A_41 = arith.addi %scan3A_39, %scan3A_40 : i32
    %scan3A_42 = arith.constant 1 : i32
    scf.for %scan3A_44 = %scan3A_39 to %scan3A_41 step %scan3A_42  : i32 {
      %mul3A_45 = arith.constant 16 : i32
      %mul3A_46 = arith.muli %scan3A_44, %mul3A_45 : i32
      %add3A_47 = arith.constant 256 : i32
      %add3A_48 = arith.addi %add3A_47, %mul3A_46 : i32
      %get3A = arith.index_cast %add3A_48 : i32 to index
      %get3A_49 = tpu.vector_load %arg13[%get3A] {strides = array<i32>} : memref<512xf32, #tpu.memory_space<vmem>>, vector<16xf32>,
      %get3A_50 = arith.index_cast %add3A_48 : i32 to index
      %get3A_51 = tpu.vector_load %arg14[%get3A_50] {strides = array<i32>} : memref<512xf32, #tpu.memory_space<vmem>>, vector<16xf32>,
      %add3A_52 = arith.addf %get3A_49, %get3A_51 : vector<16xf32>
      %mul3A_53 = arith.constant 16 : i32
      %mul3A_54 = arith.muli %scan3A_44, %mul3A_53 : i32
      %add3A_55 = arith.constant 0 : i32
      %add3A_56 = arith.addi %mul3A_54, %add3A_55 : i32
      %get3A_57 = arith.index_cast %add3A_56 : i32 to index
      %get3A_58 = arith.constant 0 : index
      %get3A_59 = tpu.vector_load %arg11[%get3A_57, %get3A_58] {strides = array<i32>} : memref<256x64xf32, #tpu.memory_space<vmem>>, vector<16xf32>,
      %get3A_60 = arith.index_cast %add3A_56 : i32 to index
      %get3A_61 = arith.constant 0 : index
      %get3A_62 = tpu.vector_load %arg12[%get3A_60, %get3A_61] {strides = array<i32>} : memref<256x64xf32, #tpu.memory_space<vmem>>, vector<16xf32>,
      %mul3A_63 = arith.mulf %get3A_59, %get3A_62 : vector<16xf32>
      %get3A_64 = arith.index_cast %add3A_56 : i32 to index
      %get3A_65 = arith.constant 16 : index
      %get3A_66 = tpu.vector_load %arg11[%get3A_64, %get3A_65] {strides = array<i32>} : memref<256x64xf32, #tpu.memory_space<vmem>>, vector<16xf32>,
      %get3A_67 = arith.index_cast %add3A_56 : i32 to index
      %get3A_68 = arith.constant 16 : index
      %get3A_69 = tpu.vector_load %arg12[%get3A_67, %get3A_68] {strides = array<i32>} : memref<256x64xf32, #tpu.memory_space<vmem>>, vector<16xf32>,
      %mul3A_70 = arith.mulf %get3A_66, %get3A_69 : vector<16xf32>
      %add3A_71 = arith.addf %mul3A_63, %mul3A_70 : vector<16xf32>
      %get3A_72 = arith.index_cast %add3A_56 : i32 to index
      %get3A_73 = arith.constant 32 : index
      %get3A_74 = tpu.vector_load %arg11[%get3A_72, %get3A_73] {strides = array<i32>} : memref<256x64xf32, #tpu.memory_space<vmem>>, vector<16xf32>,
      %get3A_75 = arith.index_cast %add3A_56 : i32 to index
      %get3A_76 = arith.constant 32 : index
      %get3A_77 = tpu.vector_load %arg12[%get3A_75, %get3A_76] {strides = array<i32>} : memref<256x64xf32, #tpu.memory_space<vmem>>, vector<16xf32>,
      %mul3A_78 = arith.mulf %get3A_74, %get3A_77 : vector<16xf32>
      %add3A_79 = arith.addf %add3A_71, %mul3A_78 : vector<16xf32>
      %get3A_80 = arith.index_cast %add3A_56 : i32 to index
      %get3A_81 = arith.constant 48 : index
      %get3A_82 = tpu.vector_load %arg11[%get3A_80, %get3A_81] {strides = array<i32>} : memref<256x64xf32, #tpu.memory_space<vmem>>, vector<16xf32>,
      %get3A_83 = arith.index_cast %add3A_56 : i32 to index
      %get3A_84 = arith.constant 48 : index
      %get3A_85 = tpu.vector_load %arg12[%get3A_83, %get3A_84] {strides = array<i32>} : memref<256x64xf32, #tpu.memory_space<vmem>>, vector<16xf32>,
      %mul3A_86 = arith.mulf %get3A_82, %get3A_85 : vector<16xf32>
      %add3A_87 = arith.addf %add3A_79, %mul3A_86 : vector<16xf32>
      %eq3A = arith.constant 0 : i32
      %eq3A_88 = vector.broadcast %eq3A : i32 to vector<16xi32>
      %eq3A_89 = arith.cmpi eq, %iota3A, %eq3A_88 : vector<16xi32>
      %reduce_sum3A = arith.constant true
      %reduce_sum3A_90 = vector.broadcast %reduce_sum3A : i1 to vector<16xi1>
      %reduce_sum3A_91 = tpu.scan <sum>, %add3A_87 masked %reduce_sum3A_90 : vector<16xf32>, vector<16xi1> -> vector<16xf32>
      %reduce_sum3A_92 = vector.extract %reduce_sum3A_91[15] : f32 from vector<16xf32>
      %add3A_93 = vector.broadcast %reduce_sum3A_92 : f32 to vector<16xf32>
      %add3A_94 = arith.addf %add3A_93, %add3A_52 : vector<16xf32>
      %select_n3A = arith.select %eq3A_89, %add3A_94, %add3A_52 : vector<16xi1>, vector<16xf32>
      %mul3A_95 = arith.constant 16 : i32
      %mul3A_96 = arith.muli %scan3A_44, %mul3A_95 : i32
      %add3A_97 = arith.constant 1 : i32
      %add3A_98 = arith.addi %mul3A_96, %add3A_97 : i32
      %get3A_99 = arith.index_cast %add3A_98 : i32 to index
      %get3A_100 = arith.constant 0 : index
      %get3A_101 = tpu.vector_load %arg11[%get3A_99, %get3A_100] {strides = array<i32>} : memref<256x64xf32, #tpu.memory_space<vmem>>, vector<16xf32>,
      %get3A_102 = arith.index_cast %add3A_98 : i32 to index
      %get3A_103 = arith.constant 0 : index
      %get3A_104 = tpu.vector_load %arg12[%get3A_102, %get3A_103] {strides = array<i32>} : memref<256x64xf32, #tpu.memory_space<vmem>>, vector<16xf32>,
      %mul3A_105 = arith.mulf %get3A_101, %get3A_104 : vector<16xf32>
      %get3A_106 = arith.index_cast %add3A_98 : i32 to index
      %get3A_107 = arith.constant 16 : index
      %get3A_108 = tpu.vector_load %arg11[%get3A_106, %get3A_107] {strides = array<i32>} : memref<256x64xf32, #tpu.memory_space<vmem>>, vector<16xf32>,
      %get3A_109 = arith.index_cast %add3A_98 : i32 to index
      %get3A_110 = arith.constant 16 : index
      %get3A_111 = tpu.vector_load %arg12[%get3A_109, %get3A_110] {strides = array<i32>} : memref<256x64xf32, #tpu.memory_space<vmem>>, vector<16xf32>,
      %mul3A_112 = arith.mulf %get3A_108, %get3A_111 : vector<16xf32>
      %add3A_113 = arith.addf %mul3A_105, %mul3A_112 : vector<16xf32>
      %get3A_114 = arith.index_cast %add3A_98 : i32 to index
      %get3A_115 = arith.constant 32 : index
      %get3A_116 = tpu.vector_load %arg11[%get3A_114, %get3A_115] {strides = array<i32>} : memref<256x64xf32, #tpu.memory_space<vmem>>, vector<16xf32>,
      %get3A_117 = arith.index_cast %add3A_98 : i32 to index
      %get3A_118 = arith.constant 32 : index
      %get3A_119 = tpu.vector_load %arg12[%get3A_117, %get3A_118] {strides = array<i32>} : memref<256x64xf32, #tpu.memory_space<vmem>>, vector<16xf32>,
      %mul3A_120 = arith.mulf %get3A_116, %get3A_119 : vector<16xf32>
      %add3A_121 = arith.addf %add3A_113, %mul3A_120 : vector<16xf32>
      %get3A_122 = arith.index_cast %add3A_98 : i32 to index
      %get3A_123 = arith.constant 48 : index
      %get3A_124 = tpu.vector_load %arg11[%get3A_122, %get3A_123] {strides = array<i32>} : memref<256x64xf32, #tpu.memory_space<vmem>>, vector<16xf32>,
      %get3A_125 = arith.index_cast %add3A_98 : i32 to index
      %get3A_126 = arith.constant 48 : index
      %get3A_127 = tpu.vector_load %arg12[%get3A_125, %get3A_126] {strides = array<i32>} : memref<256x64xf32, #tpu.memory_space<vmem>>, vector<16xf32>,
      %mul3A_128 = arith.mulf %get3A_124, %get3A_127 : vector<16xf32>
      %add3A_129 = arith.addf %add3A_121, %mul3A_128 : vector<16xf32>
      %eq3A_130 = arith.constant 1 : i32
      %eq3A_131 = vector.broadcast %eq3A_130 : i32 to vector<16xi32>
      %eq3A_132 = arith.cmpi eq, %iota3A, %eq3A_131 : vector<16xi32>
      %reduce_sum3A_133 = arith.constant true
      %reduce_sum3A_134 = vector.broadcast %reduce_sum3A_133 : i1 to vector<16xi1>
      %reduce_sum3A_135 = tpu.scan <sum>, %add3A_129 masked %reduce_sum3A_134 : vector<16xf32>, vector<16xi1> -> vector<16xf32>
      %reduce_sum3A_136 = vector.extract %reduce_sum3A_135[15] : f32 from vector<16xf32>
      %add3A_137 = vector.broadcast %reduce_sum3A_136 : f32 to vector<16xf32>
      %add3A_138 = arith.addf %add3A_137, %select_n3A : vector<16xf32>
      %select_n3A_139 = arith.select %eq3A_132, %add3A_138, %select_n3A : vector<16xi1>, vector<16xf32>
      %mul3A_140 = arith.constant 16 : i32
      %mul3A_141 = arith.muli %scan3A_44, %mul3A_140 : i32
      %add3A_142 = arith.constant 2 : i32
      %add3A_143 = arith.addi %mul3A_141, %add3A_142 : i32
      %get3A_144 = arith.index_cast %add3A_143 : i32 to index
      %get3A_145 = arith.constant 0 : index
      %get3A_146 = tpu.vector_load %arg11[%get3A_144, %get3A_145] {strides = array<i32>} : memref<256x64xf32, #tpu.memory_space<vmem>>, vector<16xf32>,
      %get3A_147 = arith.index_cast %add3A_143 : i32 to index
      %get3A_148 = arith.constant 0 : index
      %get3A_149 = tpu.vector_load %arg12[%get3A_147, %get3A_148] {strides = array<i32>} : memref<256x64xf32, #tpu.memory_space<vmem>>, vector<16xf32>,
      %mul3A_150 = arith.mulf %get3A_146, %get3A_149 : vector<16xf32>
      %get3A_151 = arith.index_cast %add3A_143 : i32 to index
      %get3A_152 = arith.constant 16 : index
      %get3A_153 = tpu.vector_load %arg11[%get3A_151, %get3A_152] {strides = array<i32>} : memref<256x64xf32, #tpu.memory_space<vmem>>, vector<16xf32>,
      %get3A_154 = arith.index_cast %add3A_143 : i32 to index
      %get3A_155 = arith.constant 16 : index
      %get3A_156 = tpu.vector_load %arg12[%get3A_154, %get3A_155] {strides = array<i32>} : memref<256x64xf32, #tpu.memory_space<vmem>>, vector<16xf32>,
      %mul3A_157 = arith.mulf %get3A_153, %get3A_156 : vector<16xf32>
      %add3A_158 = arith.addf %mul3A_150, %mul3A_157 : vector<16xf32>
      %get3A_159 = arith.index_cast %add3A_143 : i32 to index
      %get3A_160 = arith.constant 32 : index
      %get3A_161 = tpu.vector_load %arg11[%get3A_159, %get3A_160] {strides = array<i32>} : memref<256x64xf32, #tpu.memory_space<vmem>>, vector<16xf32>,
      %get3A_162 = arith.index_cast %add3A_143 : i32 to index
      %get3A_163 = arith.constant 32 : index
      %get3A_164 = tpu.vector_load %arg12[%get3A_162, %get3A_163] {strides = array<i32>} : memref<256x64xf32, #tpu.memory_space<vmem>>, vector<16xf32>,
      %mul3A_165 = arith.mulf %get3A_161, %get3A_164 : vector<16xf32>
      %add3A_166 = arith.addf %add3A_158, %mul3A_165 : vector<16xf32>
      %get3A_167 = arith.index_cast %add3A_143 : i32 to index
      %get3A_168 = arith.constant 48 : index
      %get3A_169 = tpu.vector_load %arg11[%get3A_167, %get3A_168] {strides = array<i32>} : memref<256x64xf32, #tpu.memory_space<vmem>>, vector<16xf32>,
      %get3A_170 = arith.index_cast %add3A_143 : i32 to index
      %get3A_171 = arith.constant 48 : index
      %get3A_172 = tpu.vector_load %arg12[%get3A_170, %get3A_171] {strides = array<i32>} : memref<256x64xf32, #tpu.memory_space<vmem>>, vector<16xf32>,
      %mul3A_173 = arith.mulf %get3A_169, %get3A_172 : vector<16xf32>
      %add3A_174 = arith.addf %add3A_166, %mul3A_173 : vector<16xf32>
      %eq3A_175 = arith.constant 2 : i32
      %eq3A_176 = vector.broadcast %eq3A_175 : i32 to vector<16xi32>
      %eq3A_177 = arith.cmpi eq, %iota3A, %eq3A_176 : vector<16xi32>
      %reduce_sum3A_178 = arith.constant true
      %reduce_sum3A_179 = vector.broadcast %reduce_sum3A_178 : i1 to vector<16xi1>
      %reduce_sum3A_180 = tpu.scan <sum>, %add3A_174 masked %reduce_sum3A_179 : vector<16xf32>, vector<16xi1> -> vector<16xf32>
      %reduce_sum3A_181 = vector.extract %reduce_sum3A_180[15] : f32 from vector<16xf32>
      %add3A_182 = vector.broadcast %reduce_sum3A_181 : f32 to vector<16xf32>
      %add3A_183 = arith.addf %add3A_182, %select_n3A_139 : vector<16xf32>
      %select_n3A_184 = arith.select %eq3A_177, %add3A_183, %select_n3A_139 : vector<16xi1>, vector<16xf32>
      %mul3A_185 = arith.constant 16 : i32
      %mul3A_186 = arith.muli %scan3A_44, %mul3A_185 : i32
      %add3A_187 = arith.constant 3 : i32
      %add3A_188 = arith.addi %mul3A_186, %add3A_187 : i32
      %get3A_189 = arith.index_cast %add3A_188 : i32 to index
      %get3A_190 = arith.constant 0 : index
      %get3A_191 = tpu.vector_load %arg11[%get3A_189, %get3A_190] {strides = array<i32>} : memref<256x64xf32, #tpu.memory_space<vmem>>, vector<16xf32>,
      %get3A_192 = arith.index_cast %add3A_188 : i32 to index
      %get3A_193 = arith.constant 0 : index
      %get3A_194 = tpu.vector_load %arg12[%get3A_192, %get3A_193] {strides = array<i32>} : memref<256x64xf32, #tpu.memory_space<vmem>>, vector<16xf32>,
      %mul3A_195 = arith.mulf %get3A_191, %get3A_194 : vector<16xf32>
      %get3A_196 = arith.index_cast %add3A_188 : i32 to index
      %get3A_197 = arith.constant 16 : index
      %get3A_198 = tpu.vector_load %arg11[%get3A_196, %get3A_197] {strides = array<i32>} : memref<256x64xf32, #tpu.memory_space<vmem>>, vector<16xf32>,
      %get3A_199 = arith.index_cast %add3A_188 : i32 to index
      %get3A_200 = arith.constant 16 : index
      %get3A_201 = tpu.vector_load %arg12[%get3A_199, %get3A_200] {strides = array<i32>} : memref<256x64xf32, #tpu.memory_space<vmem>>, vector<16xf32>,
      %mul3A_202 = arith.mulf %get3A_198, %get3A_201 : vector<16xf32>
      %add3A_203 = arith.addf %mul3A_195, %mul3A_202 : vector<16xf32>
      %get3A_204 = arith.index_cast %add3A_188 : i32 to index
      %get3A_205 = arith.constant 32 : index
      %get3A_206 = tpu.vector_load %arg11[%get3A_204, %get3A_205] {strides = array<i32>} : memref<256x64xf32, #tpu.memory_space<vmem>>, vector<16xf32>,
      %get3A_207 = arith.index_cast %add3A_188 : i32 to index
      %get3A_208 = arith.constant 32 : index
      %get3A_209 = tpu.vector_load %arg12[%get3A_207, %get3A_208] {strides = array<i32>} : memref<256x64xf32, #tpu.memory_space<vmem>>, vector<16xf32>,
      %mul3A_210 = arith.mulf %get3A_206, %get3A_209 : vector<16xf32>
      %add3A_211 = arith.addf %add3A_203, %mul3A_210 : vector<16xf32>
      %get3A_212 = arith.index_cast %add3A_188 : i32 to index
      %get3A_213 = arith.constant 48 : index
      %get3A_214 = tpu.vector_load %arg11[%get3A_212, %get3A_213] {strides = array<i32>} : memref<256x64xf32, #tpu.memory_space<vmem>>, vector<16xf32>,
      %get3A_215 = arith.index_cast %add3A_188 : i32 to index
      %get3A_216 = arith.constant 48 : index
      %get3A_217 = tpu.vector_load %arg12[%get3A_215, %get3A_216] {strides = array<i32>} : memref<256x64xf32, #tpu.memory_space<vmem>>, vector<16xf32>,
      %mul3A_218 = arith.mulf %get3A_214, %get3A_217 : vector<16xf32>
      %add3A_219 = arith.addf %add3A_211, %mul3A_218 : vector<16xf32>
      %eq3A_220 = arith.constant 3 : i32
      %eq3A_221 = vector.broadcast %eq3A_220 : i32 to vector<16xi32>
      %eq3A_222 = arith.cmpi eq, %iota3A, %eq3A_221 : vector<16xi32>
      %reduce_sum3A_223 = arith.constant true
      %reduce_sum3A_224 = vector.broadcast %reduce_sum3A_223 : i1 to vector<16xi1>
      %reduce_sum3A_225 = tpu.scan <sum>, %add3A_219 masked %reduce_sum3A_224 : vector<16xf32>, vector<16xi1> -> vector<16xf32>
      %reduce_sum3A_226 = vector.extract %reduce_sum3A_225[15] : f32 from vector<16xf32>
      %add3A_227 = vector.broadcast %reduce_sum3A_226 : f32 to vector<16xf32>
      %add3A_228 = arith.addf %add3A_227, %select_n3A_184 : vector<16xf32>
      %select_n3A_229 = arith.select %eq3A_222, %add3A_228, %select_n3A_184 : vector<16xi1>, vector<16xf32>
      %mul3A_230 = arith.constant 16 : i32
      %mul3A_231 = arith.muli %scan3A_44, %mul3A_230 : i32
      %add3A_232 = arith.constant 4 : i32
      %add3A_233 = arith.addi %mul3A_231, %add3A_232 : i32
      %get3A_234 = arith.index_cast %add3A_233 : i32 to index
      %get3A_235 = arith.constant 0 : index
      %get3A_236 = tpu.vector_load %arg11[%get3A_234, %get3A_235] {strides = array<i32>} : memref<256x64xf32, #tpu.memory_space<vmem>>, vector<16xf32>,
      %get3A_237 = arith.index_cast %add3A_233 : i32 to index
      %get3A_238 = arith.constant 0 : index
      %get3A_239 = tpu.vector_load %arg12[%get3A_237, %get3A_238] {strides = array<i32>} : memref<256x64xf32, #tpu.memory_space<vmem>>, vector<16xf32>,
      %mul3A_240 = arith.mulf %get3A_236, %get3A_239 : vector<16xf32>
      %get3A_241 = arith.index_cast %add3A_233 : i32 to index
      %get3A_242 = arith.constant 16 : index
      %get3A_243 = tpu.vector_load %arg11[%get3A_241, %get3A_242] {strides = array<i32>} : memref<256x64xf32, #tpu.memory_space<vmem>>, vector<16xf32>,
      %get3A_244 = arith.index_cast %add3A_233 : i32 to index
      %get3A_245 = arith.constant 16 : index
      %get3A_246 = tpu.vector_load %arg12[%get3A_244, %get3A_245] {strides = array<i32>} : memref<256x64xf32, #tpu.memory_space<vmem>>, vector<16xf32>,
      %mul3A_247 = arith.mulf %get3A_243, %get3A_246 : vector<16xf32>
      %add3A_248 = arith.addf %mul3A_240, %mul3A_247 : vector<16xf32>
      %get3A_249 = arith.index_cast %add3A_233 : i32 to index
      %get3A_250 = arith.constant 32 : index
      %get3A_251 = tpu.vector_load %arg11[%get3A_249, %get3A_250] {strides = array<i32>} : memref<256x64xf32, #tpu.memory_space<vmem>>, vector<16xf32>,
      %get3A_252 = arith.index_cast %add3A_233 : i32 to index
      %get3A_253 = arith.constant 32 : index
      %get3A_254 = tpu.vector_load %arg12[%get3A_252, %get3A_253] {strides = array<i32>} : memref<256x64xf32, #tpu.memory_space<vmem>>, vector<16xf32>,
      %mul3A_255 = arith.mulf %get3A_251, %get3A_254 : vector<16xf32>
      %add3A_256 = arith.addf %add3A_248, %mul3A_255 : vector<16xf32>
      %get3A_257 = arith.index_cast %add3A_233 : i32 to index
      %get3A_258 = arith.constant 48 : index
      %get3A_259 = tpu.vector_load %arg11[%get3A_257, %get3A_258] {strides = array<i32>} : memref<256x64xf32, #tpu.memory_space<vmem>>, vector<16xf32>,
      %get3A_260 = arith.index_cast %add3A_233 : i32 to index
      %get3A_261 = arith.constant 48 : index
      %get3A_262 = tpu.vector_load %arg12[%get3A_260, %get3A_261] {strides = array<i32>} : memref<256x64xf32, #tpu.memory_space<vmem>>, vector<16xf32>,
      %mul3A_263 = arith.mulf %get3A_259, %get3A_262 : vector<16xf32>
      %add3A_264 = arith.addf %add3A_256, %mul3A_263 : vector<16xf32>
      %eq3A_265 = arith.constant 4 : i32
      %eq3A_266 = vector.broadcast %eq3A_265 : i32 to vector<16xi32>
      %eq3A_267 = arith.cmpi eq, %iota3A, %eq3A_266 : vector<16xi32>
      %reduce_sum3A_268 = arith.constant true
      %reduce_sum3A_269 = vector.broadcast %reduce_sum3A_268 : i1 to vector<16xi1>
      %reduce_sum3A_270 = tpu.scan <sum>, %add3A_264 masked %reduce_sum3A_269 : vector<16xf32>, vector<16xi1> -> vector<16xf32>
      %reduce_sum3A_271 = vector.extract %reduce_sum3A_270[15] : f32 from vector<16xf32>
      %add3A_272 = vector.broadcast %reduce_sum3A_271 : f32 to vector<16xf32>
      %add3A_273 = arith.addf %add3A_272, %select_n3A_229 : vector<16xf32>
      %select_n3A_274 = arith.select %eq3A_267, %add3A_273, %select_n3A_229 : vector<16xi1>, vector<16xf32>
      %mul3A_275 = arith.constant 16 : i32
      %mul3A_276 = arith.muli %scan3A_44, %mul3A_275 : i32
      %add3A_277 = arith.constant 5 : i32
      %add3A_278 = arith.addi %mul3A_276, %add3A_277 : i32
      %get3A_279 = arith.index_cast %add3A_278 : i32 to index
      %get3A_280 = arith.constant 0 : index
      %get3A_281 = tpu.vector_load %arg11[%get3A_279, %get3A_280] {strides = array<i32>} : memref<256x64xf32, #tpu.memory_space<vmem>>, vector<16xf32>,
      %get3A_282 = arith.index_cast %add3A_278 : i32 to index
      %get3A_283 = arith.constant 0 : index
      %get3A_284 = tpu.vector_load %arg12[%get3A_282, %get3A_283] {strides = array<i32>} : memref<256x64xf32, #tpu.memory_space<vmem>>, vector<16xf32>,
      %mul3A_285 = arith.mulf %get3A_281, %get3A_284 : vector<16xf32>
      %get3A_286 = arith.index_cast %add3A_278 : i32 to index
      %get3A_287 = arith.constant 16 : index
      %get3A_288 = tpu.vector_load %arg11[%get3A_286, %get3A_287] {strides = array<i32>} : memref<256x64xf32, #tpu.memory_space<vmem>>, vector<16xf32>,
      %get3A_289 = arith.index_cast %add3A_278 : i32 to index
      %get3A_290 = arith.constant 16 : index
      %get3A_291 = tpu.vector_load %arg12[%get3A_289, %get3A_290] {strides = array<i32>} : memref<256x64xf32, #tpu.memory_space<vmem>>, vector<16xf32>,
      %mul3A_292 = arith.mulf %get3A_288, %get3A_291 : vector<16xf32>
      %add3A_293 = arith.addf %mul3A_285, %mul3A_292 : vector<16xf32>
      %get3A_294 = arith.index_cast %add3A_278 : i32 to index
      %get3A_295 = arith.constant 32 : index
      %get3A_296 = tpu.vector_load %arg11[%get3A_294, %get3A_295] {strides = array<i32>} : memref<256x64xf32, #tpu.memory_space<vmem>>, vector<16xf32>,
      %get3A_297 = arith.index_cast %add3A_278 : i32 to index
      %get3A_298 = arith.constant 32 : index
      %get3A_299 = tpu.vector_load %arg12[%get3A_297, %get3A_298] {strides = array<i32>} : memref<256x64xf32, #tpu.memory_space<vmem>>, vector<16xf32>,
      %mul3A_300 = arith.mulf %get3A_296, %get3A_299 : vector<16xf32>
      %add3A_301 = arith.addf %add3A_293, %mul3A_300 : vector<16xf32>
      %get3A_302 = arith.index_cast %add3A_278 : i32 to index
      %get3A_303 = arith.constant 48 : index
      %get3A_304 = tpu.vector_load %arg11[%get3A_302, %get3A_303] {strides = array<i32>} : memref<256x64xf32, #tpu.memory_space<vmem>>, vector<16xf32>,
      %get3A_305 = arith.index_cast %add3A_278 : i32 to index
      %get3A_306 = arith.constant 48 : index
      %get3A_307 = tpu.vector_load %arg12[%get3A_305, %get3A_306] {strides = array<i32>} : memref<256x64xf32, #tpu.memory_space<vmem>>, vector<16xf32>,
      %mul3A_308 = arith.mulf %get3A_304, %get3A_307 : vector<16xf32>
      %add3A_309 = arith.addf %add3A_301, %mul3A_308 : vector<16xf32>
      %eq3A_310 = arith.constant 5 : i32
      %eq3A_311 = vector.broadcast %eq3A_310 : i32 to vector<16xi32>
      %eq3A_312 = arith.cmpi eq, %iota3A, %eq3A_311 : vector<16xi32>
      %reduce_sum3A_313 = arith.constant true
      %reduce_sum3A_314 = vector.broadcast %reduce_sum3A_313 : i1 to vector<16xi1>
      %reduce_sum3A_315 = tpu.scan <sum>, %add3A_309 masked %reduce_sum3A_314 : vector<16xf32>, vector<16xi1> -> vector<16xf32>
      %reduce_sum3A_316 = vector.extract %reduce_sum3A_315[15] : f32 from vector<16xf32>
      %add3A_317 = vector.broadcast %reduce_sum3A_316 : f32 to vector<16xf32>
      %add3A_318 = arith.addf %add3A_317, %select_n3A_274 : vector<16xf32>
      %select_n3A_319 = arith.select %eq3A_312, %add3A_318, %select_n3A_274 : vector<16xi1>, vector<16xf32>
      %mul3A_320 = arith.constant 16 : i32
      %mul3A_321 = arith.muli %scan3A_44, %mul3A_320 : i32
      %add3A_322 = arith.constant 6 : i32
      %add3A_323 = arith.addi %mul3A_321, %add3A_322 : i32
      %get3A_324 = arith.index_cast %add3A_323 : i32 to index
      %get3A_325 = arith.constant 0 : index
      %get3A_326 = tpu.vector_load %arg11[%get3A_324, %get3A_325] {strides = array<i32>} : memref<256x64xf32, #tpu.memory_space<vmem>>, vector<16xf32>,
      %get3A_327 = arith.index_cast %add3A_323 : i32 to index
      %get3A_328 = arith.constant 0 : index
      %get3A_329 = tpu.vector_load %arg12[%get3A_327, %get3A_328] {strides = array<i32>} : memref<256x64xf32, #tpu.memory_space<vmem>>, vector<16xf32>,
      %mul3A_330 = arith.mulf %get3A_326, %get3A_329 : vector<16xf32>
      %get3A_331 = arith.index_cast %add3A_323 : i32 to index
      %get3A_332 = arith.constant 16 : index
      %get3A_333 = tpu.vector_load %arg11[%get3A_331, %get3A_332] {strides = array<i32>} : memref<256x64xf32, #tpu.memory_space<vmem>>, vector<16xf32>,
      %get3A_334 = arith.index_cast %add3A_323 : i32 to index
      %get3A_335 = arith.constant 16 : index
      %get3A_336 = tpu.vector_load %arg12[%get3A_334, %get3A_335] {strides = array<i32>} : memref<256x64xf32, #tpu.memory_space<vmem>>, vector<16xf32>,
      %mul3A_337 = arith.mulf %get3A_333, %get3A_336 : vector<16xf32>
      %add3A_338 = arith.addf %mul3A_330, %mul3A_337 : vector<16xf32>
      %get3A_339 = arith.index_cast %add3A_323 : i32 to index
      %get3A_340 = arith.constant 32 : index
      %get3A_341 = tpu.vector_load %arg11[%get3A_339, %get3A_340] {strides = array<i32>} : memref<256x64xf32, #tpu.memory_space<vmem>>, vector<16xf32>,
      %get3A_342 = arith.index_cast %add3A_323 : i32 to index
      %get3A_343 = arith.constant 32 : index
      %get3A_344 = tpu.vector_load %arg12[%get3A_342, %get3A_343] {strides = array<i32>} : memref<256x64xf32, #tpu.memory_space<vmem>>, vector<16xf32>,
      %mul3A_345 = arith.mulf %get3A_341, %get3A_344 : vector<16xf32>
      %add3A_346 = arith.addf %add3A_338, %mul3A_345 : vector<16xf32>
      %get3A_347 = arith.index_cast %add3A_323 : i32 to index
      %get3A_348 = arith.constant 48 : index
      %get3A_349 = tpu.vector_load %arg11[%get3A_347, %get3A_348] {strides = array<i32>} : memref<256x64xf32, #tpu.memory_space<vmem>>, vector<16xf32>,
      %get3A_350 = arith.index_cast %add3A_323 : i32 to index
      %get3A_351 = arith.constant 48 : index
      %get3A_352 = tpu.vector_load %arg12[%get3A_350, %get3A_351] {strides = array<i32>} : memref<256x64xf32, #tpu.memory_space<vmem>>, vector<16xf32>,
      %mul3A_353 = arith.mulf %get3A_349, %get3A_352 : vector<16xf32>
      %add3A_354 = arith.addf %add3A_346, %mul3A_353 : vector<16xf32>
      %eq3A_355 = arith.constant 6 : i32
      %eq3A_356 = vector.broadcast %eq3A_355 : i32 to vector<16xi32>
      %eq3A_357 = arith.cmpi eq, %iota3A, %eq3A_356 : vector<16xi32>
      %reduce_sum3A_358 = arith.constant true
      %reduce_sum3A_359 = vector.broadcast %reduce_sum3A_358 : i1 to vector<16xi1>
      %reduce_sum3A_360 = tpu.scan <sum>, %add3A_354 masked %reduce_sum3A_359 : vector<16xf32>, vector<16xi1> -> vector<16xf32>
      %reduce_sum3A_361 = vector.extract %reduce_sum3A_360[15] : f32 from vector<16xf32>
      %add3A_362 = vector.broadcast %reduce_sum3A_361 : f32 to vector<16xf32>
      %add3A_363 = arith.addf %add3A_362, %select_n3A_319 : vector<16xf32>
      %select_n3A_364 = arith.select %eq3A_357, %add3A_363, %select_n3A_319 : vector<16xi1>, vector<16xf32>
      %mul3A_365 = arith.constant 16 : i32
      %mul3A_366 = arith.muli %scan3A_44, %mul3A_365 : i32
      %add3A_367 = arith.constant 7 : i32
      %add3A_368 = arith.addi %mul3A_366, %add3A_367 : i32
      %get3A_369 = arith.index_cast %add3A_368 : i32 to index
      %get3A_370 = arith.constant 0 : index
      %get3A_371 = tpu.vector_load %arg11[%get3A_369, %get3A_370] {strides = array<i32>} : memref<256x64xf32, #tpu.memory_space<vmem>>, vector<16xf32>,
      %get3A_372 = arith.index_cast %add3A_368 : i32 to index
      %get3A_373 = arith.constant 0 : index
      %get3A_374 = tpu.vector_load %arg12[%get3A_372, %get3A_373] {strides = array<i32>} : memref<256x64xf32, #tpu.memory_space<vmem>>, vector<16xf32>,
      %mul3A_375 = arith.mulf %get3A_371, %get3A_374 : vector<16xf32>
      %get3A_376 = arith.index_cast %add3A_368 : i32 to index
      %get3A_377 = arith.constant 16 : index
      %get3A_378 = tpu.vector_load %arg11[%get3A_376, %get3A_377] {strides = array<i32>} : memref<256x64xf32, #tpu.memory_space<vmem>>, vector<16xf32>,
      %get3A_379 = arith.index_cast %add3A_368 : i32 to index
      %get3A_380 = arith.constant 16 : index
      %get3A_381 = tpu.vector_load %arg12[%get3A_379, %get3A_380] {strides = array<i32>} : memref<256x64xf32, #tpu.memory_space<vmem>>, vector<16xf32>,
      %mul3A_382 = arith.mulf %get3A_378, %get3A_381 : vector<16xf32>
      %add3A_383 = arith.addf %mul3A_375, %mul3A_382 : vector<16xf32>
      %get3A_384 = arith.index_cast %add3A_368 : i32 to index
      %get3A_385 = arith.constant 32 : index
      %get3A_386 = tpu.vector_load %arg11[%get3A_384, %get3A_385] {strides = array<i32>} : memref<256x64xf32, #tpu.memory_space<vmem>>, vector<16xf32>,
      %get3A_387 = arith.index_cast %add3A_368 : i32 to index
      %get3A_388 = arith.constant 32 : index
      %get3A_389 = tpu.vector_load %arg12[%get3A_387, %get3A_388] {strides = array<i32>} : memref<256x64xf32, #tpu.memory_space<vmem>>, vector<16xf32>,
      %mul3A_390 = arith.mulf %get3A_386, %get3A_389 : vector<16xf32>
      %add3A_391 = arith.addf %add3A_383, %mul3A_390 : vector<16xf32>
      %get3A_392 = arith.index_cast %add3A_368 : i32 to index
      %get3A_393 = arith.constant 48 : index
      %get3A_394 = tpu.vector_load %arg11[%get3A_392, %get3A_393] {strides = array<i32>} : memref<256x64xf32, #tpu.memory_space<vmem>>, vector<16xf32>,
      %get3A_395 = arith.index_cast %add3A_368 : i32 to index
      %get3A_396 = arith.constant 48 : index
      %get3A_397 = tpu.vector_load %arg12[%get3A_395, %get3A_396] {strides = array<i32>} : memref<256x64xf32, #tpu.memory_space<vmem>>, vector<16xf32>,
      %mul3A_398 = arith.mulf %get3A_394, %get3A_397 : vector<16xf32>
      %add3A_399 = arith.addf %add3A_391, %mul3A_398 : vector<16xf32>
      %eq3A_400 = arith.constant 7 : i32
      %eq3A_401 = vector.broadcast %eq3A_400 : i32 to vector<16xi32>
      %eq3A_402 = arith.cmpi eq, %iota3A, %eq3A_401 : vector<16xi32>
      %reduce_sum3A_403 = arith.constant true
      %reduce_sum3A_404 = vector.broadcast %reduce_sum3A_403 : i1 to vector<16xi1>
      %reduce_sum3A_405 = tpu.scan <sum>, %add3A_399 masked %reduce_sum3A_404 : vector<16xf32>, vector<16xi1> -> vector<16xf32>
      %reduce_sum3A_406 = vector.extract %reduce_sum3A_405[15] : f32 from vector<16xf32>
      %add3A_407 = vector.broadcast %reduce_sum3A_406 : f32 to vector<16xf32>
      %add3A_408 = arith.addf %add3A_407, %select_n3A_364 : vector<16xf32>
      %select_n3A_409 = arith.select %eq3A_402, %add3A_408, %select_n3A_364 : vector<16xi1>, vector<16xf32>
      %mul3A_410 = arith.constant 16 : i32
      %mul3A_411 = arith.muli %scan3A_44, %mul3A_410 : i32
      %add3A_412 = arith.constant 8 : i32
      %add3A_413 = arith.addi %mul3A_411, %add3A_412 : i32
      %get3A_414 = arith.index_cast %add3A_413 : i32 to index
      %get3A_415 = arith.constant 0 : index
      %get3A_416 = tpu.vector_load %arg11[%get3A_414, %get3A_415] {strides = array<i32>} : memref<256x64xf32, #tpu.memory_space<vmem>>, vector<16xf32>,
      %get3A_417 = arith.index_cast %add3A_413 : i32 to index
      %get3A_418 = arith.constant 0 : index
      %get3A_419 = tpu.vector_load %arg12[%get3A_417, %get3A_418] {strides = array<i32>} : memref<256x64xf32, #tpu.memory_space<vmem>>, vector<16xf32>,
      %mul3A_420 = arith.mulf %get3A_416, %get3A_419 : vector<16xf32>
      %get3A_421 = arith.index_cast %add3A_413 : i32 to index
      %get3A_422 = arith.constant 16 : index
      %get3A_423 = tpu.vector_load %arg11[%get3A_421, %get3A_422] {strides = array<i32>} : memref<256x64xf32, #tpu.memory_space<vmem>>, vector<16xf32>,
      %get3A_424 = arith.index_cast %add3A_413 : i32 to index
      %get3A_425 = arith.constant 16 : index
      %get3A_426 = tpu.vector_load %arg12[%get3A_424, %get3A_425] {strides = array<i32>} : memref<256x64xf32, #tpu.memory_space<vmem>>, vector<16xf32>,
      %mul3A_427 = arith.mulf %get3A_423, %get3A_426 : vector<16xf32>
      %add3A_428 = arith.addf %mul3A_420, %mul3A_427 : vector<16xf32>
      %get3A_429 = arith.index_cast %add3A_413 : i32 to index
      %get3A_430 = arith.constant 32 : index
      %get3A_431 = tpu.vector_load %arg11[%get3A_429, %get3A_430] {strides = array<i32>} : memref<256x64xf32, #tpu.memory_space<vmem>>, vector<16xf32>,
      %get3A_432 = arith.index_cast %add3A_413 : i32 to index
      %get3A_433 = arith.constant 32 : index
      %get3A_434 = tpu.vector_load %arg12[%get3A_432, %get3A_433] {strides = array<i32>} : memref<256x64xf32, #tpu.memory_space<vmem>>, vector<16xf32>,
      %mul3A_435 = arith.mulf %get3A_431, %get3A_434 : vector<16xf32>
      %add3A_436 = arith.addf %add3A_428, %mul3A_435 : vector<16xf32>
      %get3A_437 = arith.index_cast %add3A_413 : i32 to index
      %get3A_438 = arith.constant 48 : index
      %get3A_439 = tpu.vector_load %arg11[%get3A_437, %get3A_438] {strides = array<i32>} : memref<256x64xf32, #tpu.memory_space<vmem>>, vector<16xf32>,
      %get3A_440 = arith.index_cast %add3A_413 : i32 to index
      %get3A_441 = arith.constant 48 : index
      %get3A_442 = tpu.vector_load %arg12[%get3A_440, %get3A_441] {strides = array<i32>} : memref<256x64xf32, #tpu.memory_space<vmem>>, vector<16xf32>,
      %mul3A_443 = arith.mulf %get3A_439, %get3A_442 : vector<16xf32>
      %add3A_444 = arith.addf %add3A_436, %mul3A_443 : vector<16xf32>
      %eq3A_445 = arith.constant 8 : i32
      %eq3A_446 = vector.broadcast %eq3A_445 : i32 to vector<16xi32>
      %eq3A_447 = arith.cmpi eq, %iota3A, %eq3A_446 : vector<16xi32>
      %reduce_sum3A_448 = arith.constant true
      %reduce_sum3A_449 = vector.broadcast %reduce_sum3A_448 : i1 to vector<16xi1>
      %reduce_sum3A_450 = tpu.scan <sum>, %add3A_444 masked %reduce_sum3A_449 : vector<16xf32>, vector<16xi1> -> vector<16xf32>
      %reduce_sum3A_451 = vector.extract %reduce_sum3A_450[15] : f32 from vector<16xf32>
      %add3A_452 = vector.broadcast %reduce_sum3A_451 : f32 to vector<16xf32>
      %add3A_453 = arith.addf %add3A_452, %select_n3A_409 : vector<16xf32>
      %select_n3A_454 = arith.select %eq3A_447, %add3A_453, %select_n3A_409 : vector<16xi1>, vector<16xf32>
      %mul3A_455 = arith.constant 16 : i32
      %mul3A_456 = arith.muli %scan3A_44, %mul3A_455 : i32
      %add3A_457 = arith.constant 9 : i32
      %add3A_458 = arith.addi %mul3A_456, %add3A_457 : i32
      %get3A_459 = arith.index_cast %add3A_458 : i32 to index
      %get3A_460 = arith.constant 0 : index
      %get3A_461 = tpu.vector_load %arg11[%get3A_459, %get3A_460] {strides = array<i32>} : memref<256x64xf32, #tpu.memory_space<vmem>>, vector<16xf32>,
      %get3A_462 = arith.index_cast %add3A_458 : i32 to index
      %get3A_463 = arith.constant 0 : index
      %get3A_464 = tpu.vector_load %arg12[%get3A_462, %get3A_463] {strides = array<i32>} : memref<256x64xf32, #tpu.memory_space<vmem>>, vector<16xf32>,
      %mul3A_465 = arith.mulf %get3A_461, %get3A_464 : vector<16xf32>
      %get3A_466 = arith.index_cast %add3A_458 : i32 to index
      %get3A_467 = arith.constant 16 : index
      %get3A_468 = tpu.vector_load %arg11[%get3A_466, %get3A_467] {strides = array<i32>} : memref<256x64xf32, #tpu.memory_space<vmem>>, vector<16xf32>,
      %get3A_469 = arith.index_cast %add3A_458 : i32 to index
      %get3A_470 = arith.constant 16 : index
      %get3A_471 = tpu.vector_load %arg12[%get3A_469, %get3A_470] {strides = array<i32>} : memref<256x64xf32, #tpu.memory_space<vmem>>, vector<16xf32>,
      %mul3A_472 = arith.mulf %get3A_468, %get3A_471 : vector<16xf32>
      %add3A_473 = arith.addf %mul3A_465, %mul3A_472 : vector<16xf32>
      %get3A_474 = arith.index_cast %add3A_458 : i32 to index
      %get3A_475 = arith.constant 32 : index
      %get3A_476 = tpu.vector_load %arg11[%get3A_474, %get3A_475] {strides = array<i32>} : memref<256x64xf32, #tpu.memory_space<vmem>>, vector<16xf32>,
      %get3A_477 = arith.index_cast %add3A_458 : i32 to index
      %get3A_478 = arith.constant 32 : index
      %get3A_479 = tpu.vector_load %arg12[%get3A_477, %get3A_478] {strides = array<i32>} : memref<256x64xf32, #tpu.memory_space<vmem>>, vector<16xf32>,
      %mul3A_480 = arith.mulf %get3A_476, %get3A_479 : vector<16xf32>
      %add3A_481 = arith.addf %add3A_473, %mul3A_480 : vector<16xf32>
      %get3A_482 = arith.index_cast %add3A_458 : i32 to index
      %get3A_483 = arith.constant 48 : index
      %get3A_484 = tpu.vector_load %arg11[%get3A_482, %get3A_483] {strides = array<i32>} : memref<256x64xf32, #tpu.memory_space<vmem>>, vector<16xf32>,
      %get3A_485 = arith.index_cast %add3A_458 : i32 to index
      %get3A_486 = arith.constant 48 : index
      %get3A_487 = tpu.vector_load %arg12[%get3A_485, %get3A_486] {strides = array<i32>} : memref<256x64xf32, #tpu.memory_space<vmem>>, vector<16xf32>,
      %mul3A_488 = arith.mulf %get3A_484, %get3A_487 : vector<16xf32>
      %add3A_489 = arith.addf %add3A_481, %mul3A_488 : vector<16xf32>
      %eq3A_490 = arith.constant 9 : i32
      %eq3A_491 = vector.broadcast %eq3A_490 : i32 to vector<16xi32>
      %eq3A_492 = arith.cmpi eq, %iota3A, %eq3A_491 : vector<16xi32>
      %reduce_sum3A_493 = arith.constant true
      %reduce_sum3A_494 = vector.broadcast %reduce_sum3A_493 : i1 to vector<16xi1>
      %reduce_sum3A_495 = tpu.scan <sum>, %add3A_489 masked %reduce_sum3A_494 : vector<16xf32>, vector<16xi1> -> vector<16xf32>
      %reduce_sum3A_496 = vector.extract %reduce_sum3A_495[15] : f32 from vector<16xf32>
      %add3A_497 = vector.broadcast %reduce_sum3A_496 : f32 to vector<16xf32>
      %add3A_498 = arith.addf %add3A_497, %select_n3A_454 : vector<16xf32>
      %select_n3A_499 = arith.select %eq3A_492, %add3A_498, %select_n3A_454 : vector<16xi1>, vector<16xf32>
      %mul3A_500 = arith.constant 16 : i32
      %mul3A_501 = arith.muli %scan3A_44, %mul3A_500 : i32
      %add3A_502 = arith.constant 10 : i32
      %add3A_503 = arith.addi %mul3A_501, %add3A_502 : i32
      %get3A_504 = arith.index_cast %add3A_503 : i32 to index
      %get3A_505 = arith.constant 0 : index
      %get3A_506 = tpu.vector_load %arg11[%get3A_504, %get3A_505] {strides = array<i32>} : memref<256x64xf32, #tpu.memory_space<vmem>>, vector<16xf32>,
      %get3A_507 = arith.index_cast %add3A_503 : i32 to index
      %get3A_508 = arith.constant 0 : index
      %get3A_509 = tpu.vector_load %arg12[%get3A_507, %get3A_508] {strides = array<i32>} : memref<256x64xf32, #tpu.memory_space<vmem>>, vector<16xf32>,
      %mul3A_510 = arith.mulf %get3A_506, %get3A_509 : vector<16xf32>
      %get3A_511 = arith.index_cast %add3A_503 : i32 to index
      %get3A_512 = arith.constant 16 : index
      %get3A_513 = tpu.vector_load %arg11[%get3A_511, %get3A_512] {strides = array<i32>} : memref<256x64xf32, #tpu.memory_space<vmem>>, vector<16xf32>,
      %get3A_514 = arith.index_cast %add3A_503 : i32 to index
      %get3A_515 = arith.constant 16 : index
      %get3A_516 = tpu.vector_load %arg12[%get3A_514, %get3A_515] {strides = array<i32>} : memref<256x64xf32, #tpu.memory_space<vmem>>, vector<16xf32>,
      %mul3A_517 = arith.mulf %get3A_513, %get3A_516 : vector<16xf32>
      %add3A_518 = arith.addf %mul3A_510, %mul3A_517 : vector<16xf32>
      %get3A_519 = arith.index_cast %add3A_503 : i32 to index
      %get3A_520 = arith.constant 32 : index
      %get3A_521 = tpu.vector_load %arg11[%get3A_519, %get3A_520] {strides = array<i32>} : memref<256x64xf32, #tpu.memory_space<vmem>>, vector<16xf32>,
      %get3A_522 = arith.index_cast %add3A_503 : i32 to index
      %get3A_523 = arith.constant 32 : index
      %get3A_524 = tpu.vector_load %arg12[%get3A_522, %get3A_523] {strides = array<i32>} : memref<256x64xf32, #tpu.memory_space<vmem>>, vector<16xf32>,
      %mul3A_525 = arith.mulf %get3A_521, %get3A_524 : vector<16xf32>
      %add3A_526 = arith.addf %add3A_518, %mul3A_525 : vector<16xf32>
      %get3A_527 = arith.index_cast %add3A_503 : i32 to index
      %get3A_528 = arith.constant 48 : index
      %get3A_529 = tpu.vector_load %arg11[%get3A_527, %get3A_528] {strides = array<i32>} : memref<256x64xf32, #tpu.memory_space<vmem>>, vector<16xf32>,
      %get3A_530 = arith.index_cast %add3A_503 : i32 to index
      %get3A_531 = arith.constant 48 : index
      %get3A_532 = tpu.vector_load %arg12[%get3A_530, %get3A_531] {strides = array<i32>} : memref<256x64xf32, #tpu.memory_space<vmem>>, vector<16xf32>,
      %mul3A_533 = arith.mulf %get3A_529, %get3A_532 : vector<16xf32>
      %add3A_534 = arith.addf %add3A_526, %mul3A_533 : vector<16xf32>
      %eq3A_535 = arith.constant 10 : i32
      %eq3A_536 = vector.broadcast %eq3A_535 : i32 to vector<16xi32>
      %eq3A_537 = arith.cmpi eq, %iota3A, %eq3A_536 : vector<16xi32>
      %reduce_sum3A_538 = arith.constant true
      %reduce_sum3A_539 = vector.broadcast %reduce_sum3A_538 : i1 to vector<16xi1>
      %reduce_sum3A_540 = tpu.scan <sum>, %add3A_534 masked %reduce_sum3A_539 : vector<16xf32>, vector<16xi1> -> vector<16xf32>
      %reduce_sum3A_541 = vector.extract %reduce_sum3A_540[15] : f32 from vector<16xf32>
      %add3A_542 = vector.broadcast %reduce_sum3A_541 : f32 to vector<16xf32>
      %add3A_543 = arith.addf %add3A_542, %select_n3A_499 : vector<16xf32>
      %select_n3A_544 = arith.select %eq3A_537, %add3A_543, %select_n3A_499 : vector<16xi1>, vector<16xf32>
      %mul3A_545 = arith.constant 16 : i32
      %mul3A_546 = arith.muli %scan3A_44, %mul3A_545 : i32
      %add3A_547 = arith.constant 11 : i32
      %add3A_548 = arith.addi %mul3A_546, %add3A_547 : i32
      %get3A_549 = arith.index_cast %add3A_548 : i32 to index
      %get3A_550 = arith.constant 0 : index
      %get3A_551 = tpu.vector_load %arg11[%get3A_549, %get3A_550] {strides = array<i32>} : memref<256x64xf32, #tpu.memory_space<vmem>>, vector<16xf32>,
      %get3A_552 = arith.index_cast %add3A_548 : i32 to index
      %get3A_553 = arith.constant 0 : index
      %get3A_554 = tpu.vector_load %arg12[%get3A_552, %get3A_553] {strides = array<i32>} : memref<256x64xf32, #tpu.memory_space<vmem>>, vector<16xf32>,
      %mul3A_555 = arith.mulf %get3A_551, %get3A_554 : vector<16xf32>
      %get3A_556 = arith.index_cast %add3A_548 : i32 to index
      %get3A_557 = arith.constant 16 : index
      %get3A_558 = tpu.vector_load %arg11[%get3A_556, %get3A_557] {strides = array<i32>} : memref<256x64xf32, #tpu.memory_space<vmem>>, vector<16xf32>,
      %get3A_559 = arith.index_cast %add3A_548 : i32 to index
      %get3A_560 = arith.constant 16 : index
      %get3A_561 = tpu.vector_load %arg12[%get3A_559, %get3A_560] {strides = array<i32>} : memref<256x64xf32, #tpu.memory_space<vmem>>, vector<16xf32>,
      %mul3A_562 = arith.mulf %get3A_558, %get3A_561 : vector<16xf32>
      %add3A_563 = arith.addf %mul3A_555, %mul3A_562 : vector<16xf32>
      %get3A_564 = arith.index_cast %add3A_548 : i32 to index
      %get3A_565 = arith.constant 32 : index
      %get3A_566 = tpu.vector_load %arg11[%get3A_564, %get3A_565] {strides = array<i32>} : memref<256x64xf32, #tpu.memory_space<vmem>>, vector<16xf32>,
      %get3A_567 = arith.index_cast %add3A_548 : i32 to index
      %get3A_568 = arith.constant 32 : index
      %get3A_569 = tpu.vector_load %arg12[%get3A_567, %get3A_568] {strides = array<i32>} : memref<256x64xf32, #tpu.memory_space<vmem>>, vector<16xf32>,
      %mul3A_570 = arith.mulf %get3A_566, %get3A_569 : vector<16xf32>
      %add3A_571 = arith.addf %add3A_563, %mul3A_570 : vector<16xf32>
      %get3A_572 = arith.index_cast %add3A_548 : i32 to index
      %get3A_573 = arith.constant 48 : index
      %get3A_574 = tpu.vector_load %arg11[%get3A_572, %get3A_573] {strides = array<i32>} : memref<256x64xf32, #tpu.memory_space<vmem>>, vector<16xf32>,
      %get3A_575 = arith.index_cast %add3A_548 : i32 to index
      %get3A_576 = arith.constant 48 : index
      %get3A_577 = tpu.vector_load %arg12[%get3A_575, %get3A_576] {strides = array<i32>} : memref<256x64xf32, #tpu.memory_space<vmem>>, vector<16xf32>,
      %mul3A_578 = arith.mulf %get3A_574, %get3A_577 : vector<16xf32>
      %add3A_579 = arith.addf %add3A_571, %mul3A_578 : vector<16xf32>
      %eq3A_580 = arith.constant 11 : i32
      %eq3A_581 = vector.broadcast %eq3A_580 : i32 to vector<16xi32>
      %eq3A_582 = arith.cmpi eq, %iota3A, %eq3A_581 : vector<16xi32>
      %reduce_sum3A_583 = arith.constant true
      %reduce_sum3A_584 = vector.broadcast %reduce_sum3A_583 : i1 to vector<16xi1>
      %reduce_sum3A_585 = tpu.scan <sum>, %add3A_579 masked %reduce_sum3A_584 : vector<16xf32>, vector<16xi1> -> vector<16xf32>
      %reduce_sum3A_586 = vector.extract %reduce_sum3A_585[15] : f32 from vector<16xf32>
      %add3A_587 = vector.broadcast %reduce_sum3A_586 : f32 to vector<16xf32>
      %add3A_588 = arith.addf %add3A_587, %select_n3A_544 : vector<16xf32>
      %select_n3A_589 = arith.select %eq3A_582, %add3A_588, %select_n3A_544 : vector<16xi1>, vector<16xf32>
      %mul3A_590 = arith.constant 16 : i32
      %mul3A_591 = arith.muli %scan3A_44, %mul3A_590 : i32
      %add3A_592 = arith.constant 12 : i32
      %add3A_593 = arith.addi %mul3A_591, %add3A_592 : i32
      %get3A_594 = arith.index_cast %add3A_593 : i32 to index
      %get3A_595 = arith.constant 0 : index
      %get3A_596 = tpu.vector_load %arg11[%get3A_594, %get3A_595] {strides = array<i32>} : memref<256x64xf32, #tpu.memory_space<vmem>>, vector<16xf32>,
      %get3A_597 = arith.index_cast %add3A_593 : i32 to index
      %get3A_598 = arith.constant 0 : index
      %get3A_599 = tpu.vector_load %arg12[%get3A_597, %get3A_598] {strides = array<i32>} : memref<256x64xf32, #tpu.memory_space<vmem>>, vector<16xf32>,
      %mul3A_600 = arith.mulf %get3A_596, %get3A_599 : vector<16xf32>
      %get3A_601 = arith.index_cast %add3A_593 : i32 to index
      %get3A_602 = arith.constant 16 : index
      %get3A_603 = tpu.vector_load %arg11[%get3A_601, %get3A_602] {strides = array<i32>} : memref<256x64xf32, #tpu.memory_space<vmem>>, vector<16xf32>,
      %get3A_604 = arith.index_cast %add3A_593 : i32 to index
      %get3A_605 = arith.constant 16 : index
      %get3A_606 = tpu.vector_load %arg12[%get3A_604, %get3A_605] {strides = array<i32>} : memref<256x64xf32, #tpu.memory_space<vmem>>, vector<16xf32>,
      %mul3A_607 = arith.mulf %get3A_603, %get3A_606 : vector<16xf32>
      %add3A_608 = arith.addf %mul3A_600, %mul3A_607 : vector<16xf32>
      %get3A_609 = arith.index_cast %add3A_593 : i32 to index
      %get3A_610 = arith.constant 32 : index
      %get3A_611 = tpu.vector_load %arg11[%get3A_609, %get3A_610] {strides = array<i32>} : memref<256x64xf32, #tpu.memory_space<vmem>>, vector<16xf32>,
      %get3A_612 = arith.index_cast %add3A_593 : i32 to index
      %get3A_613 = arith.constant 32 : index
      %get3A_614 = tpu.vector_load %arg12[%get3A_612, %get3A_613] {strides = array<i32>} : memref<256x64xf32, #tpu.memory_space<vmem>>, vector<16xf32>,
      %mul3A_615 = arith.mulf %get3A_611, %get3A_614 : vector<16xf32>
      %add3A_616 = arith.addf %add3A_608, %mul3A_615 : vector<16xf32>
      %get3A_617 = arith.index_cast %add3A_593 : i32 to index
      %get3A_618 = arith.constant 48 : index
      %get3A_619 = tpu.vector_load %arg11[%get3A_617, %get3A_618] {strides = array<i32>} : memref<256x64xf32, #tpu.memory_space<vmem>>, vector<16xf32>,
      %get3A_620 = arith.index_cast %add3A_593 : i32 to index
      %get3A_621 = arith.constant 48 : index
      %get3A_622 = tpu.vector_load %arg12[%get3A_620, %get3A_621] {strides = array<i32>} : memref<256x64xf32, #tpu.memory_space<vmem>>, vector<16xf32>,
      %mul3A_623 = arith.mulf %get3A_619, %get3A_622 : vector<16xf32>
      %add3A_624 = arith.addf %add3A_616, %mul3A_623 : vector<16xf32>
      %eq3A_625 = arith.constant 12 : i32
      %eq3A_626 = vector.broadcast %eq3A_625 : i32 to vector<16xi32>
      %eq3A_627 = arith.cmpi eq, %iota3A, %eq3A_626 : vector<16xi32>
      %reduce_sum3A_628 = arith.constant true
      %reduce_sum3A_629 = vector.broadcast %reduce_sum3A_628 : i1 to vector<16xi1>
      %reduce_sum3A_630 = tpu.scan <sum>, %add3A_624 masked %reduce_sum3A_629 : vector<16xf32>, vector<16xi1> -> vector<16xf32>
      %reduce_sum3A_631 = vector.extract %reduce_sum3A_630[15] : f32 from vector<16xf32>
      %add3A_632 = vector.broadcast %reduce_sum3A_631 : f32 to vector<16xf32>
      %add3A_633 = arith.addf %add3A_632, %select_n3A_589 : vector<16xf32>
      %select_n3A_634 = arith.select %eq3A_627, %add3A_633, %select_n3A_589 : vector<16xi1>, vector<16xf32>
      %mul3A_635 = arith.constant 16 : i32
      %mul3A_636 = arith.muli %scan3A_44, %mul3A_635 : i32
      %add3A_637 = arith.constant 13 : i32
      %add3A_638 = arith.addi %mul3A_636, %add3A_637 : i32
      %get3A_639 = arith.index_cast %add3A_638 : i32 to index
      %get3A_640 = arith.constant 0 : index
      %get3A_641 = tpu.vector_load %arg11[%get3A_639, %get3A_640] {strides = array<i32>} : memref<256x64xf32, #tpu.memory_space<vmem>>, vector<16xf32>,
      %get3A_642 = arith.index_cast %add3A_638 : i32 to index
      %get3A_643 = arith.constant 0 : index
      %get3A_644 = tpu.vector_load %arg12[%get3A_642, %get3A_643] {strides = array<i32>} : memref<256x64xf32, #tpu.memory_space<vmem>>, vector<16xf32>,
      %mul3A_645 = arith.mulf %get3A_641, %get3A_644 : vector<16xf32>
      %get3A_646 = arith.index_cast %add3A_638 : i32 to index
      %get3A_647 = arith.constant 16 : index
      %get3A_648 = tpu.vector_load %arg11[%get3A_646, %get3A_647] {strides = array<i32>} : memref<256x64xf32, #tpu.memory_space<vmem>>, vector<16xf32>,
      %get3A_649 = arith.index_cast %add3A_638 : i32 to index
      %get3A_650 = arith.constant 16 : index
      %get3A_651 = tpu.vector_load %arg12[%get3A_649, %get3A_650] {strides = array<i32>} : memref<256x64xf32, #tpu.memory_space<vmem>>, vector<16xf32>,
      %mul3A_652 = arith.mulf %get3A_648, %get3A_651 : vector<16xf32>
      %add3A_653 = arith.addf %mul3A_645, %mul3A_652 : vector<16xf32>
      %get3A_654 = arith.index_cast %add3A_638 : i32 to index
      %get3A_655 = arith.constant 32 : index
      %get3A_656 = tpu.vector_load %arg11[%get3A_654, %get3A_655] {strides = array<i32>} : memref<256x64xf32, #tpu.memory_space<vmem>>, vector<16xf32>,
      %get3A_657 = arith.index_cast %add3A_638 : i32 to index
      %get3A_658 = arith.constant 32 : index
      %get3A_659 = tpu.vector_load %arg12[%get3A_657, %get3A_658] {strides = array<i32>} : memref<256x64xf32, #tpu.memory_space<vmem>>, vector<16xf32>,
      %mul3A_660 = arith.mulf %get3A_656, %get3A_659 : vector<16xf32>
      %add3A_661 = arith.addf %add3A_653, %mul3A_660 : vector<16xf32>
      %get3A_662 = arith.index_cast %add3A_638 : i32 to index
      %get3A_663 = arith.constant 48 : index
      %get3A_664 = tpu.vector_load %arg11[%get3A_662, %get3A_663] {strides = array<i32>} : memref<256x64xf32, #tpu.memory_space<vmem>>, vector<16xf32>,
      %get3A_665 = arith.index_cast %add3A_638 : i32 to index
      %get3A_666 = arith.constant 48 : index
      %get3A_667 = tpu.vector_load %arg12[%get3A_665, %get3A_666] {strides = array<i32>} : memref<256x64xf32, #tpu.memory_space<vmem>>, vector<16xf32>,
      %mul3A_668 = arith.mulf %get3A_664, %get3A_667 : vector<16xf32>
      %add3A_669 = arith.addf %add3A_661, %mul3A_668 : vector<16xf32>
      %eq3A_670 = arith.constant 13 : i32
      %eq3A_671 = vector.broadcast %eq3A_670 : i32 to vector<16xi32>
      %eq3A_672 = arith.cmpi eq, %iota3A, %eq3A_671 : vector<16xi32>
      %reduce_sum3A_673 = arith.constant true
      %reduce_sum3A_674 = vector.broadcast %reduce_sum3A_673 : i1 to vector<16xi1>
      %reduce_sum3A_675 = tpu.scan <sum>, %add3A_669 masked %reduce_sum3A_674 : vector<16xf32>, vector<16xi1> -> vector<16xf32>
      %reduce_sum3A_676 = vector.extract %reduce_sum3A_675[15] : f32 from vector<16xf32>
      %add3A_677 = vector.broadcast %reduce_sum3A_676 : f32 to vector<16xf32>
      %add3A_678 = arith.addf %add3A_677, %select_n3A_634 : vector<16xf32>
      %select_n3A_679 = arith.select %eq3A_672, %add3A_678, %select_n3A_634 : vector<16xi1>, vector<16xf32>
      %mul3A_680 = arith.constant 16 : i32
      %mul3A_681 = arith.muli %scan3A_44, %mul3A_680 : i32
      %add3A_682 = arith.constant 14 : i32
      %add3A_683 = arith.addi %mul3A_681, %add3A_682 : i32
      %get3A_684 = arith.index_cast %add3A_683 : i32 to index
      %get3A_685 = arith.constant 0 : index
      %get3A_686 = tpu.vector_load %arg11[%get3A_684, %get3A_685] {strides = array<i32>} : memref<256x64xf32, #tpu.memory_space<vmem>>, vector<16xf32>,
      %get3A_687 = arith.index_cast %add3A_683 : i32 to index
      %get3A_688 = arith.constant 0 : index
      %get3A_689 = tpu.vector_load %arg12[%get3A_687, %get3A_688] {strides = array<i32>} : memref<256x64xf32, #tpu.memory_space<vmem>>, vector<16xf32>,
      %mul3A_690 = arith.mulf %get3A_686, %get3A_689 : vector<16xf32>
      %get3A_691 = arith.index_cast %add3A_683 : i32 to index
      %get3A_692 = arith.constant 16 : index
      %get3A_693 = tpu.vector_load %arg11[%get3A_691, %get3A_692] {strides = array<i32>} : memref<256x64xf32, #tpu.memory_space<vmem>>, vector<16xf32>,
      %get3A_694 = arith.index_cast %add3A_683 : i32 to index
      %get3A_695 = arith.constant 16 : index
      %get3A_696 = tpu.vector_load %arg12[%get3A_694, %get3A_695] {strides = array<i32>} : memref<256x64xf32, #tpu.memory_space<vmem>>, vector<16xf32>,
      %mul3A_697 = arith.mulf %get3A_693, %get3A_696 : vector<16xf32>
      %add3A_698 = arith.addf %mul3A_690, %mul3A_697 : vector<16xf32>
      %get3A_699 = arith.index_cast %add3A_683 : i32 to index
      %get3A_700 = arith.constant 32 : index
      %get3A_701 = tpu.vector_load %arg11[%get3A_699, %get3A_700] {strides = array<i32>} : memref<256x64xf32, #tpu.memory_space<vmem>>, vector<16xf32>,
      %get3A_702 = arith.index_cast %add3A_683 : i32 to index
      %get3A_703 = arith.constant 32 : index
      %get3A_704 = tpu.vector_load %arg12[%get3A_702, %get3A_703] {strides = array<i32>} : memref<256x64xf32, #tpu.memory_space<vmem>>, vector<16xf32>,
      %mul3A_705 = arith.mulf %get3A_701, %get3A_704 : vector<16xf32>
      %add3A_706 = arith.addf %add3A_698, %mul3A_705 : vector<16xf32>
      %get3A_707 = arith.index_cast %add3A_683 : i32 to index
      %get3A_708 = arith.constant 48 : index
      %get3A_709 = tpu.vector_load %arg11[%get3A_707, %get3A_708] {strides = array<i32>} : memref<256x64xf32, #tpu.memory_space<vmem>>, vector<16xf32>,
      %get3A_710 = arith.index_cast %add3A_683 : i32 to index
      %get3A_711 = arith.constant 48 : index
      %get3A_712 = tpu.vector_load %arg12[%get3A_710, %get3A_711] {strides = array<i32>} : memref<256x64xf32, #tpu.memory_space<vmem>>, vector<16xf32>,
      %mul3A_713 = arith.mulf %get3A_709, %get3A_712 : vector<16xf32>
      %add3A_714 = arith.addf %add3A_706, %mul3A_713 : vector<16xf32>
      %eq3A_715 = arith.constant 14 : i32
      %eq3A_716 = vector.broadcast %eq3A_715 : i32 to vector<16xi32>
      %eq3A_717 = arith.cmpi eq, %iota3A, %eq3A_716 : vector<16xi32>
      %reduce_sum3A_718 = arith.constant true
      %reduce_sum3A_719 = vector.broadcast %reduce_sum3A_718 : i1 to vector<16xi1>
      %reduce_sum3A_720 = tpu.scan <sum>, %add3A_714 masked %reduce_sum3A_719 : vector<16xf32>, vector<16xi1> -> vector<16xf32>
      %reduce_sum3A_721 = vector.extract %reduce_sum3A_720[15] : f32 from vector<16xf32>
      %add3A_722 = vector.broadcast %reduce_sum3A_721 : f32 to vector<16xf32>
      %add3A_723 = arith.addf %add3A_722, %select_n3A_679 : vector<16xf32>
      %select_n3A_724 = arith.select %eq3A_717, %add3A_723, %select_n3A_679 : vector<16xi1>, vector<16xf32>
      %mul3A_725 = arith.constant 16 : i32
      %mul3A_726 = arith.muli %scan3A_44, %mul3A_725 : i32
      %add3A_727 = arith.constant 15 : i32
      %add3A_728 = arith.addi %mul3A_726, %add3A_727 : i32
      %get3A_729 = arith.index_cast %add3A_728 : i32 to index
      %get3A_730 = arith.constant 0 : index
      %get3A_731 = tpu.vector_load %arg11[%get3A_729, %get3A_730] {strides = array<i32>} : memref<256x64xf32, #tpu.memory_space<vmem>>, vector<16xf32>,
      %get3A_732 = arith.index_cast %add3A_728 : i32 to index
      %get3A_733 = arith.constant 0 : index
      %get3A_734 = tpu.vector_load %arg12[%get3A_732, %get3A_733] {strides = array<i32>} : memref<256x64xf32, #tpu.memory_space<vmem>>, vector<16xf32>,
      %mul3A_735 = arith.mulf %get3A_731, %get3A_734 : vector<16xf32>
      %get3A_736 = arith.index_cast %add3A_728 : i32 to index
      %get3A_737 = arith.constant 16 : index
      %get3A_738 = tpu.vector_load %arg11[%get3A_736, %get3A_737] {strides = array<i32>} : memref<256x64xf32, #tpu.memory_space<vmem>>, vector<16xf32>,
      %get3A_739 = arith.index_cast %add3A_728 : i32 to index
      %get3A_740 = arith.constant 16 : index
      %get3A_741 = tpu.vector_load %arg12[%get3A_739, %get3A_740] {strides = array<i32>} : memref<256x64xf32, #tpu.memory_space<vmem>>, vector<16xf32>,
      %mul3A_742 = arith.mulf %get3A_738, %get3A_741 : vector<16xf32>
      %add3A_743 = arith.addf %mul3A_735, %mul3A_742 : vector<16xf32>
      %get3A_744 = arith.index_cast %add3A_728 : i32 to index
      %get3A_745 = arith.constant 32 : index
      %get3A_746 = tpu.vector_load %arg11[%get3A_744, %get3A_745] {strides = array<i32>} : memref<256x64xf32, #tpu.memory_space<vmem>>, vector<16xf32>,
      %get3A_747 = arith.index_cast %add3A_728 : i32 to index
      %get3A_748 = arith.constant 32 : index
      %get3A_749 = tpu.vector_load %arg12[%get3A_747, %get3A_748] {strides = array<i32>} : memref<256x64xf32, #tpu.memory_space<vmem>>, vector<16xf32>,
      %mul3A_750 = arith.mulf %get3A_746, %get3A_749 : vector<16xf32>
      %add3A_751 = arith.addf %add3A_743, %mul3A_750 : vector<16xf32>
      %get3A_752 = arith.index_cast %add3A_728 : i32 to index
      %get3A_753 = arith.constant 48 : index
      %get3A_754 = tpu.vector_load %arg11[%get3A_752, %get3A_753] {strides = array<i32>} : memref<256x64xf32, #tpu.memory_space<vmem>>, vector<16xf32>,
      %get3A_755 = arith.index_cast %add3A_728 : i32 to index
      %get3A_756 = arith.constant 48 : index
      %get3A_757 = tpu.vector_load %arg12[%get3A_755, %get3A_756] {strides = array<i32>} : memref<256x64xf32, #tpu.memory_space<vmem>>, vector<16xf32>,
      %mul3A_758 = arith.mulf %get3A_754, %get3A_757 : vector<16xf32>
      %add3A_759 = arith.addf %add3A_751, %mul3A_758 : vector<16xf32>
      %eq3A_760 = arith.constant 15 : i32
      %eq3A_761 = vector.broadcast %eq3A_760 : i32 to vector<16xi32>
      %eq3A_762 = arith.cmpi eq, %iota3A, %eq3A_761 : vector<16xi32>
      %reduce_sum3A_763 = arith.constant true
      %reduce_sum3A_764 = vector.broadcast %reduce_sum3A_763 : i1 to vector<16xi1>
      %reduce_sum3A_765 = tpu.scan <sum>, %add3A_759 masked %reduce_sum3A_764 : vector<16xf32>, vector<16xi1> -> vector<16xf32>
      %reduce_sum3A_766 = vector.extract %reduce_sum3A_765[15] : f32 from vector<16xf32>
      %add3A_767 = vector.broadcast %reduce_sum3A_766 : f32 to vector<16xf32>
      %add3A_768 = arith.addf %add3A_767, %select_n3A_724 : vector<16xf32>
      %select_n3A_769 = arith.select %eq3A_762, %add3A_768, %select_n3A_724 : vector<16xi1>, vector<16xf32>
      %swap3A = arith.index_cast %add3A_48 : i32 to index
      %swap3A_770 = tpu.vector_load %arg15[%swap3A] {strides = array<i32>} : memref<512xf32, #tpu.memory_space<vmem>>, vector<16xf32>,
      tpu.vector_store %arg15[%swap3A], %select_n3A_769 {strides = array<i32>} : memref<512xf32, #tpu.memory_space<vmem>>, vector<16xf32>,
    }
    %scan3A_43 = arith.constant 16 : i32
    "tpu.region"() ({
      %run_scoped3A = tpu.sem_alloc : memref<!tpu.dma_semaphore, #tpu.memory_space<semaphore_mem>>
      %dma_start3A_44 = tpu.memref_slice %arg8[%mul3A_2] : memref<16384xf32, #tpu.memory_space<hbm>> -> memref<512xf32, #tpu.memory_space<hbm>>
      %dma_start3A_45 = tpu.memref_slice %arg8[%mul3A_2] : memref<16384xf32, #tpu.memory_space<hbm>> -> memref<512xf32, #tpu.memory_space<hbm>>
      tpu.enqueue_dma source(%arg15 : memref<512xf32, #tpu.memory_space<vmem>>) target(%dma_start3A_45 : memref<512xf32, #tpu.memory_space<hbm>>) target_semaphore(%run_scoped3A : memref<!tpu.dma_semaphore, #tpu.memory_space<semaphore_mem>>)
      %dma_wait3A_46 = tpu.memref_slice %arg8[%mul3A_2] : memref<16384xf32, #tpu.memory_space<hbm>> -> memref<512xf32, #tpu.memory_space<hbm>>
      %dma_wait3A_47 = tpu.memref_slice %arg8[%mul3A_2] : memref<16384xf32, #tpu.memory_space<hbm>> -> memref<512xf32, #tpu.memory_space<hbm>>
      tpu.wait_dma2 semaphore(%run_scoped3A : memref<!tpu.dma_semaphore, #tpu.memory_space<semaphore_mem>>) src(%arg15 : memref<512xf32, #tpu.memory_space<vmem>>) dst(%dma_wait3A_47 : memref<512xf32, #tpu.memory_space<hbm>>)
      tpu.yield
    }) : () -> ()
    return
  }
}

</mosaic_0001>

<sc_bundles>
// kernel: kernel.3.cloned.1.call-start
scs
__scs_entry_jumppad:
0x0: {  	(pc) =	sbr.rel $0x88, $3  }
0x1: {  	(tag) =	ssettag $0x0;
	lr =	simm.s32 $0x1  }
0x2: {  	[smem:$0x3F9B] =	sst lr;
	_ =	strace $0xD0000000  }
0x3: {  	_ = 	snop  }
0x4: {  	_ = 	snop  }
0x5: {  	_ = 	snop  }
0x6: {  	_ = 	snop  }
0x7: {  	_ = 	snop  }
__scs_overlays_trampoline_lowered:
0x8: {  	[smem:$0x3FAA] =	sst s0  }
0x9: {  	[smem:$0x3FAB] =	sst s1  }
0xa: {  	[smem:$0x3FAC] =	sst s2  }
0xb: {  	[smem:$0x3FAD] =	sst s3  }
0xc: {  	[smem:$0x3FAE] =	sst s4  }
0xd: {  	[smem:$0x3FAF] =	sst s5  }
0xe: {  	[smem:$0x3FB0] =	sst s6  }
0xf: {  	[smem:$0x3FB1] =	sst s7  }
0x10: {  	[smem:$0x3FB2] =	sst s8  }
0x11: {  	[smem:$0x3FB3] =	sst s9;
	s0 =	simm.s32 @!p0 $0x0  }
0x12: {  	s1 =	sld [smem:$0x3F99];
	s0 =	simm.s32 @p0 $0x1  }
0x13: {  	[smem:$0x3FB4] =	sst s0;
	s0 =	simm.s32 @!p1 $0x0  }
0x14: {  	s2 =	sld [smem:$0x3F98];
	s0 =	simm.s32 @p1 $0x1  }
0x15: {  	[smem:$0x3FB5] =	sst s0;
	s0 =	simm.s32 @!p2 $0x0  }
0x16: {  	s3 =	sld [smem:$0x3FDB];
	s0 =	simm.s32 @p2 $0x1  }
0x17: {  	s4 =	simm.s32 $0x1BF5;
	[smem:$0x3FB7] =	sst s0  }
0x18: {  	s0 =	sld [smem:$0x3F9A];
	_ =	swait.ge [sflag:s4], $0x0  }
0x19: {  	s7 =	sld [smem:$0x3F9B]  }
0x1a: {  	s8 =	sadd.s32 $0xFFFFE003, lr  }
0x1b: {  	s9 =	sadd.s32 $0xFFFFFEF7, lr;
	s5 =	simm.s32 $0xFFFFFFFF;
	p2 =	slt.u32 s8, $0xFFFFF086  }
0x1c: {  	p1 =	slt.u32 s9, $0xF7A;
	s5 =	simm.s32 @!p2 $0x0  }
0x1d: {  	s5 =	simm.s32 @p1 $0x1;
	p0 =	seq.s32 s7, s2  }
0x1e: {  	s7 =	smul.u32 @!p0 $0xF7A, s2;
	p2 =	seq.s32 @!p0 s5, $0x0  }
0x1f: {  	s9 =	smul.u32 $0xF7A, s1;
	s8 =	simm.s32 @!p0 $0x1BF5;
	p2 =	por !p2, p0  }
0x20: {  	[sflag:s8] =	ssyncset.s32 @!p0 $0xFFFFF086;
	s6 =	sadd.s32 @!p0 s3, s7;
	s7 =	simm.s32 @!p0 $0x108  }
0x21: {  	s3 =	sadd.s32 s3, s9;
	s6 =	sadd.s32 @!p0 $0x88, s6;
	s7 =	simm.s32 @p2 $0x1082  }
0x22: {  	[simem:s7], [sflag:s8] =	dma.local @!p0 [hbm:s6], $0xF7A  }
0x23: {  	s9 =	sor.u32 $0xD0000000, s2;
	s6 =	simm.s32 $0x108;
	_ =	swait.ge @!p0 [sflag:s8], $0x0  }
0x24: {  	s3 =	sadd.s32 $0x88, s3;
	s6 =	simm.s32 @!p1 $0x1082;
	[sflag:s4] =	ssyncset.s32 $0xFFFFF086  }
0x25: {  	[simem:s6], [sflag:s4] =	dma.local [hbm:s3], $0xF7A  }
0x26: {  	[smem:$0x3F9B] =	sst s1;
	(tag) =	ssettag s2;
	_ =	strace s9  }
0x27: {  	s1 =	sld [smem:$0x3FAB]  }
0x28: {  	s2 =	sld [smem:$0x3FAC]  }
0x29: {  	s4 =	sld [smem:$0x3FAE]  }
0x2a: {  	p0 =	seq.s32 s5, $0x0;
	s5 =	sld [smem:$0x3FAF]  }
0x2b: {  	s6 =	sld [smem:$0x3FB0]  }
0x2c: {  	s7 =	sld [smem:$0x3FB1]  }
0x2d: {  	s3 =	simm.s32 $0x108;
	s8 =	sld [smem:$0x3FB2]  }
0x2e: {  	s3 =	simm.s32 @!p0 $0x1082;
	s9 =	sld [smem:$0x3FB3]  }
0x2f: {  	lr =	sadd.s32 s0, s3;
	s0 =	sld [smem:$0x3FAA]  }
0x30: {  	s3 =	sld [smem:$0x3FAD]  }
0x31: {  	[smem:$0x3FB6] =	sst s10  }
0x32: {  	s10 =	sld [smem:$0x3FB4];
	_ =	sdelay $0x3  }
0x33: {  	p0 =	seq.s32 s10, $0x1;
	s10 =	sld [smem:$0x3FB6];
	_ =	sdelay $0x3  }
0x34: {  	[smem:$0x3FB6] =	sst s10  }
0x35: {  	s10 =	sld [smem:$0x3FB5];
	_ =	sdelay $0x3  }
0x36: {  	p1 =	seq.s32 s10, $0x1;
	s10 =	sld [smem:$0x3FB6];
	_ =	sdelay $0x3  }
0x37: {  	[smem:$0x3FB6] =	sst s10  }
0x38: {  	s10 =	sld [smem:$0x3FB7]  }
0x39: {  	_ = 	snop;
	(pc) =	sbr.ind lr, $3  }
0x3a: {  	_ = 	snop  }
0x3b: {  	_ = 	snop  }
0x3c: {  	p2 =	seq.s32 s10, $0x1;
	s10 =	sld [smem:$0x3FB6]  }
0x3d: {  	_ =	shalt  }
0x3e: {  	_ =	shalt  }
0x3f: {  	_ =	shalt  }
0x40: {  	_ =	shalt  }
0x41: {  	_ =	shalt  }
0x42: {  	_ =	shalt  }
0x43: {  	_ =	shalt  }
0x44: {  	_ =	shalt  }
0x45: {  	_ =	shalt  }
0x46: {  	_ =	shalt  }
0x47: {  	_ =	shalt  }
0x48: {  	_ =	shalt  }
0x49: {  	_ =	shalt  }
0x4a: {  	_ =	shalt  }
0x4b: {  	_ =	shalt  }
0x4c: {  	_ =	shalt  }
0x4d: {  	_ =	shalt  }
0x4e: {  	_ =	shalt  }
0x4f: {  	_ =	shalt  }
0x50: {  	_ =	shalt  }
0x51: {  	_ =	shalt  }
0x52: {  	_ =	shalt  }
0x53: {  	_ =	shalt  }
0x54: {  	_ =	shalt  }
0x55: {  	_ =	shalt  }
0x56: {  	_ =	shalt  }
0x57: {  	_ =	shalt  }
0x58: {  	_ =	shalt  }
0x59: {  	_ =	shalt  }
0x5a: {  	_ =	shalt  }
0x5b: {  	_ =	shalt  }
0x5c: {  	_ =	shalt  }
0x5d: {  	_ =	shalt  }
0x5e: {  	_ =	shalt  }
0x5f: {  	_ =	shalt  }
0x60: {  	_ =	shalt  }
0x61: {  	_ =	shalt  }
0x62: {  	_ =	shalt  }
0x63: {  	_ =	shalt  }
0x64: {  	_ =	shalt  }
0x65: {  	_ =	shalt  }
0x66: {  	_ =	shalt  }
0x67: {  	_ =	shalt  }
0x68: {  	_ =	shalt  }
0x69: {  	_ =	shalt  }
0x6a: {  	_ =	shalt  }
0x6b: {  	_ =	shalt  }
0x6c: {  	_ =	shalt  }
0x6d: {  	_ =	shalt  }
0x6e: {  	_ =	shalt  }
0x6f: {  	_ =	shalt  }
0x70: {  	_ =	shalt  }
0x71: {  	_ =	shalt  }
0x72: {  	_ =	shalt  }
0x73: {  	_ =	shalt  }
0x74: {  	_ =	shalt  }
0x75: {  	_ =	shalt  }
0x76: {  	_ =	shalt  }
0x77: {  	_ =	shalt  }
0x78: {  	_ =	shalt  }
0x79: {  	_ =	shalt  }
0x7a: {  	_ =	shalt  }
0x7b: {  	_ =	shalt  }
0x7c: {  	_ =	shalt  }
0x7d: {  	_ =	shalt  }
0x7e: {  	_ =	shalt  }
0x7f: {  	_ =	shalt  }
0x80: {  	_ =	shalt  }
0x81: {  	_ =	shalt  }
0x82: {  	_ =	shalt  }
0x83: {  	_ =	shalt  }
0x84: {  	_ =	shalt  }
0x85: {  	_ =	shalt  }
0x86: {  	_ =	shalt  }
0x87: {  	_ =	shalt  }
.Lfunc_end0:
.L_simem_size_0:
called_computation_lowered:
.L_overlay_start_0:
0x88: {  	s2 =	sld [smem:$0x3FD9]  }
0x89: {  	s3 =	sld [smem:$0x3FFE];
	_ =	sdelay $0x1  }
0x8a: {  	s1 =	srdreg.scid  }
0x8b: {  	s0 =	sand.u32 $0x1, s1  }
0x8c: {  	s17 =	sshll.u32 s0, $0xA;
	s2 =	sadd.s32 s3, s2  }
0x8d: {  	s2 =	sadd.s32 s2, s17  }
0x8e: {  	[smem:$0x3FC2] =	sst s2  }
0x8f: {  	_ = 	snop  }
0x90: {  	s2 =	sld [smem:$0x3FC9]  }
0x91: {  	s18 =	sld [smem:$0x3FC8]  }
0x92: {  	s4 =	sld [smem:$0x3FD0];
	(tm) =	ssettm $0x1  }
0x93: {  	s5 =	sld [smem:$0x3FFB];
	_ =	sdelay $0x3  }
0x94: {  	_ =	strace s5  }
0x95: {  	s5 =	sld [smem:$0x3FFC];
	_ =	sdelay $0x3  }
0x96: {  	_ =	strace s5  }
0x97: {  	s5 =	sld [smem:$0x3FFD];
	_ =	sdelay $0x3  }
0x98: {  	_ =	strace s5  }
0x99: {  	_ =	strace $0x8FFFFFFF  }
0x9a: {  	s19 =	sld [smem:$0x3FDB];
	_ =	sdelay $0x1  }
0x9b: {  	s6 =	simm.s32 $_scs_section_size  }
0x9c: {  	s7 =	simm.s32 $_size__tile_overlayer_lowered;
	s8 =	simm.s32 $_tile_overlayer_lowered  }
0x9d: {  	s22 =	simm.s32 $0x1BFF;
	s21 =	sshll.u32 s8, $0x1;
	s5 =	sadd.s32 s6, s19  }
0x9e: {  	s9 =	simm.s32 $0x0;
	s20 =	sshll.u32 s7, $0x1;
	s7 =	sadd.s32 s21, s5  }
0x9f: {  	[timem:s9], [sflag:s22] =	dma.local [hbm:s7], s20  }
0xa0: {  	_ =	swait.ge [sflag:s22], s20  }
0xa1: {  	s6 =	ssub.s32 $0x0, s20;
	[sflag:s22] =	ssyncset.done $0x0  }
0xa2: {  	[sflag:s22] =	ssyncadd.s32 s6;
	_ =	sdelay $0x1  }
0xa3: {  	s23 =	simm.s32 $0x1B8B  }
0xa4: {  	_ =	swait.ge [sflag:s23], $0x1  }
0xa5: {  	[sflag:s23] =	ssyncset.done $0x0  }
0xa6: {  	s25 =	simm.s32 $0x1B8E;
	s24 =	sld [smem:$0x3FFE];
	[sflag:s23] =	ssyncadd.s32 $0xFFFFFFFF  }
0xa7: {  	s26 =	simm.s32 $execute0_lowered;
	[smem:$0x3FD2] =	sst s25  }
0xa8: {  	s7 =	sshll.u32 s26, $0x1;
	_ =	strace $0x80000046;
	[dreg:$0x1] =	wrdreg $0xFFFFFFFF  }
0xa9: {  	s28 =	simm.s32 $_size_execute0_lowered;
	s5 =	sadd.s32 s5, s7;
	[dreg:$0x0] =	wrdreg $0x0  }
0xaa: {  	s7 =	sshll.u32 s28, $0x1;
	[dreg:$0x2] =	wrdreg s5  }
0xab: {  	[dreg:$0x3] =	wrdreg s7  }
0xac: {  	[dreg:$0x4] =	wrdreg $0xC0  }
0xad: {  	_ =	task [dreg:s9], $0x5FFFF  }
0xae: {  	[dreg:$0x1] =	wrdreg $0xFFFFFFFF  }
0xaf: {  	[dreg:$0x0] =	wrdreg $0x60  }
0xb0: {  	[dreg:$0x2] =	wrdreg s2  }
0xb1: {  	[dreg:$0x3] =	wrdreg s18  }
0xb2: {  	[dreg:$0x4] =	wrdreg s24  }
0xb3: {  	[dreg:$0x5] =	wrdreg s4  }
0xb4: {  	[dreg:$0x6] =	wrdreg $0x9  }
0xb5: {  	_ =	task.clear_ibuf [dreg:s9], $0x7FFFF;
	_ =	strace $0x90000046  }
0xb6: {  	s29 =	simm.s32 $0x9;
	_ =	strace $0x80000048  }
0xb7: {  	_ =	swait.ge [sflag:s29], $0x1  }
0xb8: {  	[sflag:s29] =	ssyncadd.s32 $0xFFFFFFFF  }
0xb9: {  	_ =	strace $0x90000048  }
0xba: {  	_ =	sfence  }
0xbb: {  	s30 =	sld [smem:$0x0];
	_ =	sdelay $0x2  }
0xbc: {  	s31 =	sshll.u32 s1, $0xD;
	s1 =	sshrl.u32 s1, $0x2  }
0xbd: {  	s3 =	sand.u32 $0x4000, s31;
	s1 =	sadd.s32 s1, s30  }
0xbe: {  	s0 =	sor.u32 s3, s0;
	s1 =	sshll.u32 s1, $0x11  }
0xbf: {  	s0 =	sor.u32 s1, s0  }
0xc0: {  	s0 =	sadd.s32 $0x8F2B, s0  }
0xc1: {  	[sflag:s0] =	ssyncadd.remote.s32 $0x1  }
0xc2: {  	_ =	sfence.sel $0xFFFF  }
0xc3: {  	[dreg:$0x0] =	wrdreg $0xFFFFFFFF;
	(pc) =	sbr.abs _section_cstart, $3  }
0xc4: {  	[dreg:$0x1] =	wrdreg $0xFFFFFFFF  }
0xc5: {  	_ =	task.clear_ibuf [dreg:s9], $0x2FFFF;
	_ =	strace $0x9FFFFFFF  }
0xc6: {  	(tm) =	ssettm $0x7FFFFFFF  }
0xc7: {  	_ =	shalt  }
tec
execute0_lowered:
.L_overlay_start_1:
0x0: {  	(tag) =	ssettag $0x1  }
0x1: {  	s0 =	rddreg [dreg:$0x0]  }
0x2: {  	s1 =	rddreg [dreg:$0x1]  }
0x3: {  	s2 =	rddreg [dreg:$0x2]  }
0x4: {  	s3 =	rddreg [dreg:$0x3];
	s17 =	simm.s32 $0x0;
	s5 =	srdreg.scid  }
0x5: {  	s28 =	stileid.u32;
	[smem:$0x7FF] =	sst s17;
	s10 =	sadd.s32 $0x1A8600, s2  }
0x6: {  	vm0 =	vmmov $0x1;
	s6 =	sand.u32 $0x1, s5;
	s4 =	sadd.s32 $0x21C00, s2;
	s9 =	sshll.u32 s28, $0x7  }
0x7: {  	vm1 =	vcmask $0x30C;
	vm2 =	vcmask $0xF0C;
	vm3 =	vcmask $0x714;
	s2 =	sadd.s32 $0x3200, s2;
	s7 =	ssub.s32 $0x2, s6;
	s6 =	sshll.u32 s6, $0x6  }
0x8: {  	vm4 =	vcmask $0xF18;
	vm5 =	vcmask $0x131C;
	vm6 =	vcmask $0x1F1C;
	_ =	strace $0x80000047;
	[dreg:$0x5] =	wrdreg s4;
	s6 =	sor.u32 s6, s9  }
0x9: {  	vm7 =	vcmask $0x1724;
	vm8 =	vcmask $0x1F28;
	vm9 =	vcmask $0x232C;
	[dreg:$0x18] =	wrdreg s2;
	s0 =	sadd.s32 s0, s6  }
0xa: {  	vm10 =	vcmask $0x2F2C;
	vm11 =	vcmask $0x2734;
	vm12 =	vcmask $0x2F38;
	s8 =	sshrl.u32 s7, $0x1;
	s29 =	sadd.s32 s1, s6;
	[dreg:$0x19] =	wrdreg s0  }
0xb: {  	vm13 =	vcmask $0x333C;
	vm14 =	vmmov $0x3fff;
	vm15 =	vmmov $0x7fff;
	s7 =	ssub.s32 s7, s8;
	s30 =	sadd.s32 s3, s6;
	[dreg:$0x1a] =	wrdreg s29  }
0xc: {  	vm2 =	vmor vm3, vm2;
	vm3 =	vcmask $0xB14;
	vm6 =	vmor vm7, vm6;
	s4 =	smov.u32 s10;
	[dreg:$0x1b] =	wrdreg s30;
	s31 =	smax.u32 s7, $0x1  }
0xd: {  	vm7 =	vcmask $0x1B24;
	vm10 =	vmor vm11, vm10;
	vm11 =	vcmask $0x2B34;
	s2 =	simm.s32 $0x4;
	s1 =	simm.s32 $0x0;
	[dreg:$0x1c] =	wrdreg s31  }
.LBB2_1:
0xe: {  	[dreg:$0x1d] =	wrdreg s1  }
0xf: {  	s0 =	rddreg [dreg:$0x19]  }
0x10: {  	[tilespmem:s17], [sflag:$0x4] =	stream.linear.gather [hbm4b:s0+s17], $0x200, $0x38;
	[tilespmem:$0x10A00] =	vst v63  }
0x11: {  	_ =	swait.ge [sflag:s2], $0x200  }
0x12: {  	[sflag:s2] =	ssyncset.done $0x0  }
0x13: {  	s31 =	simm.s32 $0x200;
	s3 =	rddreg [dreg:$0x1a];
	[sflag:s2] =	ssyncadd.s32 $0xFFFFFE00  }
0x14: {  	[tilespmem:s31], [sflag:$0x4] =	stream.linear.gather [hbm4b:s3+s17], $0x200, $0x38;
	[tilespmem:$0x10A00] =	vst v63  }
0x15: {  	_ =	swait.ge [sflag:s2], $0x200  }
0x16: {  	[sflag:s2] =	ssyncset.done $0x0  }
0x17: {  	s6 =	simm.s32 $0x10400;
	s5 =	rddreg [dreg:$0x18];
	[sflag:s2] =	ssyncadd.s32 $0xFFFFFE00  }
0x18: {  	[tilespmem:s6], [sflag:$0x2] =	stream.indirect.gather [hbm4b:s5+s31], $0x1, s17, s31, $0xb8;
	[tilespmem:$0x10A00] =	vst v63  }
0x19: {  	s8 =	simm.s32 $0x10600;
	s9 =	simm.s32 $0x2;
	s7 =	rddreg [dreg:$0x2]  }
0x1a: {  	[tilespmem:s8], [sflag:$0x3] =	stream.indirect.gather [hbm4b:s7+s31], $0x1, s31, s31, $0xb8;
	[tilespmem:$0x10A00] =	vst v63  }
0x1b: {  	_ =	swait.ge [sflag:s9], $0x200  }
0x1c: {  	[sflag:s9] =	ssyncset.done $0x0  }
0x1d: {  	s10 =	simm.s32 $0x3;
	[sflag:s9] =	ssyncadd.s32 $0xFFFFFE00  }
0x1e: {  	_ =	swait.ge [sflag:s10], $0x200  }
0x1f: {  	[sflag:s10] =	ssyncset.done $0x0  }
0x20: {  	[sflag:s10] =	ssyncadd.s32 $0xFFFFFE00  }
0x21: {  	v0 =	vld [tilespmem:s17+$0x0];
	_ =	sdelay $0x1  }
0x22: {  	v2 =	vld [tilespmem:s31+$0x0];
	_ =	sdelay $0x2  }
0x23: {  	v1 =	vshll.u32 v0, $0x4  }
0x24: {  	(v2sf) =	vpush v1, $0x0  }
0x25: {  	v63 =	vshll.u32 v2, $0x4  }
0x26: {  	(v2sf) =	vpush v63, $0x0  }
0x27: {  	(v2sf) =	vpush v1, $0x1;
	_ =	sdelay $0x1  }
0x28: {  	(v2sf) =	vpush v63, $0x1;
	_ =	sdelay $0x1  }
0x29: {  	(v2sf) =	vpush v1, $0x2;
	_ =	sdelay $0x1  }
0x2a: {  	(v2sf) =	vpush v63, $0x2;
	_ =	sdelay $0x1  }
0x2b: {  	s20 =	simm.s32 $0x2000;
	s19 =	simm.s32 $0x0;
	(v2sf) =	vpush v1, $0x3  }
0x2c: {  	s1 =	simm.s32 $0x880;
	s13 =	simm.s32 $0x480;
	s16 =	simm.s32 $0x8480  }
0x2d: {  	s21 =	simm.s32 $0x500;
	s24 =	simm.s32 $0x8500;
	s29 =	simm.s32 $0xA00  }
0x2e: {  	s28 =	simm.s32 $0xB00;
	s0 =	simm.s32 $0x8900;
	s3 =	simm.s32 $0x8400  }
0x2f: {  	s6 =	simm.s32 $0x680;
	s7 =	simm.s32 $0x400;
	s8 =	spop (v2sf);
	(v2sf) =	vpush v63, $0x3  }
0x30: {  	s9 =	simm.s32 $0x600;
	s2 =	rddreg [dreg:$0x5];
	s10 =	simm.s32 $0x580  }
0x31: {  	s31 =	simm.s32 $0x8600;
	s8 =	sand.u32 $0x1FFFFFF0, s8;
	s11 =	spop (v2sf);
	(v2sf) =	vpush v1, $0x4  }
0x32: {  	s8 =	sadd.s32 s4, s8;
	s11 =	sand.u32 $0x1FFFFFF0, s11;
	s12 =	spop (v2sf)  }
0x33: {  	[tilespmem:s7], [sflag:$0x1] =	stream.linear.gather [hbm4b:s8+s17], $0x80, $0x38;
	[tilespmem:$0x10A00] =	vst v63  }
0x34: {  	(v2sf) =	vpush v63, $0x4;
	s8 =	sadd.s32 s2, s11;
	s11 =	sand.u32 $0x1FFFFFF0, s12;
	s12 =	spop (v2sf)  }
0x35: {  	(v2sf) =	vpush v1, $0x5;
	[tilespmem:s3], [sflag:$0x1] =	stream.linear.gather [hbm4b:s8+s17], $0x80, $0x38;
	[tilespmem:$0x10A00] =	vst v63  }
0x36: {  	s14 =	sadd.s32 s4, s11;
	s15 =	sand.u32 $0x1FFFFFF0, s12;
	s18 =	spop (v2sf)  }
0x37: {  	(v2sf) =	vpush v63, $0x5;
	[tilespmem:s13], [sflag:$0x1] =	stream.linear.gather [hbm4b:s14+s17], $0x80, $0x38;
	[tilespmem:$0x10A00] =	vst v63  }
0x38: {  	s11 =	sadd.s32 s2, s15;
	(v2sf) =	vpush v1, $0x6;
	s8 =	sand.u32 $0x1FFFFFF0, s18;
	s22 =	spop (v2sf)  }
0x39: {  	[tilespmem:s16], [sflag:$0x1] =	stream.linear.gather [hbm4b:s11+s17], $0x80, $0x38;
	[tilespmem:$0x10A00] =	vst v63  }
0x3a: {  	s8 =	sadd.s32 s4, s8;
	s23 =	spop (v2sf);
	s11 =	sand.u32 $0x1FFFFFF0, s22  }
0x3b: {  	[tilespmem:s21], [sflag:$0x1] =	stream.linear.gather [hbm4b:s8+s17], $0x80, $0x38;
	[tilespmem:$0x10A00] =	vst v63  }
0x3c: {  	s7 =	simm.s32 $0x8580;
	(v2sf) =	vpush v63, $0x6;
	s26 =	sand.u32 $0x1FFFFFF0, s23;
	s25 =	sadd.s32 s2, s11  }
0x3d: {  	[tilespmem:s24], [sflag:$0x1] =	stream.linear.gather [hbm4b:s25+s17], $0x80, $0x38;
	[tilespmem:$0x10A00] =	vst v63  }
0x3e: {  	s23 =	simm.s32 $0x8A00;
	s11 =	sadd.s32 s4, s26;
	s30 =	spop (v2sf)  }
0x3f: {  	[tilespmem:s10], [sflag:$0x1] =	stream.linear.gather [hbm4b:s11+s17], $0x80, $0x38;
	[tilespmem:$0x10A00] =	vst v63  }
0x40: {  	s14 =	simm.s32 $0x8680;
	(v2sf) =	vpush v1, $0x7;
	s8 =	sand.u32 $0x1FFFFFF0, s30;
	s3 =	spop (v2sf)  }
0x41: {  	s16 =	simm.s32 $0x700;
	s8 =	sadd.s32 s2, s8;
	s11 =	sand.u32 $0x1FFFFFF0, s3  }
0x42: {  	(v2sf) =	vpush v63, $0x7;
	[tilespmem:s7], [sflag:$0x1] =	stream.linear.gather [hbm4b:s8+s17], $0x80, $0x38;
	[tilespmem:$0x10A00] =	vst v63  }
0x43: {  	s26 =	simm.s32 $0xA80;
	s5 =	spop (v2sf);
	(v2sf) =	vpush v1, $0x8;
	s12 =	sadd.s32 s4, s11  }
0x44: {  	s13 =	sand.u32 $0x1FFFFFF0, s5;
	s15 =	spop (v2sf);
	s11 =	simm.s32 $0x8A80  }
0x45: {  	(v2sf) =	vpush v63, $0x8;
	[tilespmem:s9], [sflag:$0x1] =	stream.linear.gather [hbm4b:s12+s17], $0x80, $0x38;
	[tilespmem:$0x10A00] =	vst v63  }
0x46: {  	s8 =	sadd.s32 s2, s13;
	(v2sf) =	vpush v1, $0x9;
	s18 =	spop (v2sf);
	s9 =	sand.u32 $0x1FFFFFF0, s15  }
0x47: {  	s10 =	sand.u32 $0x1FFFFFF0, s18;
	s21 =	spop (v2sf);
	s12 =	simm.s32 $0x780  }
0x48: {  	[tilespmem:s31], [sflag:$0x1] =	stream.linear.gather [hbm4b:s8+s17], $0x80, $0x38;
	[tilespmem:$0x10A00] =	vst v63  }
0x49: {  	s15 =	simm.s32 $0x8780;
	s18 =	simm.s32 $0x800;
	s9 =	sadd.s32 s4, s9  }
0x4a: {  	(v2sf) =	vpush v63, $0x9;
	[tilespmem:s6], [sflag:$0x1] =	stream.linear.gather [hbm4b:s9+s17], $0x80, $0x38;
	[tilespmem:$0x10A00] =	vst v63  }
0x4b: {  	s22 =	sadd.s32 s2, s10;
	s24 =	sand.u32 $0x1FFFFFF0, s21;
	s25 =	spop (v2sf)  }
0x4c: {  	(v2sf) =	vpush v1, $0xA;
	[tilespmem:s14], [sflag:$0x1] =	stream.linear.gather [hbm4b:s22+s17], $0x80, $0x38;
	[tilespmem:$0x10A00] =	vst v63  }
0x4d: {  	s30 =	sadd.s32 s4, s24;
	s31 =	simm.s32 $0x8700;
	s7 =	sand.u32 $0x1FFFFFF0, s25  }
0x4e: {  	(v2sf) =	vpush v63, $0xA;
	[tilespmem:s16], [sflag:$0x1] =	stream.linear.gather [hbm4b:s30+s17], $0x80, $0x38;
	[tilespmem:$0x10A00] =	vst v63  }
0x4f: {  	s24 =	simm.s32 $0x8800;
	s7 =	sadd.s32 s2, s7;
	s3 =	spop (v2sf)  }
0x50: {  	(v2sf) =	vpush v1, $0xB;
	[tilespmem:s31], [sflag:$0x1] =	stream.linear.gather [hbm4b:s7+s17], $0x80, $0x38;
	[tilespmem:$0x10A00] =	vst v63  }
0x51: {  	s6 =	simm.s32 $0x8980;
	s9 =	sand.u32 $0x1FFFFFF0, s3;
	s5 =	spop (v2sf)  }
0x52: {  	s31 =	simm.s32 $0x8880;
	(v2sf) =	vpush v63, $0xB;
	s13 =	sadd.s32 s4, s9;
	s16 =	spop (v2sf)  }
0x53: {  	[tilespmem:s12], [sflag:$0x1] =	stream.linear.gather [hbm4b:s13+s17], $0x80, $0x38;
	[tilespmem:$0x10A00] =	vst v63  }
0x54: {  	s14 =	sand.u32 $0x1FFFFFF0, s5;
	s5 =	simm.s32 $0x900;
	s21 =	spop (v2sf)  }
0x55: {  	s9 =	sadd.s32 s2, s14;
	s8 =	sand.u32 $0x1FFFFFF0, s16;
	(v2sf) =	vpush v1, $0xC;
	s22 =	spop (v2sf)  }
0x56: {  	[tilespmem:s15], [sflag:$0x1] =	stream.linear.gather [hbm4b:s9+s17], $0x80, $0x38;
	[tilespmem:$0x10A00] =	vst v63  }
0x57: {  	s8 =	sadd.s32 s4, s8;
	(v2sf) =	vpush v63, $0xC;
	s9 =	sand.u32 $0x1FFFFFF0, s21;
	s30 =	sand.u32 $0x1FFFFFF0, s22  }
0x58: {  	[tilespmem:s18], [sflag:$0x1] =	stream.linear.gather [hbm4b:s8+s17], $0x80, $0x38;
	[tilespmem:$0x10A00] =	vst v63  }
0x59: {  	s3 =	spop (v2sf);
	s22 =	simm.s32 $0x980;
	s25 =	sadd.s32 s2, s9  }
0x5a: {  	[tilespmem:s24], [sflag:$0x1] =	stream.linear.gather [hbm4b:s25+s17], $0x80, $0x38;
	[tilespmem:$0x10A00] =	vst v63  }
0x5b: {  	s9 =	sadd.s32 s4, s30;
	s10 =	spop (v2sf);
	s8 =	sand.u32 $0x1FFFFFF0, s3  }
0x5c: {  	[tilespmem:s1], [sflag:$0x1] =	stream.linear.gather [hbm4b:s9+s17], $0x80, $0x38;
	[tilespmem:$0x10A00] =	vst v63  }
0x5d: {  	s12 =	spop (v2sf);
	s8 =	sadd.s32 s2, s8;
	s9 =	sand.u32 $0x1FFFFFF0, s10  }
0x5e: {  	[tilespmem:s31], [sflag:$0x1] =	stream.linear.gather [hbm4b:s8+s17], $0x80, $0x38;
	[tilespmem:$0x10A00] =	vst v63  }
0x5f: {  	s14 =	sand.u32 $0x1FFFFFF0, s12;
	s13 =	sadd.s32 s4, s9;
	s15 =	spop (v2sf)  }
0x60: {  	[tilespmem:s5], [sflag:$0x1] =	stream.linear.gather [hbm4b:s13+s17], $0x80, $0x38;
	[tilespmem:$0x10A00] =	vst v63  }
0x61: {  	s16 =	sadd.s32 s2, s14;
	s18 =	sand.u32 $0x1FFFFFF0, s15;
	s21 =	spop (v2sf)  }
0x62: {  	(v2sf) =	vpush v1, $0xD;
	[tilespmem:s0], [sflag:$0x1] =	stream.linear.gather [hbm4b:s16+s17], $0x80, $0x38;
	[tilespmem:$0x10A00] =	vst v63  }
0x63: {  	s5 =	simm.s32 $0x8B00;
	(v2sf) =	vpush v63, $0xD;
	s24 =	sadd.s32 s4, s18;
	s25 =	sand.u32 $0x1FFFFFF0, s21  }
0x64: {  	(v2sf) =	vpush v1, $0xE;
	s30 =	sadd.s32 s2, s25;
	s25 =	simm.s32 $0x210;
	s31 =	spop (v2sf)  }
0x65: {  	(v2sf) =	vpush v63, $0xE;
	[tilespmem:s22], [sflag:$0x1] =	stream.linear.gather [hbm4b:s24+s17], $0x80, $0x38;
	[tilespmem:$0x10A00] =	vst v63  }
0x66: {  	s24 =	simm.s32 $0x10;
	(v2sf) =	vpush v1, $0xF;
	s0 =	sand.u32 $0x1FFFFFF0, s31;
	s1 =	spop (v2sf)  }
0x67: {  	(v2sf) =	vpush v63, $0xF;
	[tilespmem:s6], [sflag:$0x1] =	stream.linear.gather [hbm4b:s30+s17], $0x80, $0x38;
	[tilespmem:$0x10A00] =	vst v63  }
.LBB2_2:
0x68: {  	_ =	sdelay $0x4  }
0x69: {  	s0 =	sadd.s32 s4, s0;
	s1 =	sand.u32 $0x1FFFFFF0, s1;
	s7 =	rddreg [dreg:$0x5]  }
0x6a: {  	[tilespmem:s29], [sflag:$0x1] =	stream.linear.gather [hbm4b:s0+s17], $0x80, $0x38;
	[tilespmem:$0x10A00] =	vst v63  }
0x6b: {  	s3 =	sadd.s32 s7, s1  }
0x6c: {  	[tilespmem:s23], [sflag:$0x1] =	stream.linear.gather [hbm4b:s3+s17], $0x80, $0x38;
	[tilespmem:$0x10A00] =	vst v63  }
0x6d: {  	s6 =	spop (v2sf)  }
0x6e: {  	s6 =	sand.u32 $0x1FFFFFF0, s6;
	s8 =	spop (v2sf)  }
0x6f: {  	s9 =	sadd.s32 s4, s6;
	s10 =	sand.u32 $0x1FFFFFF0, s8;
	s3 =	spop (v2sf)  }
0x70: {  	[tilespmem:s26], [sflag:$0x1] =	stream.linear.gather [hbm4b:s9+s17], $0x80, $0x38;
	[tilespmem:$0x10A00] =	vst v63  }
0x71: {  	s12 =	sadd.s32 s7, s10;
	s13 =	sand.u32 $0x1FFFFFF0, s3;
	s14 =	spop (v2sf)  }
0x72: {  	[tilespmem:s11], [sflag:$0x1] =	stream.linear.gather [hbm4b:s12+s17], $0x80, $0x38;
	[tilespmem:$0x10A00] =	vst v63  }
0x73: {  	s15 =	sadd.s32 s4, s13;
	s16 =	sand.u32 $0x1FFFFFF0, s14;
	s18 =	spop (v2sf)  }
0x74: {  	[tilespmem:s28], [sflag:$0x1] =	stream.linear.gather [hbm4b:s15+s17], $0x80, $0x38;
	[tilespmem:$0x10A00] =	vst v63  }
0x75: {  	s21 =	sadd.s32 s7, s16;
	s22 =	sand.u32 $0x1FFFFFF0, s18;
	s23 =	spop (v2sf)  }
0x76: {  	[tilespmem:s5], [sflag:$0x1] =	stream.linear.gather [hbm4b:s21+s17], $0x80, $0x38;
	[tilespmem:$0x10A00] =	vst v63  }
0x77: {  	s26 =	sadd.s32 $0xB80, s19;
	s1 =	sadd.s32 s4, s22;
	s3 =	sand.u32 $0x1FFFFFF0, s23  }
0x78: {  	[tilespmem:s26], [sflag:$0x1] =	stream.linear.gather [hbm4b:s1+s17], $0x80, $0x38;
	[tilespmem:$0x10A00] =	vst v63  }
0x79: {  	s30 =	sadd.s32 $0x8B80, s19;
	s31 =	sadd.s32 s7, s3  }
0x7a: {  	[tilespmem:s30], [sflag:$0x1] =	stream.linear.gather [hbm4b:s31+s17], $0x80, $0x38;
	[tilespmem:$0x10A00] =	vst v63  }
0x7b: {  	v0 =	vld [tilespmem:s24+$0x0]  }
0x7c: {  	v2 =	vld [tilespmem:s25+$0x0];
	_ =	sdelay $0x3  }
0x7d: {  	v1 =	vshll.u32 v0, $0x4  }
0x7e: {  	v63 =	vshll.u32 v2, $0x4;
	(v2sf) =	vpush v1, $0x0  }
0x7f: {  	(v2sf) =	vpush v63, $0x0  }
0x80: {  	s2 =	smov.u32 s20;
	(v2sf) =	vpush v1, $0x1  }
0x81: {  	p0 =	sne.s32 s20, $0x1E000;
	s20 =	sadd.s32 $0x2000, s20;
	s19 =	sshra.s32 s2, $0x2  }
0x82: {  	s0 =	sadd.s32 $0x680, s19;
	s14 =	sadd.s32 $0x8680, s19;
	s10 =	sadd.s32 $0x700, s19;
	(v2sf) =	vpush v63, $0x1  }
0x83: {  	s2 =	sadd.s32 $0x8980, s19;
	s9 =	sadd.s32 $0x8700, s19;
	s6 =	sadd.s32 $0x8880, s19  }
0x84: {  	s8 =	sadd.s32 $0x900, s19;
	s29 =	sadd.s32 $0xA00, s19;
	[dreg:$0x17] =	wrdreg s0;
	(v2sf) =	vpush v1, $0x2  }
0x85: {  	s13 =	sadd.s32 $0x800, s19;
	s16 =	sadd.s32 $0x580, s19;
	[dreg:$0x9] =	wrdreg s2  }
0x86: {  	s18 =	sadd.s32 $0x8580, s19;
	s0 =	sadd.s32 $0x8500, s19;
	[dreg:$0xf] =	wrdreg s6;
	(v2sf) =	vpush v63, $0x2  }
0x87: {  	s11 =	sadd.s32 $0x8A80, s19;
	[dreg:$0xd] =	wrdreg s8;
	s8 =	sadd.s32 $0x780, s19;
	(v2sf) =	vpush v1, $0x3  }
0x88: {  	s12 =	sadd.s32 $0x8800, s19;
	s6 =	sadd.s32 $0x8780, s19;
	[dreg:$0x15] =	wrdreg s13  }
0x89: {  	s23 =	sadd.s32 $0x8A00, s19;
	[dreg:$0x13] =	wrdreg s12;
	s22 =	sadd.s32 $0x980, s19;
	(v2sf) =	vpush v63, $0x3  }
0x8a: {  	s12 =	sadd.s32 $0x480, s19;
	s3 =	sadd.s32 $0x880, s19;
	[dreg:$0x11] =	wrdreg s22  }
0x8b: {  	s15 =	sadd.s32 $0x600, s19;
	s28 =	sadd.s32 $0xB00, s19;
	[dreg:$0xb] =	wrdreg s3;
	(v2sf) =	vpush v1, $0x4  }
0x8c: {  	s3 =	sadd.s32 $0x400, s19;
	s5 =	sadd.s32 $0x8900, s19;
	s21 =	sadd.s32 $0x500, s19  }
0x8d: {  	[dreg:$0x7] =	wrdreg s5;
	s5 =	sadd.s32 $0x8B00, s19;
	s13 =	spop (v2sf)  }
0x8e: {  	s31 =	sadd.s32 $0x8400, s19;
	s13 =	sand.u32 $0x1FFFFFF0, s13;
	s22 =	spop (v2sf)  }
0x8f: {  	(v2sf) =	vpush v63, $0x4;
	s13 =	sadd.s32 s4, s13;
	s22 =	sand.u32 $0x1FFFFFF0, s22;
	s2 =	spop (v2sf)  }
0x90: {  	[tilespmem:s3], [sflag:$0x1] =	stream.linear.gather [hbm4b:s13+s17], $0x80, $0x38;
	[tilespmem:$0x10A00] =	vst v63  }
0x91: {  	(v2sf) =	vpush v1, $0x5;
	s13 =	sadd.s32 s7, s22;
	s2 =	sand.u32 $0x1FFFFFF0, s2;
	s22 =	spop (v2sf)  }
0x92: {  	[tilespmem:s31], [sflag:$0x1] =	stream.linear.gather [hbm4b:s13+s17], $0x80, $0x38;
	[tilespmem:$0x10A00] =	vst v63  }
0x93: {  	(v2sf) =	vpush v63, $0x5;
	s2 =	sadd.s32 s4, s2;
	s22 =	sand.u32 $0x1FFFFFF0, s22;
	s31 =	spop (v2sf)  }
0x94: {  	(v2sf) =	vpush v1, $0x6;
	[tilespmem:s12], [sflag:$0x1] =	stream.linear.gather [hbm4b:s2+s17], $0x80, $0x38;
	[tilespmem:$0x10A00] =	vst v63  }
0x95: {  	s12 =	sadd.s32 s7, s22;
	s22 =	sand.u32 $0x1FFFFFF0, s31;
	s31 =	spop (v2sf)  }
0x96: {  	s1 =	sadd.s32 $0x8600, s19;
	s30 =	sadd.s32 $0x8480, s19;
	(v2sf) =	vpush v63, $0x6;
	s13 =	spop (v2sf)  }
0x97: {  	[tilespmem:s30], [sflag:$0x1] =	stream.linear.gather [hbm4b:s12+s17], $0x80, $0x38;
	[tilespmem:$0x10A00] =	vst v63  }
0x98: {  	s3 =	sadd.s32 s4, s22;
	(v2sf) =	vpush v1, $0x7;
	s12 =	sand.u32 $0x1FFFFFF0, s31;
	s31 =	spop (v2sf)  }
0x99: {  	(v2sf) =	vpush v63, $0x7;
	[tilespmem:s21], [sflag:$0x1] =	stream.linear.gather [hbm4b:s3+s17], $0x80, $0x38;
	[tilespmem:$0x10A00] =	vst v63  }
0x9a: {  	s30 =	sand.u32 $0x1FFFFFF0, s13;
	s22 =	sadd.s32 s7, s12;
	s12 =	spop (v2sf)  }
0x9b: {  	(v2sf) =	vpush v1, $0x8;
	[tilespmem:s0], [sflag:$0x1] =	stream.linear.gather [hbm4b:s22+s17], $0x80, $0x38;
	[tilespmem:$0x10A00] =	vst v63  }
0x9c: {  	s26 =	sadd.s32 $0xA80, s19;
	s2 =	sadd.s32 s4, s30;
	s3 =	sand.u32 $0x1FFFFFF0, s31  }
0x9d: {  	[tilespmem:s16], [sflag:$0x1] =	stream.linear.gather [hbm4b:s2+s17], $0x80, $0x38;
	[tilespmem:$0x10A00] =	vst v63  }
0x9e: {  	s13 =	sadd.s32 s7, s3;
	s16 =	sand.u32 $0x1FFFFFF0, s12;
	s21 =	spop (v2sf)  }
0x9f: {  	[tilespmem:s18], [sflag:$0x1] =	stream.linear.gather [hbm4b:s13+s17], $0x80, $0x38;
	[tilespmem:$0x10A00] =	vst v63  }
0xa0: {  	s24 =	sadd.s32 $0x10, s24;
	s22 =	sadd.s32 s4, s16;
	s31 =	spop (v2sf)  }
0xa1: {  	(v2sf) =	vpush v63, $0x8;
	[tilespmem:s15], [sflag:$0x1] =	stream.linear.gather [hbm4b:s22+s17], $0x80, $0x38;
	[tilespmem:$0x10A00] =	vst v63  }
0xa2: {  	s30 =	sand.u32 $0x1FFFFFF0, s21;
	s13 =	sand.u32 $0x1FFFFFF0, s31;
	s15 =	spop (v2sf)  }
0xa3: {  	(v2sf) =	vpush v1, $0x9;
	s12 =	sadd.s32 s7, s30;
	s16 =	sadd.s32 s4, s13;
	s21 =	spop (v2sf)  }
0xa4: {  	(v2sf) =	vpush v63, $0x9;
	[tilespmem:s1], [sflag:$0x1] =	stream.linear.gather [hbm4b:s12+s17], $0x80, $0x38;
	[tilespmem:$0x10A00] =	vst v63  }
0xa5: {  	s22 =	rddreg [dreg:$0x17];
	s18 =	sand.u32 $0x1FFFFFF0, s15;
	s1 =	spop (v2sf)  }
0xa6: {  	[tilespmem:s22], [sflag:$0x1] =	stream.linear.gather [hbm4b:s16+s17], $0x80, $0x38;
	[tilespmem:$0x10A00] =	vst v63  }
0xa7: {  	s30 =	sadd.s32 s7, s18;
	s31 =	sand.u32 $0x1FFFFFF0, s21;
	s13 =	spop (v2sf)  }
0xa8: {  	(v2sf) =	vpush v1, $0xA;
	s2 =	sadd.s32 s4, s31;
	s12 =	sand.u32 $0x1FFFFFF0, s1;
	s16 =	spop (v2sf)  }
0xa9: {  	[tilespmem:s14], [sflag:$0x1] =	stream.linear.gather [hbm4b:s30+s17], $0x80, $0x38;
	[tilespmem:$0x10A00] =	vst v63  }
0xaa: {  	(v2sf) =	vpush v63, $0xA;
	s15 =	sand.u32 $0x1FFFFFF0, s13;
	s13 =	rddreg [dreg:$0x13];
	s22 =	spop (v2sf)  }
0xab: {  	[tilespmem:s10], [sflag:$0x1] =	stream.linear.gather [hbm4b:s2+s17], $0x80, $0x38;
	[tilespmem:$0x10A00] =	vst v63  }
0xac: {  	(v2sf) =	vpush v1, $0xB;
	s14 =	sadd.s32 s7, s12;
	s18 =	sadd.s32 s4, s15;
	s31 =	sand.u32 $0x1FFFFFF0, s22  }
0xad: {  	[tilespmem:s9], [sflag:$0x1] =	stream.linear.gather [hbm4b:s14+s17], $0x80, $0x38;
	[tilespmem:$0x10A00] =	vst v63  }
0xae: {  	(v2sf) =	vpush v63, $0xB;
	s21 =	sand.u32 $0x1FFFFFF0, s16;
	s2 =	sadd.s32 s4, s31;
	s31 =	rddreg [dreg:$0xf]  }
0xaf: {  	[tilespmem:s8], [sflag:$0x1] =	stream.linear.gather [hbm4b:s18+s17], $0x80, $0x38;
	[tilespmem:$0x10A00] =	vst v63  }
0xb0: {  	s30 =	sadd.s32 s7, s21;
	s1 =	spop (v2sf);
	s8 =	rddreg [dreg:$0x15]  }
0xb1: {  	(v2sf) =	vpush v1, $0xC;
	[tilespmem:s6], [sflag:$0x1] =	stream.linear.gather [hbm4b:s30+s17], $0x80, $0x38;
	[tilespmem:$0x10A00] =	vst v63  }
0xb2: {  	s25 =	sadd.s32 $0x10, s25;
	s18 =	rddreg [dreg:$0xb];
	s6 =	spop (v2sf)  }
0xb3: {  	(v2sf) =	vpush v63, $0xC;
	s3 =	sand.u32 $0x1FFFFFF0, s1;
	s10 =	sand.u32 $0x1FFFFFF0, s6;
	s12 =	spop (v2sf)  }
0xb4: {  	[tilespmem:s8], [sflag:$0x1] =	stream.linear.gather [hbm4b:s2+s17], $0x80, $0x38;
	[tilespmem:$0x10A00] =	vst v63  }
0xb5: {  	s9 =	sadd.s32 s7, s3;
	s14 =	sadd.s32 s4, s10;
	s15 =	sand.u32 $0x1FFFFFF0, s12  }
0xb6: {  	[tilespmem:s13], [sflag:$0x1] =	stream.linear.gather [hbm4b:s9+s17], $0x80, $0x38;
	[tilespmem:$0x10A00] =	vst v63  }
0xb7: {  	s16 =	spop (v2sf);
	s10 =	rddreg [dreg:$0xd];
	s21 =	sadd.s32 s7, s15  }
0xb8: {  	[tilespmem:s18], [sflag:$0x1] =	stream.linear.gather [hbm4b:s14+s17], $0x80, $0x38;
	[tilespmem:$0x10A00] =	vst v63  }
0xb9: {  	s22 =	sand.u32 $0x1FFFFFF0, s16;
	s15 =	rddreg [dreg:$0x7];
	s30 =	spop (v2sf)  }
0xba: {  	[tilespmem:s31], [sflag:$0x1] =	stream.linear.gather [hbm4b:s21+s17], $0x80, $0x38;
	[tilespmem:$0x10A00] =	vst v63  }
0xbb: {  	s6 =	sadd.s32 s4, s22;
	s8 =	sand.u32 $0x1FFFFFF0, s30;
	s9 =	spop (v2sf)  }
0xbc: {  	[tilespmem:s10], [sflag:$0x1] =	stream.linear.gather [hbm4b:s6+s17], $0x80, $0x38;
	[tilespmem:$0x10A00] =	vst v63  }
0xbd: {  	s22 =	rddreg [dreg:$0x11];
	s12 =	sadd.s32 s7, s8;
	s14 =	spop (v2sf)  }
0xbe: {  	(v2sf) =	vpush v1, $0xD;
	[tilespmem:s15], [sflag:$0x1] =	stream.linear.gather [hbm4b:s12+s17], $0x80, $0x38;
	[tilespmem:$0x10A00] =	vst v63  }
.Ltmp0:
0xbf: {  	(v2sf) =	vpush v63, $0xD;
	s13 =	sand.u32 $0x1FFFFFF0, s9;
	s18 =	sand.u32 $0x1FFFFFF0, s14;
	(pc) =	sbr.rel @p0 .LBB2_2-.Ltmp0, $4  }
0xc0: {  	(v2sf) =	vpush v1, $0xE;
	s16 =	sadd.s32 s4, s13;
	s21 =	spop (v2sf);
	s30 =	sadd.s32 s7, s18  }
0xc1: {  	(v2sf) =	vpush v63, $0xE;
	[tilespmem:s22], [sflag:$0x1] =	stream.linear.gather [hbm4b:s16+s17], $0x80, $0x38;
	[tilespmem:$0x10A00] =	vst v63  }
0xc2: {  	(v2sf) =	vpush v1, $0xF;
	s31 =	rddreg [dreg:$0x9];
	s0 =	sand.u32 $0x1FFFFFF0, s21;
	s1 =	spop (v2sf)  }
0xc3: {  	(v2sf) =	vpush v63, $0xF;
	[tilespmem:s31], [sflag:$0x1] =	stream.linear.gather [hbm4b:s30+s17], $0x80, $0x38;
	[tilespmem:$0x10A00] =	vst v63  }
0xc4: {  	_ =	sdelay $0x4  }
0xc5: {  	s0 =	sadd.s32 s4, s0;
	s1 =	sand.u32 $0x1FFFFFF0, s1;
	s3 =	rddreg [dreg:$0x5]  }
0xc6: {  	[tilespmem:s29], [sflag:$0x1] =	stream.linear.gather [hbm4b:s0+s17], $0x80, $0x38;
	[tilespmem:$0x10A00] =	vst v63  }
0xc7: {  	s10 =	sadd.s32 s3, s1  }
0xc8: {  	[tilespmem:s23], [sflag:$0x1] =	stream.linear.gather [hbm4b:s10+s17], $0x80, $0x38;
	[tilespmem:$0x10A00] =	vst v63  }
0xc9: {  	s2 =	spop (v2sf)  }
0xca: {  	s12 =	sand.u32 $0x1FFFFFF0, s2;
	s13 =	spop (v2sf)  }
0xcb: {  	s14 =	sadd.s32 s4, s12;
	s15 =	sand.u32 $0x1FFFFFF0, s13;
	s16 =	spop (v2sf)  }
0xcc: {  	[tilespmem:s26], [sflag:$0x1] =	stream.linear.gather [hbm4b:s14+s17], $0x80, $0x38;
	[tilespmem:$0x10A00] =	vst v63  }
0xcd: {  	s18 =	sadd.s32 s3, s15;
	s20 =	sand.u32 $0x1FFFFFF0, s16;
	s21 =	spop (v2sf)  }
0xce: {  	[tilespmem:s11], [sflag:$0x1] =	stream.linear.gather [hbm4b:s18+s17], $0x80, $0x38;
	[tilespmem:$0x10A00] =	vst v63  }
0xcf: {  	s22 =	sadd.s32 s4, s20;
	s23 =	sand.u32 $0x1FFFFFF0, s21;
	s24 =	spop (v2sf)  }
0xd0: {  	[tilespmem:s28], [sflag:$0x1] =	stream.linear.gather [hbm4b:s22+s17], $0x80, $0x38;
	[tilespmem:$0x10A00] =	vst v63  }
0xd1: {  	s25 =	sadd.s32 s3, s23;
	s26 =	sand.u32 $0x1FFFFFF0, s24;
	s28 =	spop (v2sf)  }
0xd2: {  	[tilespmem:s5], [sflag:$0x1] =	stream.linear.gather [hbm4b:s25+s17], $0x80, $0x38;
	[tilespmem:$0x10A00] =	vst v63  }
0xd3: {  	s29 =	sadd.s32 $0xB80, s19;
	s1 =	sadd.s32 s4, s26;
	s2 =	sand.u32 $0x1FFFFFF0, s28  }
0xd4: {  	[tilespmem:s29], [sflag:$0x1] =	stream.linear.gather [hbm4b:s1+s17], $0x80, $0x38;
	[tilespmem:$0x10A00] =	vst v63  }
0xd5: {  	s30 =	sadd.s32 $0x8B80, s19;
	s31 =	sadd.s32 s3, s2;
	s1 =	simm.s32 $0x1  }
0xd6: {  	[tilespmem:s30], [sflag:$0x1] =	stream.linear.gather [hbm4b:s31+s17], $0x80, $0x38;
	[tilespmem:$0x10A00] =	vst v63  }
0xd7: {  	_ =	swait.ge [sflag:s1], $0x80  }
0xd8: {  	[sflag:s1] =	ssyncset.done $0x0  }
0xd9: {  	[sflag:s1] =	ssyncadd.s32 $0xFFFFFF80  }
0xda: {  	_ =	swait.ge [sflag:s1], $0x80  }
0xdb: {  	s0 =	simm.s32 $0xFF;
	[sflag:s1] =	ssyncset.done $0x0  }
.LBB2_4:
0xdc: {  	p0 =	sne.s32 s0, $0x1;
	s0 =	sadd.s32 $0xFFFFFFFF, s0;
	[sflag:s1] =	ssyncadd.s32 $0xFFFFFF80  }
.Ltmp1:
0xdd: {  	_ =	swait.ge [sflag:s1], $0x80;
	(pc) =	sbr.rel @p0 .LBB2_4-.Ltmp1, $4  }
0xde: {  	[sflag:s1] =	ssyncset.done $0x0  }
0xdf: {  	[sflag:s1] =	ssyncadd.s32 $0xFFFFFF80  }
0xe0: {  	_ =	swait.ge [sflag:s1], $0x80  }
0xe1: {  	[sflag:s1] =	ssyncset.done $0x0  }
0xe2: {  	[sflag:s1] =	ssyncadd.s32 $0xFFFFFF80;
	s19 =	simm.s32 $0x800  }
0xe3: {  	v0 =	vld [tilespmem:s19+$0x310]  }
0xe4: {  	s20 =	simm.s32 $0x8800;
	v23 =	vld [tilespmem:s19+$0xFFFFFC10]  }
0xe5: {  	v24 =	vld [tilespmem:s20+$0xFFFFFC10]  }
0xe6: {  	v22 =	vld [tilespmem:s19+$0x130]  }
0xe7: {  	v25 =	vld [tilespmem:s20+$0x1B0]  }
0xe8: {  	v26 =	vld [tilespmem:s19+$0x1B0]  }
0xe9: {  	v27 =	vld [tilespmem:s20+$0x1A0]  }
0xea: {  	v28 =	vld [tilespmem:s19+$0x1A0]  }
0xeb: {  	v29 =	vld [tilespmem:s20+$0x190]  }
0xec: {  	[tilespmem:$0x1FFD0] =	vst v0;
	v0 =	vld [tilespmem:s20+$0x310]  }
0xed: {  	v30 =	vld [tilespmem:s19+$0x190]  }
0xee: {  	v31 =	vld [tilespmem:s20+$0x180]  }
0xef: {  	v32 =	vld [tilespmem:s19+$0x180]  }
0xf0: {  	v33 =	vld [tilespmem:s20+$0x130]  }
0xf1: {  	[tilespmem:$0x1FFE0] =	vst v0;
	v0 =	vld [tilespmem:s20+$0x300]  }
0xf2: {  	v34 =	vld [tilespmem:s20+$0x120]  }
0xf3: {  	v35 =	vld [tilespmem:s19+$0x120]  }
0xf4: {  	v36 =	vld [tilespmem:s20+$0x110]  }
0xf5: {  	v37 =	vld [tilespmem:s19+$0x110]  }
0xf6: {  	[tilespmem:$0x1FFF0] =	vst v0;
	v0 =	vld [tilespmem:s20+$0x200]  }
0xf7: {  	v38 =	vld [tilespmem:s20+$0x100]  }
0xf8: {  	v39 =	vld [tilespmem:s19+$0x100]  }
0xf9: {  	v18 =	vld [tilespmem:s19+$0x90]  }
0xfa: {  	v19 =	vld [tilespmem:s20+$0x10]  }
0xfb: {  	[tilespmem:$0x1FF90] =	vst v0;
	v0 =	vld [tilespmem:s19+$0xB0]  }
0xfc: {  	v20 =	vld [tilespmem:s19+$0x10]  }
0xfd: {  	v40 =	vld [tilespmem:s20+$0xFFFFFFB0]  }
0xfe: {  	v41 =	vld [tilespmem:s19+$0xFFFFFFB0]  }
0xff: {  	v42 =	vld [tilespmem:s20+$0xFFFFFFA0]  }
0x100: {  	[tilespmem:$0x1FF70] =	vst v0;
	v0 =	vld [tilespmem:s20+$0x2A0]  }
0x101: {  	v43 =	vld [tilespmem:s19+$0xFFFFFFA0]  }
0x102: {  	v44 =	vld [tilespmem:s20+$0xFFFFFF90]  }
0x103: {  	v45 =	vld [tilespmem:s19+$0xFFFFFF90]  }
0x104: {  	v46 =	vld [tilespmem:s20+$0xFFFFFF80]  }
0x105: {  	[tilespmem:$0x1FFB0] =	vst v0;
	v0 =	vld [tilespmem:s20+$0x220]  }
0x106: {  	v47 =	vld [tilespmem:s19+$0xFFFFFF80]  }
0x107: {  	v21 =	vld [tilespmem:s20+$0xFFFFFEB0]  }
0x108: {  	v48 =	vld [tilespmem:s20+$0xFFFFFF30]  }
0x109: {  	v49 =	vld [tilespmem:s19+$0xFFFFFF30]  }
0x10a: {  	[tilespmem:$0x1FFC0] =	vst v0;
	v0 =	vld [tilespmem:s20+$0x290]  }
0x10b: {  	v50 =	vld [tilespmem:s20+$0xFFFFFF20]  }
0x10c: {  	v51 =	vld [tilespmem:s19+$0xFFFFFF20]  }
0x10d: {  	v52 =	vld [tilespmem:s20+$0xFFFFFF10]  }
0x10e: {  	v53 =	vld [tilespmem:s19+$0xFFFFFF10]  }
0x10f: {  	[tilespmem:$0x1FF10] =	vst v0;
	v0 =	vld [tilespmem:s19+$0x290]  }
0x110: {  	v54 =	vld [tilespmem:s20+$0xFFFFFF00]  }
0x111: {  	v55 =	vld [tilespmem:s19+$0xFFFFFF00]  }
0x112: {  	v56 =	vld [tilespmem:s20+$0xFFFFFE30]  }
0x113: {  	v57 =	vld [tilespmem:s20+$0xFFFFFEA0]  }
0x114: {  	[tilespmem:$0x1FF20] =	vst v0;
	v0 =	vld [tilespmem:s20+$0x280]  }
0x115: {  	v58 =	vld [tilespmem:s20+$0xFFFFFE20]  }
0x116: {  	v59 =	vld [tilespmem:s20+$0xFFFFFE90]  }
0x117: {  	v60 =	vld [tilespmem:s19+$0xFFFFFE90]  }
0x118: {  	v61 =	vld [tilespmem:s20+$0xFFFFFE80]  }
0x119: {  	[tilespmem:$0x1FFA0] =	vst v0;
	v0 =	vld [tilespmem:s20+$0x210]  }
0x11a: {  	v62 =	vld [tilespmem:s20+$0xFFFFFE10]  }
0x11b: {  	v63 =	vld [tilespmem:s19+$0xFFFFFE10]  }
0x11c: {  	v15 =	vld [tilespmem:s20+$0xFFFFFDB0]  }
0x11d: {  	v14 =	vld [tilespmem:s19+$0xFFFFFDB0]  }
0x11e: {  	[tilespmem:$0x1FF50] =	vst v0;
	v0 =	vld [tilespmem:s19+$0x210]  }
0x11f: {  	v13 =	vld [tilespmem:s20+$0xFFFFFDA0]  }
0x120: {  	v10 =	vld [tilespmem:s19+$0xFFFFFDA0]  }
0x121: {  	v7 =	vld [tilespmem:s20+$0xFFFFFD90]  }
0x122: {  	v6 =	vld [tilespmem:s19+$0xFFFFFD90]  }
0x123: {  	[tilespmem:$0x1FF60] =	vst v0;
	v0 =	vld [tilespmem:s20+$0xB0]  }
0x124: {  	v5 =	vld [tilespmem:s20+$0xFFFFFD80]  }
0x125: {  	v4 =	vld [tilespmem:s19+$0xFFFFFD80]  }
0x126: {  	v17 =	vld [tilespmem:s20+$0xFFFFFCB0]  }
0x127: {  	v12 =	vld [tilespmem:s20+$0xFFFFFD30]  }
0x128: {  	[tilespmem:$0x1FF80] =	vst v0;
	v0 =	vld [tilespmem:s20+$0x30]  }
0x129: {  	v11 =	vld [tilespmem:s19+$0xFFFFFD30]  }
0x12a: {  	v9 =	vld [tilespmem:s20+$0xFFFFFD20]  }
0x12b: {  	v8 =	vld [tilespmem:s19+$0xFFFFFD20]  }
0x12c: {  	v3 =	vld [tilespmem:s20+$0xFFFFFD10]  }
0x12d: {  	[tilespmem:$0x1FF40] =	vst v0;
	v0 =	vld [tilespmem:s20+$0xA0]  }
0x12e: {  	v2 =	vld [tilespmem:s19+$0xFFFFFD10]  }
0x12f: {  	v1 =	vld [tilespmem:s20+$0xFFFFFD00]  }
0x130: {  	v16 =	vld [tilespmem:s20+$0xFFFFFC30]  }
0x131: {  	v29 =	vmul.f32 v29, v30;
	v30 =	vmul.f32 v31, v32;
	v31 =	vld [tilespmem:s20+$0xFFFFFCA0]  }
0x132: {  	[tilespmem:$0x1FF30] =	vst v0;
	v0 =	vld [tilespmem:s20+$0x20]  }
0x133: {  	v23 =	vmul.f32 v24, v23;
	v24 =	vmul.f32 v27, v28;
	v27 =	vld [tilespmem:s20+$0xFFFFFC20]  }
0x134: {  	v25 =	vmul.f32 v25, v26;
	v26 =	vld [tilespmem:s20+$0xFFFFFC90]  }
0x135: {  	v4 =	vmul.f32 v5, v4;
	v5 =	vld [tilespmem:s19+$0xFFFFFCA0]  }
0x136: {  	v53 =	vmul.f32 v52, v53;
	v52 =	vmul.f32 v50, v51;
	v50 =	vld [tilespmem:s19+$0xFFFFFE20]  }
0x137: {  	[tilespmem:$0x1FF00] =	vst v0;
	v0 =	vld [tilespmem:s20+$0x90]  }
0x138: {  	v51 =	vld [tilespmem:s19+$0xFFFFFEA0]  }
0x139: {  	v32 =	vmul.f32 v38, v39;
	v38 =	vld [tilespmem:s19+$0x230]  }
0x13a: {  	v28 =	vadd.f32 v29, v30;
	v29 =	vmul.f32 v34, v35;
	v34 =	vld [tilespmem:s19+$0xFFFFFC90]  }
0x13b: {  	v6 =	vmul.f32 v7, v6;
	v30 =	vmul.f32 v36, v37;
	v36 =	vld [tilespmem:s20+$0xFFFFFC80]  }
0x13c: {  	[tilespmem:$0x1FEE0] =	vst v0;
	v0 =	vld [tilespmem:s20+$0x80]  }
0x13d: {  	v4 =	vadd.f32 v6, v4;
	v6 =	vld [tilespmem:s19+$0xFFFFFCB0]  }
0x13e: {  	v35 =	vld [tilespmem:s20+$0x230]  }
0x13f: {  	v24 =	vadd.f32 v24, v28;
	v28 =	vmul.f32 v44, v45;
	v45 =	vld [tilespmem:s20+$0xFFFFFC00]  }
0x140: {  	v44 =	vmul.f32 v54, v55;
	v54 =	vmul.f32 v40, v41;
	v41 =	vld [tilespmem:s19+$0xFFFFFC20]  }
0x141: {  	v47 =	vmul.f32 v46, v47;
	[tilespmem:$0x1FEF0] =	vst v0;
	v0 =	vld [tilespmem:s19+$0xFFFFFD00]  }
0x142: {  	v10 =	vmul.f32 v13, v10;
	v55 =	vmul.f32 v48, v49;
	v48 =	vld [tilespmem:s19+$0xFFFFFE80]  }
0x143: {  	v46 =	vmul.f32 v42, v43;
	v30 =	vadd.f32 v30, v32;
	v40 =	vld [tilespmem:s19+$0x2B0]  }
0x144: {  	v42 =	vmul.f32 v15, v14;
	v4 =	vadd.f32 v10, v4;
	v28 =	vadd.f32 v28, v47;
	v47 =	vld [tilespmem:s19+$0xFFFFFC00]  }
0x145: {  	v2 =	vmul.f32 v3, v2;
	v24 =	vadd.f32 v25, v24;
	v32 =	vadd.f32 v53, v44;
	v53 =	vld [tilespmem:s19+$0xFFFFFC80]  }
0x146: {  	v29 =	vadd.f32 v29, v30;
	v4 =	vadd.f32 v42, v4;
	v42 =	vld [tilespmem:s20+$0x320];
	v0 =	vmul.f32 v1, v0  }
0x147: {  	v25 =	vadd.f32 v46, v28;
	v30 =	vadd.f32 v52, v32;
	v52 =	vld [tilespmem:s19+$0xFFFFFE30]  }
0x148: {  	v8 =	vmul.f32 v9, v8;
	v43 =	vmul.f32 v12, v11;
	v32 =	vld [tilespmem:s20+$0x2B0];
	v0 =	vadd.f32 v2, v0  }
0x149: {  	v46 =	vmul.f32 v26, v34;
	v7 =	vadd.f32 v54, v25;
	v3 =	vadd.f32 v55, v30;
	v55 =	vld [tilespmem:s19+$0x20]  }
0x14a: {  	(xrf2) =	vadd.scan.msk.f32 $0xffff, v24;
	v25 =	vld [tilespmem:s19+$0x220];
	v44 =	vmul.f32 v45, v47;
	v47 =	vmul.f32 v36, v53;
	v0 =	vadd.f32 v8, v0  }
0x14b: {  	v45 =	vld [tilespmem:s19+$0xFFFFFE00];
	(xrf2) =	vadd.scan.msk.f32 $0xffff, v7  }
0x14c: {  	v7 =	vadd.f32 v46, v47;
	(xrf2) =	vadd.scan.msk.f32 $0xffff, v3;
	v3 =	vmul.f32 v31, v5;
	v1 =	vld [tilespmem:s19+$0xFFFFFC30];
	v0 =	vadd.f32 v43, v0  }
0x14d: {  	v47 =	vld [tilespmem:$0x1FFE0];
	(xrf2) =	vadd.scan.msk.f32 $0xffff, v4  }
0x14e: {  	v4 =	vld [tilespmem:s19+$0xFFFFFEB0];
	(xrf2) =	vadd.scan.msk.f32 $0xffff, v0;
	v0 =	vadd.f32 v3, v7;
	v3 =	vmul.f32 v17, v6  }
0x14f: {  	v22 =	vmul.f32 v33, v22;
	v49 =	vmul.f32 v27, v41;
	v10 =	vadd.f32 v23, v44;
	v39 =	vld [tilespmem:$0x1FF90]  }
0x150: {  	v54 =	vmul.f32 v59, v60;
	v44 =	vld [tilespmem:$0x1FFC0];
	v0 =	vadd.f32 v3, v0;
	v3 =	vmul.f32 v61, v48  }
0x151: {  	v5 =	vadd.f32 v49, v10;
	v26 =	vld [tilespmem:$0x1FF10];
	v1 =	vmul.f32 v16, v1  }
0x152: {  	v53 =	vadd.f32 v22, v29;
	v27 =	vld [tilespmem:$0x1FF20];
	v8 =	vmul.f32 v57, v51;
	v3 =	vadd.f32 v54, v3  }
0x153: {  	v2 =	vld [tilespmem:s20+$0xFFFFFE00];
	v1 =	vadd.f32 v1, v5  }
0x154: {  	v4 =	vmul.f32 v21, v4;
	v6 =	vmul.f32 v62, v63;
	v62 =	vld [tilespmem:$0x1FEE0];
	(xrf2) =	vadd.scan.msk.f32 $0xffff, v53;
	v3 =	vadd.f32 v8, v3  }
0x155: {  	(xrf2) =	vadd.scan.msk.f32 $0xffff, v1;
	v1 =	vld [tilespmem:s19+$0x80]  }
0x156: {  	v3 =	vadd.f32 v4, v3;
	v4 =	vld [tilespmem:$0x1FEF0]  }
0x157: {  	v29 =	vld [tilespmem:$0x1FF30]  }
0x158: {  	(xrf2) =	vadd.scan.msk.f32 $0xffff, v0;
	v0 =	vld [tilespmem:s19+$0xA0]  }
0x159: {  	v33 =	vld [tilespmem:$0x1FF50]  }
0x15a: {  	v34 =	vld [tilespmem:$0x1FF60];
	v2 =	vmul.f32 v2, v45  }
0x15b: {  	v36 =	vld [tilespmem:$0x1FF80];
	v15 =	vmul.f32 v62, v18;
	v1 =	vmul.f32 v4, v1  }
0x15c: {  	v5 =	vld [tilespmem:s20+$0x0];
	v2 =	vadd.f32 v6, v2  }
0x15d: {  	v7 =	vld [tilespmem:s19+$0x0];
	v6 =	vmul.f32 v58, v50;
	v0 =	vmul.f32 v29, v0;
	v1 =	vadd.f32 v15, v1  }
0x15e: {  	v24 =	vld [tilespmem:$0x1FF00]  }
0x15f: {  	v2 =	vadd.f32 v6, v2;
	v6 =	vmul.f32 v56, v52;
	v0 =	vadd.f32 v0, v1;
	v1 =	vld [tilespmem:$0x1FF70]  }
0x160: {  	v30 =	vld [tilespmem:$0x1FF40]  }
0x161: {  	s23 =	simm.s32 $0x0;
	v10, _, _ =	vpop (xrf2);
	v57 =	vld [tilespmem:s19+$0x30];
	v2 =	vadd.f32 v6, v2  }
0x162: {  	v59, _, _ =	vpop (xrf2);
	v58 =	vld [tilespmem:s23+$0x10600];
	v61 =	vmul.f32 v19, v20;
	v5 =	vmul.f32 v5, v7  }
0x163: {  	v60, _, _ =	vpop (xrf2);
	v6 =	vld [tilespmem:s23+$0x10400];
	(xrf2) =	vadd.scan.msk.f32 $0xffff, v2  }
0x164: {  	v11 =	vmul.f32 v24, v55;
	v63, _, _ =	vpop (xrf2);
	v7 =	vld [tilespmem:s19+$0x200];
	v5 =	vadd.f32 v61, v5;
	v1 =	vmul.f32 v36, v1  }
0x165: {  	v2 =	vld [tilespmem:s19+$0x280];
	(xrf2) =	vadd.scan.msk.f32 $0xffff, v3;
	v4, _, _ =	vpop (xrf2)  }
0x166: {  	v9 =	vmul.f32 v30, v57;
	v5 =	vadd.f32 v11, v5;
	v28, _, _ =	vpop (xrf2);
	v0 =	vadd.f32 v1, v0;
	v1 =	vld [tilespmem:$0x1FFA0]  }
0x167: {  	v12 =	vmul.f32 v35, v38;
	v43 =	vld [tilespmem:$0x1FFB0];
	v17 =	vmul.f32 v26, v27;
	v31, _, _ =	vpop (xrf2)  }
0x168: {  	v3 =	vld [tilespmem:s19+$0x2A0];
	v6 =	vadd.f32 v58, v6;
	v5 =	vadd.f32 v9, v5;
	v11 =	vbroadcast v31, $0xF  }
0x169: {  	v49 =	vld [tilespmem:s20+$0x330];
	v19 =	vmul.f32 v33, v34;
	v7 =	vmul.f32 v39, v7;
	v37, _, _ =	vpop (xrf2)  }
0x16a: {  	v41 =	vbroadcast v63, $0xF;
	v52 =	vld [tilespmem:$0x1FFF0];
	(xrf2) =	vadd.scan.msk.f32 $0xffff, v5;
	v9 =	vbroadcast v37, $0xF;
	v11 =	vadd.f32 v11, v6  }
0x16b: {  	v5 =	vadd.f32 v19, v7;
	v1 =	vmul.f32 v1, v2;
	v2 =	vbroadcast v4, $0xF;
	v4 =	vld [tilespmem:s19+$0x300]  }
0x16c: {  	v55 =	vld [tilespmem:s20+$0x380];
	v7 =	vsel vm0, v11, v6;
	v6 =	vadd.f32 v9, v6;
	v9 =	vmul.f32 v44, v25  }
0x16d: {  	v3 =	vmul.f32 v43, v3;
	v46, _, _ =	vpop (xrf2);
	(xrf2) =	vadd.scan.msk.f32 $0xffff, v0;
	v1 =	vadd.f32 v17, v1;
	v0 =	vadd.f32 v2, v7;
	v2 =	vld [tilespmem:$0x1FFD0]  }
0x16e: {  	v45 =	vld [tilespmem:s19+$0x320];
	v6 =	vsel vm1, v7, v6;
	v5 =	vadd.f32 v9, v5;
	v7 =	vbroadcast v46, $0xF  }
0x16f: {  	v51 =	vld [tilespmem:s19+$0x330];
	v50, _, _ =	vpop (xrf2);
	v11 =	vadd.f32 v41, v6;
	v0 =	vsel vm2, v6, v0;
	v1 =	vadd.f32 v3, v1  }
0x170: {  	v53 =	vld [tilespmem:s19+$0x380];
	v3 =	vadd.f32 v7, v6;
	v6 =	vbroadcast v50, $0xF;
	v4 =	vmul.f32 v52, v4  }
0x171: {  	v13 =	vbroadcast v59, $0xF;
	v48 =	vld [tilespmem:s19+$0x390];
	v8 =	vbroadcast v60, $0xF;
	v0 =	vsel vm3, v0, v11  }
0x172: {  	v5 =	vadd.f32 v12, v5;
	v7 =	vld [tilespmem:s20+$0x390];
	v6 =	vadd.f32 v6, v0;
	v2 =	vmul.f32 v47, v2  }
0x173: {  	v59 =	vld [tilespmem:s19+$0x3B0];
	v54 =	vmul.f32 v32, v40;
	v0 =	vsel vm4, v0, v3;
	v3 =	vmul.f32 v42, v45  }
0x174: {  	v56 =	vld [tilespmem:s19+$0x3A0];
	(xrf2) =	vadd.scan.msk.f32 $0xffff, v5;
	v5 =	vsel vm5, v0, v6;
	v0 =	vadd.f32 v8, v0;
	v2 =	vadd.f32 v2, v4;
	v4, _, _ =	vpop (xrf2)  }
0x175: {  	v1 =	vadd.f32 v54, v1;
	v6 =	vld [tilespmem:s20+$0x3A0];
	v57 =	vadd.f32 v13, v5;
	v4 =	vbroadcast v4, $0xF  }
0x176: {  	v58 =	vld [tilespmem:s20+$0x3B0];
	v0 =	vsel vm6, v5, v0;
	v2 =	vadd.f32 v3, v2;
	v3 =	vmul.f32 v49, v51  }
0x177: {  	v60, _, _ =	vpop (xrf2);
	(xrf2) =	vadd.scan.msk.f32 $0xffff, v1;
	v4 =	vadd.f32 v4, v5;
	v5 =	vmul.f32 v7, v48;
	v7 =	vmul.f32 v55, v53  }
0x178: {  	v61 =	vbroadcast v60, $0xF;
	v2 =	vadd.f32 v3, v2  }
0x179: {  	v62 =	vbroadcast v28, $0xF;
	v0 =	vsel vm7, v0, v57;
	v3 =	vadd.f32 v5, v7  }
0x17a: {  	v5 =	vmul.f32 v6, v56;
	v4 =	vsel vm8, v0, v4;
	v0 =	vadd.f32 v61, v0;
	(xrf2) =	vadd.scan.msk.f32 $0xffff, v2  }
0x17b: {  	v63 =	vmul.f32 v58, v59;
	v6 =	vbroadcast v10, $0xF  }
0x17c: {  	v7 =	vadd.f32 v62, v4;
	v5 =	vadd.f32 v5, v3;
	v0 =	vsel vm9, v4, v0  }
0x17d: {  	v2 =	vadd.f32 v6, v0  }
0x17e: {  	s21 =	simm.s32 $0x40;
	v1, _, _ =	vpop (xrf2);
	v3 =	vsel vm10, v0, v7;
	v4 =	vadd.f32 v63, v5  }
.LBB2_6:
0x17f: {  	p0 =	sne.s32 s21, $0x3C0;
	v2 =	vsel vm11, v3, v2;
	s19 =	sadd.s32 $0x800, s19;
	s20 =	sadd.s32 $0x800, s20  }
0x180: {  	s22 =	smov.u32 s21;
	s21 =	sadd.s32 $0x40, s21;
	(xrf2) =	vadd.scan.msk.f32 $0xffff, v4  }
0x181: {  	v3, _, _ =	vpop (xrf2);
	_ =	sdelay $0x2  }
0x182: {  	v1 =	vbroadcast v1, $0xF;
	v4, _, _ =	vpop (xrf2)  }
0x183: {  	v3 =	vbroadcast v3, $0xF;
	v4 =	vbroadcast v4, $0xF  }
0x184: {  	v0 =	vadd.f32 v1, v0  }
0x185: {  	v1 =	vadd.f32 v3, v2  }
0x186: {  	v0 =	vsel vm12, v2, v0  }
0x187: {  	v1 =	vsel vm13, v0, v1;
	v0 =	vadd.f32 v4, v0  }
0x188: {  	v2, _, _ =	vpop (xrf2)  }
0x189: {  	v0 =	vsel vm14, v1, v0;
	v1 =	vadd.f32 v2, v1;
	_ =	sdelay $0x1  }
0x18a: {  	v0 =	vsel vm15, v0, v1  }
0x18b: {  	[tilespmem:s23+$0x10800] =	vst v0  }
0x18c: {  	v2 =	vld [tilespmem:s19+$0x310]  }
0x18d: {  	v3 =	vld [tilespmem:s20+$0x310]  }
0x18e: {  	v0 =	vld [tilespmem:s19+$0x3A0]  }
0x18f: {  	v1 =	vld [tilespmem:s20+$0x300]  }
0x190: {  	v7 =	vld [tilespmem:s19+$0xFFFFFC10]  }
0x191: {  	v6 =	vld [tilespmem:s20+$0x200]  }
0x192: {  	v8 =	vld [tilespmem:s19+$0xB0]  }
0x193: {  	v5 =	vld [tilespmem:s20+$0x2A0]  }
0x194: {  	v9 =	vld [tilespmem:s20+$0xFFFFFC10]  }
0x195: {  	v4 =	vld [tilespmem:s20+$0x220]  }
0x196: {  	v10 =	vld [tilespmem:s19+$0x130]  }
0x197: {  	v14 =	vld [tilespmem:s20+$0x1B0]  }
0x198: {  	v11 =	vld [tilespmem:s20+$0x290]  }
0x199: {  	v16 =	vmul.f32 v9, v7;
	v7 =	vld [tilespmem:s19+$0x290]  }
0x19a: {  	v9 =	vld [tilespmem:s20+$0x280]  }
0x19b: {  	v12 =	vld [tilespmem:s20+$0x210]  }
0x19c: {  	v13 =	vld [tilespmem:s19+$0x210]  }
0x19d: {  	v15 =	vld [tilespmem:s19+$0x1B0]  }
0x19e: {  	v17 =	vld [tilespmem:s20+$0x1A0];
	v7 =	vmul.f32 v11, v7  }
0x19f: {  	v18 =	vld [tilespmem:s19+$0x1A0]  }
0x1a0: {  	v19 =	vld [tilespmem:s20+$0x190]  }
0x1a1: {  	v20 =	vld [tilespmem:s19+$0x190];
	v11 =	vmul.f32 v12, v13  }
0x1a2: {  	v13 =	vld [tilespmem:s20+$0x180]  }
0x1a3: {  	v21 =	vld [tilespmem:s19+$0x180]  }
0x1a4: {  	v12 =	vld [tilespmem:s20+$0xB0];
	v17 =	vmul.f32 v17, v18  }
0x1a5: {  	v18 =	vld [tilespmem:s20+$0x130]  }
0x1a6: {  	v22 =	vld [tilespmem:s20+$0x120];
	v19 =	vmul.f32 v19, v20  }
0x1a7: {  	v20 =	vld [tilespmem:s19+$0x120]  }
0x1a8: {  	v23 =	vld [tilespmem:s20+$0x110];
	v13 =	vmul.f32 v13, v21  }
0x1a9: {  	v21 =	vld [tilespmem:s19+$0x110]  }
0x1aa: {  	v24 =	vld [tilespmem:s20+$0x100];
	v19 =	vadd.f32 v19, v13  }
0x1ab: {  	v25 =	vld [tilespmem:s19+$0x100]  }
0x1ac: {  	v13 =	vld [tilespmem:s20+$0x30];
	v20 =	vmul.f32 v22, v20;
	v17 =	vadd.f32 v17, v19;
	v19 =	vmul.f32 v14, v15  }
0x1ad: {  	v14 =	vld [tilespmem:s20+$0xA0]  }
0x1ae: {  	v15 =	vld [tilespmem:s20+$0x20];
	v21 =	vmul.f32 v23, v21;
	v17 =	vadd.f32 v19, v17  }
0x1af: {  	v19 =	vld [tilespmem:s20+$0x90]  }
0x1b0: {  	v22 =	vld [tilespmem:s19+$0x90];
	v23 =	vmul.f32 v24, v25;
	(xrf2) =	vadd.scan.msk.f32 $0xffff, v17  }
0x1b1: {  	v17 =	vld [tilespmem:s20+$0x80]  }
0x1b2: {  	v24 =	vld [tilespmem:s20+$0x10];
	v21 =	vadd.f32 v21, v23  }
0x1b3: {  	v25 =	vld [tilespmem:s19+$0x10]  }
0x1b4: {  	v10 =	vmul.f32 v18, v10;
	v26 =	vld [tilespmem:s20+$0xFFFFFFB0];
	v20 =	vadd.f32 v20, v21  }
0x1b5: {  	v21 =	vld [tilespmem:s19+$0xFFFFFFB0];
	v18 =	vmul.f32 v19, v22  }
0x1b6: {  	v19 =	vld [tilespmem:s20+$0xFFFFFFA0];
	v23 =	vadd.f32 v10, v20  }
0x1b7: {  	v22 =	vld [tilespmem:s19+$0xFFFFFFA0]  }
0x1b8: {  	v27 =	vld [tilespmem:s20+$0xFFFFFF90];
	v20 =	vmul.f32 v24, v25  }
0x1b9: {  	v24 =	vld [tilespmem:s19+$0xFFFFFF90]  }
0x1ba: {  	v25 =	vld [tilespmem:s20+$0xFFFFFF80];
	v26 =	vmul.f32 v26, v21;
	v10, _, _ =	vpop (xrf2)  }
0x1bb: {  	v28 =	vld [tilespmem:s19+$0xFFFFFF80]  }
0x1bc: {  	v21 =	vld [tilespmem:s20+$0xFFFFFEB0];
	v19 =	vmul.f32 v19, v22  }
0x1bd: {  	v22 =	vld [tilespmem:s20+$0xFFFFFF30]  }
0x1be: {  	v29 =	vld [tilespmem:s19+$0xFFFFFF30];
	v24 =	vmul.f32 v27, v24  }
0x1bf: {  	v27 =	vld [tilespmem:s20+$0xFFFFFF20]  }
0x1c0: {  	v30 =	vld [tilespmem:s19+$0xFFFFFF20];
	v25 =	vmul.f32 v25, v28  }
0x1c1: {  	v28 =	vld [tilespmem:s20+$0xFFFFFF10]  }
0x1c2: {  	v31 =	vld [tilespmem:s19+$0xFFFFFF10];
	v24 =	vadd.f32 v24, v25  }
0x1c3: {  	v32 =	vld [tilespmem:s20+$0xFFFFFF00];
	v22 =	vmul.f32 v22, v29  }
0x1c4: {  	v29 =	vld [tilespmem:s19+$0xFFFFFF00];
	v19 =	vadd.f32 v19, v24  }
0x1c5: {  	v24 =	vld [tilespmem:s20+$0xFFFFFE30];
	v27 =	vmul.f32 v27, v30  }
0x1c6: {  	v25 =	vld [tilespmem:s20+$0xFFFFFEA0];
	v19 =	vadd.f32 v26, v19  }
0x1c7: {  	v26 =	vld [tilespmem:s20+$0xFFFFFE20];
	v28 =	vmul.f32 v28, v31  }
0x1c8: {  	v30 =	vld [tilespmem:s20+$0xFFFFFE90];
	(xrf2) =	vadd.scan.msk.f32 $0xffff, v19  }
0x1c9: {  	v19 =	vld [tilespmem:s19+$0xFFFFFE90];
	v29 =	vmul.f32 v32, v29  }
0x1ca: {  	v31 =	vld [tilespmem:s20+$0xFFFFFE80]  }
0x1cb: {  	v32 =	vld [tilespmem:s20+$0xFFFFFE10];
	v28 =	vadd.f32 v28, v29  }
0x1cc: {  	v29 =	vld [tilespmem:s19+$0xFFFFFE10]  }
0x1cd: {  	v33 =	vld [tilespmem:s20+$0xFFFFFDB0];
	v27 =	vadd.f32 v27, v28  }
0x1ce: {  	v28 =	vld [tilespmem:s19+$0xFFFFFDB0];
	v30 =	vmul.f32 v30, v19  }
0x1cf: {  	v34 =	vld [tilespmem:s20+$0xFFFFFDA0];
	v35 =	vadd.f32 v22, v27  }
0x1d0: {  	v22 =	vld [tilespmem:s19+$0xFFFFFDA0]  }
0x1d1: {  	v27 =	vld [tilespmem:s20+$0xFFFFFD90];
	v29 =	vmul.f32 v32, v29;
	(xrf2) =	vadd.scan.msk.f32 $0xffff, v35  }
0x1d2: {  	v32 =	vld [tilespmem:s19+$0xFFFFFD90];
	v19, _, _ =	vpop (xrf2)  }
0x1d3: {  	v35 =	vld [tilespmem:s20+$0xFFFFFD80];
	v28 =	vmul.f32 v33, v28  }
0x1d4: {  	v33 =	vld [tilespmem:s19+$0xFFFFFD80]  }
0x1d5: {  	v36 =	vld [tilespmem:s20+$0xFFFFFCB0];
	v34 =	vmul.f32 v34, v22  }
0x1d6: {  	v37 =	vld [tilespmem:s20+$0xFFFFFD30]  }
0x1d7: {  	v38 =	vld [tilespmem:s19+$0xFFFFFD30];
	v22 =	vmul.f32 v27, v32  }
0x1d8: {  	v27 =	vld [tilespmem:s20+$0xFFFFFD20]  }
0x1d9: {  	v32 =	vld [tilespmem:s19+$0xFFFFFD20];
	v33 =	vmul.f32 v35, v33  }
0x1da: {  	v35 =	vld [tilespmem:s20+$0xFFFFFD10]  }
0x1db: {  	v39 =	vld [tilespmem:s19+$0xFFFFFD10];
	v33 =	vadd.f32 v22, v33;
	v22, _, _ =	vpop (xrf2)  }
0x1dc: {  	v40 =	vld [tilespmem:s20+$0xFFFFFD00];
	v37 =	vmul.f32 v37, v38  }
0x1dd: {  	v38 =	vld [tilespmem:s19+$0xFFFFFD00];
	v33 =	vadd.f32 v34, v33  }
0x1de: {  	v34 =	vld [tilespmem:s20+$0xFFFFFC30];
	v27 =	vmul.f32 v27, v32  }
0x1df: {  	v32 =	vld [tilespmem:s20+$0xFFFFFCA0];
	v28 =	vadd.f32 v28, v33  }
0x1e0: {  	v33 =	vld [tilespmem:s20+$0xFFFFFC20];
	v35 =	vmul.f32 v35, v39  }
0x1e1: {  	v39 =	vld [tilespmem:s20+$0xFFFFFC90];
	(xrf2) =	vadd.scan.msk.f32 $0xffff, v28  }
0x1e2: {  	v28 =	vld [tilespmem:s19+$0xFFFFFC90];
	v38 =	vmul.f32 v40, v38  }
0x1e3: {  	v40 =	vld [tilespmem:s20+$0xFFFFFC80]  }
0x1e4: {  	v41 =	vld [tilespmem:s20+$0xFFFFFC00];
	v35 =	vadd.f32 v35, v38  }
0x1e5: {  	v38 =	vld [tilespmem:s19+$0xFFFFFC00]  }
0x1e6: {  	v42 =	vld [tilespmem:s19+$0xFFFFFC80];
	v27 =	vadd.f32 v27, v35  }
0x1e7: {  	v35 =	vld [tilespmem:s19+$0xFFFFFC20];
	v28 =	vmul.f32 v39, v28  }
0x1e8: {  	v39 =	vld [tilespmem:s19+$0xFFFFFCA0];
	v27 =	vadd.f32 v37, v27  }
0x1e9: {  	v37 =	vld [tilespmem:s19+$0xFFFFFC30]  }
0x1ea: {  	v38 =	vmul.f32 v41, v38;
	v41 =	vld [tilespmem:s19+$0xFFFFFCB0];
	(xrf2) =	vadd.scan.msk.f32 $0xffff, v27  }
0x1eb: {  	v27 =	vmul.f32 v40, v42;
	v40 =	vld [tilespmem:s20+$0xFFFFFE00];
	v42, _, _ =	vpop (xrf2)  }
0x1ec: {  	v16 =	vadd.f32 v16, v38;
	v33 =	vmul.f32 v33, v35;
	v35 =	vld [tilespmem:s19+$0xFFFFFE00]  }
0x1ed: {  	v27 =	vadd.f32 v28, v27;
	v28 =	vmul.f32 v32, v39;
	v32 =	vld [tilespmem:s19+$0xFFFFFE80]  }
0x1ee: {  	v16 =	vadd.f32 v33, v16;
	v33 =	vmul.f32 v34, v37;
	v34 =	vld [tilespmem:s19+$0xFFFFFE20]  }
0x1ef: {  	v27 =	vadd.f32 v28, v27;
	v28 =	vmul.f32 v36, v41;
	v36 =	vld [tilespmem:s19+$0xFFFFFEA0];
	(xrf2) =	vadd.scan.msk.f32 $0xffff, v23  }
0x1f0: {  	v16 =	vadd.f32 v33, v16;
	v23 =	vld [tilespmem:s19+$0xFFFFFE30]  }
0x1f1: {  	v27 =	vadd.f32 v28, v27;
	v28 =	vmul.f32 v40, v35;
	v33 =	vld [tilespmem:s19+$0xFFFFFEB0]  }
0x1f2: {  	v35 =	vmul.f32 v31, v32;
	v32 =	vld [tilespmem:s20+$0x0];
	(xrf2) =	vadd.scan.msk.f32 $0xffff, v16  }
0x1f3: {  	v16 =	vadd.f32 v29, v28;
	v26 =	vmul.f32 v26, v34;
	v28 =	vld [tilespmem:s19+$0x0]  }
0x1f4: {  	v29 =	vadd.f32 v30, v35;
	v25 =	vmul.f32 v25, v36;
	v30 =	vld [tilespmem:s19+$0x80];
	v31, _, _ =	vpop (xrf2)  }
0x1f5: {  	v16 =	vadd.f32 v26, v16;
	v23 =	vmul.f32 v24, v23;
	v24 =	vld [tilespmem:s19+$0x20];
	(xrf2) =	vadd.scan.msk.f32 $0xffff, v27  }
0x1f6: {  	v25 =	vadd.f32 v25, v29;
	v21 =	vmul.f32 v21, v33;
	v26 =	vld [tilespmem:s19+$0xA0]  }
0x1f7: {  	s23 =	sshra.s32 s22, $0x2;
	v29 =	vadd.f32 v23, v16;
	v23 =	vld [tilespmem:s19+$0x30]  }
0x1f8: {  	v27 =	vld [tilespmem:s23+$0x10600];
	v21 =	vadd.f32 v21, v25;
	v25 =	vmul.f32 v32, v28  }
0x1f9: {  	v28 =	vld [tilespmem:s23+$0x10400];
	v17 =	vmul.f32 v17, v30;
	(xrf2) =	vadd.scan.msk.f32 $0xffff, v29;
	v16, _, _ =	vpop (xrf2)  }
0x1fa: {  	v20 =	vadd.f32 v20, v25;
	v15 =	vmul.f32 v15, v24;
	v24 =	vld [tilespmem:s19+$0x200]  }
0x1fb: {  	v17 =	vadd.f32 v18, v17;
	v14 =	vmul.f32 v14, v26;
	v18 =	vld [tilespmem:s19+$0x280]  }
0x1fc: {  	v15 =	vadd.f32 v15, v20;
	v13 =	vmul.f32 v13, v23;
	v20 =	vld [tilespmem:s19+$0x220];
	v23, _, _ =	vpop (xrf2);
	(xrf2) =	vadd.scan.msk.f32 $0xffff, v21  }
0x1fd: {  	v8 =	vmul.f32 v12, v8;
	v21 =	vbroadcast v23, $0xF;
	v14 =	vadd.f32 v14, v17;
	v12 =	vld [tilespmem:s19+$0x2A0]  }
0x1fe: {  	v17 =	vadd.f32 v27, v28;
	v13 =	vadd.f32 v13, v15;
	v15 =	vld [tilespmem:s20+$0x2B0]  }
0x1ff: {  	v8 =	vadd.f32 v8, v14;
	v6 =	vmul.f32 v6, v24;
	v14 =	vld [tilespmem:s20+$0x230];
	v23, _, _ =	vpop (xrf2)  }
0x200: {  	v21 =	vadd.f32 v21, v17;
	v23 =	vbroadcast v23, $0xF;
	v24 =	vld [tilespmem:s19+$0x230];
	v9 =	vmul.f32 v9, v18;
	(xrf2) =	vadd.scan.msk.f32 $0xffff, v13  }
0x201: {  	v13 =	vbroadcast v31, $0xF;
	v6 =	vadd.f32 v11, v6;
	v11 =	vld [tilespmem:s19+$0x2B0]  }
0x202: {  	v18 =	vsel vm0, v21, v17;
	v21 =	vbroadcast v42, $0xF;
	v5 =	vmul.f32 v5, v12;
	v12 =	vld [tilespmem:s19+$0x300]  }
0x203: {  	v4 =	vmul.f32 v4, v20;
	v17 =	vadd.f32 v23, v17;
	v7 =	vadd.f32 v7, v9;
	v9 =	vld [tilespmem:s20+$0x320];
	v20, _, _ =	vpop (xrf2);
	(xrf2) =	vadd.scan.msk.f32 $0xffff, v8  }
0x204: {  	v2 =	vmul.f32 v3, v2;
	v8 =	vadd.f32 v13, v18;
	v3 =	vld [tilespmem:s19+$0x320]  }
0x205: {  	v4 =	vadd.f32 v4, v6;
	v13 =	vsel vm1, v18, v17;
	v17 =	vbroadcast v20, $0xF  }
0x206: {  	v5 =	vadd.f32 v5, v7;
	v6 =	vsel vm2, v13, v8;
	v8 =	vadd.f32 v21, v13;
	v7 =	vld [tilespmem:s19+$0x390];
	v18, _, _ =	vpop (xrf2)  }
0x207: {  	v13 =	vadd.f32 v17, v13;
	v17 =	vbroadcast v18, $0xF;
	v1 =	vmul.f32 v1, v12;
	v12 =	vld [tilespmem:s20+$0x330]  }
0x208: {  	v11 =	vmul.f32 v15, v11;
	v6 =	vsel vm3, v6, v8;
	v8 =	vbroadcast v22, $0xF;
	v15 =	vld [tilespmem:s19+$0x330]  }
0x209: {  	v14 =	vmul.f32 v14, v24;
	v18 =	vbroadcast v19, $0xF;
	v17 =	vadd.f32 v17, v6;
	v19 =	vld [tilespmem:s20+$0x390]  }
0x20a: {  	v6 =	vsel vm4, v6, v13;
	v1 =	vadd.f32 v2, v1;
	v2 =	vmul.f32 v9, v3;
	v3, _, _ =	vpop (xrf2)  }
0x20b: {  	v4 =	vadd.f32 v14, v4;
	v9 =	vsel vm5, v6, v17;
	v6 =	vadd.f32 v8, v6;
	v8 =	vld [tilespmem:s19+$0x380]  }
0x20c: {  	v5 =	vadd.f32 v11, v5;
	v3 =	vbroadcast v3, $0xF;
	v13 =	vadd.f32 v18, v9;
	v11 =	vld [tilespmem:s20+$0x380]  }
0x20d: {  	v1 =	vadd.f32 v2, v1;
	v6 =	vsel vm6, v9, v6;
	v2 =	vmul.f32 v12, v15;
	v12, _, _ =	vpop (xrf2);
	(xrf2) =	vadd.scan.msk.f32 $0xffff, v4  }
0x20e: {  	v3 =	vadd.f32 v3, v9;
	v4 =	vbroadcast v12, $0xF;
	v7 =	vmul.f32 v19, v7;
	v9 =	vld [tilespmem:s20+$0x3A0]  }
0x20f: {  	v6 =	vsel vm7, v6, v13;
	v12 =	vbroadcast v16, $0xF;
	v1 =	vadd.f32 v2, v1;
	v2 =	vld [tilespmem:s20+$0x3B0]  }
0x210: {  	v3 =	vsel vm8, v6, v3;
	v4 =	vadd.f32 v4, v6;
	v6 =	vbroadcast v10, $0xF;
	v10 =	vld [tilespmem:s19+$0x3B0];
	(xrf2) =	vadd.scan.msk.f32 $0xffff, v5  }
0x211: {  	v5 =	vadd.f32 v12, v3;
	v8 =	vmul.f32 v11, v8;
	_ =	sdelay $0x1  }
.Ltmp2:
0x212: {  	v7 =	vadd.f32 v7, v8;
	v8 =	vmul.f32 v9, v0;
	(xrf2) =	vadd.scan.msk.f32 $0xffff, v1;
	(pc) =	sbr.rel @p0 .LBB2_6-.Ltmp2, $4  }
0x213: {  	_ = 	snop  }
0x214: {  	v0 =	vsel vm9, v3, v4;
	v7 =	vadd.f32 v8, v7;
	v4 =	vmul.f32 v2, v10  }
0x215: {  	v2 =	vadd.f32 v6, v0  }
0x216: {  	v3 =	vsel vm10, v0, v5;
	v4 =	vadd.f32 v4, v7;
	v1, _, _ =	vpop (xrf2)  }
0x217: {  	_ = 	snop  }
0x218: {  	(xrf2) =	vadd.scan.msk.f32 $0xffff, v4;
	_ =	sdelay $0x4  }
0x219: {  	v1 =	vbroadcast v1, $0xF;
	v56, _, _ =	vpop (xrf2)  }
0x21a: {  	v4 =	vbroadcast v56, $0xF  }
0x21b: {  	v2 =	vsel vm11, v3, v2;
	v0 =	vadd.f32 v1, v0;
	v57, _, _ =	vpop (xrf2)  }
0x21c: {  	v59 =	vadd.f32 v4, v2;
	v58 =	vbroadcast v57, $0xF  }
0x21d: {  	v0 =	vsel vm12, v2, v0  }
0x21e: {  	v2 =	vsel vm13, v0, v59;
	v0 =	vadd.f32 v58, v0;
	v60, _, _ =	vpop (xrf2)  }
0x21f: {  	v1 =	vadd.f32 v60, v2  }
0x220: {  	v0 =	vsel vm14, v2, v0  }
0x221: {  	v0 =	vsel vm15, v0, v1  }
0x222: {  	s0 =	simm.s32 $0x100;
	[tilespmem:s23+$0x10800] =	vst v0  }
0x223: {  	v0 =	vld [tilespmem:s0+$0x0]  }
0x224: {  	s10 =	simm.s32 $0x300  }
0x225: {  	v61 =	vld [tilespmem:s10+$0x0];
	_ =	sdelay $0x2  }
0x226: {  	v62 =	vshll.u32 v0, $0x4  }
0x227: {  	(v2sf) =	vpush v62, $0x0  }
0x228: {  	v63 =	vshll.u32 v61, $0x4  }
0x229: {  	(v2sf) =	vpush v63, $0x0  }
0x22a: {  	(v2sf) =	vpush v62, $0x1;
	_ =	sdelay $0x1  }
0x22b: {  	(v2sf) =	vpush v63, $0x1;
	_ =	sdelay $0x1  }
0x22c: {  	(v2sf) =	vpush v62, $0x2;
	_ =	sdelay $0x1  }
0x22d: {  	(v2sf) =	vpush v63, $0x2;
	_ =	sdelay $0x1  }
0x22e: {  	s20 =	simm.s32 $0x2000;
	s19 =	simm.s32 $0x0;
	(v2sf) =	vpush v62, $0x3  }
0x22f: {  	s2 =	simm.s32 $0x8400;
	s6 =	simm.s32 $0x680;
	s1 =	simm.s32 $0x880  }
0x230: {  	s3 =	simm.s32 $0x400;
	s8 =	simm.s32 $0x600;
	s9 =	simm.s32 $0x580  }
0x231: {  	s5 =	rddreg [dreg:$0x5];
	s13 =	simm.s32 $0x480;
	s16 =	simm.s32 $0x8480  }
0x232: {  	s21 =	simm.s32 $0x500;
	s24 =	simm.s32 $0x8500;
	s7 =	spop (v2sf);
	(v2sf) =	vpush v63, $0x3  }
0x233: {  	s31 =	simm.s32 $0x8600;
	s29 =	simm.s32 $0xA00;
	s28 =	simm.s32 $0xB00  }
0x234: {  	s0 =	simm.s32 $0x8900;
	s7 =	sand.u32 $0x1FFFFFF0, s7;
	s10 =	spop (v2sf);
	(v2sf) =	vpush v62, $0x4  }
0x235: {  	s7 =	sadd.s32 s4, s7;
	s11 =	sand.u32 $0x1FFFFFF0, s10;
	s12 =	spop (v2sf)  }
0x236: {  	[tilespmem:s3], [sflag:$0x1] =	stream.linear.gather [hbm4b:s7+s17], $0x80, $0x38;
	[tilespmem:$0x10A00] =	vst v63  }
0x237: {  	(v2sf) =	vpush v63, $0x4;
	s3 =	sadd.s32 s5, s11;
	s10 =	sand.u32 $0x1FFFFFF0, s12;
	s11 =	spop (v2sf)  }
0x238: {  	(v2sf) =	vpush v62, $0x5;
	[tilespmem:s2], [sflag:$0x1] =	stream.linear.gather [hbm4b:s3+s17], $0x80, $0x38;
	[tilespmem:$0x10A00] =	vst v63  }
0x239: {  	s14 =	sadd.s32 s4, s10;
	s15 =	sand.u32 $0x1FFFFFF0, s11;
	s18 =	spop (v2sf)  }
0x23a: {  	(v2sf) =	vpush v63, $0x5;
	[tilespmem:s13], [sflag:$0x1] =	stream.linear.gather [hbm4b:s14+s17], $0x80, $0x38;
	[tilespmem:$0x10A00] =	vst v63  }
0x23b: {  	s10 =	sadd.s32 s5, s15;
	(v2sf) =	vpush v62, $0x6;
	s3 =	sand.u32 $0x1FFFFFF0, s18;
	s22 =	spop (v2sf)  }
0x23c: {  	[tilespmem:s16], [sflag:$0x1] =	stream.linear.gather [hbm4b:s10+s17], $0x80, $0x38;
	[tilespmem:$0x10A00] =	vst v63  }
0x23d: {  	s3 =	sadd.s32 s4, s3;
	s23 =	spop (v2sf);
	(v2sf) =	vpush v63, $0x6;
	s10 =	sand.u32 $0x1FFFFFF0, s22  }
0x23e: {  	[tilespmem:s21], [sflag:$0x1] =	stream.linear.gather [hbm4b:s3+s17], $0x80, $0x38;
	[tilespmem:$0x10A00] =	vst v63  }
0x23f: {  	s7 =	simm.s32 $0x8580;
	s26 =	sand.u32 $0x1FFFFFF0, s23;
	s25 =	sadd.s32 s5, s10  }
0x240: {  	[tilespmem:s24], [sflag:$0x1] =	stream.linear.gather [hbm4b:s25+s17], $0x80, $0x38;
	[tilespmem:$0x10A00] =	vst v63  }
0x241: {  	s12 =	simm.s32 $0xA80;
	s10 =	sadd.s32 s4, s26;
	s30 =	spop (v2sf)  }
0x242: {  	[tilespmem:s9], [sflag:$0x1] =	stream.linear.gather [hbm4b:s10+s17], $0x80, $0x38;
	[tilespmem:$0x10A00] =	vst v63  }
0x243: {  	s18 =	simm.s32 $0x8680;
	(v2sf) =	vpush v62, $0x7;
	s2 =	sand.u32 $0x1FFFFFF0, s30;
	s13 =	spop (v2sf)  }
0x244: {  	s22 =	simm.s32 $0x700;
	s2 =	sadd.s32 s5, s2;
	s10 =	sand.u32 $0x1FFFFFF0, s13  }
0x245: {  	(v2sf) =	vpush v63, $0x7;
	[tilespmem:s7], [sflag:$0x1] =	stream.linear.gather [hbm4b:s2+s17], $0x80, $0x38;
	[tilespmem:$0x10A00] =	vst v63  }
0x246: {  	s3 =	simm.s32 $0x8A00;
	s14 =	spop (v2sf);
	(v2sf) =	vpush v62, $0x8;
	s15 =	sadd.s32 s4, s10  }
0x247: {  	s16 =	sand.u32 $0x1FFFFFF0, s14;
	s21 =	spop (v2sf);
	s14 =	simm.s32 $0x780  }
0x248: {  	(v2sf) =	vpush v63, $0x8;
	[tilespmem:s8], [sflag:$0x1] =	stream.linear.gather [hbm4b:s15+s17], $0x80, $0x38;
	[tilespmem:$0x10A00] =	vst v63  }
0x249: {  	s7 =	sadd.s32 s5, s16;
	s23 =	spop (v2sf);
	s8 =	sand.u32 $0x1FFFFFF0, s21  }
0x24a: {  	(v2sf) =	vpush v62, $0x9;
	s9 =	sand.u32 $0x1FFFFFF0, s23;
	s24 =	spop (v2sf);
	s8 =	sadd.s32 s4, s8  }
0x24b: {  	[tilespmem:s31], [sflag:$0x1] =	stream.linear.gather [hbm4b:s7+s17], $0x80, $0x38;
	[tilespmem:$0x10A00] =	vst v63  }
0x24c: {  	(v2sf) =	vpush v63, $0x9;
	s25 =	sadd.s32 s5, s9;
	s26 =	sand.u32 $0x1FFFFFF0, s24;
	s30 =	spop (v2sf)  }
0x24d: {  	[tilespmem:s6], [sflag:$0x1] =	stream.linear.gather [hbm4b:s8+s17], $0x80, $0x38;
	[tilespmem:$0x10A00] =	vst v63  }
0x24e: {  	(v2sf) =	vpush v62, $0xA;
	s9 =	simm.s32 $0x8700;
	s31 =	sadd.s32 s4, s26;
	s2 =	sand.u32 $0x1FFFFFF0, s30  }
0x24f: {  	[tilespmem:s18], [sflag:$0x1] =	stream.linear.gather [hbm4b:s25+s17], $0x80, $0x38;
	[tilespmem:$0x10A00] =	vst v63  }
0x250: {  	(v2sf) =	vpush v63, $0xA;
	s2 =	sadd.s32 s5, s2;
	s18 =	simm.s32 $0x8780;
	s25 =	simm.s32 $0x8800  }
0x251: {  	[tilespmem:s22], [sflag:$0x1] =	stream.linear.gather [hbm4b:s31+s17], $0x80, $0x38;
	[tilespmem:$0x10A00] =	vst v63  }
0x252: {  	s22 =	simm.s32 $0x800;
	s31 =	simm.s32 $0x8880;
	s11 =	spop (v2sf);
	(v2sf) =	vpush v62, $0xB  }
0x253: {  	[tilespmem:s9], [sflag:$0x1] =	stream.linear.gather [hbm4b:s2+s17], $0x80, $0x38;
	[tilespmem:$0x10A00] =	vst v63  }
0x254: {  	s8 =	sand.u32 $0x1FFFFFF0, s11;
	s13 =	spop (v2sf);
	(v2sf) =	vpush v63, $0xB;
	s11 =	simm.s32 $0x900  }
0x255: {  	s15 =	sadd.s32 s4, s8;
	s16 =	sand.u32 $0x1FFFFFF0, s13;
	s21 =	spop (v2sf)  }
0x256: {  	[tilespmem:s14], [sflag:$0x1] =	stream.linear.gather [hbm4b:s15+s17], $0x80, $0x38;
	[tilespmem:$0x10A00] =	vst v63  }
0x257: {  	s8 =	sadd.s32 s5, s16;
	s7 =	sand.u32 $0x1FFFFFF0, s21;
	s23 =	spop (v2sf)  }
0x258: {  	[tilespmem:s18], [sflag:$0x1] =	stream.linear.gather [hbm4b:s8+s17], $0x80, $0x38;
	[tilespmem:$0x10A00] =	vst v63  }
0x259: {  	(v2sf) =	vpush v62, $0xC;
	s7 =	sadd.s32 s4, s7;
	s24 =	spop (v2sf);
	s8 =	sand.u32 $0x1FFFFFF0, s23  }
0x25a: {  	(v2sf) =	vpush v63, $0xC;
	[tilespmem:s22], [sflag:$0x1] =	stream.linear.gather [hbm4b:s7+s17], $0x80, $0x38;
	[tilespmem:$0x10A00] =	vst v63  }
0x25b: {  	s30 =	sand.u32 $0x1FFFFFF0, s24;
	s9 =	spop (v2sf);
	s26 =	sadd.s32 s5, s8  }
0x25c: {  	[tilespmem:s25], [sflag:$0x1] =	stream.linear.gather [hbm4b:s26+s17], $0x80, $0x38;
	[tilespmem:$0x10A00] =	vst v63  }
0x25d: {  	s8 =	sadd.s32 s4, s30;
	s13 =	spop (v2sf);
	s7 =	sand.u32 $0x1FFFFFF0, s9  }
0x25e: {  	[tilespmem:s1], [sflag:$0x1] =	stream.linear.gather [hbm4b:s8+s17], $0x80, $0x38;
	[tilespmem:$0x10A00] =	vst v63  }
0x25f: {  	s14 =	spop (v2sf);
	s7 =	sadd.s32 s5, s7;
	s8 =	sand.u32 $0x1FFFFFF0, s13  }
0x260: {  	[tilespmem:s31], [sflag:$0x1] =	stream.linear.gather [hbm4b:s7+s17], $0x80, $0x38;
	[tilespmem:$0x10A00] =	vst v63  }
0x261: {  	s16 =	sand.u32 $0x1FFFFFF0, s14;
	s15 =	sadd.s32 s4, s8;
	s18 =	spop (v2sf)  }
0x262: {  	[tilespmem:s11], [sflag:$0x1] =	stream.linear.gather [hbm4b:s15+s17], $0x80, $0x38;
	[tilespmem:$0x10A00] =	vst v63  }
0x263: {  	s10 =	simm.s32 $0x8A80;
	s21 =	sadd.s32 s5, s16;
	s23 =	spop (v2sf)  }
0x264: {  	[tilespmem:s0], [sflag:$0x1] =	stream.linear.gather [hbm4b:s21+s17], $0x80, $0x38;
	[tilespmem:$0x10A00] =	vst v63  }
0x265: {  	s6 =	simm.s32 $0x8980;
	(v2sf) =	vpush v62, $0xD;
	s22 =	sand.u32 $0x1FFFFFF0, s18;
	s26 =	sand.u32 $0x1FFFFFF0, s23  }
0x266: {  	s24 =	simm.s32 $0x980;
	(v2sf) =	vpush v63, $0xD;
	s25 =	sadd.s32 s4, s22;
	s30 =	sadd.s32 s5, s26  }
0x267: {  	(v2sf) =	vpush v62, $0xE;
	[tilespmem:s24], [sflag:$0x1] =	stream.linear.gather [hbm4b:s25+s17], $0x80, $0x38;
	[tilespmem:$0x10A00] =	vst v63  }
0x268: {  	(v2sf) =	vpush v63, $0xE;
	s31 =	spop (v2sf);
	s26 =	simm.s32 $0x8B00;
	s24 =	simm.s32 $0x110  }
0x269: {  	s25 =	simm.s32 $0x310;
	(v2sf) =	vpush v62, $0xF;
	s0 =	sand.u32 $0x1FFFFFF0, s31;
	s1 =	spop (v2sf)  }
0x26a: {  	(v2sf) =	vpush v63, $0xF;
	[tilespmem:s6], [sflag:$0x1] =	stream.linear.gather [hbm4b:s30+s17], $0x80, $0x38;
	[tilespmem:$0x10A00] =	vst v63  }
.LBB2_8:
0x26b: {  	_ =	sdelay $0x4  }
0x26c: {  	s0 =	sadd.s32 s4, s0;
	s1 =	sand.u32 $0x1FFFFFF0, s1;
	s5 =	rddreg [dreg:$0x5]  }
0x26d: {  	[tilespmem:s29], [sflag:$0x1] =	stream.linear.gather [hbm4b:s0+s17], $0x80, $0x38;
	[tilespmem:$0x10A00] =	vst v63  }
0x26e: {  	s9 =	sadd.s32 s5, s1  }
0x26f: {  	[tilespmem:s3], [sflag:$0x1] =	stream.linear.gather [hbm4b:s9+s17], $0x80, $0x38;
	[tilespmem:$0x10A00] =	vst v63  }
0x270: {  	s2 =	spop (v2sf)  }
0x271: {  	s11 =	sand.u32 $0x1FFFFFF0, s2;
	s13 =	spop (v2sf)  }
0x272: {  	s14 =	sadd.s32 s4, s11;
	s15 =	sand.u32 $0x1FFFFFF0, s13;
	s16 =	spop (v2sf)  }
0x273: {  	[tilespmem:s12], [sflag:$0x1] =	stream.linear.gather [hbm4b:s14+s17], $0x80, $0x38;
	[tilespmem:$0x10A00] =	vst v63  }
0x274: {  	s18 =	sadd.s32 s5, s15;
	s21 =	sand.u32 $0x1FFFFFF0, s16;
	s22 =	spop (v2sf)  }
0x275: {  	[tilespmem:s10], [sflag:$0x1] =	stream.linear.gather [hbm4b:s18+s17], $0x80, $0x38;
	[tilespmem:$0x10A00] =	vst v63  }
0x276: {  	s23 =	sadd.s32 s4, s21;
	s30 =	sand.u32 $0x1FFFFFF0, s22;
	s31 =	spop (v2sf)  }
0x277: {  	[tilespmem:s28], [sflag:$0x1] =	stream.linear.gather [hbm4b:s23+s17], $0x80, $0x38;
	[tilespmem:$0x10A00] =	vst v63  }
0x278: {  	s1 =	sadd.s32 s5, s30;
	s2 =	sand.u32 $0x1FFFFFF0, s31;
	s3 =	spop (v2sf)  }
0x279: {  	[tilespmem:s26], [sflag:$0x1] =	stream.linear.gather [hbm4b:s1+s17], $0x80, $0x38;
	[tilespmem:$0x10A00] =	vst v63  }
0x27a: {  	s6 =	sadd.s32 $0xB80, s19;
	s1 =	sadd.s32 s4, s2;
	s2 =	sand.u32 $0x1FFFFFF0, s3  }
0x27b: {  	[tilespmem:s6], [sflag:$0x1] =	stream.linear.gather [hbm4b:s1+s17], $0x80, $0x38;
	[tilespmem:$0x10A00] =	vst v63  }
0x27c: {  	s7 =	sadd.s32 $0x8B80, s19;
	s8 =	sadd.s32 s5, s2  }
0x27d: {  	[tilespmem:s7], [sflag:$0x1] =	stream.linear.gather [hbm4b:s8+s17], $0x80, $0x38;
	[tilespmem:$0x10A00] =	vst v63  }
0x27e: {  	v0 =	vld [tilespmem:s24+$0x0]  }
0x27f: {  	v2 =	vld [tilespmem:s25+$0x0];
	_ =	sdelay $0x3  }
0x280: {  	v1 =	vshll.u32 v0, $0x4  }
0x281: {  	v63 =	vshll.u32 v2, $0x4;
	(v2sf) =	vpush v1, $0x0  }
0x282: {  	s9 =	smov.u32 s20;
	(v2sf) =	vpush v63, $0x0  }
0x283: {  	p0 =	sne.s32 s20, $0x1E000;
	s20 =	sadd.s32 $0x2000, s20;
	s19 =	sshra.s32 s9, $0x2;
	(v2sf) =	vpush v1, $0x1  }
0x284: {  	s0 =	sadd.s32 $0x880, s19;
	s9 =	sadd.s32 $0x8700, s19;
	s29 =	sadd.s32 $0xA00, s19  }
0x285: {  	[dreg:$0xc] =	wrdreg s0;
	s0 =	sadd.s32 $0x8500, s19;
	s11 =	sadd.s32 $0x8A00, s19;
	(v2sf) =	vpush v63, $0x1  }
0x286: {  	s13 =	sadd.s32 $0x900, s19;
	s15 =	sadd.s32 $0x600, s19;
	s16 =	sadd.s32 $0x580, s19  }
0x287: {  	[dreg:$0x6] =	wrdreg s11;
	s11 =	sadd.s32 $0x8600, s19;
	s14 =	sadd.s32 $0x8680, s19  }
0x288: {  	s12 =	sadd.s32 $0x8880, s19;
	[dreg:$0xe] =	wrdreg s13;
	s13 =	sadd.s32 $0x800, s19;
	(v2sf) =	vpush v1, $0x2  }
0x289: {  	s21 =	sadd.s32 $0x500, s19;
	[dreg:$0x10] =	wrdreg s12;
	s12 =	sadd.s32 $0x480, s19  }
0x28a: {  	[dreg:$0x16] =	wrdreg s13;
	s31 =	sadd.s32 $0x8400, s19;
	s10 =	sadd.s32 $0x8900, s19;
	(v2sf) =	vpush v63, $0x2  }
0x28b: {  	s18 =	sadd.s32 $0x8580, s19;
	s30 =	sadd.s32 $0x8480, s19;
	[dreg:$0x8] =	wrdreg s10  }
0x28c: {  	s10 =	sadd.s32 $0x8A80, s19;
	s28 =	sadd.s32 $0xB00, s19;
	s23 =	sadd.s32 $0x980, s19;
	(v2sf) =	vpush v1, $0x3  }
0x28d: {  	[dreg:$0x12] =	wrdreg s23;
	s23 =	simm.s32 $0x0;
	s3 =	sadd.s32 $0x400, s19  }
0x28e: {  	s26 =	sadd.s32 $0x8B00, s19;
	s2 =	sadd.s32 $0x700, s19;
	s6 =	sadd.s32 $0x680, s19;
	(v2sf) =	vpush v63, $0x3  }
0x28f: {  	s1 =	sadd.s32 $0xA80, s19;
	s7 =	sadd.s32 $0x8980, s19;
	s8 =	sadd.s32 $0x780, s19  }
0x290: {  	s17 =	sadd.s32 $0x8800, s19;
	[dreg:$0xa] =	wrdreg s7;
	(v2sf) =	vpush v1, $0x4;
	s22 =	spop (v2sf)  }
0x291: {  	[dreg:$0x14] =	wrdreg s17;
	s13 =	sand.u32 $0x1FFFFFF0, s22;
	s22 =	spop (v2sf)  }
0x292: {  	(v2sf) =	vpush v63, $0x4;
	s13 =	sadd.s32 s4, s13;
	s22 =	sand.u32 $0x1FFFFFF0, s22;
	s17 =	spop (v2sf)  }
0x293: {  	[tilespmem:s3], [sflag:$0x1] =	stream.linear.gather [hbm4b:s13+s23], $0x80, $0x38;
	[tilespmem:$0x10A00] =	vst v63  }
0x294: {  	s7 =	sadd.s32 $0x8780, s19;
	(v2sf) =	vpush v1, $0x5;
	s13 =	sadd.s32 s5, s22;
	s22 =	spop (v2sf)  }
0x295: {  	s24 =	sadd.s32 $0x10, s24;
	s17 =	sand.u32 $0x1FFFFFF0, s17;
	s22 =	sand.u32 $0x1FFFFFF0, s22  }
0x296: {  	(v2sf) =	vpush v63, $0x5;
	[tilespmem:s31], [sflag:$0x1] =	stream.linear.gather [hbm4b:s13+s23], $0x80, $0x38;
	[tilespmem:$0x10A00] =	vst v63  }
0x297: {  	s13 =	sadd.s32 s4, s17;
	s31 =	spop (v2sf);
	s22 =	sadd.s32 s5, s22  }
0x298: {  	(v2sf) =	vpush v1, $0x6;
	[tilespmem:s12], [sflag:$0x1] =	stream.linear.gather [hbm4b:s13+s23], $0x80, $0x38;
	[tilespmem:$0x10A00] =	vst v63  }
0x299: {  	s17 =	simm.s32 $0x0;
	s23 =	sand.u32 $0x1FFFFFF0, s31;
	s31 =	spop (v2sf)  }
0x29a: {  	[tilespmem:s30], [sflag:$0x1] =	stream.linear.gather [hbm4b:s22+s17], $0x80, $0x38;
	[tilespmem:$0x10A00] =	vst v63  }
0x29b: {  	(v2sf) =	vpush v63, $0x6;
	s12 =	sadd.s32 s4, s23;
	s13 =	sand.u32 $0x1FFFFFF0, s31;
	s22 =	spop (v2sf)  }
0x29c: {  	[tilespmem:s21], [sflag:$0x1] =	stream.linear.gather [hbm4b:s12+s17], $0x80, $0x38;
	[tilespmem:$0x10A00] =	vst v63  }
0x29d: {  	(v2sf) =	vpush v1, $0x7;
	s23 =	sadd.s32 s5, s13;
	s30 =	sand.u32 $0x1FFFFFF0, s22;
	s31 =	spop (v2sf)  }
0x29e: {  	(v2sf) =	vpush v63, $0x7;
	[tilespmem:s0], [sflag:$0x1] =	stream.linear.gather [hbm4b:s23+s17], $0x80, $0x38;
	[tilespmem:$0x10A00] =	vst v63  }
0x29f: {  	s12 =	sadd.s32 s4, s30;
	s21 =	sand.u32 $0x1FFFFFF0, s31;
	s22 =	spop (v2sf)  }
0x2a0: {  	(v2sf) =	vpush v1, $0x8;
	[tilespmem:s16], [sflag:$0x1] =	stream.linear.gather [hbm4b:s12+s17], $0x80, $0x38;
	[tilespmem:$0x10A00] =	vst v63  }
0x2a1: {  	s30 =	sand.u32 $0x1FFFFFF0, s22;
	s23 =	sadd.s32 s5, s21;
	s31 =	spop (v2sf)  }
0x2a2: {  	[tilespmem:s18], [sflag:$0x1] =	stream.linear.gather [hbm4b:s23+s17], $0x80, $0x38;
	[tilespmem:$0x10A00] =	vst v63  }
0x2a3: {  	s13 =	sadd.s32 s4, s30;
	s16 =	sand.u32 $0x1FFFFFF0, s31;
	s18 =	spop (v2sf)  }
0x2a4: {  	(v2sf) =	vpush v63, $0x8;
	[tilespmem:s15], [sflag:$0x1] =	stream.linear.gather [hbm4b:s13+s17], $0x80, $0x38;
	[tilespmem:$0x10A00] =	vst v63  }
0x2a5: {  	s21 =	sadd.s32 s5, s16;
	s22 =	sand.u32 $0x1FFFFFF0, s18;
	s23 =	spop (v2sf)  }
0x2a6: {  	(v2sf) =	vpush v1, $0x9;
	[tilespmem:s11], [sflag:$0x1] =	stream.linear.gather [hbm4b:s21+s17], $0x80, $0x38;
	[tilespmem:$0x10A00] =	vst v63  }
0x2a7: {  	s12 =	smov.u32 s1;
	(v2sf) =	vpush v63, $0x9;
	s30 =	sadd.s32 s4, s22;
	s1 =	spop (v2sf)  }
0x2a8: {  	[tilespmem:s6], [sflag:$0x1] =	stream.linear.gather [hbm4b:s30+s17], $0x80, $0x38;
	[tilespmem:$0x10A00] =	vst v63  }
0x2a9: {  	s25 =	sadd.s32 $0x10, s25;
	s31 =	sand.u32 $0x1FFFFFF0, s23;
	(v2sf) =	vpush v1, $0xA;
	s6 =	sand.u32 $0x1FFFFFF0, s1  }
0x2aa: {  	s3 =	sadd.s32 s5, s31;
	s11 =	spop (v2sf);
	s13 =	sadd.s32 s4, s6  }
0x2ab: {  	[tilespmem:s14], [sflag:$0x1] =	stream.linear.gather [hbm4b:s3+s17], $0x80, $0x38;
	[tilespmem:$0x10A00] =	vst v63  }
0x2ac: {  	s15 =	spop (v2sf);
	s6 =	rddreg [dreg:$0x10];
	s14 =	sand.u32 $0x1FFFFFF0, s11  }
0x2ad: {  	(v2sf) =	vpush v63, $0xA;
	s18 =	sand.u32 $0x1FFFFFF0, s15;
	s21 =	spop (v2sf);
	s15 =	rddreg [dreg:$0x14]  }
0x2ae: {  	[tilespmem:s2], [sflag:$0x1] =	stream.linear.gather [hbm4b:s13+s17], $0x80, $0x38;
	[tilespmem:$0x10A00] =	vst v63  }
0x2af: {  	(v2sf) =	vpush v1, $0xB;
	s16 =	sadd.s32 s5, s14;
	s23 =	sand.u32 $0x1FFFFFF0, s21;
	s30 =	spop (v2sf)  }
0x2b0: {  	[tilespmem:s9], [sflag:$0x1] =	stream.linear.gather [hbm4b:s16+s17], $0x80, $0x38;
	[tilespmem:$0x10A00] =	vst v63  }
0x2b1: {  	s22 =	sadd.s32 s4, s18;
	s31 =	sadd.s32 s5, s23;
	s1 =	sand.u32 $0x1FFFFFF0, s30  }
0x2b2: {  	[tilespmem:s8], [sflag:$0x1] =	stream.linear.gather [hbm4b:s22+s17], $0x80, $0x38;
	[tilespmem:$0x10A00] =	vst v63  }
0x2b3: {  	(v2sf) =	vpush v63, $0xB;
	s3 =	sadd.s32 s4, s1;
	s9 =	rddreg [dreg:$0x16];
	s2 =	spop (v2sf)  }
0x2b4: {  	(v2sf) =	vpush v1, $0xC;
	[tilespmem:s7], [sflag:$0x1] =	stream.linear.gather [hbm4b:s31+s17], $0x80, $0x38;
	[tilespmem:$0x10A00] =	vst v63  }
0x2b5: {  	s22 =	rddreg [dreg:$0xc];
	s8 =	spop (v2sf);
	s7 =	sand.u32 $0x1FFFFFF0, s2  }
0x2b6: {  	(v2sf) =	vpush v63, $0xC;
	s13 =	sand.u32 $0x1FFFFFF0, s8;
	s14 =	spop (v2sf);
	s11 =	sadd.s32 s5, s7  }
0x2b7: {  	[tilespmem:s9], [sflag:$0x1] =	stream.linear.gather [hbm4b:s3+s17], $0x80, $0x38;
	[tilespmem:$0x10A00] =	vst v63  }
0x2b8: {  	s16 =	sadd.s32 s4, s13;
	s18 =	sand.u32 $0x1FFFFFF0, s14;
	s21 =	spop (v2sf)  }
0x2b9: {  	[tilespmem:s15], [sflag:$0x1] =	stream.linear.gather [hbm4b:s11+s17], $0x80, $0x38;
	[tilespmem:$0x10A00] =	vst v63  }
0x2ba: {  	s23 =	sadd.s32 s5, s18;
	s3 =	rddreg [dreg:$0x6];
	s30 =	sand.u32 $0x1FFFFFF0, s21  }
0x2bb: {  	[tilespmem:s22], [sflag:$0x1] =	stream.linear.gather [hbm4b:s16+s17], $0x80, $0x38;
	[tilespmem:$0x10A00] =	vst v63  }
0x2bc: {  	s31 =	spop (v2sf);
	s7 =	sadd.s32 s4, s30;
	s11 =	rddreg [dreg:$0xe]  }
0x2bd: {  	[tilespmem:s6], [sflag:$0x1] =	stream.linear.gather [hbm4b:s23+s17], $0x80, $0x38;
	[tilespmem:$0x10A00] =	vst v63  }
0x2be: {  	s8 =	sand.u32 $0x1FFFFFF0, s31;
	s31 =	rddreg [dreg:$0xa];
	s9 =	spop (v2sf)  }
0x2bf: {  	[tilespmem:s11], [sflag:$0x1] =	stream.linear.gather [hbm4b:s7+s17], $0x80, $0x38;
	[tilespmem:$0x10A00] =	vst v63  }
0x2c0: {  	s13 =	sadd.s32 s5, s8;
	s16 =	rddreg [dreg:$0x8];
	s14 =	sand.u32 $0x1FFFFFF0, s9  }
0x2c1: {  	(v2sf) =	vpush v1, $0xD;
	[tilespmem:s16], [sflag:$0x1] =	stream.linear.gather [hbm4b:s13+s17], $0x80, $0x38;
	[tilespmem:$0x10A00] =	vst v63  }
.Ltmp3:
0x2c2: {  	(v2sf) =	vpush v63, $0xD;
	s15 =	spop (v2sf);
	s18 =	sadd.s32 s4, s14;
	(pc) =	sbr.rel @p0 .LBB2_8-.Ltmp3, $4  }
0x2c3: {  	(v2sf) =	vpush v1, $0xE;
	s21 =	sand.u32 $0x1FFFFFF0, s15;
	s22 =	spop (v2sf);
	s23 =	rddreg [dreg:$0x12]  }
0x2c4: {  	(v2sf) =	vpush v63, $0xE;
	[tilespmem:s23], [sflag:$0x1] =	stream.linear.gather [hbm4b:s18+s17], $0x80, $0x38;
	[tilespmem:$0x10A00] =	vst v63  }
0x2c5: {  	(v2sf) =	vpush v1, $0xF;
	s30 =	sadd.s32 s5, s21;
	s0 =	sand.u32 $0x1FFFFFF0, s22;
	s1 =	spop (v2sf)  }
0x2c6: {  	(v2sf) =	vpush v63, $0xF;
	[tilespmem:s31], [sflag:$0x1] =	stream.linear.gather [hbm4b:s30+s17], $0x80, $0x38;
	[tilespmem:$0x10A00] =	vst v63  }
0x2c7: {  	_ =	sdelay $0x4  }
0x2c8: {  	s0 =	sadd.s32 s4, s0;
	s1 =	sand.u32 $0x1FFFFFF0, s1;
	s5 =	rddreg [dreg:$0x5]  }
0x2c9: {  	[tilespmem:s29], [sflag:$0x1] =	stream.linear.gather [hbm4b:s0+s17], $0x80, $0x38;
	[tilespmem:$0x10A00] =	vst v63  }
0x2ca: {  	s8 =	sadd.s32 s5, s1  }
0x2cb: {  	[tilespmem:s3], [sflag:$0x1] =	stream.linear.gather [hbm4b:s8+s17], $0x80, $0x38;
	[tilespmem:$0x10A00] =	vst v63  }
0x2cc: {  	s2 =	spop (v2sf)  }
0x2cd: {  	s9 =	sand.u32 $0x1FFFFFF0, s2;
	s11 =	spop (v2sf)  }
0x2ce: {  	s13 =	sadd.s32 s4, s9;
	s14 =	sand.u32 $0x1FFFFFF0, s11;
	s15 =	spop (v2sf)  }
0x2cf: {  	[tilespmem:s12], [sflag:$0x1] =	stream.linear.gather [hbm4b:s13+s17], $0x80, $0x38;
	[tilespmem:$0x10A00] =	vst v63  }
0x2d0: {  	s16 =	sadd.s32 s5, s14;
	s18 =	sand.u32 $0x1FFFFFF0, s15;
	s20 =	spop (v2sf)  }
0x2d1: {  	[tilespmem:s10], [sflag:$0x1] =	stream.linear.gather [hbm4b:s16+s17], $0x80, $0x38;
	[tilespmem:$0x10A00] =	vst v63  }
0x2d2: {  	s21 =	sadd.s32 s4, s18;
	s22 =	sand.u32 $0x1FFFFFF0, s20;
	s23 =	spop (v2sf)  }
0x2d3: {  	[tilespmem:s28], [sflag:$0x1] =	stream.linear.gather [hbm4b:s21+s17], $0x80, $0x38;
	[tilespmem:$0x10A00] =	vst v63  }
0x2d4: {  	s24 =	sadd.s32 s5, s22;
	s25 =	sand.u32 $0x1FFFFFF0, s23;
	s28 =	spop (v2sf)  }
0x2d5: {  	[tilespmem:s26], [sflag:$0x1] =	stream.linear.gather [hbm4b:s24+s17], $0x80, $0x38;
	[tilespmem:$0x10A00] =	vst v63  }
0x2d6: {  	s29 =	sadd.s32 $0xB80, s19;
	s1 =	sadd.s32 s4, s25;
	s2 =	sand.u32 $0x1FFFFFF0, s28  }
0x2d7: {  	[tilespmem:s29], [sflag:$0x1] =	stream.linear.gather [hbm4b:s1+s17], $0x80, $0x38;
	[tilespmem:$0x10A00] =	vst v63  }
0x2d8: {  	s30 =	sadd.s32 $0x8B80, s19;
	s31 =	sadd.s32 s5, s2;
	s1 =	simm.s32 $0x1  }
0x2d9: {  	[tilespmem:s30], [sflag:$0x1] =	stream.linear.gather [hbm4b:s31+s17], $0x80, $0x38;
	[tilespmem:$0x10A00] =	vst v63  }
0x2da: {  	_ =	swait.ge [sflag:s1], $0x80  }
0x2db: {  	[sflag:s1] =	ssyncset.done $0x0  }
0x2dc: {  	[sflag:s1] =	ssyncadd.s32 $0xFFFFFF80  }
0x2dd: {  	_ =	swait.ge [sflag:s1], $0x80  }
0x2de: {  	s0 =	simm.s32 $0xFF;
	[sflag:s1] =	ssyncset.done $0x0  }
.LBB2_10:
0x2df: {  	p0 =	sne.s32 s0, $0x1;
	s0 =	sadd.s32 $0xFFFFFFFF, s0;
	[sflag:s1] =	ssyncadd.s32 $0xFFFFFF80  }
.Ltmp4:
0x2e0: {  	_ =	swait.ge [sflag:s1], $0x80;
	(pc) =	sbr.rel @p0 .LBB2_10-.Ltmp4, $4  }
0x2e1: {  	[sflag:s1] =	ssyncset.done $0x0  }
0x2e2: {  	[sflag:s1] =	ssyncadd.s32 $0xFFFFFF80  }
0x2e3: {  	_ =	swait.ge [sflag:s1], $0x80  }
0x2e4: {  	[sflag:s1] =	ssyncset.done $0x0  }
0x2e5: {  	[sflag:s1] =	ssyncadd.s32 $0xFFFFFF80;
	s19 =	simm.s32 $0x800  }
0x2e6: {  	v0 =	vld [tilespmem:s19+$0x310]  }
0x2e7: {  	s20 =	simm.s32 $0x8800;
	v23 =	vld [tilespmem:s19+$0xFFFFFC10]  }
0x2e8: {  	v24 =	vld [tilespmem:s20+$0xFFFFFC10]  }
0x2e9: {  	v22 =	vld [tilespmem:s19+$0x130]  }
0x2ea: {  	v25 =	vld [tilespmem:s20+$0x1B0]  }
0x2eb: {  	v26 =	vld [tilespmem:s19+$0x1B0]  }
0x2ec: {  	v27 =	vld [tilespmem:s20+$0x1A0]  }
0x2ed: {  	v28 =	vld [tilespmem:s19+$0x1A0]  }
0x2ee: {  	v29 =	vld [tilespmem:s20+$0x190]  }
0x2ef: {  	[tilespmem:$0x1FEB0] =	vst v0;
	v0 =	vld [tilespmem:s20+$0x310]  }
0x2f0: {  	v30 =	vld [tilespmem:s19+$0x190]  }
0x2f1: {  	v31 =	vld [tilespmem:s20+$0x180]  }
0x2f2: {  	v32 =	vld [tilespmem:s19+$0x180]  }
0x2f3: {  	v33 =	vld [tilespmem:s20+$0x130]  }
0x2f4: {  	[tilespmem:$0x1FEC0] =	vst v0;
	v0 =	vld [tilespmem:s20+$0x300]  }
0x2f5: {  	v34 =	vld [tilespmem:s20+$0x120]  }
0x2f6: {  	v35 =	vld [tilespmem:s19+$0x120]  }
0x2f7: {  	v36 =	vld [tilespmem:s20+$0x110]  }
0x2f8: {  	v37 =	vld [tilespmem:s19+$0x110]  }
0x2f9: {  	[tilespmem:$0x1FED0] =	vst v0;
	v0 =	vld [tilespmem:s20+$0x200]  }
0x2fa: {  	v38 =	vld [tilespmem:s20+$0x100]  }
0x2fb: {  	v39 =	vld [tilespmem:s19+$0x100]  }
0x2fc: {  	v18 =	vld [tilespmem:s19+$0x90]  }
0x2fd: {  	v19 =	vld [tilespmem:s20+$0x10]  }
0x2fe: {  	[tilespmem:$0x1FE70] =	vst v0;
	v0 =	vld [tilespmem:s19+$0xB0]  }
0x2ff: {  	v20 =	vld [tilespmem:s19+$0x10]  }
0x300: {  	v40 =	vld [tilespmem:s20+$0xFFFFFFB0]  }
0x301: {  	v41 =	vld [tilespmem:s19+$0xFFFFFFB0]  }
0x302: {  	v42 =	vld [tilespmem:s20+$0xFFFFFFA0]  }
0x303: {  	[tilespmem:$0x1FE50] =	vst v0;
	v0 =	vld [tilespmem:s20+$0x2A0]  }
0x304: {  	v43 =	vld [tilespmem:s19+$0xFFFFFFA0]  }
0x305: {  	v44 =	vld [tilespmem:s20+$0xFFFFFF90]  }
0x306: {  	v45 =	vld [tilespmem:s19+$0xFFFFFF90]  }
0x307: {  	v46 =	vld [tilespmem:s20+$0xFFFFFF80]  }
0x308: {  	[tilespmem:$0x1FE90] =	vst v0;
	v0 =	vld [tilespmem:s20+$0x220]  }
0x309: {  	v47 =	vld [tilespmem:s19+$0xFFFFFF80]  }
0x30a: {  	v21 =	vld [tilespmem:s20+$0xFFFFFEB0]  }
0x30b: {  	v48 =	vld [tilespmem:s20+$0xFFFFFF30]  }
0x30c: {  	v49 =	vld [tilespmem:s19+$0xFFFFFF30]  }
0x30d: {  	[tilespmem:$0x1FEA0] =	vst v0;
	v0 =	vld [tilespmem:s20+$0x290]  }
0x30e: {  	v50 =	vld [tilespmem:s20+$0xFFFFFF20]  }
0x30f: {  	v51 =	vld [tilespmem:s19+$0xFFFFFF20]  }
0x310: {  	v52 =	vld [tilespmem:s20+$0xFFFFFF10]  }
0x311: {  	v53 =	vld [tilespmem:s19+$0xFFFFFF10]  }
0x312: {  	[tilespmem:$0x1FDF0] =	vst v0;
	v0 =	vld [tilespmem:s19+$0x290]  }
0x313: {  	v54 =	vld [tilespmem:s20+$0xFFFFFF00]  }
0x314: {  	v55 =	vld [tilespmem:s19+$0xFFFFFF00]  }
0x315: {  	v56 =	vld [tilespmem:s20+$0xFFFFFE30]  }
0x316: {  	v57 =	vld [tilespmem:s20+$0xFFFFFEA0]  }
0x317: {  	[tilespmem:$0x1FE00] =	vst v0;
	v0 =	vld [tilespmem:s20+$0x280]  }
0x318: {  	v58 =	vld [tilespmem:s20+$0xFFFFFE20]  }
0x319: {  	v59 =	vld [tilespmem:s20+$0xFFFFFE90]  }
0x31a: {  	v60 =	vld [tilespmem:s19+$0xFFFFFE90]  }
0x31b: {  	v61 =	vld [tilespmem:s20+$0xFFFFFE80]  }
0x31c: {  	[tilespmem:$0x1FE80] =	vst v0;
	v0 =	vld [tilespmem:s20+$0x210]  }
0x31d: {  	v62 =	vld [tilespmem:s20+$0xFFFFFE10]  }
0x31e: {  	v63 =	vld [tilespmem:s19+$0xFFFFFE10]  }
0x31f: {  	v15 =	vld [tilespmem:s20+$0xFFFFFDB0]  }
0x320: {  	v14 =	vld [tilespmem:s19+$0xFFFFFDB0]  }
0x321: {  	[tilespmem:$0x1FE30] =	vst v0;
	v0 =	vld [tilespmem:s19+$0x210]  }
0x322: {  	v13 =	vld [tilespmem:s20+$0xFFFFFDA0]  }
0x323: {  	v10 =	vld [tilespmem:s19+$0xFFFFFDA0]  }
0x324: {  	v7 =	vld [tilespmem:s20+$0xFFFFFD90]  }
0x325: {  	v6 =	vld [tilespmem:s19+$0xFFFFFD90]  }
0x326: {  	[tilespmem:$0x1FE40] =	vst v0;
	v0 =	vld [tilespmem:s20+$0xB0]  }
0x327: {  	v5 =	vld [tilespmem:s20+$0xFFFFFD80]  }
0x328: {  	v4 =	vld [tilespmem:s19+$0xFFFFFD80]  }
0x329: {  	v17 =	vld [tilespmem:s20+$0xFFFFFCB0]  }
0x32a: {  	v12 =	vld [tilespmem:s20+$0xFFFFFD30]  }
0x32b: {  	[tilespmem:$0x1FE60] =	vst v0;
	v0 =	vld [tilespmem:s20+$0x30]  }
0x32c: {  	v11 =	vld [tilespmem:s19+$0xFFFFFD30]  }
0x32d: {  	v9 =	vld [tilespmem:s20+$0xFFFFFD20]  }
0x32e: {  	v8 =	vld [tilespmem:s19+$0xFFFFFD20]  }
0x32f: {  	v3 =	vld [tilespmem:s20+$0xFFFFFD10]  }
0x330: {  	[tilespmem:$0x1FE20] =	vst v0;
	v0 =	vld [tilespmem:s20+$0xA0]  }
0x331: {  	v2 =	vld [tilespmem:s19+$0xFFFFFD10]  }
0x332: {  	v1 =	vld [tilespmem:s20+$0xFFFFFD00]  }
0x333: {  	v16 =	vld [tilespmem:s20+$0xFFFFFC30]  }
0x334: {  	v29 =	vmul.f32 v29, v30;
	v30 =	vmul.f32 v31, v32;
	v31 =	vld [tilespmem:s20+$0xFFFFFCA0]  }
0x335: {  	[tilespmem:$0x1FE10] =	vst v0;
	v0 =	vld [tilespmem:s20+$0x20]  }
0x336: {  	v23 =	vmul.f32 v24, v23;
	v24 =	vmul.f32 v27, v28;
	v27 =	vld [tilespmem:s20+$0xFFFFFC20]  }
0x337: {  	v25 =	vmul.f32 v25, v26;
	v26 =	vld [tilespmem:s20+$0xFFFFFC90]  }
0x338: {  	v4 =	vmul.f32 v5, v4;
	v5 =	vld [tilespmem:s19+$0xFFFFFCA0]  }
0x339: {  	v53 =	vmul.f32 v52, v53;
	v52 =	vmul.f32 v50, v51;
	v50 =	vld [tilespmem:s19+$0xFFFFFE20]  }
0x33a: {  	[tilespmem:$0x1FDE0] =	vst v0;
	v0 =	vld [tilespmem:s20+$0x90]  }
0x33b: {  	v51 =	vld [tilespmem:s19+$0xFFFFFEA0]  }
0x33c: {  	v32 =	vmul.f32 v38, v39;
	v38 =	vld [tilespmem:s19+$0x230]  }
0x33d: {  	v28 =	vadd.f32 v29, v30;
	v29 =	vmul.f32 v34, v35;
	v34 =	vld [tilespmem:s19+$0xFFFFFC90]  }
0x33e: {  	v6 =	vmul.f32 v7, v6;
	v30 =	vmul.f32 v36, v37;
	v36 =	vld [tilespmem:s20+$0xFFFFFC80]  }
0x33f: {  	[tilespmem:$0x1FDC0] =	vst v0;
	v0 =	vld [tilespmem:s20+$0x80]  }
0x340: {  	v4 =	vadd.f32 v6, v4;
	v6 =	vld [tilespmem:s19+$0xFFFFFCB0]  }
0x341: {  	v35 =	vld [tilespmem:s20+$0x230]  }
0x342: {  	v24 =	vadd.f32 v24, v28;
	v28 =	vmul.f32 v44, v45;
	v45 =	vld [tilespmem:s20+$0xFFFFFC00]  }
0x343: {  	v44 =	vmul.f32 v54, v55;
	v54 =	vmul.f32 v40, v41;
	v41 =	vld [tilespmem:s19+$0xFFFFFC20]  }
0x344: {  	v47 =	vmul.f32 v46, v47;
	[tilespmem:$0x1FDD0] =	vst v0;
	v0 =	vld [tilespmem:s19+$0xFFFFFD00]  }
0x345: {  	v10 =	vmul.f32 v13, v10;
	v55 =	vmul.f32 v48, v49;
	v48 =	vld [tilespmem:s19+$0xFFFFFE80]  }
0x346: {  	v46 =	vmul.f32 v42, v43;
	v30 =	vadd.f32 v30, v32;
	v40 =	vld [tilespmem:s19+$0x2B0]  }
0x347: {  	v42 =	vmul.f32 v15, v14;
	v4 =	vadd.f32 v10, v4;
	v28 =	vadd.f32 v28, v47;
	v47 =	vld [tilespmem:s19+$0xFFFFFC00]  }
0x348: {  	v2 =	vmul.f32 v3, v2;
	v24 =	vadd.f32 v25, v24;
	v32 =	vadd.f32 v53, v44;
	v53 =	vld [tilespmem:s19+$0xFFFFFC80]  }
0x349: {  	v29 =	vadd.f32 v29, v30;
	v4 =	vadd.f32 v42, v4;
	v42 =	vld [tilespmem:s20+$0x320];
	v0 =	vmul.f32 v1, v0  }
0x34a: {  	v25 =	vadd.f32 v46, v28;
	v30 =	vadd.f32 v52, v32;
	v52 =	vld [tilespmem:s19+$0xFFFFFE30]  }
0x34b: {  	v8 =	vmul.f32 v9, v8;
	v43 =	vmul.f32 v12, v11;
	v32 =	vld [tilespmem:s20+$0x2B0];
	v0 =	vadd.f32 v2, v0  }
0x34c: {  	v46 =	vmul.f32 v26, v34;
	v7 =	vadd.f32 v54, v25;
	v3 =	vadd.f32 v55, v30;
	v55 =	vld [tilespmem:s19+$0x20]  }
0x34d: {  	(xrf2) =	vadd.scan.msk.f32 $0xffff, v24;
	v25 =	vld [tilespmem:s19+$0x220];
	v44 =	vmul.f32 v45, v47;
	v47 =	vmul.f32 v36, v53;
	v0 =	vadd.f32 v8, v0  }
0x34e: {  	v45 =	vld [tilespmem:s19+$0xFFFFFE00];
	(xrf2) =	vadd.scan.msk.f32 $0xffff, v7  }
0x34f: {  	v7 =	vadd.f32 v46, v47;
	(xrf2) =	vadd.scan.msk.f32 $0xffff, v3;
	v3 =	vmul.f32 v31, v5;
	v1 =	vld [tilespmem:s19+$0xFFFFFC30];
	v0 =	vadd.f32 v43, v0  }
0x350: {  	v47 =	vld [tilespmem:$0x1FEC0];
	(xrf2) =	vadd.scan.msk.f32 $0xffff, v4  }
0x351: {  	v4 =	vld [tilespmem:s19+$0xFFFFFEB0];
	(xrf2) =	vadd.scan.msk.f32 $0xffff, v0;
	v0 =	vadd.f32 v3, v7;
	v3 =	vmul.f32 v17, v6  }
0x352: {  	v22 =	vmul.f32 v33, v22;
	v49 =	vmul.f32 v27, v41;
	v10 =	vadd.f32 v23, v44;
	v39 =	vld [tilespmem:$0x1FE70]  }
0x353: {  	v54 =	vmul.f32 v59, v60;
	v44 =	vld [tilespmem:$0x1FEA0];
	v0 =	vadd.f32 v3, v0;
	v3 =	vmul.f32 v61, v48  }
0x354: {  	v5 =	vadd.f32 v49, v10;
	v26 =	vld [tilespmem:$0x1FDF0];
	v1 =	vmul.f32 v16, v1  }
0x355: {  	v53 =	vadd.f32 v22, v29;
	v27 =	vld [tilespmem:$0x1FE00];
	v8 =	vmul.f32 v57, v51;
	v3 =	vadd.f32 v54, v3  }
0x356: {  	v2 =	vld [tilespmem:s20+$0xFFFFFE00];
	v1 =	vadd.f32 v1, v5  }
0x357: {  	v4 =	vmul.f32 v21, v4;
	v6 =	vmul.f32 v62, v63;
	v62 =	vld [tilespmem:$0x1FDC0];
	(xrf2) =	vadd.scan.msk.f32 $0xffff, v53;
	v3 =	vadd.f32 v8, v3  }
0x358: {  	(xrf2) =	vadd.scan.msk.f32 $0xffff, v1;
	v1 =	vld [tilespmem:s19+$0x80]  }
0x359: {  	v3 =	vadd.f32 v4, v3;
	v4 =	vld [tilespmem:$0x1FDD0]  }
0x35a: {  	v29 =	vld [tilespmem:$0x1FE10]  }
0x35b: {  	(xrf2) =	vadd.scan.msk.f32 $0xffff, v0;
	v0 =	vld [tilespmem:s19+$0xA0]  }
0x35c: {  	v33 =	vld [tilespmem:$0x1FE30]  }
0x35d: {  	v34 =	vld [tilespmem:$0x1FE40];
	v2 =	vmul.f32 v2, v45  }
0x35e: {  	v36 =	vld [tilespmem:$0x1FE60];
	v15 =	vmul.f32 v62, v18;
	v1 =	vmul.f32 v4, v1  }
0x35f: {  	v5 =	vld [tilespmem:s20+$0x0];
	v2 =	vadd.f32 v6, v2  }
0x360: {  	v7 =	vld [tilespmem:s19+$0x0];
	v6 =	vmul.f32 v58, v50;
	v0 =	vmul.f32 v29, v0;
	v1 =	vadd.f32 v15, v1  }
0x361: {  	v24 =	vld [tilespmem:$0x1FDE0]  }
0x362: {  	v2 =	vadd.f32 v6, v2;
	v6 =	vmul.f32 v56, v52;
	v0 =	vadd.f32 v0, v1;
	v1 =	vld [tilespmem:$0x1FE50]  }
0x363: {  	v30 =	vld [tilespmem:$0x1FE20]  }
0x364: {  	s22 =	simm.s32 $0x0;
	v10, _, _ =	vpop (xrf2);
	v57 =	vld [tilespmem:s19+$0x30];
	v2 =	vadd.f32 v6, v2  }
0x365: {  	v59, _, _ =	vpop (xrf2);
	v58 =	vld [tilespmem:s22+$0x10700];
	v61 =	vmul.f32 v19, v20;
	v5 =	vmul.f32 v5, v7  }
0x366: {  	v60, _, _ =	vpop (xrf2);
	v6 =	vld [tilespmem:s22+$0x10500];
	(xrf2) =	vadd.scan.msk.f32 $0xffff, v2  }
0x367: {  	v11 =	vmul.f32 v24, v55;
	v63, _, _ =	vpop (xrf2);
	v7 =	vld [tilespmem:s19+$0x200];
	v5 =	vadd.f32 v61, v5;
	v1 =	vmul.f32 v36, v1  }
0x368: {  	v2 =	vld [tilespmem:s19+$0x280];
	(xrf2) =	vadd.scan.msk.f32 $0xffff, v3;
	v4, _, _ =	vpop (xrf2)  }
0x369: {  	v9 =	vmul.f32 v30, v57;
	v5 =	vadd.f32 v11, v5;
	v28, _, _ =	vpop (xrf2);
	v0 =	vadd.f32 v1, v0;
	v1 =	vld [tilespmem:$0x1FE80]  }
0x36a: {  	v12 =	vmul.f32 v35, v38;
	v43 =	vld [tilespmem:$0x1FE90];
	v17 =	vmul.f32 v26, v27;
	v31, _, _ =	vpop (xrf2)  }
0x36b: {  	v3 =	vld [tilespmem:s19+$0x2A0];
	v6 =	vadd.f32 v58, v6;
	v5 =	vadd.f32 v9, v5;
	v11 =	vbroadcast v31, $0xF  }
0x36c: {  	v49 =	vld [tilespmem:s20+$0x330];
	v19 =	vmul.f32 v33, v34;
	v7 =	vmul.f32 v39, v7;
	v37, _, _ =	vpop (xrf2)  }
0x36d: {  	v41 =	vbroadcast v63, $0xF;
	v52 =	vld [tilespmem:$0x1FED0];
	(xrf2) =	vadd.scan.msk.f32 $0xffff, v5;
	v9 =	vbroadcast v37, $0xF;
	v11 =	vadd.f32 v11, v6  }
0x36e: {  	v5 =	vadd.f32 v19, v7;
	v1 =	vmul.f32 v1, v2;
	v2 =	vbroadcast v4, $0xF;
	v4 =	vld [tilespmem:s19+$0x300]  }
0x36f: {  	v55 =	vld [tilespmem:s20+$0x380];
	v7 =	vsel vm0, v11, v6;
	v6 =	vadd.f32 v9, v6;
	v9 =	vmul.f32 v44, v25  }
0x370: {  	v3 =	vmul.f32 v43, v3;
	v46, _, _ =	vpop (xrf2);
	(xrf2) =	vadd.scan.msk.f32 $0xffff, v0;
	v1 =	vadd.f32 v17, v1;
	v0 =	vadd.f32 v2, v7;
	v2 =	vld [tilespmem:$0x1FEB0]  }
0x371: {  	v45 =	vld [tilespmem:s19+$0x320];
	v6 =	vsel vm1, v7, v6;
	v5 =	vadd.f32 v9, v5;
	v7 =	vbroadcast v46, $0xF  }
0x372: {  	v51 =	vld [tilespmem:s19+$0x330];
	v50, _, _ =	vpop (xrf2);
	v11 =	vadd.f32 v41, v6;
	v0 =	vsel vm2, v6, v0;
	v1 =	vadd.f32 v3, v1  }
0x373: {  	v53 =	vld [tilespmem:s19+$0x380];
	v3 =	vadd.f32 v7, v6;
	v6 =	vbroadcast v50, $0xF;
	v4 =	vmul.f32 v52, v4  }
0x374: {  	v13 =	vbroadcast v59, $0xF;
	v48 =	vld [tilespmem:s19+$0x390];
	v8 =	vbroadcast v60, $0xF;
	v0 =	vsel vm3, v0, v11  }
0x375: {  	v5 =	vadd.f32 v12, v5;
	v7 =	vld [tilespmem:s20+$0x390];
	v6 =	vadd.f32 v6, v0;
	v2 =	vmul.f32 v47, v2  }
0x376: {  	v59 =	vld [tilespmem:s19+$0x3B0];
	v54 =	vmul.f32 v32, v40;
	v0 =	vsel vm4, v0, v3;
	v3 =	vmul.f32 v42, v45  }
0x377: {  	v56 =	vld [tilespmem:s19+$0x3A0];
	(xrf2) =	vadd.scan.msk.f32 $0xffff, v5;
	v5 =	vsel vm5, v0, v6;
	v0 =	vadd.f32 v8, v0;
	v2 =	vadd.f32 v2, v4;
	v4, _, _ =	vpop (xrf2)  }
0x378: {  	v1 =	vadd.f32 v54, v1;
	v6 =	vld [tilespmem:s20+$0x3A0];
	v57 =	vadd.f32 v13, v5;
	v4 =	vbroadcast v4, $0xF  }
0x379: {  	v58 =	vld [tilespmem:s20+$0x3B0];
	v0 =	vsel vm6, v5, v0;
	v2 =	vadd.f32 v3, v2;
	v3 =	vmul.f32 v49, v51  }
0x37a: {  	v60, _, _ =	vpop (xrf2);
	(xrf2) =	vadd.scan.msk.f32 $0xffff, v1;
	v4 =	vadd.f32 v4, v5;
	v5 =	vmul.f32 v7, v48;
	v7 =	vmul.f32 v55, v53  }
0x37b: {  	v61 =	vbroadcast v60, $0xF;
	v2 =	vadd.f32 v3, v2  }
0x37c: {  	v62 =	vbroadcast v28, $0xF;
	v0 =	vsel vm7, v0, v57;
	v3 =	vadd.f32 v5, v7  }
0x37d: {  	v5 =	vmul.f32 v6, v56;
	v4 =	vsel vm8, v0, v4;
	v0 =	vadd.f32 v61, v0;
	(xrf2) =	vadd.scan.msk.f32 $0xffff, v2  }
0x37e: {  	v63 =	vmul.f32 v58, v59;
	v6 =	vbroadcast v10, $0xF  }
0x37f: {  	v7 =	vadd.f32 v62, v4;
	v5 =	vadd.f32 v5, v3;
	v0 =	vsel vm9, v4, v0  }
0x380: {  	v2 =	vadd.f32 v6, v0  }
0x381: {  	s21 =	simm.s32 $0x40;
	s2 =	simm.s32 $0x4;
	v1, _, _ =	vpop (xrf2);
	v3 =	vsel vm10, v0, v7;
	v4 =	vadd.f32 v63, v5  }
.LBB2_12:
0x382: {  	p0 =	sne.s32 s21, $0x3C0;
	v2 =	vsel vm11, v3, v2;
	s19 =	sadd.s32 $0x800, s19;
	s20 =	sadd.s32 $0x800, s20  }
0x383: {  	s23 =	smov.u32 s21;
	s21 =	sadd.s32 $0x40, s21;
	(xrf2) =	vadd.scan.msk.f32 $0xffff, v4  }
0x384: {  	v3, _, _ =	vpop (xrf2);
	_ =	sdelay $0x2  }
0x385: {  	v1 =	vbroadcast v1, $0xF;
	v4, _, _ =	vpop (xrf2)  }
0x386: {  	v3 =	vbroadcast v3, $0xF;
	v4 =	vbroadcast v4, $0xF  }
0x387: {  	v0 =	vadd.f32 v1, v0  }
0x388: {  	v1 =	vadd.f32 v3, v2  }
0x389: {  	v0 =	vsel vm12, v2, v0  }
0x38a: {  	v1 =	vsel vm13, v0, v1;
	v0 =	vadd.f32 v4, v0  }
0x38b: {  	v2, _, _ =	vpop (xrf2)  }
0x38c: {  	v0 =	vsel vm14, v1, v0;
	v1 =	vadd.f32 v2, v1;
	_ =	sdelay $0x1  }
0x38d: {  	v0 =	vsel vm15, v0, v1  }
0x38e: {  	[tilespmem:s22+$0x10900] =	vst v0  }
0x38f: {  	v2 =	vld [tilespmem:s19+$0x310]  }
0x390: {  	v3 =	vld [tilespmem:s20+$0x310]  }
0x391: {  	v0 =	vld [tilespmem:s19+$0x3A0]  }
0x392: {  	v1 =	vld [tilespmem:s20+$0x300]  }
0x393: {  	v7 =	vld [tilespmem:s19+$0xFFFFFC10]  }
0x394: {  	v6 =	vld [tilespmem:s20+$0x200]  }
0x395: {  	v8 =	vld [tilespmem:s19+$0xB0]  }
0x396: {  	v5 =	vld [tilespmem:s20+$0x2A0]  }
0x397: {  	v9 =	vld [tilespmem:s20+$0xFFFFFC10]  }
0x398: {  	v4 =	vld [tilespmem:s20+$0x220]  }
0x399: {  	v10 =	vld [tilespmem:s19+$0x130]  }
0x39a: {  	v14 =	vld [tilespmem:s20+$0x1B0]  }
0x39b: {  	v11 =	vld [tilespmem:s20+$0x290]  }
0x39c: {  	v16 =	vmul.f32 v9, v7;
	v7 =	vld [tilespmem:s19+$0x290]  }
0x39d: {  	v9 =	vld [tilespmem:s20+$0x280]  }
0x39e: {  	v12 =	vld [tilespmem:s20+$0x210]  }
0x39f: {  	v13 =	vld [tilespmem:s19+$0x210]  }
0x3a0: {  	v15 =	vld [tilespmem:s19+$0x1B0]  }
0x3a1: {  	v17 =	vld [tilespmem:s20+$0x1A0];
	v7 =	vmul.f32 v11, v7  }
0x3a2: {  	v18 =	vld [tilespmem:s19+$0x1A0]  }
0x3a3: {  	v19 =	vld [tilespmem:s20+$0x190]  }
0x3a4: {  	v20 =	vld [tilespmem:s19+$0x190];
	v11 =	vmul.f32 v12, v13  }
0x3a5: {  	v13 =	vld [tilespmem:s20+$0x180]  }
0x3a6: {  	v21 =	vld [tilespmem:s19+$0x180]  }
0x3a7: {  	v12 =	vld [tilespmem:s20+$0xB0];
	v17 =	vmul.f32 v17, v18  }
0x3a8: {  	v18 =	vld [tilespmem:s20+$0x130]  }
0x3a9: {  	v22 =	vld [tilespmem:s20+$0x120];
	v19 =	vmul.f32 v19, v20  }
0x3aa: {  	v20 =	vld [tilespmem:s19+$0x120]  }
0x3ab: {  	v23 =	vld [tilespmem:s20+$0x110];
	v13 =	vmul.f32 v13, v21  }
0x3ac: {  	v21 =	vld [tilespmem:s19+$0x110]  }
0x3ad: {  	v24 =	vld [tilespmem:s20+$0x100];
	v19 =	vadd.f32 v19, v13  }
0x3ae: {  	v25 =	vld [tilespmem:s19+$0x100]  }
0x3af: {  	v13 =	vld [tilespmem:s20+$0x30];
	v20 =	vmul.f32 v22, v20;
	v17 =	vadd.f32 v17, v19;
	v19 =	vmul.f32 v14, v15  }
0x3b0: {  	v14 =	vld [tilespmem:s20+$0xA0]  }
0x3b1: {  	v15 =	vld [tilespmem:s20+$0x20];
	v21 =	vmul.f32 v23, v21;
	v17 =	vadd.f32 v19, v17  }
0x3b2: {  	v19 =	vld [tilespmem:s20+$0x90]  }
0x3b3: {  	v22 =	vld [tilespmem:s19+$0x90];
	v23 =	vmul.f32 v24, v25;
	(xrf2) =	vadd.scan.msk.f32 $0xffff, v17  }
0x3b4: {  	v17 =	vld [tilespmem:s20+$0x80]  }
0x3b5: {  	v24 =	vld [tilespmem:s20+$0x10];
	v21 =	vadd.f32 v21, v23  }
0x3b6: {  	v25 =	vld [tilespmem:s19+$0x10]  }
0x3b7: {  	v10 =	vmul.f32 v18, v10;
	v26 =	vld [tilespmem:s20+$0xFFFFFFB0];
	v20 =	vadd.f32 v20, v21  }
0x3b8: {  	v21 =	vld [tilespmem:s19+$0xFFFFFFB0];
	v18 =	vmul.f32 v19, v22  }
0x3b9: {  	v19 =	vld [tilespmem:s20+$0xFFFFFFA0];
	v23 =	vadd.f32 v10, v20  }
0x3ba: {  	v22 =	vld [tilespmem:s19+$0xFFFFFFA0]  }
0x3bb: {  	v27 =	vld [tilespmem:s20+$0xFFFFFF90];
	v20 =	vmul.f32 v24, v25  }
0x3bc: {  	v24 =	vld [tilespmem:s19+$0xFFFFFF90]  }
0x3bd: {  	v25 =	vld [tilespmem:s20+$0xFFFFFF80];
	v26 =	vmul.f32 v26, v21;
	v10, _, _ =	vpop (xrf2)  }
0x3be: {  	v28 =	vld [tilespmem:s19+$0xFFFFFF80]  }
0x3bf: {  	v21 =	vld [tilespmem:s20+$0xFFFFFEB0];
	v19 =	vmul.f32 v19, v22  }
0x3c0: {  	v22 =	vld [tilespmem:s20+$0xFFFFFF30]  }
0x3c1: {  	v29 =	vld [tilespmem:s19+$0xFFFFFF30];
	v24 =	vmul.f32 v27, v24  }
0x3c2: {  	v27 =	vld [tilespmem:s20+$0xFFFFFF20]  }
0x3c3: {  	v30 =	vld [tilespmem:s19+$0xFFFFFF20];
	v25 =	vmul.f32 v25, v28  }
0x3c4: {  	v28 =	vld [tilespmem:s20+$0xFFFFFF10]  }
0x3c5: {  	v31 =	vld [tilespmem:s19+$0xFFFFFF10];
	v24 =	vadd.f32 v24, v25  }
0x3c6: {  	v32 =	vld [tilespmem:s20+$0xFFFFFF00];
	v22 =	vmul.f32 v22, v29  }
0x3c7: {  	v29 =	vld [tilespmem:s19+$0xFFFFFF00];
	v19 =	vadd.f32 v19, v24  }
0x3c8: {  	v24 =	vld [tilespmem:s20+$0xFFFFFE30];
	v27 =	vmul.f32 v27, v30  }
0x3c9: {  	v25 =	vld [tilespmem:s20+$0xFFFFFEA0];
	v19 =	vadd.f32 v26, v19  }
0x3ca: {  	v26 =	vld [tilespmem:s20+$0xFFFFFE20];
	v28 =	vmul.f32 v28, v31  }
0x3cb: {  	v30 =	vld [tilespmem:s20+$0xFFFFFE90];
	(xrf2) =	vadd.scan.msk.f32 $0xffff, v19  }
0x3cc: {  	v19 =	vld [tilespmem:s19+$0xFFFFFE90];
	v29 =	vmul.f32 v32, v29  }
0x3cd: {  	v31 =	vld [tilespmem:s20+$0xFFFFFE80]  }
0x3ce: {  	v32 =	vld [tilespmem:s20+$0xFFFFFE10];
	v28 =	vadd.f32 v28, v29  }
0x3cf: {  	v29 =	vld [tilespmem:s19+$0xFFFFFE10]  }
0x3d0: {  	v33 =	vld [tilespmem:s20+$0xFFFFFDB0];
	v27 =	vadd.f32 v27, v28  }
0x3d1: {  	v28 =	vld [tilespmem:s19+$0xFFFFFDB0];
	v30 =	vmul.f32 v30, v19  }
0x3d2: {  	v34 =	vld [tilespmem:s20+$0xFFFFFDA0];
	v35 =	vadd.f32 v22, v27  }
0x3d3: {  	v22 =	vld [tilespmem:s19+$0xFFFFFDA0]  }
0x3d4: {  	v27 =	vld [tilespmem:s20+$0xFFFFFD90];
	v29 =	vmul.f32 v32, v29;
	(xrf2) =	vadd.scan.msk.f32 $0xffff, v35  }
0x3d5: {  	v32 =	vld [tilespmem:s19+$0xFFFFFD90];
	v19, _, _ =	vpop (xrf2)  }
0x3d6: {  	v35 =	vld [tilespmem:s20+$0xFFFFFD80];
	v28 =	vmul.f32 v33, v28  }
0x3d7: {  	v33 =	vld [tilespmem:s19+$0xFFFFFD80]  }
0x3d8: {  	v36 =	vld [tilespmem:s20+$0xFFFFFCB0];
	v34 =	vmul.f32 v34, v22  }
0x3d9: {  	v37 =	vld [tilespmem:s20+$0xFFFFFD30]  }
0x3da: {  	v38 =	vld [tilespmem:s19+$0xFFFFFD30];
	v22 =	vmul.f32 v27, v32  }
0x3db: {  	v27 =	vld [tilespmem:s20+$0xFFFFFD20]  }
0x3dc: {  	v32 =	vld [tilespmem:s19+$0xFFFFFD20];
	v33 =	vmul.f32 v35, v33  }
0x3dd: {  	v35 =	vld [tilespmem:s20+$0xFFFFFD10]  }
0x3de: {  	v39 =	vld [tilespmem:s19+$0xFFFFFD10];
	v33 =	vadd.f32 v22, v33;
	v22, _, _ =	vpop (xrf2)  }
0x3df: {  	v40 =	vld [tilespmem:s20+$0xFFFFFD00];
	v37 =	vmul.f32 v37, v38  }
0x3e0: {  	v38 =	vld [tilespmem:s19+$0xFFFFFD00];
	v33 =	vadd.f32 v34, v33  }
0x3e1: {  	v34 =	vld [tilespmem:s20+$0xFFFFFC30];
	v27 =	vmul.f32 v27, v32  }
0x3e2: {  	v32 =	vld [tilespmem:s20+$0xFFFFFCA0];
	v28 =	vadd.f32 v28, v33  }
0x3e3: {  	v33 =	vld [tilespmem:s20+$0xFFFFFC20];
	v35 =	vmul.f32 v35, v39  }
0x3e4: {  	v39 =	vld [tilespmem:s20+$0xFFFFFC90];
	(xrf2) =	vadd.scan.msk.f32 $0xffff, v28  }
0x3e5: {  	v28 =	vld [tilespmem:s19+$0xFFFFFC90];
	v38 =	vmul.f32 v40, v38  }
0x3e6: {  	v40 =	vld [tilespmem:s20+$0xFFFFFC80]  }
0x3e7: {  	v41 =	vld [tilespmem:s20+$0xFFFFFC00];
	v35 =	vadd.f32 v35, v38  }
0x3e8: {  	v38 =	vld [tilespmem:s19+$0xFFFFFC00]  }
0x3e9: {  	v42 =	vld [tilespmem:s19+$0xFFFFFC80];
	v27 =	vadd.f32 v27, v35  }
0x3ea: {  	v35 =	vld [tilespmem:s19+$0xFFFFFC20];
	v28 =	vmul.f32 v39, v28  }
0x3eb: {  	v39 =	vld [tilespmem:s19+$0xFFFFFCA0];
	v27 =	vadd.f32 v37, v27  }
0x3ec: {  	v37 =	vld [tilespmem:s19+$0xFFFFFC30]  }
0x3ed: {  	v38 =	vmul.f32 v41, v38;
	v41 =	vld [tilespmem:s19+$0xFFFFFCB0];
	(xrf2) =	vadd.scan.msk.f32 $0xffff, v27  }
0x3ee: {  	v27 =	vmul.f32 v40, v42;
	v40 =	vld [tilespmem:s20+$0xFFFFFE00];
	v42, _, _ =	vpop (xrf2)  }
0x3ef: {  	v16 =	vadd.f32 v16, v38;
	v33 =	vmul.f32 v33, v35;
	v35 =	vld [tilespmem:s19+$0xFFFFFE00]  }
0x3f0: {  	v27 =	vadd.f32 v28, v27;
	v28 =	vmul.f32 v32, v39;
	v32 =	vld [tilespmem:s19+$0xFFFFFE80]  }
0x3f1: {  	v16 =	vadd.f32 v33, v16;
	v33 =	vmul.f32 v34, v37;
	v34 =	vld [tilespmem:s19+$0xFFFFFE20]  }
0x3f2: {  	v27 =	vadd.f32 v28, v27;
	v28 =	vmul.f32 v36, v41;
	v36 =	vld [tilespmem:s19+$0xFFFFFEA0];
	(xrf2) =	vadd.scan.msk.f32 $0xffff, v23  }
0x3f3: {  	v16 =	vadd.f32 v33, v16;
	v23 =	vld [tilespmem:s19+$0xFFFFFE30]  }
0x3f4: {  	v27 =	vadd.f32 v28, v27;
	v28 =	vmul.f32 v40, v35;
	v33 =	vld [tilespmem:s19+$0xFFFFFEB0]  }
0x3f5: {  	v35 =	vmul.f32 v31, v32;
	v32 =	vld [tilespmem:s20+$0x0];
	(xrf2) =	vadd.scan.msk.f32 $0xffff, v16  }
0x3f6: {  	v16 =	vadd.f32 v29, v28;
	v26 =	vmul.f32 v26, v34;
	v28 =	vld [tilespmem:s19+$0x0]  }
0x3f7: {  	v29 =	vadd.f32 v30, v35;
	v25 =	vmul.f32 v25, v36;
	v30 =	vld [tilespmem:s19+$0x80];
	v31, _, _ =	vpop (xrf2)  }
0x3f8: {  	v16 =	vadd.f32 v26, v16;
	v23 =	vmul.f32 v24, v23;
	v24 =	vld [tilespmem:s19+$0x20];
	(xrf2) =	vadd.scan.msk.f32 $0xffff, v27  }
0x3f9: {  	v25 =	vadd.f32 v25, v29;
	v21 =	vmul.f32 v21, v33;
	v26 =	vld [tilespmem:s19+$0xA0]  }
0x3fa: {  	s22 =	sshra.s32 s23, $0x2;
	v29 =	vadd.f32 v23, v16;
	v23 =	vld [tilespmem:s19+$0x30]  }
0x3fb: {  	v27 =	vld [tilespmem:s22+$0x10700];
	v21 =	vadd.f32 v21, v25;
	v25 =	vmul.f32 v32, v28  }
0x3fc: {  	v28 =	vld [tilespmem:s22+$0x10500];
	v17 =	vmul.f32 v17, v30;
	(xrf2) =	vadd.scan.msk.f32 $0xffff, v29;
	v16, _, _ =	vpop (xrf2)  }
0x3fd: {  	v20 =	vadd.f32 v20, v25;
	v15 =	vmul.f32 v15, v24;
	v24 =	vld [tilespmem:s19+$0x200]  }
0x3fe: {  	v17 =	vadd.f32 v18, v17;
	v14 =	vmul.f32 v14, v26;
	v18 =	vld [tilespmem:s19+$0x280]  }
0x3ff: {  	v15 =	vadd.f32 v15, v20;
	v13 =	vmul.f32 v13, v23;
	v20 =	vld [tilespmem:s19+$0x220];
	v23, _, _ =	vpop (xrf2);
	(xrf2) =	vadd.scan.msk.f32 $0xffff, v21  }
0x400: {  	v8 =	vmul.f32 v12, v8;
	v21 =	vbroadcast v23, $0xF;
	v14 =	vadd.f32 v14, v17;
	v12 =	vld [tilespmem:s19+$0x2A0]  }
0x401: {  	v17 =	vadd.f32 v27, v28;
	v13 =	vadd.f32 v13, v15;
	v15 =	vld [tilespmem:s20+$0x2B0]  }
0x402: {  	v8 =	vadd.f32 v8, v14;
	v6 =	vmul.f32 v6, v24;
	v14 =	vld [tilespmem:s20+$0x230];
	v23, _, _ =	vpop (xrf2)  }
0x403: {  	v21 =	vadd.f32 v21, v17;
	v23 =	vbroadcast v23, $0xF;
	v24 =	vld [tilespmem:s19+$0x230];
	v9 =	vmul.f32 v9, v18;
	(xrf2) =	vadd.scan.msk.f32 $0xffff, v13  }
0x404: {  	v13 =	vbroadcast v31, $0xF;
	v6 =	vadd.f32 v11, v6;
	v11 =	vld [tilespmem:s19+$0x2B0]  }
0x405: {  	v18 =	vsel vm0, v21, v17;
	v21 =	vbroadcast v42, $0xF;
	v5 =	vmul.f32 v5, v12;
	v12 =	vld [tilespmem:s19+$0x300]  }
0x406: {  	v4 =	vmul.f32 v4, v20;
	v17 =	vadd.f32 v23, v17;
	v7 =	vadd.f32 v7, v9;
	v9 =	vld [tilespmem:s20+$0x320];
	v20, _, _ =	vpop (xrf2);
	(xrf2) =	vadd.scan.msk.f32 $0xffff, v8  }
0x407: {  	v2 =	vmul.f32 v3, v2;
	v8 =	vadd.f32 v13, v18;
	v3 =	vld [tilespmem:s19+$0x320]  }
0x408: {  	v4 =	vadd.f32 v4, v6;
	v13 =	vsel vm1, v18, v17;
	v17 =	vbroadcast v20, $0xF  }
0x409: {  	v5 =	vadd.f32 v5, v7;
	v6 =	vsel vm2, v13, v8;
	v8 =	vadd.f32 v21, v13;
	v7 =	vld [tilespmem:s19+$0x390];
	v18, _, _ =	vpop (xrf2)  }
0x40a: {  	v13 =	vadd.f32 v17, v13;
	v17 =	vbroadcast v18, $0xF;
	v1 =	vmul.f32 v1, v12;
	v12 =	vld [tilespmem:s20+$0x330]  }
0x40b: {  	v11 =	vmul.f32 v15, v11;
	v6 =	vsel vm3, v6, v8;
	v8 =	vbroadcast v22, $0xF;
	v15 =	vld [tilespmem:s19+$0x330]  }
0x40c: {  	v14 =	vmul.f32 v14, v24;
	v18 =	vbroadcast v19, $0xF;
	v17 =	vadd.f32 v17, v6;
	v19 =	vld [tilespmem:s20+$0x390]  }
0x40d: {  	v6 =	vsel vm4, v6, v13;
	v1 =	vadd.f32 v2, v1;
	v2 =	vmul.f32 v9, v3;
	v3, _, _ =	vpop (xrf2)  }
0x40e: {  	v4 =	vadd.f32 v14, v4;
	v9 =	vsel vm5, v6, v17;
	v6 =	vadd.f32 v8, v6;
	v8 =	vld [tilespmem:s19+$0x380]  }
0x40f: {  	v5 =	vadd.f32 v11, v5;
	v3 =	vbroadcast v3, $0xF;
	v13 =	vadd.f32 v18, v9;
	v11 =	vld [tilespmem:s20+$0x380]  }
0x410: {  	v1 =	vadd.f32 v2, v1;
	v6 =	vsel vm6, v9, v6;
	v2 =	vmul.f32 v12, v15;
	v12, _, _ =	vpop (xrf2);
	(xrf2) =	vadd.scan.msk.f32 $0xffff, v4  }
0x411: {  	v3 =	vadd.f32 v3, v9;
	v4 =	vbroadcast v12, $0xF;
	v7 =	vmul.f32 v19, v7;
	v9 =	vld [tilespmem:s20+$0x3A0]  }
0x412: {  	v6 =	vsel vm7, v6, v13;
	v12 =	vbroadcast v16, $0xF;
	v1 =	vadd.f32 v2, v1;
	v2 =	vld [tilespmem:s20+$0x3B0]  }
0x413: {  	v3 =	vsel vm8, v6, v3;
	v4 =	vadd.f32 v4, v6;
	v6 =	vbroadcast v10, $0xF;
	v10 =	vld [tilespmem:s19+$0x3B0];
	(xrf2) =	vadd.scan.msk.f32 $0xffff, v5  }
0x414: {  	v5 =	vadd.f32 v12, v3;
	v8 =	vmul.f32 v11, v8;
	_ =	sdelay $0x1  }
.Ltmp5:
0x415: {  	v7 =	vadd.f32 v7, v8;
	v8 =	vmul.f32 v9, v0;
	(xrf2) =	vadd.scan.msk.f32 $0xffff, v1;
	(pc) =	sbr.rel @p0 .LBB2_12-.Ltmp5, $4  }
0x416: {  	_ = 	snop  }
0x417: {  	v0 =	vsel vm9, v3, v4;
	v7 =	vadd.f32 v8, v7;
	v4 =	vmul.f32 v2, v10  }
0x418: {  	v2 =	vadd.f32 v6, v0  }
0x419: {  	v3 =	vsel vm10, v0, v5;
	v4 =	vadd.f32 v4, v7;
	v1, _, _ =	vpop (xrf2)  }
0x41a: {  	_ = 	snop  }
0x41b: {  	(xrf2) =	vadd.scan.msk.f32 $0xffff, v4;
	_ =	sdelay $0x4  }
0x41c: {  	v1 =	vbroadcast v1, $0xF;
	v59, _, _ =	vpop (xrf2)  }
0x41d: {  	v4 =	vbroadcast v59, $0xF  }
0x41e: {  	v2 =	vsel vm11, v3, v2;
	v0 =	vadd.f32 v1, v0;
	v60, _, _ =	vpop (xrf2)  }
0x41f: {  	v62 =	vadd.f32 v4, v2;
	v61 =	vbroadcast v60, $0xF  }
0x420: {  	v0 =	vsel vm12, v2, v0  }
0x421: {  	v2 =	vsel vm13, v0, v62;
	v0 =	vadd.f32 v61, v0;
	v63, _, _ =	vpop (xrf2)  }
0x422: {  	v1 =	vadd.f32 v63, v2  }
0x423: {  	v0 =	vsel vm14, v2, v0  }
0x424: {  	v0 =	vsel vm15, v0, v1  }
0x425: {  	s0 =	rddreg [dreg:$0x1b];
	s1 =	simm.s32 $0x10800;
	[tilespmem:s22+$0x10900] =	vst v0  }
0x426: {  	[hbm4b:s0+s17] =	stream.linear.scatter [tilespmem:s1], [sflag:$0x4], $0x200, $0x38;
	[tilespmem:$0x10A00] =	vst v63  }
0x427: {  	_ =	swait.ge [sflag:s2], $0x200  }
0x428: {  	s30 =	rddreg [dreg:$0x1d]  }
0x429: {  	s31 =	rddreg [dreg:$0x1c];
	s1 =	sadd.s32 $0x1, s30  }
0x42a: {  	p0 =	sne.s32 s1, s31  }
.Ltmp6:
0x42b: {  	_ = 	snop;
	(pc) =	sbr.rel @p0 .LBB2_1-.Ltmp6, $3  }
0x42c: {  	_ =	sdelay $0x1  }
0x42d: {  	[sflag:s2] =	ssyncset.done $0x0  }
0x42e: {  	[sflag:s2] =	ssyncadd.s32 $0xFFFFFE00  }
0x42f: {  	_ =	sfence.sel $0x180000  }
0x430: {  	[bflag:$0x0] =	sbarrier.arrive $0xFFFF  }
0x431: {  	_ =	strace $0x90000047  }
0x432: {  	s0 =	stileid.u32;
	[bflag:$0x2] =	sbarrier.arrive $0xFFFF  }
0x433: {  	p0 =	sne.s32 s0, $0x0;
	s0 =	rddreg [dreg:$0x4]  }
0x434: {  	s0 =	sadd.s32 @!p0 $0x100000, s0  }
0x435: {  	[sflag:s0] =	ssyncadd.tile.s32 @!p0 $0x1;
	_ =	shalt  }
.Lfunc_end2:
_tile_overlayer_lowered:
.L_overlay_start_2:
0x436: {  	(tag) =	ssettag $0x2  }
0x437: {  	s0 =	rddreg [dreg:$0x0];
	s2 =	stileid.u32  }
0x438: {  	s1 =	rddreg [dreg:$0x1];
	p0 =	sne.s32 s2, $0x0  }
0x439: {  	s3 =	rddreg [dreg:$0x2];
	[bflag:$0x3] =	sbarrier.arrive $0xFFFF;
	s2 =	simm.s32 @!p0 $0x1C04  }
0x43a: {  	[timem:s3], [sflag:s2] =	dma.local @!p0 [hbm:s0], s1  }
0x43b: {  	s0 =	simm.s32 @!p0 $0x4  }
0x43c: {  	_ =	swait.ge @!p0 [sflag:s0], s1  }
0x43d: {  	s1 =	ssub.s32 @!p0 $0x0, s1;
	[sflag:s0] =	ssyncset.done @!p0 $0x0  }
0x43e: {  	[sflag:s0] =	ssyncadd.s32 @!p0 s1  }
0x43f: {  	[bflag:$0x3] =	sbarrier.arrive $0xFFFF  }
0x440: {  	_ =	shalt  }

</sc_bundles>
